<compile_context>
chip_gen: v7x
topology: tpu7x:2x2x1
jax: 0.10.2.dev20260603
libtpu: 0.0.44.dev20260713+nightly
codegen_flags: <defaults>
</compile_context>

<pallas_src>
import functools

import jax
import jax.numpy as jnp
from jax import lax
from jax.experimental import pallas as pl
from jax.experimental.pallas import tpu as pltpu
from jax.experimental.pallas import tpu_sc as plsc

B = 16384
NCLS = 1000
NC, NS, L = 2, 16, 16
NW = NC * NS
CPW = B // NW
PC = 256
PB = 128
Q = CPW // PB
PARTS = ((0, 248), (248, 496), (496, 744), (744, 1000))
NBUF = 3
CW = PC * PB

_mesh = plsc.VectorSubcoreMesh(core_axis_name="c", subcore_axis_name="s")


@functools.partial(
    pl.kernel,
    out_type=jax.ShapeDtypeStruct((NCLS, B), jnp.float32),
    mesh=_mesh,
    compiler_params=pltpu.CompilerParams(
        needs_layout_passes=False,
        use_tc_tiling_on_sc=True,
    ),
    scratch_types=[
        pltpu.VMEM((CPW,), jnp.int32),
        *([pltpu.VMEM((PC, PB), jnp.float32)] * NBUF),
        *([pltpu.SemaphoreType.DMA] * (NBUF + 1)),
    ],
)
def _onehot_sc(idx_hbm, out_hbm, idx_v, *bufs_sems):
    bufs = bufs_sems[:NBUF]
    sems = bufs_sems[NBUF:]
    wid = lax.axis_index("s") * NC + lax.axis_index("c")
    col0 = wid * CPW

    h_idx = pltpu.async_copy(idx_hbm.at[pl.ds(col0, CPW)], idx_v, sems[NBUF])

    lane = lax.iota(jnp.int32, L)
    ones = jnp.ones((L,), jnp.float32)
    zvec = jnp.zeros((L,), jnp.float32)

    def _zero(buf):
        def _zbody(r, carry):
            for j in range(PB // L):
                buf[r, pl.ds(j * L, L)] = zvec
            return carry

        lax.fori_loop(0, PC, _zbody, 0)

    def _scatter(buf, q, p, val):
        row_lo, row_hi = PARTS[p]
        for j in range(PB // L):
            idxv = idx_v[pl.ds(q * PB + j * L, L)]
            rows = idxv - row_lo
            cols = lane + j * L
            m = (idxv >= row_lo) & (idxv < row_hi)
            plsc.store_scatter(buf, [rows, cols], val, mask=m)

    pending = [None] * NBUF
    chunks = [(q, p) for q in range(Q) for p in range(len(PARTS))]
    for n, (q, p) in enumerate(chunks):
        b = n % NBUF
        buf = bufs[b]
        if pending[b] is None:
            _zero(buf)
            if n == 0:
                h_idx.wait()
        else:
            oq, op, h = pending[b]
            h.wait()
            _scatter(buf, oq, op, zvec)
        _scatter(buf, q, p, ones)
        row_lo, row_hi = PARTS[p]
        pr = row_hi - row_lo
        src = buf if pr == PC else buf.at[pl.ds(0, pr), :]
        h = pltpu.async_copy(
            src,
            out_hbm.at[pl.ds(row_lo, pr), pl.ds(col0 + q * PB, PB)],
            sems[b],
        )
        pending[b] = (q, p, h)

    for b in range(NBUF):
        if pending[b] is not None:
            pending[b][2].wait()


def kernel(X_train):
    idx = X_train.reshape(B).astype(jnp.int32)
    return _onehot_sc(idx).T

# --- scband reference (transcript-rebuilt; emitter-appended) ---
"""Pipeline reference for scband-one-hot-encoder-27221502722693 (READ-ONLY COPY).

The authoritative reference and input builder live on the scoring server;
editing this copy changes nothing except your own understanding.
"""

import jax, jax.numpy as jnp
import numpy as np

N_CLASSES = 1000

def setup_inputs(seed: int = 0) -> dict:
    key = jax.random.key(seed)
    X_train = jax.random.randint(key, (16384, 1), 0, N_CLASSES, dtype=jnp.int64 if jax.config.jax_enable_x64 else jnp.int32).astype(jnp.int32)
    return {"X_train": X_train}

def reference(X_train):
    # Faithful translation of OneHotEncoder.call:
    #   cast to int32, tf.one_hot(depth=n_classes), Reshape((n_classes,))
    x = X_train.astype(jnp.int32)
    out = jax.nn.one_hot(x, N_CLASSES, dtype=jnp.float32)  # [B, 1, n_classes]
    out = out.reshape(out.shape[0], N_CLASSES)             # Keras Reshape((n_classes,)) keeps batch dim
    return out

if __name__ == "__main__":
    import jax
    _d = setup_inputs()
    print(jax.jit(kernel)(*tuple(_d.values())))

</pallas_src>

<mosaic_0001>
#map = affine_map<(d0, d1) -> (0)>
#map1 = affine_map<(d0, d1) -> (0, 0)>
module attributes {stable_mosaic.version = 14 : i64} {
  func.func @_onehot_sc(%arg0: i32, %arg1: i32, %arg2: memref<16384xi32, #tpu.memory_space<hbm>>, %arg3: memref<1000x16384xf32, #tpu.memory_space<hbm>>, %arg4: memref<512xi32, #tpu.memory_space<vmem>>, %arg5: memref<256x128xf32, #tpu.memory_space<vmem>>, %arg6: memref<256x128xf32, #tpu.memory_space<vmem>>, %arg7: memref<256x128xf32, #tpu.memory_space<vmem>>, %arg8: memref<!tpu.dma_semaphore, #tpu.memory_space<semaphore_mem>>, %arg9: memref<!tpu.dma_semaphore, #tpu.memory_space<semaphore_mem>>, %arg10: memref<!tpu.dma_semaphore, #tpu.memory_space<semaphore_mem>>, %arg11: memref<!tpu.dma_semaphore, #tpu.memory_space<semaphore_mem>>) attributes {dimension_semantics = [#tpu.dimension_semantics<core_parallel>, #tpu.dimension_semantics<subcore_parallel>], iteration_bounds = array<i64: 2, 16>, scalar_prefetch = 0 : i64, scratch_operands = 8 : i64, tpu.core_type = #tpu.core_type<sc_vector_subcore>, window_params = [{transform_indices = #map}, {transform_indices = #map1}]} {
    %mul3A = arith.constant 2 : i32
    %mul3A_0 = arith.muli %arg1, %mul3A : i32
    %add3A = arith.addi %mul3A_0, %arg0 : i32
    %mul3A_1 = arith.constant 512 : i32
    %mul3A_2 = arith.muli %add3A, %mul3A_1 : i32
    %dma_start3A = tpu.memref_slice %arg2[%mul3A_2] : memref<16384xi32, #tpu.memory_space<hbm>> -> memref<512xi32, #tpu.memory_space<hbm>>
    %dma_start3A_3 = tpu.memref_slice %arg2[%mul3A_2] : memref<16384xi32, #tpu.memory_space<hbm>> -> memref<512xi32, #tpu.memory_space<hbm>>
    tpu.enqueue_dma source(%dma_start3A_3 : memref<512xi32, #tpu.memory_space<hbm>>) target(%arg4 : memref<512xi32, #tpu.memory_space<vmem>>) target_semaphore(%arg11 : memref<!tpu.dma_semaphore, #tpu.memory_space<semaphore_mem>>)
    %iota3A = tpu.iota {dimensions = array<i32: 0>} : vector<16xi32>
    %broadcast_in_dim3A = arith.constant 1.000000e+00 : f32
    %broadcast_in_dim3A_4 = vector.broadcast %broadcast_in_dim3A : f32 to vector<16xf32>
    %broadcast_in_dim3A_5 = arith.constant 0.000000e+00 : f32
    %broadcast_in_dim3A_6 = vector.broadcast %broadcast_in_dim3A_5 : f32 to vector<16xf32>
    %scan3A = arith.constant 0 : i32
    %scan3A_7 = arith.constant 0 : i32
    %scan3A_8 = arith.constant 256 : i32
    %scan3A_9 = arith.addi %scan3A_7, %scan3A_8 : i32
    %scan3A_10 = arith.constant 1 : i32
    scf.for %scan3A_3804 = %scan3A_7 to %scan3A_9 step %scan3A_10  : i32 {
      %swap3A = arith.index_cast %scan3A_3804 : i32 to index
      %swap3A_3805 = arith.constant 0 : index
      %swap3A_3806 = tpu.vector_load %arg5[%swap3A, %swap3A_3805] {strides = array<i32>} : memref<256x128xf32, #tpu.memory_space<vmem>>, vector<16xf32>,
      tpu.vector_store %arg5[%swap3A, %swap3A_3805], %broadcast_in_dim3A_6 {strides = array<i32>} : memref<256x128xf32, #tpu.memory_space<vmem>>, vector<16xf32>,
      %swap3A_3807 = arith.index_cast %scan3A_3804 : i32 to index
      %swap3A_3808 = arith.constant 16 : index
      %swap3A_3809 = tpu.vector_load %arg5[%swap3A_3807, %swap3A_3808] {strides = array<i32>} : memref<256x128xf32, #tpu.memory_space<vmem>>, vector<16xf32>,
      tpu.vector_store %arg5[%swap3A_3807, %swap3A_3808], %broadcast_in_dim3A_6 {strides = array<i32>} : memref<256x128xf32, #tpu.memory_space<vmem>>, vector<16xf32>,
      %swap3A_3810 = arith.index_cast %scan3A_3804 : i32 to index
      %swap3A_3811 = arith.constant 32 : index
      %swap3A_3812 = tpu.vector_load %arg5[%swap3A_3810, %swap3A_3811] {strides = array<i32>} : memref<256x128xf32, #tpu.memory_space<vmem>>, vector<16xf32>,
      tpu.vector_store %arg5[%swap3A_3810, %swap3A_3811], %broadcast_in_dim3A_6 {strides = array<i32>} : memref<256x128xf32, #tpu.memory_space<vmem>>, vector<16xf32>,
      %swap3A_3813 = arith.index_cast %scan3A_3804 : i32 to index
      %swap3A_3814 = arith.constant 48 : index
      %swap3A_3815 = tpu.vector_load %arg5[%swap3A_3813, %swap3A_3814] {strides = array<i32>} : memref<256x128xf32, #tpu.memory_space<vmem>>, vector<16xf32>,
      tpu.vector_store %arg5[%swap3A_3813, %swap3A_3814], %broadcast_in_dim3A_6 {strides = array<i32>} : memref<256x128xf32, #tpu.memory_space<vmem>>, vector<16xf32>,
      %swap3A_3816 = arith.index_cast %scan3A_3804 : i32 to index
      %swap3A_3817 = arith.constant 64 : index
      %swap3A_3818 = tpu.vector_load %arg5[%swap3A_3816, %swap3A_3817] {strides = array<i32>} : memref<256x128xf32, #tpu.memory_space<vmem>>, vector<16xf32>,
      tpu.vector_store %arg5[%swap3A_3816, %swap3A_3817], %broadcast_in_dim3A_6 {strides = array<i32>} : memref<256x128xf32, #tpu.memory_space<vmem>>, vector<16xf32>,
      %swap3A_3819 = arith.index_cast %scan3A_3804 : i32 to index
      %swap3A_3820 = arith.constant 80 : index
      %swap3A_3821 = tpu.vector_load %arg5[%swap3A_3819, %swap3A_3820] {strides = array<i32>} : memref<256x128xf32, #tpu.memory_space<vmem>>, vector<16xf32>,
      tpu.vector_store %arg5[%swap3A_3819, %swap3A_3820], %broadcast_in_dim3A_6 {strides = array<i32>} : memref<256x128xf32, #tpu.memory_space<vmem>>, vector<16xf32>,
      %swap3A_3822 = arith.index_cast %scan3A_3804 : i32 to index
      %swap3A_3823 = arith.constant 96 : index
      %swap3A_3824 = tpu.vector_load %arg5[%swap3A_3822, %swap3A_3823] {strides = array<i32>} : memref<256x128xf32, #tpu.memory_space<vmem>>, vector<16xf32>,
      tpu.vector_store %arg5[%swap3A_3822, %swap3A_3823], %broadcast_in_dim3A_6 {strides = array<i32>} : memref<256x128xf32, #tpu.memory_space<vmem>>, vector<16xf32>,
      %swap3A_3825 = arith.index_cast %scan3A_3804 : i32 to index
      %swap3A_3826 = arith.constant 112 : index
      %swap3A_3827 = tpu.vector_load %arg5[%swap3A_3825, %swap3A_3826] {strides = array<i32>} : memref<256x128xf32, #tpu.memory_space<vmem>>, vector<16xf32>,
      tpu.vector_store %arg5[%swap3A_3825, %swap3A_3826], %broadcast_in_dim3A_6 {strides = array<i32>} : memref<256x128xf32, #tpu.memory_space<vmem>>, vector<16xf32>,
    }
    %scan3A_11 = arith.constant 256 : i32
    %dma_wait3A = tpu.memref_slice %arg2[%mul3A_2] : memref<16384xi32, #tpu.memory_space<hbm>> -> memref<512xi32, #tpu.memory_space<hbm>>
    %dma_wait3A_12 = tpu.memref_slice %arg2[%mul3A_2] : memref<16384xi32, #tpu.memory_space<hbm>> -> memref<512xi32, #tpu.memory_space<hbm>>
    tpu.wait_dma2 semaphore(%arg11 : memref<!tpu.dma_semaphore, #tpu.memory_space<semaphore_mem>>) src(%dma_wait3A_12 : memref<512xi32, #tpu.memory_space<hbm>>) dst(%arg4 : memref<512xi32, #tpu.memory_space<vmem>>)
    %get3A = arith.constant 0 : index
    %get3A_13 = tpu.vector_load %arg4[%get3A] {strides = array<i32>} : memref<512xi32, #tpu.memory_space<vmem>>, vector<16xi32>,
    %sub3A = arith.constant 0 : i32
    %sub3A_14 = vector.broadcast %sub3A : i32 to vector<16xi32>
    %sub3A_15 = arith.subi %get3A_13, %sub3A_14 : vector<16xi32>
    %add3A_16 = arith.constant 0 : i32
    %add3A_17 = vector.broadcast %add3A_16 : i32 to vector<16xi32>
    %add3A_18 = arith.addi %iota3A, %add3A_17 : vector<16xi32>
    %ge3A = arith.constant 0 : i32
    %ge3A_19 = vector.broadcast %ge3A : i32 to vector<16xi32>
    %ge3A_20 = arith.cmpi sge, %get3A_13, %ge3A_19 : vector<16xi32>
    %lt3A = arith.constant 248 : i32
    %lt3A_21 = vector.broadcast %lt3A : i32 to vector<16xi32>
    %lt3A_22 = arith.cmpi slt, %get3A_13, %lt3A_21 : vector<16xi32>
    %and3A = arith.andi %ge3A_20, %lt3A_22 : vector<16xi1>
    tpu.vector_store_idx %arg5[%sub3A_15, %add3A_18], %broadcast_in_dim3A_4 masked %and3A : memref<256x128xf32, #tpu.memory_space<vmem>>[vector<16xi32>, vector<16xi32>], vector<16xf32>, vector<16xi1>
    %get3A_23 = arith.constant 16 : index
    %get3A_24 = tpu.vector_load %arg4[%get3A_23] {strides = array<i32>} : memref<512xi32, #tpu.memory_space<vmem>>, vector<16xi32>,
    %sub3A_25 = arith.constant 0 : i32
    %sub3A_26 = vector.broadcast %sub3A_25 : i32 to vector<16xi32>
    %sub3A_27 = arith.subi %get3A_24, %sub3A_26 : vector<16xi32>
    %add3A_28 = arith.constant 16 : i32
    %add3A_29 = vector.broadcast %add3A_28 : i32 to vector<16xi32>
    %add3A_30 = arith.addi %iota3A, %add3A_29 : vector<16xi32>
    %ge3A_31 = arith.constant 0 : i32
    %ge3A_32 = vector.broadcast %ge3A_31 : i32 to vector<16xi32>
    %ge3A_33 = arith.cmpi sge, %get3A_24, %ge3A_32 : vector<16xi32>
    %lt3A_34 = arith.constant 248 : i32
    %lt3A_35 = vector.broadcast %lt3A_34 : i32 to vector<16xi32>
    %lt3A_36 = arith.cmpi slt, %get3A_24, %lt3A_35 : vector<16xi32>
    %and3A_37 = arith.andi %ge3A_33, %lt3A_36 : vector<16xi1>
    tpu.vector_store_idx %arg5[%sub3A_27, %add3A_30], %broadcast_in_dim3A_4 masked %and3A_37 : memref<256x128xf32, #tpu.memory_space<vmem>>[vector<16xi32>, vector<16xi32>], vector<16xf32>, vector<16xi1>
    %get3A_38 = arith.constant 32 : index
    %get3A_39 = tpu.vector_load %arg4[%get3A_38] {strides = array<i32>} : memref<512xi32, #tpu.memory_space<vmem>>, vector<16xi32>,
    %sub3A_40 = arith.constant 0 : i32
    %sub3A_41 = vector.broadcast %sub3A_40 : i32 to vector<16xi32>
    %sub3A_42 = arith.subi %get3A_39, %sub3A_41 : vector<16xi32>
    %add3A_43 = arith.constant 32 : i32
    %add3A_44 = vector.broadcast %add3A_43 : i32 to vector<16xi32>
    %add3A_45 = arith.addi %iota3A, %add3A_44 : vector<16xi32>
    %ge3A_46 = arith.constant 0 : i32
    %ge3A_47 = vector.broadcast %ge3A_46 : i32 to vector<16xi32>
    %ge3A_48 = arith.cmpi sge, %get3A_39, %ge3A_47 : vector<16xi32>
    %lt3A_49 = arith.constant 248 : i32
    %lt3A_50 = vector.broadcast %lt3A_49 : i32 to vector<16xi32>
    %lt3A_51 = arith.cmpi slt, %get3A_39, %lt3A_50 : vector<16xi32>
    %and3A_52 = arith.andi %ge3A_48, %lt3A_51 : vector<16xi1>
    tpu.vector_store_idx %arg5[%sub3A_42, %add3A_45], %broadcast_in_dim3A_4 masked %and3A_52 : memref<256x128xf32, #tpu.memory_space<vmem>>[vector<16xi32>, vector<16xi32>], vector<16xf32>, vector<16xi1>
    %get3A_53 = arith.constant 48 : index
    %get3A_54 = tpu.vector_load %arg4[%get3A_53] {strides = array<i32>} : memref<512xi32, #tpu.memory_space<vmem>>, vector<16xi32>,
    %sub3A_55 = arith.constant 0 : i32
    %sub3A_56 = vector.broadcast %sub3A_55 : i32 to vector<16xi32>
    %sub3A_57 = arith.subi %get3A_54, %sub3A_56 : vector<16xi32>
    %add3A_58 = arith.constant 48 : i32
    %add3A_59 = vector.broadcast %add3A_58 : i32 to vector<16xi32>
    %add3A_60 = arith.addi %iota3A, %add3A_59 : vector<16xi32>
    %ge3A_61 = arith.constant 0 : i32
    %ge3A_62 = vector.broadcast %ge3A_61 : i32 to vector<16xi32>
    %ge3A_63 = arith.cmpi sge, %get3A_54, %ge3A_62 : vector<16xi32>
    %lt3A_64 = arith.constant 248 : i32
    %lt3A_65 = vector.broadcast %lt3A_64 : i32 to vector<16xi32>
    %lt3A_66 = arith.cmpi slt, %get3A_54, %lt3A_65 : vector<16xi32>
    %and3A_67 = arith.andi %ge3A_63, %lt3A_66 : vector<16xi1>
    tpu.vector_store_idx %arg5[%sub3A_57, %add3A_60], %broadcast_in_dim3A_4 masked %and3A_67 : memref<256x128xf32, #tpu.memory_space<vmem>>[vector<16xi32>, vector<16xi32>], vector<16xf32>, vector<16xi1>
    %get3A_68 = arith.constant 64 : index
    %get3A_69 = tpu.vector_load %arg4[%get3A_68] {strides = array<i32>} : memref<512xi32, #tpu.memory_space<vmem>>, vector<16xi32>,
    %sub3A_70 = arith.constant 0 : i32
    %sub3A_71 = vector.broadcast %sub3A_70 : i32 to vector<16xi32>
    %sub3A_72 = arith.subi %get3A_69, %sub3A_71 : vector<16xi32>
    %add3A_73 = arith.constant 64 : i32
    %add3A_74 = vector.broadcast %add3A_73 : i32 to vector<16xi32>
    %add3A_75 = arith.addi %iota3A, %add3A_74 : vector<16xi32>
    %ge3A_76 = arith.constant 0 : i32
    %ge3A_77 = vector.broadcast %ge3A_76 : i32 to vector<16xi32>
    %ge3A_78 = arith.cmpi sge, %get3A_69, %ge3A_77 : vector<16xi32>
    %lt3A_79 = arith.constant 248 : i32
    %lt3A_80 = vector.broadcast %lt3A_79 : i32 to vector<16xi32>
    %lt3A_81 = arith.cmpi slt, %get3A_69, %lt3A_80 : vector<16xi32>
    %and3A_82 = arith.andi %ge3A_78, %lt3A_81 : vector<16xi1>
    tpu.vector_store_idx %arg5[%sub3A_72, %add3A_75], %broadcast_in_dim3A_4 masked %and3A_82 : memref<256x128xf32, #tpu.memory_space<vmem>>[vector<16xi32>, vector<16xi32>], vector<16xf32>, vector<16xi1>
    %get3A_83 = arith.constant 80 : index
    %get3A_84 = tpu.vector_load %arg4[%get3A_83] {strides = array<i32>} : memref<512xi32, #tpu.memory_space<vmem>>, vector<16xi32>,
    %sub3A_85 = arith.constant 0 : i32
    %sub3A_86 = vector.broadcast %sub3A_85 : i32 to vector<16xi32>
    %sub3A_87 = arith.subi %get3A_84, %sub3A_86 : vector<16xi32>
    %add3A_88 = arith.constant 80 : i32
    %add3A_89 = vector.broadcast %add3A_88 : i32 to vector<16xi32>
    %add3A_90 = arith.addi %iota3A, %add3A_89 : vector<16xi32>
    %ge3A_91 = arith.constant 0 : i32
    %ge3A_92 = vector.broadcast %ge3A_91 : i32 to vector<16xi32>
    %ge3A_93 = arith.cmpi sge, %get3A_84, %ge3A_92 : vector<16xi32>
    %lt3A_94 = arith.constant 248 : i32
    %lt3A_95 = vector.broadcast %lt3A_94 : i32 to vector<16xi32>
    %lt3A_96 = arith.cmpi slt, %get3A_84, %lt3A_95 : vector<16xi32>
    %and3A_97 = arith.andi %ge3A_93, %lt3A_96 : vector<16xi1>
    tpu.vector_store_idx %arg5[%sub3A_87, %add3A_90], %broadcast_in_dim3A_4 masked %and3A_97 : memref<256x128xf32, #tpu.memory_space<vmem>>[vector<16xi32>, vector<16xi32>], vector<16xf32>, vector<16xi1>
    %get3A_98 = arith.constant 96 : index
    %get3A_99 = tpu.vector_load %arg4[%get3A_98] {strides = array<i32>} : memref<512xi32, #tpu.memory_space<vmem>>, vector<16xi32>,
    %sub3A_100 = arith.constant 0 : i32
    %sub3A_101 = vector.broadcast %sub3A_100 : i32 to vector<16xi32>
    %sub3A_102 = arith.subi %get3A_99, %sub3A_101 : vector<16xi32>
    %add3A_103 = arith.constant 96 : i32
    %add3A_104 = vector.broadcast %add3A_103 : i32 to vector<16xi32>
    %add3A_105 = arith.addi %iota3A, %add3A_104 : vector<16xi32>
    %ge3A_106 = arith.constant 0 : i32
    %ge3A_107 = vector.broadcast %ge3A_106 : i32 to vector<16xi32>
    %ge3A_108 = arith.cmpi sge, %get3A_99, %ge3A_107 : vector<16xi32>
    %lt3A_109 = arith.constant 248 : i32
    %lt3A_110 = vector.broadcast %lt3A_109 : i32 to vector<16xi32>
    %lt3A_111 = arith.cmpi slt, %get3A_99, %lt3A_110 : vector<16xi32>
    %and3A_112 = arith.andi %ge3A_108, %lt3A_111 : vector<16xi1>
    tpu.vector_store_idx %arg5[%sub3A_102, %add3A_105], %broadcast_in_dim3A_4 masked %and3A_112 : memref<256x128xf32, #tpu.memory_space<vmem>>[vector<16xi32>, vector<16xi32>], vector<16xf32>, vector<16xi1>
    %get3A_113 = arith.constant 112 : index
    %get3A_114 = tpu.vector_load %arg4[%get3A_113] {strides = array<i32>} : memref<512xi32, #tpu.memory_space<vmem>>, vector<16xi32>,
    %sub3A_115 = arith.constant 0 : i32
    %sub3A_116 = vector.broadcast %sub3A_115 : i32 to vector<16xi32>
    %sub3A_117 = arith.subi %get3A_114, %sub3A_116 : vector<16xi32>
    %add3A_118 = arith.constant 112 : i32
    %add3A_119 = vector.broadcast %add3A_118 : i32 to vector<16xi32>
    %add3A_120 = arith.addi %iota3A, %add3A_119 : vector<16xi32>
    %ge3A_121 = arith.constant 0 : i32
    %ge3A_122 = vector.broadcast %ge3A_121 : i32 to vector<16xi32>
    %ge3A_123 = arith.cmpi sge, %get3A_114, %ge3A_122 : vector<16xi32>
    %lt3A_124 = arith.constant 248 : i32
    %lt3A_125 = vector.broadcast %lt3A_124 : i32 to vector<16xi32>
    %lt3A_126 = arith.cmpi slt, %get3A_114, %lt3A_125 : vector<16xi32>
    %and3A_127 = arith.andi %ge3A_123, %lt3A_126 : vector<16xi1>
    tpu.vector_store_idx %arg5[%sub3A_117, %add3A_120], %broadcast_in_dim3A_4 masked %and3A_127 : memref<256x128xf32, #tpu.memory_space<vmem>>[vector<16xi32>, vector<16xi32>], vector<16xf32>, vector<16xi1>
    %add3A_128 = arith.constant 0 : i32
    %add3A_129 = arith.addi %mul3A_2, %add3A_128 : i32
    %dma_start3A_130 = arith.constant 0 : i32
    %dma_start3A_131 = arith.constant 0 : i32
    %dma_start3A_132 = tpu.memref_slice %arg5[%dma_start3A_130, %dma_start3A_131] : memref<256x128xf32, #tpu.memory_space<vmem>> -> memref<248x128xf32, #tpu.memory_space<vmem>>
    %dma_start3A_133 = arith.constant 0 : i32
    %dma_start3A_134 = tpu.memref_slice %arg3[%dma_start3A_133, %add3A_129] : memref<1000x16384xf32, #tpu.memory_space<hbm>> -> memref<248x128xf32, #tpu.memory_space<hbm>>
    %dma_start3A_135 = arith.constant 0 : i32
    %dma_start3A_136 = tpu.memref_slice %arg3[%dma_start3A_135, %add3A_129] : memref<1000x16384xf32, #tpu.memory_space<hbm>> -> memref<248x128xf32, #tpu.memory_space<hbm>>
    %dma_start3A_137 = arith.constant 0 : i32
    %dma_start3A_138 = arith.constant 0 : i32
    %dma_start3A_139 = tpu.memref_slice %arg5[%dma_start3A_137, %dma_start3A_138] : memref<256x128xf32, #tpu.memory_space<vmem>> -> memref<248x128xf32, #tpu.memory_space<vmem>>
    tpu.enqueue_dma source(%dma_start3A_139 : memref<248x128xf32, #tpu.memory_space<vmem>>) target(%dma_start3A_136 : memref<248x128xf32, #tpu.memory_space<hbm>>) target_semaphore(%arg8 : memref<!tpu.dma_semaphore, #tpu.memory_space<semaphore_mem>>)
    %scan3A_140 = arith.constant 0 : i32
    %scan3A_141 = arith.constant 0 : i32
    %scan3A_142 = arith.constant 256 : i32
    %scan3A_143 = arith.addi %scan3A_141, %scan3A_142 : i32
    %scan3A_144 = arith.constant 1 : i32
    scf.for %scan3A_3804 = %scan3A_141 to %scan3A_143 step %scan3A_144  : i32 {
      %swap3A = arith.index_cast %scan3A_3804 : i32 to index
      %swap3A_3805 = arith.constant 0 : index
      %swap3A_3806 = tpu.vector_load %arg6[%swap3A, %swap3A_3805] {strides = array<i32>} : memref<256x128xf32, #tpu.memory_space<vmem>>, vector<16xf32>,
      tpu.vector_store %arg6[%swap3A, %swap3A_3805], %broadcast_in_dim3A_6 {strides = array<i32>} : memref<256x128xf32, #tpu.memory_space<vmem>>, vector<16xf32>,
      %swap3A_3807 = arith.index_cast %scan3A_3804 : i32 to index
      %swap3A_3808 = arith.constant 16 : index
      %swap3A_3809 = tpu.vector_load %arg6[%swap3A_3807, %swap3A_3808] {strides = array<i32>} : memref<256x128xf32, #tpu.memory_space<vmem>>, vector<16xf32>,
      tpu.vector_store %arg6[%swap3A_3807, %swap3A_3808], %broadcast_in_dim3A_6 {strides = array<i32>} : memref<256x128xf32, #tpu.memory_space<vmem>>, vector<16xf32>,
      %swap3A_3810 = arith.index_cast %scan3A_3804 : i32 to index
      %swap3A_3811 = arith.constant 32 : index
      %swap3A_3812 = tpu.vector_load %arg6[%swap3A_3810, %swap3A_3811] {strides = array<i32>} : memref<256x128xf32, #tpu.memory_space<vmem>>, vector<16xf32>,
      tpu.vector_store %arg6[%swap3A_3810, %swap3A_3811], %broadcast_in_dim3A_6 {strides = array<i32>} : memref<256x128xf32, #tpu.memory_space<vmem>>, vector<16xf32>,
      %swap3A_3813 = arith.index_cast %scan3A_3804 : i32 to index
      %swap3A_3814 = arith.constant 48 : index
      %swap3A_3815 = tpu.vector_load %arg6[%swap3A_3813, %swap3A_3814] {strides = array<i32>} : memref<256x128xf32, #tpu.memory_space<vmem>>, vector<16xf32>,
      tpu.vector_store %arg6[%swap3A_3813, %swap3A_3814], %broadcast_in_dim3A_6 {strides = array<i32>} : memref<256x128xf32, #tpu.memory_space<vmem>>, vector<16xf32>,
      %swap3A_3816 = arith.index_cast %scan3A_3804 : i32 to index
      %swap3A_3817 = arith.constant 64 : index
      %swap3A_3818 = tpu.vector_load %arg6[%swap3A_3816, %swap3A_3817] {strides = array<i32>} : memref<256x128xf32, #tpu.memory_space<vmem>>, vector<16xf32>,
      tpu.vector_store %arg6[%swap3A_3816, %swap3A_3817], %broadcast_in_dim3A_6 {strides = array<i32>} : memref<256x128xf32, #tpu.memory_space<vmem>>, vector<16xf32>,
      %swap3A_3819 = arith.index_cast %scan3A_3804 : i32 to index
      %swap3A_3820 = arith.constant 80 : index
      %swap3A_3821 = tpu.vector_load %arg6[%swap3A_3819, %swap3A_3820] {strides = array<i32>} : memref<256x128xf32, #tpu.memory_space<vmem>>, vector<16xf32>,
      tpu.vector_store %arg6[%swap3A_3819, %swap3A_3820], %broadcast_in_dim3A_6 {strides = array<i32>} : memref<256x128xf32, #tpu.memory_space<vmem>>, vector<16xf32>,
      %swap3A_3822 = arith.index_cast %scan3A_3804 : i32 to index
      %swap3A_3823 = arith.constant 96 : index
      %swap3A_3824 = tpu.vector_load %arg6[%swap3A_3822, %swap3A_3823] {strides = array<i32>} : memref<256x128xf32, #tpu.memory_space<vmem>>, vector<16xf32>,
      tpu.vector_store %arg6[%swap3A_3822, %swap3A_3823], %broadcast_in_dim3A_6 {strides = array<i32>} : memref<256x128xf32, #tpu.memory_space<vmem>>, vector<16xf32>,
      %swap3A_3825 = arith.index_cast %scan3A_3804 : i32 to index
      %swap3A_3826 = arith.constant 112 : index
      %swap3A_3827 = tpu.vector_load %arg6[%swap3A_3825, %swap3A_3826] {strides = array<i32>} : memref<256x128xf32, #tpu.memory_space<vmem>>, vector<16xf32>,
      tpu.vector_store %arg6[%swap3A_3825, %swap3A_3826], %broadcast_in_dim3A_6 {strides = array<i32>} : memref<256x128xf32, #tpu.memory_space<vmem>>, vector<16xf32>,
    }
    %scan3A_145 = arith.constant 256 : i32
    %get3A_146 = arith.constant 0 : index
    %get3A_147 = tpu.vector_load %arg4[%get3A_146] {strides = array<i32>} : memref<512xi32, #tpu.memory_space<vmem>>, vector<16xi32>,
    %sub3A_148 = arith.constant 248 : i32
    %sub3A_149 = vector.broadcast %sub3A_148 : i32 to vector<16xi32>
    %sub3A_150 = arith.subi %get3A_147, %sub3A_149 : vector<16xi32>
    %add3A_151 = arith.constant 0 : i32
    %add3A_152 = vector.broadcast %add3A_151 : i32 to vector<16xi32>
    %add3A_153 = arith.addi %iota3A, %add3A_152 : vector<16xi32>
    %ge3A_154 = arith.constant 248 : i32
    %ge3A_155 = vector.broadcast %ge3A_154 : i32 to vector<16xi32>
    %ge3A_156 = arith.cmpi sge, %get3A_147, %ge3A_155 : vector<16xi32>
    %lt3A_157 = arith.constant 496 : i32
    %lt3A_158 = vector.broadcast %lt3A_157 : i32 to vector<16xi32>
    %lt3A_159 = arith.cmpi slt, %get3A_147, %lt3A_158 : vector<16xi32>
    %and3A_160 = arith.andi %ge3A_156, %lt3A_159 : vector<16xi1>
    tpu.vector_store_idx %arg6[%sub3A_150, %add3A_153], %broadcast_in_dim3A_4 masked %and3A_160 : memref<256x128xf32, #tpu.memory_space<vmem>>[vector<16xi32>, vector<16xi32>], vector<16xf32>, vector<16xi1>
    %get3A_161 = arith.constant 16 : index
    %get3A_162 = tpu.vector_load %arg4[%get3A_161] {strides = array<i32>} : memref<512xi32, #tpu.memory_space<vmem>>, vector<16xi32>,
    %sub3A_163 = arith.constant 248 : i32
    %sub3A_164 = vector.broadcast %sub3A_163 : i32 to vector<16xi32>
    %sub3A_165 = arith.subi %get3A_162, %sub3A_164 : vector<16xi32>
    %add3A_166 = arith.constant 16 : i32
    %add3A_167 = vector.broadcast %add3A_166 : i32 to vector<16xi32>
    %add3A_168 = arith.addi %iota3A, %add3A_167 : vector<16xi32>
    %ge3A_169 = arith.constant 248 : i32
    %ge3A_170 = vector.broadcast %ge3A_169 : i32 to vector<16xi32>
    %ge3A_171 = arith.cmpi sge, %get3A_162, %ge3A_170 : vector<16xi32>
    %lt3A_172 = arith.constant 496 : i32
    %lt3A_173 = vector.broadcast %lt3A_172 : i32 to vector<16xi32>
    %lt3A_174 = arith.cmpi slt, %get3A_162, %lt3A_173 : vector<16xi32>
    %and3A_175 = arith.andi %ge3A_171, %lt3A_174 : vector<16xi1>
    tpu.vector_store_idx %arg6[%sub3A_165, %add3A_168], %broadcast_in_dim3A_4 masked %and3A_175 : memref<256x128xf32, #tpu.memory_space<vmem>>[vector<16xi32>, vector<16xi32>], vector<16xf32>, vector<16xi1>
    %get3A_176 = arith.constant 32 : index
    %get3A_177 = tpu.vector_load %arg4[%get3A_176] {strides = array<i32>} : memref<512xi32, #tpu.memory_space<vmem>>, vector<16xi32>,
    %sub3A_178 = arith.constant 248 : i32
    %sub3A_179 = vector.broadcast %sub3A_178 : i32 to vector<16xi32>
    %sub3A_180 = arith.subi %get3A_177, %sub3A_179 : vector<16xi32>
    %add3A_181 = arith.constant 32 : i32
    %add3A_182 = vector.broadcast %add3A_181 : i32 to vector<16xi32>
    %add3A_183 = arith.addi %iota3A, %add3A_182 : vector<16xi32>
    %ge3A_184 = arith.constant 248 : i32
    %ge3A_185 = vector.broadcast %ge3A_184 : i32 to vector<16xi32>
    %ge3A_186 = arith.cmpi sge, %get3A_177, %ge3A_185 : vector<16xi32>
    %lt3A_187 = arith.constant 496 : i32
    %lt3A_188 = vector.broadcast %lt3A_187 : i32 to vector<16xi32>
    %lt3A_189 = arith.cmpi slt, %get3A_177, %lt3A_188 : vector<16xi32>
    %and3A_190 = arith.andi %ge3A_186, %lt3A_189 : vector<16xi1>
    tpu.vector_store_idx %arg6[%sub3A_180, %add3A_183], %broadcast_in_dim3A_4 masked %and3A_190 : memref<256x128xf32, #tpu.memory_space<vmem>>[vector<16xi32>, vector<16xi32>], vector<16xf32>, vector<16xi1>
    %get3A_191 = arith.constant 48 : index
    %get3A_192 = tpu.vector_load %arg4[%get3A_191] {strides = array<i32>} : memref<512xi32, #tpu.memory_space<vmem>>, vector<16xi32>,
    %sub3A_193 = arith.constant 248 : i32
    %sub3A_194 = vector.broadcast %sub3A_193 : i32 to vector<16xi32>
    %sub3A_195 = arith.subi %get3A_192, %sub3A_194 : vector<16xi32>
    %add3A_196 = arith.constant 48 : i32
    %add3A_197 = vector.broadcast %add3A_196 : i32 to vector<16xi32>
    %add3A_198 = arith.addi %iota3A, %add3A_197 : vector<16xi32>
    %ge3A_199 = arith.constant 248 : i32
    %ge3A_200 = vector.broadcast %ge3A_199 : i32 to vector<16xi32>
    %ge3A_201 = arith.cmpi sge, %get3A_192, %ge3A_200 : vector<16xi32>
    %lt3A_202 = arith.constant 496 : i32
    %lt3A_203 = vector.broadcast %lt3A_202 : i32 to vector<16xi32>
    %lt3A_204 = arith.cmpi slt, %get3A_192, %lt3A_203 : vector<16xi32>
    %and3A_205 = arith.andi %ge3A_201, %lt3A_204 : vector<16xi1>
    tpu.vector_store_idx %arg6[%sub3A_195, %add3A_198], %broadcast_in_dim3A_4 masked %and3A_205 : memref<256x128xf32, #tpu.memory_space<vmem>>[vector<16xi32>, vector<16xi32>], vector<16xf32>, vector<16xi1>
    %get3A_206 = arith.constant 64 : index
    %get3A_207 = tpu.vector_load %arg4[%get3A_206] {strides = array<i32>} : memref<512xi32, #tpu.memory_space<vmem>>, vector<16xi32>,
    %sub3A_208 = arith.constant 248 : i32
    %sub3A_209 = vector.broadcast %sub3A_208 : i32 to vector<16xi32>
    %sub3A_210 = arith.subi %get3A_207, %sub3A_209 : vector<16xi32>
    %add3A_211 = arith.constant 64 : i32
    %add3A_212 = vector.broadcast %add3A_211 : i32 to vector<16xi32>
    %add3A_213 = arith.addi %iota3A, %add3A_212 : vector<16xi32>
    %ge3A_214 = arith.constant 248 : i32
    %ge3A_215 = vector.broadcast %ge3A_214 : i32 to vector<16xi32>
    %ge3A_216 = arith.cmpi sge, %get3A_207, %ge3A_215 : vector<16xi32>
    %lt3A_217 = arith.constant 496 : i32
    %lt3A_218 = vector.broadcast %lt3A_217 : i32 to vector<16xi32>
    %lt3A_219 = arith.cmpi slt, %get3A_207, %lt3A_218 : vector<16xi32>
    %and3A_220 = arith.andi %ge3A_216, %lt3A_219 : vector<16xi1>
    tpu.vector_store_idx %arg6[%sub3A_210, %add3A_213], %broadcast_in_dim3A_4 masked %and3A_220 : memref<256x128xf32, #tpu.memory_space<vmem>>[vector<16xi32>, vector<16xi32>], vector<16xf32>, vector<16xi1>
    %get3A_221 = arith.constant 80 : index
    %get3A_222 = tpu.vector_load %arg4[%get3A_221] {strides = array<i32>} : memref<512xi32, #tpu.memory_space<vmem>>, vector<16xi32>,
    %sub3A_223 = arith.constant 248 : i32
    %sub3A_224 = vector.broadcast %sub3A_223 : i32 to vector<16xi32>
    %sub3A_225 = arith.subi %get3A_222, %sub3A_224 : vector<16xi32>
    %add3A_226 = arith.constant 80 : i32
    %add3A_227 = vector.broadcast %add3A_226 : i32 to vector<16xi32>
    %add3A_228 = arith.addi %iota3A, %add3A_227 : vector<16xi32>
    %ge3A_229 = arith.constant 248 : i32
    %ge3A_230 = vector.broadcast %ge3A_229 : i32 to vector<16xi32>
    %ge3A_231 = arith.cmpi sge, %get3A_222, %ge3A_230 : vector<16xi32>
    %lt3A_232 = arith.constant 496 : i32
    %lt3A_233 = vector.broadcast %lt3A_232 : i32 to vector<16xi32>
    %lt3A_234 = arith.cmpi slt, %get3A_222, %lt3A_233 : vector<16xi32>
    %and3A_235 = arith.andi %ge3A_231, %lt3A_234 : vector<16xi1>
    tpu.vector_store_idx %arg6[%sub3A_225, %add3A_228], %broadcast_in_dim3A_4 masked %and3A_235 : memref<256x128xf32, #tpu.memory_space<vmem>>[vector<16xi32>, vector<16xi32>], vector<16xf32>, vector<16xi1>
    %get3A_236 = arith.constant 96 : index
    %get3A_237 = tpu.vector_load %arg4[%get3A_236] {strides = array<i32>} : memref<512xi32, #tpu.memory_space<vmem>>, vector<16xi32>,
    %sub3A_238 = arith.constant 248 : i32
    %sub3A_239 = vector.broadcast %sub3A_238 : i32 to vector<16xi32>
    %sub3A_240 = arith.subi %get3A_237, %sub3A_239 : vector<16xi32>
    %add3A_241 = arith.constant 96 : i32
    %add3A_242 = vector.broadcast %add3A_241 : i32 to vector<16xi32>
    %add3A_243 = arith.addi %iota3A, %add3A_242 : vector<16xi32>
    %ge3A_244 = arith.constant 248 : i32
    %ge3A_245 = vector.broadcast %ge3A_244 : i32 to vector<16xi32>
    %ge3A_246 = arith.cmpi sge, %get3A_237, %ge3A_245 : vector<16xi32>
    %lt3A_247 = arith.constant 496 : i32
    %lt3A_248 = vector.broadcast %lt3A_247 : i32 to vector<16xi32>
    %lt3A_249 = arith.cmpi slt, %get3A_237, %lt3A_248 : vector<16xi32>
    %and3A_250 = arith.andi %ge3A_246, %lt3A_249 : vector<16xi1>
    tpu.vector_store_idx %arg6[%sub3A_240, %add3A_243], %broadcast_in_dim3A_4 masked %and3A_250 : memref<256x128xf32, #tpu.memory_space<vmem>>[vector<16xi32>, vector<16xi32>], vector<16xf32>, vector<16xi1>
    %get3A_251 = arith.constant 112 : index
    %get3A_252 = tpu.vector_load %arg4[%get3A_251] {strides = array<i32>} : memref<512xi32, #tpu.memory_space<vmem>>, vector<16xi32>,
    %sub3A_253 = arith.constant 248 : i32
    %sub3A_254 = vector.broadcast %sub3A_253 : i32 to vector<16xi32>
    %sub3A_255 = arith.subi %get3A_252, %sub3A_254 : vector<16xi32>
    %add3A_256 = arith.constant 112 : i32
    %add3A_257 = vector.broadcast %add3A_256 : i32 to vector<16xi32>
    %add3A_258 = arith.addi %iota3A, %add3A_257 : vector<16xi32>
    %ge3A_259 = arith.constant 248 : i32
    %ge3A_260 = vector.broadcast %ge3A_259 : i32 to vector<16xi32>
    %ge3A_261 = arith.cmpi sge, %get3A_252, %ge3A_260 : vector<16xi32>
    %lt3A_262 = arith.constant 496 : i32
    %lt3A_263 = vector.broadcast %lt3A_262 : i32 to vector<16xi32>
    %lt3A_264 = arith.cmpi slt, %get3A_252, %lt3A_263 : vector<16xi32>
    %and3A_265 = arith.andi %ge3A_261, %lt3A_264 : vector<16xi1>
    tpu.vector_store_idx %arg6[%sub3A_255, %add3A_258], %broadcast_in_dim3A_4 masked %and3A_265 : memref<256x128xf32, #tpu.memory_space<vmem>>[vector<16xi32>, vector<16xi32>], vector<16xf32>, vector<16xi1>
    %add3A_266 = arith.constant 0 : i32
    %add3A_267 = arith.addi %mul3A_2, %add3A_266 : i32
    %dma_start3A_268 = arith.constant 0 : i32
    %dma_start3A_269 = arith.constant 0 : i32
    %dma_start3A_270 = tpu.memref_slice %arg6[%dma_start3A_268, %dma_start3A_269] : memref<256x128xf32, #tpu.memory_space<vmem>> -> memref<248x128xf32, #tpu.memory_space<vmem>>
    %dma_start3A_271 = arith.constant 248 : i32
    %dma_start3A_272 = tpu.memref_slice %arg3[%dma_start3A_271, %add3A_267] : memref<1000x16384xf32, #tpu.memory_space<hbm>> -> memref<248x128xf32, #tpu.memory_space<hbm>>
    %dma_start3A_273 = arith.constant 248 : i32
    %dma_start3A_274 = tpu.memref_slice %arg3[%dma_start3A_273, %add3A_267] : memref<1000x16384xf32, #tpu.memory_space<hbm>> -> memref<248x128xf32, #tpu.memory_space<hbm>>
    %dma_start3A_275 = arith.constant 0 : i32
    %dma_start3A_276 = arith.constant 0 : i32
    %dma_start3A_277 = tpu.memref_slice %arg6[%dma_start3A_275, %dma_start3A_276] : memref<256x128xf32, #tpu.memory_space<vmem>> -> memref<248x128xf32, #tpu.memory_space<vmem>>
    tpu.enqueue_dma source(%dma_start3A_277 : memref<248x128xf32, #tpu.memory_space<vmem>>) target(%dma_start3A_274 : memref<248x128xf32, #tpu.memory_space<hbm>>) target_semaphore(%arg9 : memref<!tpu.dma_semaphore, #tpu.memory_space<semaphore_mem>>)
    %scan3A_278 = arith.constant 0 : i32
    %scan3A_279 = arith.constant 0 : i32
    %scan3A_280 = arith.constant 256 : i32
    %scan3A_281 = arith.addi %scan3A_279, %scan3A_280 : i32
    %scan3A_282 = arith.constant 1 : i32
    scf.for %scan3A_3804 = %scan3A_279 to %scan3A_281 step %scan3A_282  : i32 {
      %swap3A = arith.index_cast %scan3A_3804 : i32 to index
      %swap3A_3805 = arith.constant 0 : index
      %swap3A_3806 = tpu.vector_load %arg7[%swap3A, %swap3A_3805] {strides = array<i32>} : memref<256x128xf32, #tpu.memory_space<vmem>>, vector<16xf32>,
      tpu.vector_store %arg7[%swap3A, %swap3A_3805], %broadcast_in_dim3A_6 {strides = array<i32>} : memref<256x128xf32, #tpu.memory_space<vmem>>, vector<16xf32>,
      %swap3A_3807 = arith.index_cast %scan3A_3804 : i32 to index
      %swap3A_3808 = arith.constant 16 : index
      %swap3A_3809 = tpu.vector_load %arg7[%swap3A_3807, %swap3A_3808] {strides = array<i32>} : memref<256x128xf32, #tpu.memory_space<vmem>>, vector<16xf32>,
      tpu.vector_store %arg7[%swap3A_3807, %swap3A_3808], %broadcast_in_dim3A_6 {strides = array<i32>} : memref<256x128xf32, #tpu.memory_space<vmem>>, vector<16xf32>,
      %swap3A_3810 = arith.index_cast %scan3A_3804 : i32 to index
      %swap3A_3811 = arith.constant 32 : index
      %swap3A_3812 = tpu.vector_load %arg7[%swap3A_3810, %swap3A_3811] {strides = array<i32>} : memref<256x128xf32, #tpu.memory_space<vmem>>, vector<16xf32>,
      tpu.vector_store %arg7[%swap3A_3810, %swap3A_3811], %broadcast_in_dim3A_6 {strides = array<i32>} : memref<256x128xf32, #tpu.memory_space<vmem>>, vector<16xf32>,
      %swap3A_3813 = arith.index_cast %scan3A_3804 : i32 to index
      %swap3A_3814 = arith.constant 48 : index
      %swap3A_3815 = tpu.vector_load %arg7[%swap3A_3813, %swap3A_3814] {strides = array<i32>} : memref<256x128xf32, #tpu.memory_space<vmem>>, vector<16xf32>,
      tpu.vector_store %arg7[%swap3A_3813, %swap3A_3814], %broadcast_in_dim3A_6 {strides = array<i32>} : memref<256x128xf32, #tpu.memory_space<vmem>>, vector<16xf32>,
      %swap3A_3816 = arith.index_cast %scan3A_3804 : i32 to index
      %swap3A_3817 = arith.constant 64 : index
      %swap3A_3818 = tpu.vector_load %arg7[%swap3A_3816, %swap3A_3817] {strides = array<i32>} : memref<256x128xf32, #tpu.memory_space<vmem>>, vector<16xf32>,
      tpu.vector_store %arg7[%swap3A_3816, %swap3A_3817], %broadcast_in_dim3A_6 {strides = array<i32>} : memref<256x128xf32, #tpu.memory_space<vmem>>, vector<16xf32>,
      %swap3A_3819 = arith.index_cast %scan3A_3804 : i32 to index
      %swap3A_3820 = arith.constant 80 : index
      %swap3A_3821 = tpu.vector_load %arg7[%swap3A_3819, %swap3A_3820] {strides = array<i32>} : memref<256x128xf32, #tpu.memory_space<vmem>>, vector<16xf32>,
      tpu.vector_store %arg7[%swap3A_3819, %swap3A_3820], %broadcast_in_dim3A_6 {strides = array<i32>} : memref<256x128xf32, #tpu.memory_space<vmem>>, vector<16xf32>,
      %swap3A_3822 = arith.index_cast %scan3A_3804 : i32 to index
      %swap3A_3823 = arith.constant 96 : index
      %swap3A_3824 = tpu.vector_load %arg7[%swap3A_3822, %swap3A_3823] {strides = array<i32>} : memref<256x128xf32, #tpu.memory_space<vmem>>, vector<16xf32>,
      tpu.vector_store %arg7[%swap3A_3822, %swap3A_3823], %broadcast_in_dim3A_6 {strides = array<i32>} : memref<256x128xf32, #tpu.memory_space<vmem>>, vector<16xf32>,
      %swap3A_3825 = arith.index_cast %scan3A_3804 : i32 to index
      %swap3A_3826 = arith.constant 112 : index
      %swap3A_3827 = tpu.vector_load %arg7[%swap3A_3825, %swap3A_3826] {strides = array<i32>} : memref<256x128xf32, #tpu.memory_space<vmem>>, vector<16xf32>,
      tpu.vector_store %arg7[%swap3A_3825, %swap3A_3826], %broadcast_in_dim3A_6 {strides = array<i32>} : memref<256x128xf32, #tpu.memory_space<vmem>>, vector<16xf32>,
    }
    %scan3A_283 = arith.constant 256 : i32
    %get3A_284 = arith.constant 0 : index
    %get3A_285 = tpu.vector_load %arg4[%get3A_284] {strides = array<i32>} : memref<512xi32, #tpu.memory_space<vmem>>, vector<16xi32>,
    %sub3A_286 = arith.constant 496 : i32
    %sub3A_287 = vector.broadcast %sub3A_286 : i32 to vector<16xi32>
    %sub3A_288 = arith.subi %get3A_285, %sub3A_287 : vector<16xi32>
    %add3A_289 = arith.constant 0 : i32
    %add3A_290 = vector.broadcast %add3A_289 : i32 to vector<16xi32>
    %add3A_291 = arith.addi %iota3A, %add3A_290 : vector<16xi32>
    %ge3A_292 = arith.constant 496 : i32
    %ge3A_293 = vector.broadcast %ge3A_292 : i32 to vector<16xi32>
    %ge3A_294 = arith.cmpi sge, %get3A_285, %ge3A_293 : vector<16xi32>
    %lt3A_295 = arith.constant 744 : i32
    %lt3A_296 = vector.broadcast %lt3A_295 : i32 to vector<16xi32>
    %lt3A_297 = arith.cmpi slt, %get3A_285, %lt3A_296 : vector<16xi32>
    %and3A_298 = arith.andi %ge3A_294, %lt3A_297 : vector<16xi1>
    tpu.vector_store_idx %arg7[%sub3A_288, %add3A_291], %broadcast_in_dim3A_4 masked %and3A_298 : memref<256x128xf32, #tpu.memory_space<vmem>>[vector<16xi32>, vector<16xi32>], vector<16xf32>, vector<16xi1>
    %get3A_299 = arith.constant 16 : index
    %get3A_300 = tpu.vector_load %arg4[%get3A_299] {strides = array<i32>} : memref<512xi32, #tpu.memory_space<vmem>>, vector<16xi32>,
    %sub3A_301 = arith.constant 496 : i32
    %sub3A_302 = vector.broadcast %sub3A_301 : i32 to vector<16xi32>
    %sub3A_303 = arith.subi %get3A_300, %sub3A_302 : vector<16xi32>
    %add3A_304 = arith.constant 16 : i32
    %add3A_305 = vector.broadcast %add3A_304 : i32 to vector<16xi32>
    %add3A_306 = arith.addi %iota3A, %add3A_305 : vector<16xi32>
    %ge3A_307 = arith.constant 496 : i32
    %ge3A_308 = vector.broadcast %ge3A_307 : i32 to vector<16xi32>
    %ge3A_309 = arith.cmpi sge, %get3A_300, %ge3A_308 : vector<16xi32>
    %lt3A_310 = arith.constant 744 : i32
    %lt3A_311 = vector.broadcast %lt3A_310 : i32 to vector<16xi32>
    %lt3A_312 = arith.cmpi slt, %get3A_300, %lt3A_311 : vector<16xi32>
    %and3A_313 = arith.andi %ge3A_309, %lt3A_312 : vector<16xi1>
    tpu.vector_store_idx %arg7[%sub3A_303, %add3A_306], %broadcast_in_dim3A_4 masked %and3A_313 : memref<256x128xf32, #tpu.memory_space<vmem>>[vector<16xi32>, vector<16xi32>], vector<16xf32>, vector<16xi1>
    %get3A_314 = arith.constant 32 : index
    %get3A_315 = tpu.vector_load %arg4[%get3A_314] {strides = array<i32>} : memref<512xi32, #tpu.memory_space<vmem>>, vector<16xi32>,
    %sub3A_316 = arith.constant 496 : i32
    %sub3A_317 = vector.broadcast %sub3A_316 : i32 to vector<16xi32>
    %sub3A_318 = arith.subi %get3A_315, %sub3A_317 : vector<16xi32>
    %add3A_319 = arith.constant 32 : i32
    %add3A_320 = vector.broadcast %add3A_319 : i32 to vector<16xi32>
    %add3A_321 = arith.addi %iota3A, %add3A_320 : vector<16xi32>
    %ge3A_322 = arith.constant 496 : i32
    %ge3A_323 = vector.broadcast %ge3A_322 : i32 to vector<16xi32>
    %ge3A_324 = arith.cmpi sge, %get3A_315, %ge3A_323 : vector<16xi32>
    %lt3A_325 = arith.constant 744 : i32
    %lt3A_326 = vector.broadcast %lt3A_325 : i32 to vector<16xi32>
    %lt3A_327 = arith.cmpi slt, %get3A_315, %lt3A_326 : vector<16xi32>
    %and3A_328 = arith.andi %ge3A_324, %lt3A_327 : vector<16xi1>
    tpu.vector_store_idx %arg7[%sub3A_318, %add3A_321], %broadcast_in_dim3A_4 masked %and3A_328 : memref<256x128xf32, #tpu.memory_space<vmem>>[vector<16xi32>, vector<16xi32>], vector<16xf32>, vector<16xi1>
    %get3A_329 = arith.constant 48 : index
    %get3A_330 = tpu.vector_load %arg4[%get3A_329] {strides = array<i32>} : memref<512xi32, #tpu.memory_space<vmem>>, vector<16xi32>,
    %sub3A_331 = arith.constant 496 : i32
    %sub3A_332 = vector.broadcast %sub3A_331 : i32 to vector<16xi32>
    %sub3A_333 = arith.subi %get3A_330, %sub3A_332 : vector<16xi32>
    %add3A_334 = arith.constant 48 : i32
    %add3A_335 = vector.broadcast %add3A_334 : i32 to vector<16xi32>
    %add3A_336 = arith.addi %iota3A, %add3A_335 : vector<16xi32>
    %ge3A_337 = arith.constant 496 : i32
    %ge3A_338 = vector.broadcast %ge3A_337 : i32 to vector<16xi32>
    %ge3A_339 = arith.cmpi sge, %get3A_330, %ge3A_338 : vector<16xi32>
    %lt3A_340 = arith.constant 744 : i32
    %lt3A_341 = vector.broadcast %lt3A_340 : i32 to vector<16xi32>
    %lt3A_342 = arith.cmpi slt, %get3A_330, %lt3A_341 : vector<16xi32>
    %and3A_343 = arith.andi %ge3A_339, %lt3A_342 : vector<16xi1>
    tpu.vector_store_idx %arg7[%sub3A_333, %add3A_336], %broadcast_in_dim3A_4 masked %and3A_343 : memref<256x128xf32, #tpu.memory_space<vmem>>[vector<16xi32>, vector<16xi32>], vector<16xf32>, vector<16xi1>
    %get3A_344 = arith.constant 64 : index
    %get3A_345 = tpu.vector_load %arg4[%get3A_344] {strides = array<i32>} : memref<512xi32, #tpu.memory_space<vmem>>, vector<16xi32>,
    %sub3A_346 = arith.constant 496 : i32
    %sub3A_347 = vector.broadcast %sub3A_346 : i32 to vector<16xi32>
    %sub3A_348 = arith.subi %get3A_345, %sub3A_347 : vector<16xi32>
    %add3A_349 = arith.constant 64 : i32
    %add3A_350 = vector.broadcast %add3A_349 : i32 to vector<16xi32>
    %add3A_351 = arith.addi %iota3A, %add3A_350 : vector<16xi32>
    %ge3A_352 = arith.constant 496 : i32
    %ge3A_353 = vector.broadcast %ge3A_352 : i32 to vector<16xi32>
    %ge3A_354 = arith.cmpi sge, %get3A_345, %ge3A_353 : vector<16xi32>
    %lt3A_355 = arith.constant 744 : i32
    %lt3A_356 = vector.broadcast %lt3A_355 : i32 to vector<16xi32>
    %lt3A_357 = arith.cmpi slt, %get3A_345, %lt3A_356 : vector<16xi32>
    %and3A_358 = arith.andi %ge3A_354, %lt3A_357 : vector<16xi1>
    tpu.vector_store_idx %arg7[%sub3A_348, %add3A_351], %broadcast_in_dim3A_4 masked %and3A_358 : memref<256x128xf32, #tpu.memory_space<vmem>>[vector<16xi32>, vector<16xi32>], vector<16xf32>, vector<16xi1>
    %get3A_359 = arith.constant 80 : index
    %get3A_360 = tpu.vector_load %arg4[%get3A_359] {strides = array<i32>} : memref<512xi32, #tpu.memory_space<vmem>>, vector<16xi32>,
    %sub3A_361 = arith.constant 496 : i32
    %sub3A_362 = vector.broadcast %sub3A_361 : i32 to vector<16xi32>
    %sub3A_363 = arith.subi %get3A_360, %sub3A_362 : vector<16xi32>
    %add3A_364 = arith.constant 80 : i32
    %add3A_365 = vector.broadcast %add3A_364 : i32 to vector<16xi32>
    %add3A_366 = arith.addi %iota3A, %add3A_365 : vector<16xi32>
    %ge3A_367 = arith.constant 496 : i32
    %ge3A_368 = vector.broadcast %ge3A_367 : i32 to vector<16xi32>
    %ge3A_369 = arith.cmpi sge, %get3A_360, %ge3A_368 : vector<16xi32>
    %lt3A_370 = arith.constant 744 : i32
    %lt3A_371 = vector.broadcast %lt3A_370 : i32 to vector<16xi32>
    %lt3A_372 = arith.cmpi slt, %get3A_360, %lt3A_371 : vector<16xi32>
    %and3A_373 = arith.andi %ge3A_369, %lt3A_372 : vector<16xi1>
    tpu.vector_store_idx %arg7[%sub3A_363, %add3A_366], %broadcast_in_dim3A_4 masked %and3A_373 : memref<256x128xf32, #tpu.memory_space<vmem>>[vector<16xi32>, vector<16xi32>], vector<16xf32>, vector<16xi1>
    %get3A_374 = arith.constant 96 : index
    %get3A_375 = tpu.vector_load %arg4[%get3A_374] {strides = array<i32>} : memref<512xi32, #tpu.memory_space<vmem>>, vector<16xi32>,
    %sub3A_376 = arith.constant 496 : i32
    %sub3A_377 = vector.broadcast %sub3A_376 : i32 to vector<16xi32>
    %sub3A_378 = arith.subi %get3A_375, %sub3A_377 : vector<16xi32>
    %add3A_379 = arith.constant 96 : i32
    %add3A_380 = vector.broadcast %add3A_379 : i32 to vector<16xi32>
    %add3A_381 = arith.addi %iota3A, %add3A_380 : vector<16xi32>
    %ge3A_382 = arith.constant 496 : i32
    %ge3A_383 = vector.broadcast %ge3A_382 : i32 to vector<16xi32>
    %ge3A_384 = arith.cmpi sge, %get3A_375, %ge3A_383 : vector<16xi32>
    %lt3A_385 = arith.constant 744 : i32
    %lt3A_386 = vector.broadcast %lt3A_385 : i32 to vector<16xi32>
    %lt3A_387 = arith.cmpi slt, %get3A_375, %lt3A_386 : vector<16xi32>
    %and3A_388 = arith.andi %ge3A_384, %lt3A_387 : vector<16xi1>
    tpu.vector_store_idx %arg7[%sub3A_378, %add3A_381], %broadcast_in_dim3A_4 masked %and3A_388 : memref<256x128xf32, #tpu.memory_space<vmem>>[vector<16xi32>, vector<16xi32>], vector<16xf32>, vector<16xi1>
    %get3A_389 = arith.constant 112 : index
    %get3A_390 = tpu.vector_load %arg4[%get3A_389] {strides = array<i32>} : memref<512xi32, #tpu.memory_space<vmem>>, vector<16xi32>,
    %sub3A_391 = arith.constant 496 : i32
    %sub3A_392 = vector.broadcast %sub3A_391 : i32 to vector<16xi32>
    %sub3A_393 = arith.subi %get3A_390, %sub3A_392 : vector<16xi32>
    %add3A_394 = arith.constant 112 : i32
    %add3A_395 = vector.broadcast %add3A_394 : i32 to vector<16xi32>
    %add3A_396 = arith.addi %iota3A, %add3A_395 : vector<16xi32>
    %ge3A_397 = arith.constant 496 : i32
    %ge3A_398 = vector.broadcast %ge3A_397 : i32 to vector<16xi32>
    %ge3A_399 = arith.cmpi sge, %get3A_390, %ge3A_398 : vector<16xi32>
    %lt3A_400 = arith.constant 744 : i32
    %lt3A_401 = vector.broadcast %lt3A_400 : i32 to vector<16xi32>
    %lt3A_402 = arith.cmpi slt, %get3A_390, %lt3A_401 : vector<16xi32>
    %and3A_403 = arith.andi %ge3A_399, %lt3A_402 : vector<16xi1>
    tpu.vector_store_idx %arg7[%sub3A_393, %add3A_396], %broadcast_in_dim3A_4 masked %and3A_403 : memref<256x128xf32, #tpu.memory_space<vmem>>[vector<16xi32>, vector<16xi32>], vector<16xf32>, vector<16xi1>
    %add3A_404 = arith.constant 0 : i32
    %add3A_405 = arith.addi %mul3A_2, %add3A_404 : i32
    %dma_start3A_406 = arith.constant 0 : i32
    %dma_start3A_407 = arith.constant 0 : i32
    %dma_start3A_408 = tpu.memref_slice %arg7[%dma_start3A_406, %dma_start3A_407] : memref<256x128xf32, #tpu.memory_space<vmem>> -> memref<248x128xf32, #tpu.memory_space<vmem>>
    %dma_start3A_409 = arith.constant 496 : i32
    %dma_start3A_410 = tpu.memref_slice %arg3[%dma_start3A_409, %add3A_405] : memref<1000x16384xf32, #tpu.memory_space<hbm>> -> memref<248x128xf32, #tpu.memory_space<hbm>>
    %dma_start3A_411 = arith.constant 496 : i32
    %dma_start3A_412 = tpu.memref_slice %arg3[%dma_start3A_411, %add3A_405] : memref<1000x16384xf32, #tpu.memory_space<hbm>> -> memref<248x128xf32, #tpu.memory_space<hbm>>
    %dma_start3A_413 = arith.constant 0 : i32
    %dma_start3A_414 = arith.constant 0 : i32
    %dma_start3A_415 = tpu.memref_slice %arg7[%dma_start3A_413, %dma_start3A_414] : memref<256x128xf32, #tpu.memory_space<vmem>> -> memref<248x128xf32, #tpu.memory_space<vmem>>
    tpu.enqueue_dma source(%dma_start3A_415 : memref<248x128xf32, #tpu.memory_space<vmem>>) target(%dma_start3A_412 : memref<248x128xf32, #tpu.memory_space<hbm>>) target_semaphore(%arg10 : memref<!tpu.dma_semaphore, #tpu.memory_space<semaphore_mem>>)
    %dma_wait3A_416 = arith.constant 0 : i32
    %dma_wait3A_417 = arith.constant 0 : i32
    %dma_wait3A_418 = tpu.memref_slice %arg5[%dma_wait3A_416, %dma_wait3A_417] : memref<256x128xf32, #tpu.memory_space<vmem>> -> memref<248x128xf32, #tpu.memory_space<vmem>>
    %dma_wait3A_419 = arith.constant 0 : i32
    %dma_wait3A_420 = tpu.memref_slice %arg3[%dma_wait3A_419, %add3A_129] : memref<1000x16384xf32, #tpu.memory_space<hbm>> -> memref<248x128xf32, #tpu.memory_space<hbm>>
    %dma_wait3A_421 = arith.constant 0 : i32
    %dma_wait3A_422 = tpu.memref_slice %arg3[%dma_wait3A_421, %add3A_129] : memref<1000x16384xf32, #tpu.memory_space<hbm>> -> memref<248x128xf32, #tpu.memory_space<hbm>>
    %dma_wait3A_423 = arith.constant 0 : i32
    %dma_wait3A_424 = arith.constant 0 : i32
    %dma_wait3A_425 = tpu.memref_slice %arg5[%dma_wait3A_423, %dma_wait3A_424] : memref<256x128xf32, #tpu.memory_space<vmem>> -> memref<248x128xf32, #tpu.memory_space<vmem>>
    tpu.wait_dma2 semaphore(%arg8 : memref<!tpu.dma_semaphore, #tpu.memory_space<semaphore_mem>>) src(%dma_wait3A_425 : memref<248x128xf32, #tpu.memory_space<vmem>>) dst(%dma_wait3A_422 : memref<248x128xf32, #tpu.memory_space<hbm>>)
    %get3A_426 = arith.constant 0 : index
    %get3A_427 = tpu.vector_load %arg4[%get3A_426] {strides = array<i32>} : memref<512xi32, #tpu.memory_space<vmem>>, vector<16xi32>,
    %sub3A_428 = arith.constant 0 : i32
    %sub3A_429 = vector.broadcast %sub3A_428 : i32 to vector<16xi32>
    %sub3A_430 = arith.subi %get3A_427, %sub3A_429 : vector<16xi32>
    %add3A_431 = arith.constant 0 : i32
    %add3A_432 = vector.broadcast %add3A_431 : i32 to vector<16xi32>
    %add3A_433 = arith.addi %iota3A, %add3A_432 : vector<16xi32>
    %ge3A_434 = arith.constant 0 : i32
    %ge3A_435 = vector.broadcast %ge3A_434 : i32 to vector<16xi32>
    %ge3A_436 = arith.cmpi sge, %get3A_427, %ge3A_435 : vector<16xi32>
    %lt3A_437 = arith.constant 248 : i32
    %lt3A_438 = vector.broadcast %lt3A_437 : i32 to vector<16xi32>
    %lt3A_439 = arith.cmpi slt, %get3A_427, %lt3A_438 : vector<16xi32>
    %and3A_440 = arith.andi %ge3A_436, %lt3A_439 : vector<16xi1>
    tpu.vector_store_idx %arg5[%sub3A_430, %add3A_433], %broadcast_in_dim3A_6 masked %and3A_440 : memref<256x128xf32, #tpu.memory_space<vmem>>[vector<16xi32>, vector<16xi32>], vector<16xf32>, vector<16xi1>
    %get3A_441 = arith.constant 16 : index
    %get3A_442 = tpu.vector_load %arg4[%get3A_441] {strides = array<i32>} : memref<512xi32, #tpu.memory_space<vmem>>, vector<16xi32>,
    %sub3A_443 = arith.constant 0 : i32
    %sub3A_444 = vector.broadcast %sub3A_443 : i32 to vector<16xi32>
    %sub3A_445 = arith.subi %get3A_442, %sub3A_444 : vector<16xi32>
    %add3A_446 = arith.constant 16 : i32
    %add3A_447 = vector.broadcast %add3A_446 : i32 to vector<16xi32>
    %add3A_448 = arith.addi %iota3A, %add3A_447 : vector<16xi32>
    %ge3A_449 = arith.constant 0 : i32
    %ge3A_450 = vector.broadcast %ge3A_449 : i32 to vector<16xi32>
    %ge3A_451 = arith.cmpi sge, %get3A_442, %ge3A_450 : vector<16xi32>
    %lt3A_452 = arith.constant 248 : i32
    %lt3A_453 = vector.broadcast %lt3A_452 : i32 to vector<16xi32>
    %lt3A_454 = arith.cmpi slt, %get3A_442, %lt3A_453 : vector<16xi32>
    %and3A_455 = arith.andi %ge3A_451, %lt3A_454 : vector<16xi1>
    tpu.vector_store_idx %arg5[%sub3A_445, %add3A_448], %broadcast_in_dim3A_6 masked %and3A_455 : memref<256x128xf32, #tpu.memory_space<vmem>>[vector<16xi32>, vector<16xi32>], vector<16xf32>, vector<16xi1>
    %get3A_456 = arith.constant 32 : index
    %get3A_457 = tpu.vector_load %arg4[%get3A_456] {strides = array<i32>} : memref<512xi32, #tpu.memory_space<vmem>>, vector<16xi32>,
    %sub3A_458 = arith.constant 0 : i32
    %sub3A_459 = vector.broadcast %sub3A_458 : i32 to vector<16xi32>
    %sub3A_460 = arith.subi %get3A_457, %sub3A_459 : vector<16xi32>
    %add3A_461 = arith.constant 32 : i32
    %add3A_462 = vector.broadcast %add3A_461 : i32 to vector<16xi32>
    %add3A_463 = arith.addi %iota3A, %add3A_462 : vector<16xi32>
    %ge3A_464 = arith.constant 0 : i32
    %ge3A_465 = vector.broadcast %ge3A_464 : i32 to vector<16xi32>
    %ge3A_466 = arith.cmpi sge, %get3A_457, %ge3A_465 : vector<16xi32>
    %lt3A_467 = arith.constant 248 : i32
    %lt3A_468 = vector.broadcast %lt3A_467 : i32 to vector<16xi32>
    %lt3A_469 = arith.cmpi slt, %get3A_457, %lt3A_468 : vector<16xi32>
    %and3A_470 = arith.andi %ge3A_466, %lt3A_469 : vector<16xi1>
    tpu.vector_store_idx %arg5[%sub3A_460, %add3A_463], %broadcast_in_dim3A_6 masked %and3A_470 : memref<256x128xf32, #tpu.memory_space<vmem>>[vector<16xi32>, vector<16xi32>], vector<16xf32>, vector<16xi1>
    %get3A_471 = arith.constant 48 : index
    %get3A_472 = tpu.vector_load %arg4[%get3A_471] {strides = array<i32>} : memref<512xi32, #tpu.memory_space<vmem>>, vector<16xi32>,
    %sub3A_473 = arith.constant 0 : i32
    %sub3A_474 = vector.broadcast %sub3A_473 : i32 to vector<16xi32>
    %sub3A_475 = arith.subi %get3A_472, %sub3A_474 : vector<16xi32>
    %add3A_476 = arith.constant 48 : i32
    %add3A_477 = vector.broadcast %add3A_476 : i32 to vector<16xi32>
    %add3A_478 = arith.addi %iota3A, %add3A_477 : vector<16xi32>
    %ge3A_479 = arith.constant 0 : i32
    %ge3A_480 = vector.broadcast %ge3A_479 : i32 to vector<16xi32>
    %ge3A_481 = arith.cmpi sge, %get3A_472, %ge3A_480 : vector<16xi32>
    %lt3A_482 = arith.constant 248 : i32
    %lt3A_483 = vector.broadcast %lt3A_482 : i32 to vector<16xi32>
    %lt3A_484 = arith.cmpi slt, %get3A_472, %lt3A_483 : vector<16xi32>
    %and3A_485 = arith.andi %ge3A_481, %lt3A_484 : vector<16xi1>
    tpu.vector_store_idx %arg5[%sub3A_475, %add3A_478], %broadcast_in_dim3A_6 masked %and3A_485 : memref<256x128xf32, #tpu.memory_space<vmem>>[vector<16xi32>, vector<16xi32>], vector<16xf32>, vector<16xi1>
    %get3A_486 = arith.constant 64 : index
    %get3A_487 = tpu.vector_load %arg4[%get3A_486] {strides = array<i32>} : memref<512xi32, #tpu.memory_space<vmem>>, vector<16xi32>,
    %sub3A_488 = arith.constant 0 : i32
    %sub3A_489 = vector.broadcast %sub3A_488 : i32 to vector<16xi32>
    %sub3A_490 = arith.subi %get3A_487, %sub3A_489 : vector<16xi32>
    %add3A_491 = arith.constant 64 : i32
    %add3A_492 = vector.broadcast %add3A_491 : i32 to vector<16xi32>
    %add3A_493 = arith.addi %iota3A, %add3A_492 : vector<16xi32>
    %ge3A_494 = arith.constant 0 : i32
    %ge3A_495 = vector.broadcast %ge3A_494 : i32 to vector<16xi32>
    %ge3A_496 = arith.cmpi sge, %get3A_487, %ge3A_495 : vector<16xi32>
    %lt3A_497 = arith.constant 248 : i32
    %lt3A_498 = vector.broadcast %lt3A_497 : i32 to vector<16xi32>
    %lt3A_499 = arith.cmpi slt, %get3A_487, %lt3A_498 : vector<16xi32>
    %and3A_500 = arith.andi %ge3A_496, %lt3A_499 : vector<16xi1>
    tpu.vector_store_idx %arg5[%sub3A_490, %add3A_493], %broadcast_in_dim3A_6 masked %and3A_500 : memref<256x128xf32, #tpu.memory_space<vmem>>[vector<16xi32>, vector<16xi32>], vector<16xf32>, vector<16xi1>
    %get3A_501 = arith.constant 80 : index
    %get3A_502 = tpu.vector_load %arg4[%get3A_501] {strides = array<i32>} : memref<512xi32, #tpu.memory_space<vmem>>, vector<16xi32>,
    %sub3A_503 = arith.constant 0 : i32
    %sub3A_504 = vector.broadcast %sub3A_503 : i32 to vector<16xi32>
    %sub3A_505 = arith.subi %get3A_502, %sub3A_504 : vector<16xi32>
    %add3A_506 = arith.constant 80 : i32
    %add3A_507 = vector.broadcast %add3A_506 : i32 to vector<16xi32>
    %add3A_508 = arith.addi %iota3A, %add3A_507 : vector<16xi32>
    %ge3A_509 = arith.constant 0 : i32
    %ge3A_510 = vector.broadcast %ge3A_509 : i32 to vector<16xi32>
    %ge3A_511 = arith.cmpi sge, %get3A_502, %ge3A_510 : vector<16xi32>
    %lt3A_512 = arith.constant 248 : i32
    %lt3A_513 = vector.broadcast %lt3A_512 : i32 to vector<16xi32>
    %lt3A_514 = arith.cmpi slt, %get3A_502, %lt3A_513 : vector<16xi32>
    %and3A_515 = arith.andi %ge3A_511, %lt3A_514 : vector<16xi1>
    tpu.vector_store_idx %arg5[%sub3A_505, %add3A_508], %broadcast_in_dim3A_6 masked %and3A_515 : memref<256x128xf32, #tpu.memory_space<vmem>>[vector<16xi32>, vector<16xi32>], vector<16xf32>, vector<16xi1>
    %get3A_516 = arith.constant 96 : index
    %get3A_517 = tpu.vector_load %arg4[%get3A_516] {strides = array<i32>} : memref<512xi32, #tpu.memory_space<vmem>>, vector<16xi32>,
    %sub3A_518 = arith.constant 0 : i32
    %sub3A_519 = vector.broadcast %sub3A_518 : i32 to vector<16xi32>
    %sub3A_520 = arith.subi %get3A_517, %sub3A_519 : vector<16xi32>
    %add3A_521 = arith.constant 96 : i32
    %add3A_522 = vector.broadcast %add3A_521 : i32 to vector<16xi32>
    %add3A_523 = arith.addi %iota3A, %add3A_522 : vector<16xi32>
    %ge3A_524 = arith.constant 0 : i32
    %ge3A_525 = vector.broadcast %ge3A_524 : i32 to vector<16xi32>
    %ge3A_526 = arith.cmpi sge, %get3A_517, %ge3A_525 : vector<16xi32>
    %lt3A_527 = arith.constant 248 : i32
    %lt3A_528 = vector.broadcast %lt3A_527 : i32 to vector<16xi32>
    %lt3A_529 = arith.cmpi slt, %get3A_517, %lt3A_528 : vector<16xi32>
    %and3A_530 = arith.andi %ge3A_526, %lt3A_529 : vector<16xi1>
    tpu.vector_store_idx %arg5[%sub3A_520, %add3A_523], %broadcast_in_dim3A_6 masked %and3A_530 : memref<256x128xf32, #tpu.memory_space<vmem>>[vector<16xi32>, vector<16xi32>], vector<16xf32>, vector<16xi1>
    %get3A_531 = arith.constant 112 : index
    %get3A_532 = tpu.vector_load %arg4[%get3A_531] {strides = array<i32>} : memref<512xi32, #tpu.memory_space<vmem>>, vector<16xi32>,
    %sub3A_533 = arith.constant 0 : i32
    %sub3A_534 = vector.broadcast %sub3A_533 : i32 to vector<16xi32>
    %sub3A_535 = arith.subi %get3A_532, %sub3A_534 : vector<16xi32>
    %add3A_536 = arith.constant 112 : i32
    %add3A_537 = vector.broadcast %add3A_536 : i32 to vector<16xi32>
    %add3A_538 = arith.addi %iota3A, %add3A_537 : vector<16xi32>
    %ge3A_539 = arith.constant 0 : i32
    %ge3A_540 = vector.broadcast %ge3A_539 : i32 to vector<16xi32>
    %ge3A_541 = arith.cmpi sge, %get3A_532, %ge3A_540 : vector<16xi32>
    %lt3A_542 = arith.constant 248 : i32
    %lt3A_543 = vector.broadcast %lt3A_542 : i32 to vector<16xi32>
    %lt3A_544 = arith.cmpi slt, %get3A_532, %lt3A_543 : vector<16xi32>
    %and3A_545 = arith.andi %ge3A_541, %lt3A_544 : vector<16xi1>
    tpu.vector_store_idx %arg5[%sub3A_535, %add3A_538], %broadcast_in_dim3A_6 masked %and3A_545 : memref<256x128xf32, #tpu.memory_space<vmem>>[vector<16xi32>, vector<16xi32>], vector<16xf32>, vector<16xi1>
    %get3A_546 = arith.constant 0 : index
    %get3A_547 = tpu.vector_load %arg4[%get3A_546] {strides = array<i32>} : memref<512xi32, #tpu.memory_space<vmem>>, vector<16xi32>,
    %sub3A_548 = arith.constant 744 : i32
    %sub3A_549 = vector.broadcast %sub3A_548 : i32 to vector<16xi32>
    %sub3A_550 = arith.subi %get3A_547, %sub3A_549 : vector<16xi32>
    %add3A_551 = arith.constant 0 : i32
    %add3A_552 = vector.broadcast %add3A_551 : i32 to vector<16xi32>
    %add3A_553 = arith.addi %iota3A, %add3A_552 : vector<16xi32>
    %ge3A_554 = arith.constant 744 : i32
    %ge3A_555 = vector.broadcast %ge3A_554 : i32 to vector<16xi32>
    %ge3A_556 = arith.cmpi sge, %get3A_547, %ge3A_555 : vector<16xi32>
    %lt3A_557 = arith.constant 1000 : i32
    %lt3A_558 = vector.broadcast %lt3A_557 : i32 to vector<16xi32>
    %lt3A_559 = arith.cmpi slt, %get3A_547, %lt3A_558 : vector<16xi32>
    %and3A_560 = arith.andi %ge3A_556, %lt3A_559 : vector<16xi1>
    tpu.vector_store_idx %arg5[%sub3A_550, %add3A_553], %broadcast_in_dim3A_4 masked %and3A_560 : memref<256x128xf32, #tpu.memory_space<vmem>>[vector<16xi32>, vector<16xi32>], vector<16xf32>, vector<16xi1>
    %get3A_561 = arith.constant 16 : index
    %get3A_562 = tpu.vector_load %arg4[%get3A_561] {strides = array<i32>} : memref<512xi32, #tpu.memory_space<vmem>>, vector<16xi32>,
    %sub3A_563 = arith.constant 744 : i32
    %sub3A_564 = vector.broadcast %sub3A_563 : i32 to vector<16xi32>
    %sub3A_565 = arith.subi %get3A_562, %sub3A_564 : vector<16xi32>
    %add3A_566 = arith.constant 16 : i32
    %add3A_567 = vector.broadcast %add3A_566 : i32 to vector<16xi32>
    %add3A_568 = arith.addi %iota3A, %add3A_567 : vector<16xi32>
    %ge3A_569 = arith.constant 744 : i32
    %ge3A_570 = vector.broadcast %ge3A_569 : i32 to vector<16xi32>
    %ge3A_571 = arith.cmpi sge, %get3A_562, %ge3A_570 : vector<16xi32>
    %lt3A_572 = arith.constant 1000 : i32
    %lt3A_573 = vector.broadcast %lt3A_572 : i32 to vector<16xi32>
    %lt3A_574 = arith.cmpi slt, %get3A_562, %lt3A_573 : vector<16xi32>
    %and3A_575 = arith.andi %ge3A_571, %lt3A_574 : vector<16xi1>
    tpu.vector_store_idx %arg5[%sub3A_565, %add3A_568], %broadcast_in_dim3A_4 masked %and3A_575 : memref<256x128xf32, #tpu.memory_space<vmem>>[vector<16xi32>, vector<16xi32>], vector<16xf32>, vector<16xi1>
    %get3A_576 = arith.constant 32 : index
    %get3A_577 = tpu.vector_load %arg4[%get3A_576] {strides = array<i32>} : memref<512xi32, #tpu.memory_space<vmem>>, vector<16xi32>,
    %sub3A_578 = arith.constant 744 : i32
    %sub3A_579 = vector.broadcast %sub3A_578 : i32 to vector<16xi32>
    %sub3A_580 = arith.subi %get3A_577, %sub3A_579 : vector<16xi32>
    %add3A_581 = arith.constant 32 : i32
    %add3A_582 = vector.broadcast %add3A_581 : i32 to vector<16xi32>
    %add3A_583 = arith.addi %iota3A, %add3A_582 : vector<16xi32>
    %ge3A_584 = arith.constant 744 : i32
    %ge3A_585 = vector.broadcast %ge3A_584 : i32 to vector<16xi32>
    %ge3A_586 = arith.cmpi sge, %get3A_577, %ge3A_585 : vector<16xi32>
    %lt3A_587 = arith.constant 1000 : i32
    %lt3A_588 = vector.broadcast %lt3A_587 : i32 to vector<16xi32>
    %lt3A_589 = arith.cmpi slt, %get3A_577, %lt3A_588 : vector<16xi32>
    %and3A_590 = arith.andi %ge3A_586, %lt3A_589 : vector<16xi1>
    tpu.vector_store_idx %arg5[%sub3A_580, %add3A_583], %broadcast_in_dim3A_4 masked %and3A_590 : memref<256x128xf32, #tpu.memory_space<vmem>>[vector<16xi32>, vector<16xi32>], vector<16xf32>, vector<16xi1>
    %get3A_591 = arith.constant 48 : index
    %get3A_592 = tpu.vector_load %arg4[%get3A_591] {strides = array<i32>} : memref<512xi32, #tpu.memory_space<vmem>>, vector<16xi32>,
    %sub3A_593 = arith.constant 744 : i32
    %sub3A_594 = vector.broadcast %sub3A_593 : i32 to vector<16xi32>
    %sub3A_595 = arith.subi %get3A_592, %sub3A_594 : vector<16xi32>
    %add3A_596 = arith.constant 48 : i32
    %add3A_597 = vector.broadcast %add3A_596 : i32 to vector<16xi32>
    %add3A_598 = arith.addi %iota3A, %add3A_597 : vector<16xi32>
    %ge3A_599 = arith.constant 744 : i32
    %ge3A_600 = vector.broadcast %ge3A_599 : i32 to vector<16xi32>
    %ge3A_601 = arith.cmpi sge, %get3A_592, %ge3A_600 : vector<16xi32>
    %lt3A_602 = arith.constant 1000 : i32
    %lt3A_603 = vector.broadcast %lt3A_602 : i32 to vector<16xi32>
    %lt3A_604 = arith.cmpi slt, %get3A_592, %lt3A_603 : vector<16xi32>
    %and3A_605 = arith.andi %ge3A_601, %lt3A_604 : vector<16xi1>
    tpu.vector_store_idx %arg5[%sub3A_595, %add3A_598], %broadcast_in_dim3A_4 masked %and3A_605 : memref<256x128xf32, #tpu.memory_space<vmem>>[vector<16xi32>, vector<16xi32>], vector<16xf32>, vector<16xi1>
    %get3A_606 = arith.constant 64 : index
    %get3A_607 = tpu.vector_load %arg4[%get3A_606] {strides = array<i32>} : memref<512xi32, #tpu.memory_space<vmem>>, vector<16xi32>,
    %sub3A_608 = arith.constant 744 : i32
    %sub3A_609 = vector.broadcast %sub3A_608 : i32 to vector<16xi32>
    %sub3A_610 = arith.subi %get3A_607, %sub3A_609 : vector<16xi32>
    %add3A_611 = arith.constant 64 : i32
    %add3A_612 = vector.broadcast %add3A_611 : i32 to vector<16xi32>
    %add3A_613 = arith.addi %iota3A, %add3A_612 : vector<16xi32>
    %ge3A_614 = arith.constant 744 : i32
    %ge3A_615 = vector.broadcast %ge3A_614 : i32 to vector<16xi32>
    %ge3A_616 = arith.cmpi sge, %get3A_607, %ge3A_615 : vector<16xi32>
    %lt3A_617 = arith.constant 1000 : i32
    %lt3A_618 = vector.broadcast %lt3A_617 : i32 to vector<16xi32>
    %lt3A_619 = arith.cmpi slt, %get3A_607, %lt3A_618 : vector<16xi32>
    %and3A_620 = arith.andi %ge3A_616, %lt3A_619 : vector<16xi1>
    tpu.vector_store_idx %arg5[%sub3A_610, %add3A_613], %broadcast_in_dim3A_4 masked %and3A_620 : memref<256x128xf32, #tpu.memory_space<vmem>>[vector<16xi32>, vector<16xi32>], vector<16xf32>, vector<16xi1>
    %get3A_621 = arith.constant 80 : index
    %get3A_622 = tpu.vector_load %arg4[%get3A_621] {strides = array<i32>} : memref<512xi32, #tpu.memory_space<vmem>>, vector<16xi32>,
    %sub3A_623 = arith.constant 744 : i32
    %sub3A_624 = vector.broadcast %sub3A_623 : i32 to vector<16xi32>
    %sub3A_625 = arith.subi %get3A_622, %sub3A_624 : vector<16xi32>
    %add3A_626 = arith.constant 80 : i32
    %add3A_627 = vector.broadcast %add3A_626 : i32 to vector<16xi32>
    %add3A_628 = arith.addi %iota3A, %add3A_627 : vector<16xi32>
    %ge3A_629 = arith.constant 744 : i32
    %ge3A_630 = vector.broadcast %ge3A_629 : i32 to vector<16xi32>
    %ge3A_631 = arith.cmpi sge, %get3A_622, %ge3A_630 : vector<16xi32>
    %lt3A_632 = arith.constant 1000 : i32
    %lt3A_633 = vector.broadcast %lt3A_632 : i32 to vector<16xi32>
    %lt3A_634 = arith.cmpi slt, %get3A_622, %lt3A_633 : vector<16xi32>
    %and3A_635 = arith.andi %ge3A_631, %lt3A_634 : vector<16xi1>
    tpu.vector_store_idx %arg5[%sub3A_625, %add3A_628], %broadcast_in_dim3A_4 masked %and3A_635 : memref<256x128xf32, #tpu.memory_space<vmem>>[vector<16xi32>, vector<16xi32>], vector<16xf32>, vector<16xi1>
    %get3A_636 = arith.constant 96 : index
    %get3A_637 = tpu.vector_load %arg4[%get3A_636] {strides = array<i32>} : memref<512xi32, #tpu.memory_space<vmem>>, vector<16xi32>,
    %sub3A_638 = arith.constant 744 : i32
    %sub3A_639 = vector.broadcast %sub3A_638 : i32 to vector<16xi32>
    %sub3A_640 = arith.subi %get3A_637, %sub3A_639 : vector<16xi32>
    %add3A_641 = arith.constant 96 : i32
    %add3A_642 = vector.broadcast %add3A_641 : i32 to vector<16xi32>
    %add3A_643 = arith.addi %iota3A, %add3A_642 : vector<16xi32>
    %ge3A_644 = arith.constant 744 : i32
    %ge3A_645 = vector.broadcast %ge3A_644 : i32 to vector<16xi32>
    %ge3A_646 = arith.cmpi sge, %get3A_637, %ge3A_645 : vector<16xi32>
    %lt3A_647 = arith.constant 1000 : i32
    %lt3A_648 = vector.broadcast %lt3A_647 : i32 to vector<16xi32>
    %lt3A_649 = arith.cmpi slt, %get3A_637, %lt3A_648 : vector<16xi32>
    %and3A_650 = arith.andi %ge3A_646, %lt3A_649 : vector<16xi1>
    tpu.vector_store_idx %arg5[%sub3A_640, %add3A_643], %broadcast_in_dim3A_4 masked %and3A_650 : memref<256x128xf32, #tpu.memory_space<vmem>>[vector<16xi32>, vector<16xi32>], vector<16xf32>, vector<16xi1>
    %get3A_651 = arith.constant 112 : index
    %get3A_652 = tpu.vector_load %arg4[%get3A_651] {strides = array<i32>} : memref<512xi32, #tpu.memory_space<vmem>>, vector<16xi32>,
    %sub3A_653 = arith.constant 744 : i32
    %sub3A_654 = vector.broadcast %sub3A_653 : i32 to vector<16xi32>
    %sub3A_655 = arith.subi %get3A_652, %sub3A_654 : vector<16xi32>
    %add3A_656 = arith.constant 112 : i32
    %add3A_657 = vector.broadcast %add3A_656 : i32 to vector<16xi32>
    %add3A_658 = arith.addi %iota3A, %add3A_657 : vector<16xi32>
    %ge3A_659 = arith.constant 744 : i32
    %ge3A_660 = vector.broadcast %ge3A_659 : i32 to vector<16xi32>
    %ge3A_661 = arith.cmpi sge, %get3A_652, %ge3A_660 : vector<16xi32>
    %lt3A_662 = arith.constant 1000 : i32
    %lt3A_663 = vector.broadcast %lt3A_662 : i32 to vector<16xi32>
    %lt3A_664 = arith.cmpi slt, %get3A_652, %lt3A_663 : vector<16xi32>
    %and3A_665 = arith.andi %ge3A_661, %lt3A_664 : vector<16xi1>
    tpu.vector_store_idx %arg5[%sub3A_655, %add3A_658], %broadcast_in_dim3A_4 masked %and3A_665 : memref<256x128xf32, #tpu.memory_space<vmem>>[vector<16xi32>, vector<16xi32>], vector<16xf32>, vector<16xi1>
    %add3A_666 = arith.constant 0 : i32
    %add3A_667 = arith.addi %mul3A_2, %add3A_666 : i32
    %dma_start3A_668 = arith.constant 744 : i32
    %dma_start3A_669 = tpu.memref_slice %arg3[%dma_start3A_668, %add3A_667] : memref<1000x16384xf32, #tpu.memory_space<hbm>> -> memref<256x128xf32, #tpu.memory_space<hbm>>
    %dma_start3A_670 = arith.constant 744 : i32
    %dma_start3A_671 = tpu.memref_slice %arg3[%dma_start3A_670, %add3A_667] : memref<1000x16384xf32, #tpu.memory_space<hbm>> -> memref<256x128xf32, #tpu.memory_space<hbm>>
    tpu.enqueue_dma source(%arg5 : memref<256x128xf32, #tpu.memory_space<vmem>>) target(%dma_start3A_671 : memref<256x128xf32, #tpu.memory_space<hbm>>) target_semaphore(%arg8 : memref<!tpu.dma_semaphore, #tpu.memory_space<semaphore_mem>>)
    %dma_wait3A_672 = arith.constant 0 : i32
    %dma_wait3A_673 = arith.constant 0 : i32
    %dma_wait3A_674 = tpu.memref_slice %arg6[%dma_wait3A_672, %dma_wait3A_673] : memref<256x128xf32, #tpu.memory_space<vmem>> -> memref<248x128xf32, #tpu.memory_space<vmem>>
    %dma_wait3A_675 = arith.constant 248 : i32
    %dma_wait3A_676 = tpu.memref_slice %arg3[%dma_wait3A_675, %add3A_267] : memref<1000x16384xf32, #tpu.memory_space<hbm>> -> memref<248x128xf32, #tpu.memory_space<hbm>>
    %dma_wait3A_677 = arith.constant 248 : i32
    %dma_wait3A_678 = tpu.memref_slice %arg3[%dma_wait3A_677, %add3A_267] : memref<1000x16384xf32, #tpu.memory_space<hbm>> -> memref<248x128xf32, #tpu.memory_space<hbm>>
    %dma_wait3A_679 = arith.constant 0 : i32
    %dma_wait3A_680 = arith.constant 0 : i32
    %dma_wait3A_681 = tpu.memref_slice %arg6[%dma_wait3A_679, %dma_wait3A_680] : memref<256x128xf32, #tpu.memory_space<vmem>> -> memref<248x128xf32, #tpu.memory_space<vmem>>
    tpu.wait_dma2 semaphore(%arg9 : memref<!tpu.dma_semaphore, #tpu.memory_space<semaphore_mem>>) src(%dma_wait3A_681 : memref<248x128xf32, #tpu.memory_space<vmem>>) dst(%dma_wait3A_678 : memref<248x128xf32, #tpu.memory_space<hbm>>)
    %get3A_682 = arith.constant 0 : index
    %get3A_683 = tpu.vector_load %arg4[%get3A_682] {strides = array<i32>} : memref<512xi32, #tpu.memory_space<vmem>>, vector<16xi32>,
    %sub3A_684 = arith.constant 248 : i32
    %sub3A_685 = vector.broadcast %sub3A_684 : i32 to vector<16xi32>
    %sub3A_686 = arith.subi %get3A_683, %sub3A_685 : vector<16xi32>
    %add3A_687 = arith.constant 0 : i32
    %add3A_688 = vector.broadcast %add3A_687 : i32 to vector<16xi32>
    %add3A_689 = arith.addi %iota3A, %add3A_688 : vector<16xi32>
    %ge3A_690 = arith.constant 248 : i32
    %ge3A_691 = vector.broadcast %ge3A_690 : i32 to vector<16xi32>
    %ge3A_692 = arith.cmpi sge, %get3A_683, %ge3A_691 : vector<16xi32>
    %lt3A_693 = arith.constant 496 : i32
    %lt3A_694 = vector.broadcast %lt3A_693 : i32 to vector<16xi32>
    %lt3A_695 = arith.cmpi slt, %get3A_683, %lt3A_694 : vector<16xi32>
    %and3A_696 = arith.andi %ge3A_692, %lt3A_695 : vector<16xi1>
    tpu.vector_store_idx %arg6[%sub3A_686, %add3A_689], %broadcast_in_dim3A_6 masked %and3A_696 : memref<256x128xf32, #tpu.memory_space<vmem>>[vector<16xi32>, vector<16xi32>], vector<16xf32>, vector<16xi1>
    %get3A_697 = arith.constant 16 : index
    %get3A_698 = tpu.vector_load %arg4[%get3A_697] {strides = array<i32>} : memref<512xi32, #tpu.memory_space<vmem>>, vector<16xi32>,
    %sub3A_699 = arith.constant 248 : i32
    %sub3A_700 = vector.broadcast %sub3A_699 : i32 to vector<16xi32>
    %sub3A_701 = arith.subi %get3A_698, %sub3A_700 : vector<16xi32>
    %add3A_702 = arith.constant 16 : i32
    %add3A_703 = vector.broadcast %add3A_702 : i32 to vector<16xi32>
    %add3A_704 = arith.addi %iota3A, %add3A_703 : vector<16xi32>
    %ge3A_705 = arith.constant 248 : i32
    %ge3A_706 = vector.broadcast %ge3A_705 : i32 to vector<16xi32>
    %ge3A_707 = arith.cmpi sge, %get3A_698, %ge3A_706 : vector<16xi32>
    %lt3A_708 = arith.constant 496 : i32
    %lt3A_709 = vector.broadcast %lt3A_708 : i32 to vector<16xi32>
    %lt3A_710 = arith.cmpi slt, %get3A_698, %lt3A_709 : vector<16xi32>
    %and3A_711 = arith.andi %ge3A_707, %lt3A_710 : vector<16xi1>
    tpu.vector_store_idx %arg6[%sub3A_701, %add3A_704], %broadcast_in_dim3A_6 masked %and3A_711 : memref<256x128xf32, #tpu.memory_space<vmem>>[vector<16xi32>, vector<16xi32>], vector<16xf32>, vector<16xi1>
    %get3A_712 = arith.constant 32 : index
    %get3A_713 = tpu.vector_load %arg4[%get3A_712] {strides = array<i32>} : memref<512xi32, #tpu.memory_space<vmem>>, vector<16xi32>,
    %sub3A_714 = arith.constant 248 : i32
    %sub3A_715 = vector.broadcast %sub3A_714 : i32 to vector<16xi32>
    %sub3A_716 = arith.subi %get3A_713, %sub3A_715 : vector<16xi32>
    %add3A_717 = arith.constant 32 : i32
    %add3A_718 = vector.broadcast %add3A_717 : i32 to vector<16xi32>
    %add3A_719 = arith.addi %iota3A, %add3A_718 : vector<16xi32>
    %ge3A_720 = arith.constant 248 : i32
    %ge3A_721 = vector.broadcast %ge3A_720 : i32 to vector<16xi32>
    %ge3A_722 = arith.cmpi sge, %get3A_713, %ge3A_721 : vector<16xi32>
    %lt3A_723 = arith.constant 496 : i32
    %lt3A_724 = vector.broadcast %lt3A_723 : i32 to vector<16xi32>
    %lt3A_725 = arith.cmpi slt, %get3A_713, %lt3A_724 : vector<16xi32>
    %and3A_726 = arith.andi %ge3A_722, %lt3A_725 : vector<16xi1>
    tpu.vector_store_idx %arg6[%sub3A_716, %add3A_719], %broadcast_in_dim3A_6 masked %and3A_726 : memref<256x128xf32, #tpu.memory_space<vmem>>[vector<16xi32>, vector<16xi32>], vector<16xf32>, vector<16xi1>
    %get3A_727 = arith.constant 48 : index
    %get3A_728 = tpu.vector_load %arg4[%get3A_727] {strides = array<i32>} : memref<512xi32, #tpu.memory_space<vmem>>, vector<16xi32>,
    %sub3A_729 = arith.constant 248 : i32
    %sub3A_730 = vector.broadcast %sub3A_729 : i32 to vector<16xi32>
    %sub3A_731 = arith.subi %get3A_728, %sub3A_730 : vector<16xi32>
    %add3A_732 = arith.constant 48 : i32
    %add3A_733 = vector.broadcast %add3A_732 : i32 to vector<16xi32>
    %add3A_734 = arith.addi %iota3A, %add3A_733 : vector<16xi32>
    %ge3A_735 = arith.constant 248 : i32
    %ge3A_736 = vector.broadcast %ge3A_735 : i32 to vector<16xi32>
    %ge3A_737 = arith.cmpi sge, %get3A_728, %ge3A_736 : vector<16xi32>
    %lt3A_738 = arith.constant 496 : i32
    %lt3A_739 = vector.broadcast %lt3A_738 : i32 to vector<16xi32>
    %lt3A_740 = arith.cmpi slt, %get3A_728, %lt3A_739 : vector<16xi32>
    %and3A_741 = arith.andi %ge3A_737, %lt3A_740 : vector<16xi1>
    tpu.vector_store_idx %arg6[%sub3A_731, %add3A_734], %broadcast_in_dim3A_6 masked %and3A_741 : memref<256x128xf32, #tpu.memory_space<vmem>>[vector<16xi32>, vector<16xi32>], vector<16xf32>, vector<16xi1>
    %get3A_742 = arith.constant 64 : index
    %get3A_743 = tpu.vector_load %arg4[%get3A_742] {strides = array<i32>} : memref<512xi32, #tpu.memory_space<vmem>>, vector<16xi32>,
    %sub3A_744 = arith.constant 248 : i32
    %sub3A_745 = vector.broadcast %sub3A_744 : i32 to vector<16xi32>
    %sub3A_746 = arith.subi %get3A_743, %sub3A_745 : vector<16xi32>
    %add3A_747 = arith.constant 64 : i32
    %add3A_748 = vector.broadcast %add3A_747 : i32 to vector<16xi32>
    %add3A_749 = arith.addi %iota3A, %add3A_748 : vector<16xi32>
    %ge3A_750 = arith.constant 248 : i32
    %ge3A_751 = vector.broadcast %ge3A_750 : i32 to vector<16xi32>
    %ge3A_752 = arith.cmpi sge, %get3A_743, %ge3A_751 : vector<16xi32>
    %lt3A_753 = arith.constant 496 : i32
    %lt3A_754 = vector.broadcast %lt3A_753 : i32 to vector<16xi32>
    %lt3A_755 = arith.cmpi slt, %get3A_743, %lt3A_754 : vector<16xi32>
    %and3A_756 = arith.andi %ge3A_752, %lt3A_755 : vector<16xi1>
    tpu.vector_store_idx %arg6[%sub3A_746, %add3A_749], %broadcast_in_dim3A_6 masked %and3A_756 : memref<256x128xf32, #tpu.memory_space<vmem>>[vector<16xi32>, vector<16xi32>], vector<16xf32>, vector<16xi1>
    %get3A_757 = arith.constant 80 : index
    %get3A_758 = tpu.vector_load %arg4[%get3A_757] {strides = array<i32>} : memref<512xi32, #tpu.memory_space<vmem>>, vector<16xi32>,
    %sub3A_759 = arith.constant 248 : i32
    %sub3A_760 = vector.broadcast %sub3A_759 : i32 to vector<16xi32>
    %sub3A_761 = arith.subi %get3A_758, %sub3A_760 : vector<16xi32>
    %add3A_762 = arith.constant 80 : i32
    %add3A_763 = vector.broadcast %add3A_762 : i32 to vector<16xi32>
    %add3A_764 = arith.addi %iota3A, %add3A_763 : vector<16xi32>
    %ge3A_765 = arith.constant 248 : i32
    %ge3A_766 = vector.broadcast %ge3A_765 : i32 to vector<16xi32>
    %ge3A_767 = arith.cmpi sge, %get3A_758, %ge3A_766 : vector<16xi32>
    %lt3A_768 = arith.constant 496 : i32
    %lt3A_769 = vector.broadcast %lt3A_768 : i32 to vector<16xi32>
    %lt3A_770 = arith.cmpi slt, %get3A_758, %lt3A_769 : vector<16xi32>
    %and3A_771 = arith.andi %ge3A_767, %lt3A_770 : vector<16xi1>
    tpu.vector_store_idx %arg6[%sub3A_761, %add3A_764], %broadcast_in_dim3A_6 masked %and3A_771 : memref<256x128xf32, #tpu.memory_space<vmem>>[vector<16xi32>, vector<16xi32>], vector<16xf32>, vector<16xi1>
    %get3A_772 = arith.constant 96 : index
    %get3A_773 = tpu.vector_load %arg4[%get3A_772] {strides = array<i32>} : memref<512xi32, #tpu.memory_space<vmem>>, vector<16xi32>,
    %sub3A_774 = arith.constant 248 : i32
    %sub3A_775 = vector.broadcast %sub3A_774 : i32 to vector<16xi32>
    %sub3A_776 = arith.subi %get3A_773, %sub3A_775 : vector<16xi32>
    %add3A_777 = arith.constant 96 : i32
    %add3A_778 = vector.broadcast %add3A_777 : i32 to vector<16xi32>
    %add3A_779 = arith.addi %iota3A, %add3A_778 : vector<16xi32>
    %ge3A_780 = arith.constant 248 : i32
    %ge3A_781 = vector.broadcast %ge3A_780 : i32 to vector<16xi32>
    %ge3A_782 = arith.cmpi sge, %get3A_773, %ge3A_781 : vector<16xi32>
    %lt3A_783 = arith.constant 496 : i32
    %lt3A_784 = vector.broadcast %lt3A_783 : i32 to vector<16xi32>
    %lt3A_785 = arith.cmpi slt, %get3A_773, %lt3A_784 : vector<16xi32>
    %and3A_786 = arith.andi %ge3A_782, %lt3A_785 : vector<16xi1>
    tpu.vector_store_idx %arg6[%sub3A_776, %add3A_779], %broadcast_in_dim3A_6 masked %and3A_786 : memref<256x128xf32, #tpu.memory_space<vmem>>[vector<16xi32>, vector<16xi32>], vector<16xf32>, vector<16xi1>
    %get3A_787 = arith.constant 112 : index
    %get3A_788 = tpu.vector_load %arg4[%get3A_787] {strides = array<i32>} : memref<512xi32, #tpu.memory_space<vmem>>, vector<16xi32>,
    %sub3A_789 = arith.constant 248 : i32
    %sub3A_790 = vector.broadcast %sub3A_789 : i32 to vector<16xi32>
    %sub3A_791 = arith.subi %get3A_788, %sub3A_790 : vector<16xi32>
    %add3A_792 = arith.constant 112 : i32
    %add3A_793 = vector.broadcast %add3A_792 : i32 to vector<16xi32>
    %add3A_794 = arith.addi %iota3A, %add3A_793 : vector<16xi32>
    %ge3A_795 = arith.constant 248 : i32
    %ge3A_796 = vector.broadcast %ge3A_795 : i32 to vector<16xi32>
    %ge3A_797 = arith.cmpi sge, %get3A_788, %ge3A_796 : vector<16xi32>
    %lt3A_798 = arith.constant 496 : i32
    %lt3A_799 = vector.broadcast %lt3A_798 : i32 to vector<16xi32>
    %lt3A_800 = arith.cmpi slt, %get3A_788, %lt3A_799 : vector<16xi32>
    %and3A_801 = arith.andi %ge3A_797, %lt3A_800 : vector<16xi1>
    tpu.vector_store_idx %arg6[%sub3A_791, %add3A_794], %broadcast_in_dim3A_6 masked %and3A_801 : memref<256x128xf32, #tpu.memory_space<vmem>>[vector<16xi32>, vector<16xi32>], vector<16xf32>, vector<16xi1>
    %get3A_802 = arith.constant 128 : index
    %get3A_803 = tpu.vector_load %arg4[%get3A_802] {strides = array<i32>} : memref<512xi32, #tpu.memory_space<vmem>>, vector<16xi32>,
    %sub3A_804 = arith.constant 0 : i32
    %sub3A_805 = vector.broadcast %sub3A_804 : i32 to vector<16xi32>
    %sub3A_806 = arith.subi %get3A_803, %sub3A_805 : vector<16xi32>
    %add3A_807 = arith.constant 0 : i32
    %add3A_808 = vector.broadcast %add3A_807 : i32 to vector<16xi32>
    %add3A_809 = arith.addi %iota3A, %add3A_808 : vector<16xi32>
    %ge3A_810 = arith.constant 0 : i32
    %ge3A_811 = vector.broadcast %ge3A_810 : i32 to vector<16xi32>
    %ge3A_812 = arith.cmpi sge, %get3A_803, %ge3A_811 : vector<16xi32>
    %lt3A_813 = arith.constant 248 : i32
    %lt3A_814 = vector.broadcast %lt3A_813 : i32 to vector<16xi32>
    %lt3A_815 = arith.cmpi slt, %get3A_803, %lt3A_814 : vector<16xi32>
    %and3A_816 = arith.andi %ge3A_812, %lt3A_815 : vector<16xi1>
    tpu.vector_store_idx %arg6[%sub3A_806, %add3A_809], %broadcast_in_dim3A_4 masked %and3A_816 : memref<256x128xf32, #tpu.memory_space<vmem>>[vector<16xi32>, vector<16xi32>], vector<16xf32>, vector<16xi1>
    %get3A_817 = arith.constant 144 : index
    %get3A_818 = tpu.vector_load %arg4[%get3A_817] {strides = array<i32>} : memref<512xi32, #tpu.memory_space<vmem>>, vector<16xi32>,
    %sub3A_819 = arith.constant 0 : i32
    %sub3A_820 = vector.broadcast %sub3A_819 : i32 to vector<16xi32>
    %sub3A_821 = arith.subi %get3A_818, %sub3A_820 : vector<16xi32>
    %add3A_822 = arith.constant 16 : i32
    %add3A_823 = vector.broadcast %add3A_822 : i32 to vector<16xi32>
    %add3A_824 = arith.addi %iota3A, %add3A_823 : vector<16xi32>
    %ge3A_825 = arith.constant 0 : i32
    %ge3A_826 = vector.broadcast %ge3A_825 : i32 to vector<16xi32>
    %ge3A_827 = arith.cmpi sge, %get3A_818, %ge3A_826 : vector<16xi32>
    %lt3A_828 = arith.constant 248 : i32
    %lt3A_829 = vector.broadcast %lt3A_828 : i32 to vector<16xi32>
    %lt3A_830 = arith.cmpi slt, %get3A_818, %lt3A_829 : vector<16xi32>
    %and3A_831 = arith.andi %ge3A_827, %lt3A_830 : vector<16xi1>
    tpu.vector_store_idx %arg6[%sub3A_821, %add3A_824], %broadcast_in_dim3A_4 masked %and3A_831 : memref<256x128xf32, #tpu.memory_space<vmem>>[vector<16xi32>, vector<16xi32>], vector<16xf32>, vector<16xi1>
    %get3A_832 = arith.constant 160 : index
    %get3A_833 = tpu.vector_load %arg4[%get3A_832] {strides = array<i32>} : memref<512xi32, #tpu.memory_space<vmem>>, vector<16xi32>,
    %sub3A_834 = arith.constant 0 : i32
    %sub3A_835 = vector.broadcast %sub3A_834 : i32 to vector<16xi32>
    %sub3A_836 = arith.subi %get3A_833, %sub3A_835 : vector<16xi32>
    %add3A_837 = arith.constant 32 : i32
    %add3A_838 = vector.broadcast %add3A_837 : i32 to vector<16xi32>
    %add3A_839 = arith.addi %iota3A, %add3A_838 : vector<16xi32>
    %ge3A_840 = arith.constant 0 : i32
    %ge3A_841 = vector.broadcast %ge3A_840 : i32 to vector<16xi32>
    %ge3A_842 = arith.cmpi sge, %get3A_833, %ge3A_841 : vector<16xi32>
    %lt3A_843 = arith.constant 248 : i32
    %lt3A_844 = vector.broadcast %lt3A_843 : i32 to vector<16xi32>
    %lt3A_845 = arith.cmpi slt, %get3A_833, %lt3A_844 : vector<16xi32>
    %and3A_846 = arith.andi %ge3A_842, %lt3A_845 : vector<16xi1>
    tpu.vector_store_idx %arg6[%sub3A_836, %add3A_839], %broadcast_in_dim3A_4 masked %and3A_846 : memref<256x128xf32, #tpu.memory_space<vmem>>[vector<16xi32>, vector<16xi32>], vector<16xf32>, vector<16xi1>
    %get3A_847 = arith.constant 176 : index
    %get3A_848 = tpu.vector_load %arg4[%get3A_847] {strides = array<i32>} : memref<512xi32, #tpu.memory_space<vmem>>, vector<16xi32>,
    %sub3A_849 = arith.constant 0 : i32
    %sub3A_850 = vector.broadcast %sub3A_849 : i32 to vector<16xi32>
    %sub3A_851 = arith.subi %get3A_848, %sub3A_850 : vector<16xi32>
    %add3A_852 = arith.constant 48 : i32
    %add3A_853 = vector.broadcast %add3A_852 : i32 to vector<16xi32>
    %add3A_854 = arith.addi %iota3A, %add3A_853 : vector<16xi32>
    %ge3A_855 = arith.constant 0 : i32
    %ge3A_856 = vector.broadcast %ge3A_855 : i32 to vector<16xi32>
    %ge3A_857 = arith.cmpi sge, %get3A_848, %ge3A_856 : vector<16xi32>
    %lt3A_858 = arith.constant 248 : i32
    %lt3A_859 = vector.broadcast %lt3A_858 : i32 to vector<16xi32>
    %lt3A_860 = arith.cmpi slt, %get3A_848, %lt3A_859 : vector<16xi32>
    %and3A_861 = arith.andi %ge3A_857, %lt3A_860 : vector<16xi1>
    tpu.vector_store_idx %arg6[%sub3A_851, %add3A_854], %broadcast_in_dim3A_4 masked %and3A_861 : memref<256x128xf32, #tpu.memory_space<vmem>>[vector<16xi32>, vector<16xi32>], vector<16xf32>, vector<16xi1>
    %get3A_862 = arith.constant 192 : index
    %get3A_863 = tpu.vector_load %arg4[%get3A_862] {strides = array<i32>} : memref<512xi32, #tpu.memory_space<vmem>>, vector<16xi32>,
    %sub3A_864 = arith.constant 0 : i32
    %sub3A_865 = vector.broadcast %sub3A_864 : i32 to vector<16xi32>
    %sub3A_866 = arith.subi %get3A_863, %sub3A_865 : vector<16xi32>
    %add3A_867 = arith.constant 64 : i32
    %add3A_868 = vector.broadcast %add3A_867 : i32 to vector<16xi32>
    %add3A_869 = arith.addi %iota3A, %add3A_868 : vector<16xi32>
    %ge3A_870 = arith.constant 0 : i32
    %ge3A_871 = vector.broadcast %ge3A_870 : i32 to vector<16xi32>
    %ge3A_872 = arith.cmpi sge, %get3A_863, %ge3A_871 : vector<16xi32>
    %lt3A_873 = arith.constant 248 : i32
    %lt3A_874 = vector.broadcast %lt3A_873 : i32 to vector<16xi32>
    %lt3A_875 = arith.cmpi slt, %get3A_863, %lt3A_874 : vector<16xi32>
    %and3A_876 = arith.andi %ge3A_872, %lt3A_875 : vector<16xi1>
    tpu.vector_store_idx %arg6[%sub3A_866, %add3A_869], %broadcast_in_dim3A_4 masked %and3A_876 : memref<256x128xf32, #tpu.memory_space<vmem>>[vector<16xi32>, vector<16xi32>], vector<16xf32>, vector<16xi1>
    %get3A_877 = arith.constant 208 : index
    %get3A_878 = tpu.vector_load %arg4[%get3A_877] {strides = array<i32>} : memref<512xi32, #tpu.memory_space<vmem>>, vector<16xi32>,
    %sub3A_879 = arith.constant 0 : i32
    %sub3A_880 = vector.broadcast %sub3A_879 : i32 to vector<16xi32>
    %sub3A_881 = arith.subi %get3A_878, %sub3A_880 : vector<16xi32>
    %add3A_882 = arith.constant 80 : i32
    %add3A_883 = vector.broadcast %add3A_882 : i32 to vector<16xi32>
    %add3A_884 = arith.addi %iota3A, %add3A_883 : vector<16xi32>
    %ge3A_885 = arith.constant 0 : i32
    %ge3A_886 = vector.broadcast %ge3A_885 : i32 to vector<16xi32>
    %ge3A_887 = arith.cmpi sge, %get3A_878, %ge3A_886 : vector<16xi32>
    %lt3A_888 = arith.constant 248 : i32
    %lt3A_889 = vector.broadcast %lt3A_888 : i32 to vector<16xi32>
    %lt3A_890 = arith.cmpi slt, %get3A_878, %lt3A_889 : vector<16xi32>
    %and3A_891 = arith.andi %ge3A_887, %lt3A_890 : vector<16xi1>
    tpu.vector_store_idx %arg6[%sub3A_881, %add3A_884], %broadcast_in_dim3A_4 masked %and3A_891 : memref<256x128xf32, #tpu.memory_space<vmem>>[vector<16xi32>, vector<16xi32>], vector<16xf32>, vector<16xi1>
    %get3A_892 = arith.constant 224 : index
    %get3A_893 = tpu.vector_load %arg4[%get3A_892] {strides = array<i32>} : memref<512xi32, #tpu.memory_space<vmem>>, vector<16xi32>,
    %sub3A_894 = arith.constant 0 : i32
    %sub3A_895 = vector.broadcast %sub3A_894 : i32 to vector<16xi32>
    %sub3A_896 = arith.subi %get3A_893, %sub3A_895 : vector<16xi32>
    %add3A_897 = arith.constant 96 : i32
    %add3A_898 = vector.broadcast %add3A_897 : i32 to vector<16xi32>
    %add3A_899 = arith.addi %iota3A, %add3A_898 : vector<16xi32>
    %ge3A_900 = arith.constant 0 : i32
    %ge3A_901 = vector.broadcast %ge3A_900 : i32 to vector<16xi32>
    %ge3A_902 = arith.cmpi sge, %get3A_893, %ge3A_901 : vector<16xi32>
    %lt3A_903 = arith.constant 248 : i32
    %lt3A_904 = vector.broadcast %lt3A_903 : i32 to vector<16xi32>
    %lt3A_905 = arith.cmpi slt, %get3A_893, %lt3A_904 : vector<16xi32>
    %and3A_906 = arith.andi %ge3A_902, %lt3A_905 : vector<16xi1>
    tpu.vector_store_idx %arg6[%sub3A_896, %add3A_899], %broadcast_in_dim3A_4 masked %and3A_906 : memref<256x128xf32, #tpu.memory_space<vmem>>[vector<16xi32>, vector<16xi32>], vector<16xf32>, vector<16xi1>
    %get3A_907 = arith.constant 240 : index
    %get3A_908 = tpu.vector_load %arg4[%get3A_907] {strides = array<i32>} : memref<512xi32, #tpu.memory_space<vmem>>, vector<16xi32>,
    %sub3A_909 = arith.constant 0 : i32
    %sub3A_910 = vector.broadcast %sub3A_909 : i32 to vector<16xi32>
    %sub3A_911 = arith.subi %get3A_908, %sub3A_910 : vector<16xi32>
    %add3A_912 = arith.constant 112 : i32
    %add3A_913 = vector.broadcast %add3A_912 : i32 to vector<16xi32>
    %add3A_914 = arith.addi %iota3A, %add3A_913 : vector<16xi32>
    %ge3A_915 = arith.constant 0 : i32
    %ge3A_916 = vector.broadcast %ge3A_915 : i32 to vector<16xi32>
    %ge3A_917 = arith.cmpi sge, %get3A_908, %ge3A_916 : vector<16xi32>
    %lt3A_918 = arith.constant 248 : i32
    %lt3A_919 = vector.broadcast %lt3A_918 : i32 to vector<16xi32>
    %lt3A_920 = arith.cmpi slt, %get3A_908, %lt3A_919 : vector<16xi32>
    %and3A_921 = arith.andi %ge3A_917, %lt3A_920 : vector<16xi1>
    tpu.vector_store_idx %arg6[%sub3A_911, %add3A_914], %broadcast_in_dim3A_4 masked %and3A_921 : memref<256x128xf32, #tpu.memory_space<vmem>>[vector<16xi32>, vector<16xi32>], vector<16xf32>, vector<16xi1>
    %add3A_922 = arith.constant 128 : i32
    %add3A_923 = arith.addi %mul3A_2, %add3A_922 : i32
    %dma_start3A_924 = arith.constant 0 : i32
    %dma_start3A_925 = arith.constant 0 : i32
    %dma_start3A_926 = tpu.memref_slice %arg6[%dma_start3A_924, %dma_start3A_925] : memref<256x128xf32, #tpu.memory_space<vmem>> -> memref<248x128xf32, #tpu.memory_space<vmem>>
    %dma_start3A_927 = arith.constant 0 : i32
    %dma_start3A_928 = tpu.memref_slice %arg3[%dma_start3A_927, %add3A_923] : memref<1000x16384xf32, #tpu.memory_space<hbm>> -> memref<248x128xf32, #tpu.memory_space<hbm>>
    %dma_start3A_929 = arith.constant 0 : i32
    %dma_start3A_930 = tpu.memref_slice %arg3[%dma_start3A_929, %add3A_923] : memref<1000x16384xf32, #tpu.memory_space<hbm>> -> memref<248x128xf32, #tpu.memory_space<hbm>>
    %dma_start3A_931 = arith.constant 0 : i32
    %dma_start3A_932 = arith.constant 0 : i32
    %dma_start3A_933 = tpu.memref_slice %arg6[%dma_start3A_931, %dma_start3A_932] : memref<256x128xf32, #tpu.memory_space<vmem>> -> memref<248x128xf32, #tpu.memory_space<vmem>>
    tpu.enqueue_dma source(%dma_start3A_933 : memref<248x128xf32, #tpu.memory_space<vmem>>) target(%dma_start3A_930 : memref<248x128xf32, #tpu.memory_space<hbm>>) target_semaphore(%arg9 : memref<!tpu.dma_semaphore, #tpu.memory_space<semaphore_mem>>)
    %dma_wait3A_934 = arith.constant 0 : i32
    %dma_wait3A_935 = arith.constant 0 : i32
    %dma_wait3A_936 = tpu.memref_slice %arg7[%dma_wait3A_934, %dma_wait3A_935] : memref<256x128xf32, #tpu.memory_space<vmem>> -> memref<248x128xf32, #tpu.memory_space<vmem>>
    %dma_wait3A_937 = arith.constant 496 : i32
    %dma_wait3A_938 = tpu.memref_slice %arg3[%dma_wait3A_937, %add3A_405] : memref<1000x16384xf32, #tpu.memory_space<hbm>> -> memref<248x128xf32, #tpu.memory_space<hbm>>
    %dma_wait3A_939 = arith.constant 496 : i32
    %dma_wait3A_940 = tpu.memref_slice %arg3[%dma_wait3A_939, %add3A_405] : memref<1000x16384xf32, #tpu.memory_space<hbm>> -> memref<248x128xf32, #tpu.memory_space<hbm>>
    %dma_wait3A_941 = arith.constant 0 : i32
    %dma_wait3A_942 = arith.constant 0 : i32
    %dma_wait3A_943 = tpu.memref_slice %arg7[%dma_wait3A_941, %dma_wait3A_942] : memref<256x128xf32, #tpu.memory_space<vmem>> -> memref<248x128xf32, #tpu.memory_space<vmem>>
    tpu.wait_dma2 semaphore(%arg10 : memref<!tpu.dma_semaphore, #tpu.memory_space<semaphore_mem>>) src(%dma_wait3A_943 : memref<248x128xf32, #tpu.memory_space<vmem>>) dst(%dma_wait3A_940 : memref<248x128xf32, #tpu.memory_space<hbm>>)
    %get3A_944 = arith.constant 0 : index
    %get3A_945 = tpu.vector_load %arg4[%get3A_944] {strides = array<i32>} : memref<512xi32, #tpu.memory_space<vmem>>, vector<16xi32>,
    %sub3A_946 = arith.constant 496 : i32
    %sub3A_947 = vector.broadcast %sub3A_946 : i32 to vector<16xi32>
    %sub3A_948 = arith.subi %get3A_945, %sub3A_947 : vector<16xi32>
    %add3A_949 = arith.constant 0 : i32
    %add3A_950 = vector.broadcast %add3A_949 : i32 to vector<16xi32>
    %add3A_951 = arith.addi %iota3A, %add3A_950 : vector<16xi32>
    %ge3A_952 = arith.constant 496 : i32
    %ge3A_953 = vector.broadcast %ge3A_952 : i32 to vector<16xi32>
    %ge3A_954 = arith.cmpi sge, %get3A_945, %ge3A_953 : vector<16xi32>
    %lt3A_955 = arith.constant 744 : i32
    %lt3A_956 = vector.broadcast %lt3A_955 : i32 to vector<16xi32>
    %lt3A_957 = arith.cmpi slt, %get3A_945, %lt3A_956 : vector<16xi32>
    %and3A_958 = arith.andi %ge3A_954, %lt3A_957 : vector<16xi1>
    tpu.vector_store_idx %arg7[%sub3A_948, %add3A_951], %broadcast_in_dim3A_6 masked %and3A_958 : memref<256x128xf32, #tpu.memory_space<vmem>>[vector<16xi32>, vector<16xi32>], vector<16xf32>, vector<16xi1>
    %get3A_959 = arith.constant 16 : index
    %get3A_960 = tpu.vector_load %arg4[%get3A_959] {strides = array<i32>} : memref<512xi32, #tpu.memory_space<vmem>>, vector<16xi32>,
    %sub3A_961 = arith.constant 496 : i32
    %sub3A_962 = vector.broadcast %sub3A_961 : i32 to vector<16xi32>
    %sub3A_963 = arith.subi %get3A_960, %sub3A_962 : vector<16xi32>
    %add3A_964 = arith.constant 16 : i32
    %add3A_965 = vector.broadcast %add3A_964 : i32 to vector<16xi32>
    %add3A_966 = arith.addi %iota3A, %add3A_965 : vector<16xi32>
    %ge3A_967 = arith.constant 496 : i32
    %ge3A_968 = vector.broadcast %ge3A_967 : i32 to vector<16xi32>
    %ge3A_969 = arith.cmpi sge, %get3A_960, %ge3A_968 : vector<16xi32>
    %lt3A_970 = arith.constant 744 : i32
    %lt3A_971 = vector.broadcast %lt3A_970 : i32 to vector<16xi32>
    %lt3A_972 = arith.cmpi slt, %get3A_960, %lt3A_971 : vector<16xi32>
    %and3A_973 = arith.andi %ge3A_969, %lt3A_972 : vector<16xi1>
    tpu.vector_store_idx %arg7[%sub3A_963, %add3A_966], %broadcast_in_dim3A_6 masked %and3A_973 : memref<256x128xf32, #tpu.memory_space<vmem>>[vector<16xi32>, vector<16xi32>], vector<16xf32>, vector<16xi1>
    %get3A_974 = arith.constant 32 : index
    %get3A_975 = tpu.vector_load %arg4[%get3A_974] {strides = array<i32>} : memref<512xi32, #tpu.memory_space<vmem>>, vector<16xi32>,
    %sub3A_976 = arith.constant 496 : i32
    %sub3A_977 = vector.broadcast %sub3A_976 : i32 to vector<16xi32>
    %sub3A_978 = arith.subi %get3A_975, %sub3A_977 : vector<16xi32>
    %add3A_979 = arith.constant 32 : i32
    %add3A_980 = vector.broadcast %add3A_979 : i32 to vector<16xi32>
    %add3A_981 = arith.addi %iota3A, %add3A_980 : vector<16xi32>
    %ge3A_982 = arith.constant 496 : i32
    %ge3A_983 = vector.broadcast %ge3A_982 : i32 to vector<16xi32>
    %ge3A_984 = arith.cmpi sge, %get3A_975, %ge3A_983 : vector<16xi32>
    %lt3A_985 = arith.constant 744 : i32
    %lt3A_986 = vector.broadcast %lt3A_985 : i32 to vector<16xi32>
    %lt3A_987 = arith.cmpi slt, %get3A_975, %lt3A_986 : vector<16xi32>
    %and3A_988 = arith.andi %ge3A_984, %lt3A_987 : vector<16xi1>
    tpu.vector_store_idx %arg7[%sub3A_978, %add3A_981], %broadcast_in_dim3A_6 masked %and3A_988 : memref<256x128xf32, #tpu.memory_space<vmem>>[vector<16xi32>, vector<16xi32>], vector<16xf32>, vector<16xi1>
    %get3A_989 = arith.constant 48 : index
    %get3A_990 = tpu.vector_load %arg4[%get3A_989] {strides = array<i32>} : memref<512xi32, #tpu.memory_space<vmem>>, vector<16xi32>,
    %sub3A_991 = arith.constant 496 : i32
    %sub3A_992 = vector.broadcast %sub3A_991 : i32 to vector<16xi32>
    %sub3A_993 = arith.subi %get3A_990, %sub3A_992 : vector<16xi32>
    %add3A_994 = arith.constant 48 : i32
    %add3A_995 = vector.broadcast %add3A_994 : i32 to vector<16xi32>
    %add3A_996 = arith.addi %iota3A, %add3A_995 : vector<16xi32>
    %ge3A_997 = arith.constant 496 : i32
    %ge3A_998 = vector.broadcast %ge3A_997 : i32 to vector<16xi32>
    %ge3A_999 = arith.cmpi sge, %get3A_990, %ge3A_998 : vector<16xi32>
    %lt3A_1000 = arith.constant 744 : i32
    %lt3A_1001 = vector.broadcast %lt3A_1000 : i32 to vector<16xi32>
    %lt3A_1002 = arith.cmpi slt, %get3A_990, %lt3A_1001 : vector<16xi32>
    %and3A_1003 = arith.andi %ge3A_999, %lt3A_1002 : vector<16xi1>
    tpu.vector_store_idx %arg7[%sub3A_993, %add3A_996], %broadcast_in_dim3A_6 masked %and3A_1003 : memref<256x128xf32, #tpu.memory_space<vmem>>[vector<16xi32>, vector<16xi32>], vector<16xf32>, vector<16xi1>
    %get3A_1004 = arith.constant 64 : index
    %get3A_1005 = tpu.vector_load %arg4[%get3A_1004] {strides = array<i32>} : memref<512xi32, #tpu.memory_space<vmem>>, vector<16xi32>,
    %sub3A_1006 = arith.constant 496 : i32
    %sub3A_1007 = vector.broadcast %sub3A_1006 : i32 to vector<16xi32>
    %sub3A_1008 = arith.subi %get3A_1005, %sub3A_1007 : vector<16xi32>
    %add3A_1009 = arith.constant 64 : i32
    %add3A_1010 = vector.broadcast %add3A_1009 : i32 to vector<16xi32>
    %add3A_1011 = arith.addi %iota3A, %add3A_1010 : vector<16xi32>
    %ge3A_1012 = arith.constant 496 : i32
    %ge3A_1013 = vector.broadcast %ge3A_1012 : i32 to vector<16xi32>
    %ge3A_1014 = arith.cmpi sge, %get3A_1005, %ge3A_1013 : vector<16xi32>
    %lt3A_1015 = arith.constant 744 : i32
    %lt3A_1016 = vector.broadcast %lt3A_1015 : i32 to vector<16xi32>
    %lt3A_1017 = arith.cmpi slt, %get3A_1005, %lt3A_1016 : vector<16xi32>
    %and3A_1018 = arith.andi %ge3A_1014, %lt3A_1017 : vector<16xi1>
    tpu.vector_store_idx %arg7[%sub3A_1008, %add3A_1011], %broadcast_in_dim3A_6 masked %and3A_1018 : memref<256x128xf32, #tpu.memory_space<vmem>>[vector<16xi32>, vector<16xi32>], vector<16xf32>, vector<16xi1>
    %get3A_1019 = arith.constant 80 : index
    %get3A_1020 = tpu.vector_load %arg4[%get3A_1019] {strides = array<i32>} : memref<512xi32, #tpu.memory_space<vmem>>, vector<16xi32>,
    %sub3A_1021 = arith.constant 496 : i32
    %sub3A_1022 = vector.broadcast %sub3A_1021 : i32 to vector<16xi32>
    %sub3A_1023 = arith.subi %get3A_1020, %sub3A_1022 : vector<16xi32>
    %add3A_1024 = arith.constant 80 : i32
    %add3A_1025 = vector.broadcast %add3A_1024 : i32 to vector<16xi32>
    %add3A_1026 = arith.addi %iota3A, %add3A_1025 : vector<16xi32>
    %ge3A_1027 = arith.constant 496 : i32
    %ge3A_1028 = vector.broadcast %ge3A_1027 : i32 to vector<16xi32>
    %ge3A_1029 = arith.cmpi sge, %get3A_1020, %ge3A_1028 : vector<16xi32>
    %lt3A_1030 = arith.constant 744 : i32
    %lt3A_1031 = vector.broadcast %lt3A_1030 : i32 to vector<16xi32>
    %lt3A_1032 = arith.cmpi slt, %get3A_1020, %lt3A_1031 : vector<16xi32>
    %and3A_1033 = arith.andi %ge3A_1029, %lt3A_1032 : vector<16xi1>
    tpu.vector_store_idx %arg7[%sub3A_1023, %add3A_1026], %broadcast_in_dim3A_6 masked %and3A_1033 : memref<256x128xf32, #tpu.memory_space<vmem>>[vector<16xi32>, vector<16xi32>], vector<16xf32>, vector<16xi1>
    %get3A_1034 = arith.constant 96 : index
    %get3A_1035 = tpu.vector_load %arg4[%get3A_1034] {strides = array<i32>} : memref<512xi32, #tpu.memory_space<vmem>>, vector<16xi32>,
    %sub3A_1036 = arith.constant 496 : i32
    %sub3A_1037 = vector.broadcast %sub3A_1036 : i32 to vector<16xi32>
    %sub3A_1038 = arith.subi %get3A_1035, %sub3A_1037 : vector<16xi32>
    %add3A_1039 = arith.constant 96 : i32
    %add3A_1040 = vector.broadcast %add3A_1039 : i32 to vector<16xi32>
    %add3A_1041 = arith.addi %iota3A, %add3A_1040 : vector<16xi32>
    %ge3A_1042 = arith.constant 496 : i32
    %ge3A_1043 = vector.broadcast %ge3A_1042 : i32 to vector<16xi32>
    %ge3A_1044 = arith.cmpi sge, %get3A_1035, %ge3A_1043 : vector<16xi32>
    %lt3A_1045 = arith.constant 744 : i32
    %lt3A_1046 = vector.broadcast %lt3A_1045 : i32 to vector<16xi32>
    %lt3A_1047 = arith.cmpi slt, %get3A_1035, %lt3A_1046 : vector<16xi32>
    %and3A_1048 = arith.andi %ge3A_1044, %lt3A_1047 : vector<16xi1>
    tpu.vector_store_idx %arg7[%sub3A_1038, %add3A_1041], %broadcast_in_dim3A_6 masked %and3A_1048 : memref<256x128xf32, #tpu.memory_space<vmem>>[vector<16xi32>, vector<16xi32>], vector<16xf32>, vector<16xi1>
    %get3A_1049 = arith.constant 112 : index
    %get3A_1050 = tpu.vector_load %arg4[%get3A_1049] {strides = array<i32>} : memref<512xi32, #tpu.memory_space<vmem>>, vector<16xi32>,
    %sub3A_1051 = arith.constant 496 : i32
    %sub3A_1052 = vector.broadcast %sub3A_1051 : i32 to vector<16xi32>
    %sub3A_1053 = arith.subi %get3A_1050, %sub3A_1052 : vector<16xi32>
    %add3A_1054 = arith.constant 112 : i32
    %add3A_1055 = vector.broadcast %add3A_1054 : i32 to vector<16xi32>
    %add3A_1056 = arith.addi %iota3A, %add3A_1055 : vector<16xi32>
    %ge3A_1057 = arith.constant 496 : i32
    %ge3A_1058 = vector.broadcast %ge3A_1057 : i32 to vector<16xi32>
    %ge3A_1059 = arith.cmpi sge, %get3A_1050, %ge3A_1058 : vector<16xi32>
    %lt3A_1060 = arith.constant 744 : i32
    %lt3A_1061 = vector.broadcast %lt3A_1060 : i32 to vector<16xi32>
    %lt3A_1062 = arith.cmpi slt, %get3A_1050, %lt3A_1061 : vector<16xi32>
    %and3A_1063 = arith.andi %ge3A_1059, %lt3A_1062 : vector<16xi1>
    tpu.vector_store_idx %arg7[%sub3A_1053, %add3A_1056], %broadcast_in_dim3A_6 masked %and3A_1063 : memref<256x128xf32, #tpu.memory_space<vmem>>[vector<16xi32>, vector<16xi32>], vector<16xf32>, vector<16xi1>
    %get3A_1064 = arith.constant 128 : index
    %get3A_1065 = tpu.vector_load %arg4[%get3A_1064] {strides = array<i32>} : memref<512xi32, #tpu.memory_space<vmem>>, vector<16xi32>,
    %sub3A_1066 = arith.constant 248 : i32
    %sub3A_1067 = vector.broadcast %sub3A_1066 : i32 to vector<16xi32>
    %sub3A_1068 = arith.subi %get3A_1065, %sub3A_1067 : vector<16xi32>
    %add3A_1069 = arith.constant 0 : i32
    %add3A_1070 = vector.broadcast %add3A_1069 : i32 to vector<16xi32>
    %add3A_1071 = arith.addi %iota3A, %add3A_1070 : vector<16xi32>
    %ge3A_1072 = arith.constant 248 : i32
    %ge3A_1073 = vector.broadcast %ge3A_1072 : i32 to vector<16xi32>
    %ge3A_1074 = arith.cmpi sge, %get3A_1065, %ge3A_1073 : vector<16xi32>
    %lt3A_1075 = arith.constant 496 : i32
    %lt3A_1076 = vector.broadcast %lt3A_1075 : i32 to vector<16xi32>
    %lt3A_1077 = arith.cmpi slt, %get3A_1065, %lt3A_1076 : vector<16xi32>
    %and3A_1078 = arith.andi %ge3A_1074, %lt3A_1077 : vector<16xi1>
    tpu.vector_store_idx %arg7[%sub3A_1068, %add3A_1071], %broadcast_in_dim3A_4 masked %and3A_1078 : memref<256x128xf32, #tpu.memory_space<vmem>>[vector<16xi32>, vector<16xi32>], vector<16xf32>, vector<16xi1>
    %get3A_1079 = arith.constant 144 : index
    %get3A_1080 = tpu.vector_load %arg4[%get3A_1079] {strides = array<i32>} : memref<512xi32, #tpu.memory_space<vmem>>, vector<16xi32>,
    %sub3A_1081 = arith.constant 248 : i32
    %sub3A_1082 = vector.broadcast %sub3A_1081 : i32 to vector<16xi32>
    %sub3A_1083 = arith.subi %get3A_1080, %sub3A_1082 : vector<16xi32>
    %add3A_1084 = arith.constant 16 : i32
    %add3A_1085 = vector.broadcast %add3A_1084 : i32 to vector<16xi32>
    %add3A_1086 = arith.addi %iota3A, %add3A_1085 : vector<16xi32>
    %ge3A_1087 = arith.constant 248 : i32
    %ge3A_1088 = vector.broadcast %ge3A_1087 : i32 to vector<16xi32>
    %ge3A_1089 = arith.cmpi sge, %get3A_1080, %ge3A_1088 : vector<16xi32>
    %lt3A_1090 = arith.constant 496 : i32
    %lt3A_1091 = vector.broadcast %lt3A_1090 : i32 to vector<16xi32>
    %lt3A_1092 = arith.cmpi slt, %get3A_1080, %lt3A_1091 : vector<16xi32>
    %and3A_1093 = arith.andi %ge3A_1089, %lt3A_1092 : vector<16xi1>
    tpu.vector_store_idx %arg7[%sub3A_1083, %add3A_1086], %broadcast_in_dim3A_4 masked %and3A_1093 : memref<256x128xf32, #tpu.memory_space<vmem>>[vector<16xi32>, vector<16xi32>], vector<16xf32>, vector<16xi1>
    %get3A_1094 = arith.constant 160 : index
    %get3A_1095 = tpu.vector_load %arg4[%get3A_1094] {strides = array<i32>} : memref<512xi32, #tpu.memory_space<vmem>>, vector<16xi32>,
    %sub3A_1096 = arith.constant 248 : i32
    %sub3A_1097 = vector.broadcast %sub3A_1096 : i32 to vector<16xi32>
    %sub3A_1098 = arith.subi %get3A_1095, %sub3A_1097 : vector<16xi32>
    %add3A_1099 = arith.constant 32 : i32
    %add3A_1100 = vector.broadcast %add3A_1099 : i32 to vector<16xi32>
    %add3A_1101 = arith.addi %iota3A, %add3A_1100 : vector<16xi32>
    %ge3A_1102 = arith.constant 248 : i32
    %ge3A_1103 = vector.broadcast %ge3A_1102 : i32 to vector<16xi32>
    %ge3A_1104 = arith.cmpi sge, %get3A_1095, %ge3A_1103 : vector<16xi32>
    %lt3A_1105 = arith.constant 496 : i32
    %lt3A_1106 = vector.broadcast %lt3A_1105 : i32 to vector<16xi32>
    %lt3A_1107 = arith.cmpi slt, %get3A_1095, %lt3A_1106 : vector<16xi32>
    %and3A_1108 = arith.andi %ge3A_1104, %lt3A_1107 : vector<16xi1>
    tpu.vector_store_idx %arg7[%sub3A_1098, %add3A_1101], %broadcast_in_dim3A_4 masked %and3A_1108 : memref<256x128xf32, #tpu.memory_space<vmem>>[vector<16xi32>, vector<16xi32>], vector<16xf32>, vector<16xi1>
    %get3A_1109 = arith.constant 176 : index
    %get3A_1110 = tpu.vector_load %arg4[%get3A_1109] {strides = array<i32>} : memref<512xi32, #tpu.memory_space<vmem>>, vector<16xi32>,
    %sub3A_1111 = arith.constant 248 : i32
    %sub3A_1112 = vector.broadcast %sub3A_1111 : i32 to vector<16xi32>
    %sub3A_1113 = arith.subi %get3A_1110, %sub3A_1112 : vector<16xi32>
    %add3A_1114 = arith.constant 48 : i32
    %add3A_1115 = vector.broadcast %add3A_1114 : i32 to vector<16xi32>
    %add3A_1116 = arith.addi %iota3A, %add3A_1115 : vector<16xi32>
    %ge3A_1117 = arith.constant 248 : i32
    %ge3A_1118 = vector.broadcast %ge3A_1117 : i32 to vector<16xi32>
    %ge3A_1119 = arith.cmpi sge, %get3A_1110, %ge3A_1118 : vector<16xi32>
    %lt3A_1120 = arith.constant 496 : i32
    %lt3A_1121 = vector.broadcast %lt3A_1120 : i32 to vector<16xi32>
    %lt3A_1122 = arith.cmpi slt, %get3A_1110, %lt3A_1121 : vector<16xi32>
    %and3A_1123 = arith.andi %ge3A_1119, %lt3A_1122 : vector<16xi1>
    tpu.vector_store_idx %arg7[%sub3A_1113, %add3A_1116], %broadcast_in_dim3A_4 masked %and3A_1123 : memref<256x128xf32, #tpu.memory_space<vmem>>[vector<16xi32>, vector<16xi32>], vector<16xf32>, vector<16xi1>
    %get3A_1124 = arith.constant 192 : index
    %get3A_1125 = tpu.vector_load %arg4[%get3A_1124] {strides = array<i32>} : memref<512xi32, #tpu.memory_space<vmem>>, vector<16xi32>,
    %sub3A_1126 = arith.constant 248 : i32
    %sub3A_1127 = vector.broadcast %sub3A_1126 : i32 to vector<16xi32>
    %sub3A_1128 = arith.subi %get3A_1125, %sub3A_1127 : vector<16xi32>
    %add3A_1129 = arith.constant 64 : i32
    %add3A_1130 = vector.broadcast %add3A_1129 : i32 to vector<16xi32>
    %add3A_1131 = arith.addi %iota3A, %add3A_1130 : vector<16xi32>
    %ge3A_1132 = arith.constant 248 : i32
    %ge3A_1133 = vector.broadcast %ge3A_1132 : i32 to vector<16xi32>
    %ge3A_1134 = arith.cmpi sge, %get3A_1125, %ge3A_1133 : vector<16xi32>
    %lt3A_1135 = arith.constant 496 : i32
    %lt3A_1136 = vector.broadcast %lt3A_1135 : i32 to vector<16xi32>
    %lt3A_1137 = arith.cmpi slt, %get3A_1125, %lt3A_1136 : vector<16xi32>
    %and3A_1138 = arith.andi %ge3A_1134, %lt3A_1137 : vector<16xi1>
    tpu.vector_store_idx %arg7[%sub3A_1128, %add3A_1131], %broadcast_in_dim3A_4 masked %and3A_1138 : memref<256x128xf32, #tpu.memory_space<vmem>>[vector<16xi32>, vector<16xi32>], vector<16xf32>, vector<16xi1>
    %get3A_1139 = arith.constant 208 : index
    %get3A_1140 = tpu.vector_load %arg4[%get3A_1139] {strides = array<i32>} : memref<512xi32, #tpu.memory_space<vmem>>, vector<16xi32>,
    %sub3A_1141 = arith.constant 248 : i32
    %sub3A_1142 = vector.broadcast %sub3A_1141 : i32 to vector<16xi32>
    %sub3A_1143 = arith.subi %get3A_1140, %sub3A_1142 : vector<16xi32>
    %add3A_1144 = arith.constant 80 : i32
    %add3A_1145 = vector.broadcast %add3A_1144 : i32 to vector<16xi32>
    %add3A_1146 = arith.addi %iota3A, %add3A_1145 : vector<16xi32>
    %ge3A_1147 = arith.constant 248 : i32
    %ge3A_1148 = vector.broadcast %ge3A_1147 : i32 to vector<16xi32>
    %ge3A_1149 = arith.cmpi sge, %get3A_1140, %ge3A_1148 : vector<16xi32>
    %lt3A_1150 = arith.constant 496 : i32
    %lt3A_1151 = vector.broadcast %lt3A_1150 : i32 to vector<16xi32>
    %lt3A_1152 = arith.cmpi slt, %get3A_1140, %lt3A_1151 : vector<16xi32>
    %and3A_1153 = arith.andi %ge3A_1149, %lt3A_1152 : vector<16xi1>
    tpu.vector_store_idx %arg7[%sub3A_1143, %add3A_1146], %broadcast_in_dim3A_4 masked %and3A_1153 : memref<256x128xf32, #tpu.memory_space<vmem>>[vector<16xi32>, vector<16xi32>], vector<16xf32>, vector<16xi1>
    %get3A_1154 = arith.constant 224 : index
    %get3A_1155 = tpu.vector_load %arg4[%get3A_1154] {strides = array<i32>} : memref<512xi32, #tpu.memory_space<vmem>>, vector<16xi32>,
    %sub3A_1156 = arith.constant 248 : i32
    %sub3A_1157 = vector.broadcast %sub3A_1156 : i32 to vector<16xi32>
    %sub3A_1158 = arith.subi %get3A_1155, %sub3A_1157 : vector<16xi32>
    %add3A_1159 = arith.constant 96 : i32
    %add3A_1160 = vector.broadcast %add3A_1159 : i32 to vector<16xi32>
    %add3A_1161 = arith.addi %iota3A, %add3A_1160 : vector<16xi32>
    %ge3A_1162 = arith.constant 248 : i32
    %ge3A_1163 = vector.broadcast %ge3A_1162 : i32 to vector<16xi32>
    %ge3A_1164 = arith.cmpi sge, %get3A_1155, %ge3A_1163 : vector<16xi32>
    %lt3A_1165 = arith.constant 496 : i32
    %lt3A_1166 = vector.broadcast %lt3A_1165 : i32 to vector<16xi32>
    %lt3A_1167 = arith.cmpi slt, %get3A_1155, %lt3A_1166 : vector<16xi32>
    %and3A_1168 = arith.andi %ge3A_1164, %lt3A_1167 : vector<16xi1>
    tpu.vector_store_idx %arg7[%sub3A_1158, %add3A_1161], %broadcast_in_dim3A_4 masked %and3A_1168 : memref<256x128xf32, #tpu.memory_space<vmem>>[vector<16xi32>, vector<16xi32>], vector<16xf32>, vector<16xi1>
    %get3A_1169 = arith.constant 240 : index
    %get3A_1170 = tpu.vector_load %arg4[%get3A_1169] {strides = array<i32>} : memref<512xi32, #tpu.memory_space<vmem>>, vector<16xi32>,
    %sub3A_1171 = arith.constant 248 : i32
    %sub3A_1172 = vector.broadcast %sub3A_1171 : i32 to vector<16xi32>
    %sub3A_1173 = arith.subi %get3A_1170, %sub3A_1172 : vector<16xi32>
    %add3A_1174 = arith.constant 112 : i32
    %add3A_1175 = vector.broadcast %add3A_1174 : i32 to vector<16xi32>
    %add3A_1176 = arith.addi %iota3A, %add3A_1175 : vector<16xi32>
    %ge3A_1177 = arith.constant 248 : i32
    %ge3A_1178 = vector.broadcast %ge3A_1177 : i32 to vector<16xi32>
    %ge3A_1179 = arith.cmpi sge, %get3A_1170, %ge3A_1178 : vector<16xi32>
    %lt3A_1180 = arith.constant 496 : i32
    %lt3A_1181 = vector.broadcast %lt3A_1180 : i32 to vector<16xi32>
    %lt3A_1182 = arith.cmpi slt, %get3A_1170, %lt3A_1181 : vector<16xi32>
    %and3A_1183 = arith.andi %ge3A_1179, %lt3A_1182 : vector<16xi1>
    tpu.vector_store_idx %arg7[%sub3A_1173, %add3A_1176], %broadcast_in_dim3A_4 masked %and3A_1183 : memref<256x128xf32, #tpu.memory_space<vmem>>[vector<16xi32>, vector<16xi32>], vector<16xf32>, vector<16xi1>
    %add3A_1184 = arith.constant 128 : i32
    %add3A_1185 = arith.addi %mul3A_2, %add3A_1184 : i32
    %dma_start3A_1186 = arith.constant 0 : i32
    %dma_start3A_1187 = arith.constant 0 : i32
    %dma_start3A_1188 = tpu.memref_slice %arg7[%dma_start3A_1186, %dma_start3A_1187] : memref<256x128xf32, #tpu.memory_space<vmem>> -> memref<248x128xf32, #tpu.memory_space<vmem>>
    %dma_start3A_1189 = arith.constant 248 : i32
    %dma_start3A_1190 = tpu.memref_slice %arg3[%dma_start3A_1189, %add3A_1185] : memref<1000x16384xf32, #tpu.memory_space<hbm>> -> memref<248x128xf32, #tpu.memory_space<hbm>>
    %dma_start3A_1191 = arith.constant 248 : i32
    %dma_start3A_1192 = tpu.memref_slice %arg3[%dma_start3A_1191, %add3A_1185] : memref<1000x16384xf32, #tpu.memory_space<hbm>> -> memref<248x128xf32, #tpu.memory_space<hbm>>
    %dma_start3A_1193 = arith.constant 0 : i32
    %dma_start3A_1194 = arith.constant 0 : i32
    %dma_start3A_1195 = tpu.memref_slice %arg7[%dma_start3A_1193, %dma_start3A_1194] : memref<256x128xf32, #tpu.memory_space<vmem>> -> memref<248x128xf32, #tpu.memory_space<vmem>>
    tpu.enqueue_dma source(%dma_start3A_1195 : memref<248x128xf32, #tpu.memory_space<vmem>>) target(%dma_start3A_1192 : memref<248x128xf32, #tpu.memory_space<hbm>>) target_semaphore(%arg10 : memref<!tpu.dma_semaphore, #tpu.memory_space<semaphore_mem>>)
    %dma_wait3A_1196 = arith.constant 744 : i32
    %dma_wait3A_1197 = tpu.memref_slice %arg3[%dma_wait3A_1196, %add3A_667] : memref<1000x16384xf32, #tpu.memory_space<hbm>> -> memref<256x128xf32, #tpu.memory_space<hbm>>
    %dma_wait3A_1198 = arith.constant 744 : i32
    %dma_wait3A_1199 = tpu.memref_slice %arg3[%dma_wait3A_1198, %add3A_667] : memref<1000x16384xf32, #tpu.memory_space<hbm>> -> memref<256x128xf32, #tpu.memory_space<hbm>>
    tpu.wait_dma2 semaphore(%arg8 : memref<!tpu.dma_semaphore, #tpu.memory_space<semaphore_mem>>) src(%arg5 : memref<256x128xf32, #tpu.memory_space<vmem>>) dst(%dma_wait3A_1199 : memref<256x128xf32, #tpu.memory_space<hbm>>)
    %get3A_1200 = arith.constant 0 : index
    %get3A_1201 = tpu.vector_load %arg4[%get3A_1200] {strides = array<i32>} : memref<512xi32, #tpu.memory_space<vmem>>, vector<16xi32>,
    %sub3A_1202 = arith.constant 744 : i32
    %sub3A_1203 = vector.broadcast %sub3A_1202 : i32 to vector<16xi32>
    %sub3A_1204 = arith.subi %get3A_1201, %sub3A_1203 : vector<16xi32>
    %add3A_1205 = arith.constant 0 : i32
    %add3A_1206 = vector.broadcast %add3A_1205 : i32 to vector<16xi32>
    %add3A_1207 = arith.addi %iota3A, %add3A_1206 : vector<16xi32>
    %ge3A_1208 = arith.constant 744 : i32
    %ge3A_1209 = vector.broadcast %ge3A_1208 : i32 to vector<16xi32>
    %ge3A_1210 = arith.cmpi sge, %get3A_1201, %ge3A_1209 : vector<16xi32>
    %lt3A_1211 = arith.constant 1000 : i32
    %lt3A_1212 = vector.broadcast %lt3A_1211 : i32 to vector<16xi32>
    %lt3A_1213 = arith.cmpi slt, %get3A_1201, %lt3A_1212 : vector<16xi32>
    %and3A_1214 = arith.andi %ge3A_1210, %lt3A_1213 : vector<16xi1>
    tpu.vector_store_idx %arg5[%sub3A_1204, %add3A_1207], %broadcast_in_dim3A_6 masked %and3A_1214 : memref<256x128xf32, #tpu.memory_space<vmem>>[vector<16xi32>, vector<16xi32>], vector<16xf32>, vector<16xi1>
    %get3A_1215 = arith.constant 16 : index
    %get3A_1216 = tpu.vector_load %arg4[%get3A_1215] {strides = array<i32>} : memref<512xi32, #tpu.memory_space<vmem>>, vector<16xi32>,
    %sub3A_1217 = arith.constant 744 : i32
    %sub3A_1218 = vector.broadcast %sub3A_1217 : i32 to vector<16xi32>
    %sub3A_1219 = arith.subi %get3A_1216, %sub3A_1218 : vector<16xi32>
    %add3A_1220 = arith.constant 16 : i32
    %add3A_1221 = vector.broadcast %add3A_1220 : i32 to vector<16xi32>
    %add3A_1222 = arith.addi %iota3A, %add3A_1221 : vector<16xi32>
    %ge3A_1223 = arith.constant 744 : i32
    %ge3A_1224 = vector.broadcast %ge3A_1223 : i32 to vector<16xi32>
    %ge3A_1225 = arith.cmpi sge, %get3A_1216, %ge3A_1224 : vector<16xi32>
    %lt3A_1226 = arith.constant 1000 : i32
    %lt3A_1227 = vector.broadcast %lt3A_1226 : i32 to vector<16xi32>
    %lt3A_1228 = arith.cmpi slt, %get3A_1216, %lt3A_1227 : vector<16xi32>
    %and3A_1229 = arith.andi %ge3A_1225, %lt3A_1228 : vector<16xi1>
    tpu.vector_store_idx %arg5[%sub3A_1219, %add3A_1222], %broadcast_in_dim3A_6 masked %and3A_1229 : memref<256x128xf32, #tpu.memory_space<vmem>>[vector<16xi32>, vector<16xi32>], vector<16xf32>, vector<16xi1>
    %get3A_1230 = arith.constant 32 : index
    %get3A_1231 = tpu.vector_load %arg4[%get3A_1230] {strides = array<i32>} : memref<512xi32, #tpu.memory_space<vmem>>, vector<16xi32>,
    %sub3A_1232 = arith.constant 744 : i32
    %sub3A_1233 = vector.broadcast %sub3A_1232 : i32 to vector<16xi32>
    %sub3A_1234 = arith.subi %get3A_1231, %sub3A_1233 : vector<16xi32>
    %add3A_1235 = arith.constant 32 : i32
    %add3A_1236 = vector.broadcast %add3A_1235 : i32 to vector<16xi32>
    %add3A_1237 = arith.addi %iota3A, %add3A_1236 : vector<16xi32>
    %ge3A_1238 = arith.constant 744 : i32
    %ge3A_1239 = vector.broadcast %ge3A_1238 : i32 to vector<16xi32>
    %ge3A_1240 = arith.cmpi sge, %get3A_1231, %ge3A_1239 : vector<16xi32>
    %lt3A_1241 = arith.constant 1000 : i32
    %lt3A_1242 = vector.broadcast %lt3A_1241 : i32 to vector<16xi32>
    %lt3A_1243 = arith.cmpi slt, %get3A_1231, %lt3A_1242 : vector<16xi32>
    %and3A_1244 = arith.andi %ge3A_1240, %lt3A_1243 : vector<16xi1>
    tpu.vector_store_idx %arg5[%sub3A_1234, %add3A_1237], %broadcast_in_dim3A_6 masked %and3A_1244 : memref<256x128xf32, #tpu.memory_space<vmem>>[vector<16xi32>, vector<16xi32>], vector<16xf32>, vector<16xi1>
    %get3A_1245 = arith.constant 48 : index
    %get3A_1246 = tpu.vector_load %arg4[%get3A_1245] {strides = array<i32>} : memref<512xi32, #tpu.memory_space<vmem>>, vector<16xi32>,
    %sub3A_1247 = arith.constant 744 : i32
    %sub3A_1248 = vector.broadcast %sub3A_1247 : i32 to vector<16xi32>
    %sub3A_1249 = arith.subi %get3A_1246, %sub3A_1248 : vector<16xi32>
    %add3A_1250 = arith.constant 48 : i32
    %add3A_1251 = vector.broadcast %add3A_1250 : i32 to vector<16xi32>
    %add3A_1252 = arith.addi %iota3A, %add3A_1251 : vector<16xi32>
    %ge3A_1253 = arith.constant 744 : i32
    %ge3A_1254 = vector.broadcast %ge3A_1253 : i32 to vector<16xi32>
    %ge3A_1255 = arith.cmpi sge, %get3A_1246, %ge3A_1254 : vector<16xi32>
    %lt3A_1256 = arith.constant 1000 : i32
    %lt3A_1257 = vector.broadcast %lt3A_1256 : i32 to vector<16xi32>
    %lt3A_1258 = arith.cmpi slt, %get3A_1246, %lt3A_1257 : vector<16xi32>
    %and3A_1259 = arith.andi %ge3A_1255, %lt3A_1258 : vector<16xi1>
    tpu.vector_store_idx %arg5[%sub3A_1249, %add3A_1252], %broadcast_in_dim3A_6 masked %and3A_1259 : memref<256x128xf32, #tpu.memory_space<vmem>>[vector<16xi32>, vector<16xi32>], vector<16xf32>, vector<16xi1>
    %get3A_1260 = arith.constant 64 : index
    %get3A_1261 = tpu.vector_load %arg4[%get3A_1260] {strides = array<i32>} : memref<512xi32, #tpu.memory_space<vmem>>, vector<16xi32>,
    %sub3A_1262 = arith.constant 744 : i32
    %sub3A_1263 = vector.broadcast %sub3A_1262 : i32 to vector<16xi32>
    %sub3A_1264 = arith.subi %get3A_1261, %sub3A_1263 : vector<16xi32>
    %add3A_1265 = arith.constant 64 : i32
    %add3A_1266 = vector.broadcast %add3A_1265 : i32 to vector<16xi32>
    %add3A_1267 = arith.addi %iota3A, %add3A_1266 : vector<16xi32>
    %ge3A_1268 = arith.constant 744 : i32
    %ge3A_1269 = vector.broadcast %ge3A_1268 : i32 to vector<16xi32>
    %ge3A_1270 = arith.cmpi sge, %get3A_1261, %ge3A_1269 : vector<16xi32>
    %lt3A_1271 = arith.constant 1000 : i32
    %lt3A_1272 = vector.broadcast %lt3A_1271 : i32 to vector<16xi32>
    %lt3A_1273 = arith.cmpi slt, %get3A_1261, %lt3A_1272 : vector<16xi32>
    %and3A_1274 = arith.andi %ge3A_1270, %lt3A_1273 : vector<16xi1>
    tpu.vector_store_idx %arg5[%sub3A_1264, %add3A_1267], %broadcast_in_dim3A_6 masked %and3A_1274 : memref<256x128xf32, #tpu.memory_space<vmem>>[vector<16xi32>, vector<16xi32>], vector<16xf32>, vector<16xi1>
    %get3A_1275 = arith.constant 80 : index
    %get3A_1276 = tpu.vector_load %arg4[%get3A_1275] {strides = array<i32>} : memref<512xi32, #tpu.memory_space<vmem>>, vector<16xi32>,
    %sub3A_1277 = arith.constant 744 : i32
    %sub3A_1278 = vector.broadcast %sub3A_1277 : i32 to vector<16xi32>
    %sub3A_1279 = arith.subi %get3A_1276, %sub3A_1278 : vector<16xi32>
    %add3A_1280 = arith.constant 80 : i32
    %add3A_1281 = vector.broadcast %add3A_1280 : i32 to vector<16xi32>
    %add3A_1282 = arith.addi %iota3A, %add3A_1281 : vector<16xi32>
    %ge3A_1283 = arith.constant 744 : i32
    %ge3A_1284 = vector.broadcast %ge3A_1283 : i32 to vector<16xi32>
    %ge3A_1285 = arith.cmpi sge, %get3A_1276, %ge3A_1284 : vector<16xi32>
    %lt3A_1286 = arith.constant 1000 : i32
    %lt3A_1287 = vector.broadcast %lt3A_1286 : i32 to vector<16xi32>
    %lt3A_1288 = arith.cmpi slt, %get3A_1276, %lt3A_1287 : vector<16xi32>
    %and3A_1289 = arith.andi %ge3A_1285, %lt3A_1288 : vector<16xi1>
    tpu.vector_store_idx %arg5[%sub3A_1279, %add3A_1282], %broadcast_in_dim3A_6 masked %and3A_1289 : memref<256x128xf32, #tpu.memory_space<vmem>>[vector<16xi32>, vector<16xi32>], vector<16xf32>, vector<16xi1>
    %get3A_1290 = arith.constant 96 : index
    %get3A_1291 = tpu.vector_load %arg4[%get3A_1290] {strides = array<i32>} : memref<512xi32, #tpu.memory_space<vmem>>, vector<16xi32>,
    %sub3A_1292 = arith.constant 744 : i32
    %sub3A_1293 = vector.broadcast %sub3A_1292 : i32 to vector<16xi32>
    %sub3A_1294 = arith.subi %get3A_1291, %sub3A_1293 : vector<16xi32>
    %add3A_1295 = arith.constant 96 : i32
    %add3A_1296 = vector.broadcast %add3A_1295 : i32 to vector<16xi32>
    %add3A_1297 = arith.addi %iota3A, %add3A_1296 : vector<16xi32>
    %ge3A_1298 = arith.constant 744 : i32
    %ge3A_1299 = vector.broadcast %ge3A_1298 : i32 to vector<16xi32>
    %ge3A_1300 = arith.cmpi sge, %get3A_1291, %ge3A_1299 : vector<16xi32>
    %lt3A_1301 = arith.constant 1000 : i32
    %lt3A_1302 = vector.broadcast %lt3A_1301 : i32 to vector<16xi32>
    %lt3A_1303 = arith.cmpi slt, %get3A_1291, %lt3A_1302 : vector<16xi32>
    %and3A_1304 = arith.andi %ge3A_1300, %lt3A_1303 : vector<16xi1>
    tpu.vector_store_idx %arg5[%sub3A_1294, %add3A_1297], %broadcast_in_dim3A_6 masked %and3A_1304 : memref<256x128xf32, #tpu.memory_space<vmem>>[vector<16xi32>, vector<16xi32>], vector<16xf32>, vector<16xi1>
    %get3A_1305 = arith.constant 112 : index
    %get3A_1306 = tpu.vector_load %arg4[%get3A_1305] {strides = array<i32>} : memref<512xi32, #tpu.memory_space<vmem>>, vector<16xi32>,
    %sub3A_1307 = arith.constant 744 : i32
    %sub3A_1308 = vector.broadcast %sub3A_1307 : i32 to vector<16xi32>
    %sub3A_1309 = arith.subi %get3A_1306, %sub3A_1308 : vector<16xi32>
    %add3A_1310 = arith.constant 112 : i32
    %add3A_1311 = vector.broadcast %add3A_1310 : i32 to vector<16xi32>
    %add3A_1312 = arith.addi %iota3A, %add3A_1311 : vector<16xi32>
    %ge3A_1313 = arith.constant 744 : i32
    %ge3A_1314 = vector.broadcast %ge3A_1313 : i32 to vector<16xi32>
    %ge3A_1315 = arith.cmpi sge, %get3A_1306, %ge3A_1314 : vector<16xi32>
    %lt3A_1316 = arith.constant 1000 : i32
    %lt3A_1317 = vector.broadcast %lt3A_1316 : i32 to vector<16xi32>
    %lt3A_1318 = arith.cmpi slt, %get3A_1306, %lt3A_1317 : vector<16xi32>
    %and3A_1319 = arith.andi %ge3A_1315, %lt3A_1318 : vector<16xi1>
    tpu.vector_store_idx %arg5[%sub3A_1309, %add3A_1312], %broadcast_in_dim3A_6 masked %and3A_1319 : memref<256x128xf32, #tpu.memory_space<vmem>>[vector<16xi32>, vector<16xi32>], vector<16xf32>, vector<16xi1>
    %get3A_1320 = arith.constant 128 : index
    %get3A_1321 = tpu.vector_load %arg4[%get3A_1320] {strides = array<i32>} : memref<512xi32, #tpu.memory_space<vmem>>, vector<16xi32>,
    %sub3A_1322 = arith.constant 496 : i32
    %sub3A_1323 = vector.broadcast %sub3A_1322 : i32 to vector<16xi32>
    %sub3A_1324 = arith.subi %get3A_1321, %sub3A_1323 : vector<16xi32>
    %add3A_1325 = arith.constant 0 : i32
    %add3A_1326 = vector.broadcast %add3A_1325 : i32 to vector<16xi32>
    %add3A_1327 = arith.addi %iota3A, %add3A_1326 : vector<16xi32>
    %ge3A_1328 = arith.constant 496 : i32
    %ge3A_1329 = vector.broadcast %ge3A_1328 : i32 to vector<16xi32>
    %ge3A_1330 = arith.cmpi sge, %get3A_1321, %ge3A_1329 : vector<16xi32>
    %lt3A_1331 = arith.constant 744 : i32
    %lt3A_1332 = vector.broadcast %lt3A_1331 : i32 to vector<16xi32>
    %lt3A_1333 = arith.cmpi slt, %get3A_1321, %lt3A_1332 : vector<16xi32>
    %and3A_1334 = arith.andi %ge3A_1330, %lt3A_1333 : vector<16xi1>
    tpu.vector_store_idx %arg5[%sub3A_1324, %add3A_1327], %broadcast_in_dim3A_4 masked %and3A_1334 : memref<256x128xf32, #tpu.memory_space<vmem>>[vector<16xi32>, vector<16xi32>], vector<16xf32>, vector<16xi1>
    %get3A_1335 = arith.constant 144 : index
    %get3A_1336 = tpu.vector_load %arg4[%get3A_1335] {strides = array<i32>} : memref<512xi32, #tpu.memory_space<vmem>>, vector<16xi32>,
    %sub3A_1337 = arith.constant 496 : i32
    %sub3A_1338 = vector.broadcast %sub3A_1337 : i32 to vector<16xi32>
    %sub3A_1339 = arith.subi %get3A_1336, %sub3A_1338 : vector<16xi32>
    %add3A_1340 = arith.constant 16 : i32
    %add3A_1341 = vector.broadcast %add3A_1340 : i32 to vector<16xi32>
    %add3A_1342 = arith.addi %iota3A, %add3A_1341 : vector<16xi32>
    %ge3A_1343 = arith.constant 496 : i32
    %ge3A_1344 = vector.broadcast %ge3A_1343 : i32 to vector<16xi32>
    %ge3A_1345 = arith.cmpi sge, %get3A_1336, %ge3A_1344 : vector<16xi32>
    %lt3A_1346 = arith.constant 744 : i32
    %lt3A_1347 = vector.broadcast %lt3A_1346 : i32 to vector<16xi32>
    %lt3A_1348 = arith.cmpi slt, %get3A_1336, %lt3A_1347 : vector<16xi32>
    %and3A_1349 = arith.andi %ge3A_1345, %lt3A_1348 : vector<16xi1>
    tpu.vector_store_idx %arg5[%sub3A_1339, %add3A_1342], %broadcast_in_dim3A_4 masked %and3A_1349 : memref<256x128xf32, #tpu.memory_space<vmem>>[vector<16xi32>, vector<16xi32>], vector<16xf32>, vector<16xi1>
    %get3A_1350 = arith.constant 160 : index
    %get3A_1351 = tpu.vector_load %arg4[%get3A_1350] {strides = array<i32>} : memref<512xi32, #tpu.memory_space<vmem>>, vector<16xi32>,
    %sub3A_1352 = arith.constant 496 : i32
    %sub3A_1353 = vector.broadcast %sub3A_1352 : i32 to vector<16xi32>
    %sub3A_1354 = arith.subi %get3A_1351, %sub3A_1353 : vector<16xi32>
    %add3A_1355 = arith.constant 32 : i32
    %add3A_1356 = vector.broadcast %add3A_1355 : i32 to vector<16xi32>
    %add3A_1357 = arith.addi %iota3A, %add3A_1356 : vector<16xi32>
    %ge3A_1358 = arith.constant 496 : i32
    %ge3A_1359 = vector.broadcast %ge3A_1358 : i32 to vector<16xi32>
    %ge3A_1360 = arith.cmpi sge, %get3A_1351, %ge3A_1359 : vector<16xi32>
    %lt3A_1361 = arith.constant 744 : i32
    %lt3A_1362 = vector.broadcast %lt3A_1361 : i32 to vector<16xi32>
    %lt3A_1363 = arith.cmpi slt, %get3A_1351, %lt3A_1362 : vector<16xi32>
    %and3A_1364 = arith.andi %ge3A_1360, %lt3A_1363 : vector<16xi1>
    tpu.vector_store_idx %arg5[%sub3A_1354, %add3A_1357], %broadcast_in_dim3A_4 masked %and3A_1364 : memref<256x128xf32, #tpu.memory_space<vmem>>[vector<16xi32>, vector<16xi32>], vector<16xf32>, vector<16xi1>
    %get3A_1365 = arith.constant 176 : index
    %get3A_1366 = tpu.vector_load %arg4[%get3A_1365] {strides = array<i32>} : memref<512xi32, #tpu.memory_space<vmem>>, vector<16xi32>,
    %sub3A_1367 = arith.constant 496 : i32
    %sub3A_1368 = vector.broadcast %sub3A_1367 : i32 to vector<16xi32>
    %sub3A_1369 = arith.subi %get3A_1366, %sub3A_1368 : vector<16xi32>
    %add3A_1370 = arith.constant 48 : i32
    %add3A_1371 = vector.broadcast %add3A_1370 : i32 to vector<16xi32>
    %add3A_1372 = arith.addi %iota3A, %add3A_1371 : vector<16xi32>
    %ge3A_1373 = arith.constant 496 : i32
    %ge3A_1374 = vector.broadcast %ge3A_1373 : i32 to vector<16xi32>
    %ge3A_1375 = arith.cmpi sge, %get3A_1366, %ge3A_1374 : vector<16xi32>
    %lt3A_1376 = arith.constant 744 : i32
    %lt3A_1377 = vector.broadcast %lt3A_1376 : i32 to vector<16xi32>
    %lt3A_1378 = arith.cmpi slt, %get3A_1366, %lt3A_1377 : vector<16xi32>
    %and3A_1379 = arith.andi %ge3A_1375, %lt3A_1378 : vector<16xi1>
    tpu.vector_store_idx %arg5[%sub3A_1369, %add3A_1372], %broadcast_in_dim3A_4 masked %and3A_1379 : memref<256x128xf32, #tpu.memory_space<vmem>>[vector<16xi32>, vector<16xi32>], vector<16xf32>, vector<16xi1>
    %get3A_1380 = arith.constant 192 : index
    %get3A_1381 = tpu.vector_load %arg4[%get3A_1380] {strides = array<i32>} : memref<512xi32, #tpu.memory_space<vmem>>, vector<16xi32>,
    %sub3A_1382 = arith.constant 496 : i32
    %sub3A_1383 = vector.broadcast %sub3A_1382 : i32 to vector<16xi32>
    %sub3A_1384 = arith.subi %get3A_1381, %sub3A_1383 : vector<16xi32>
    %add3A_1385 = arith.constant 64 : i32
    %add3A_1386 = vector.broadcast %add3A_1385 : i32 to vector<16xi32>
    %add3A_1387 = arith.addi %iota3A, %add3A_1386 : vector<16xi32>
    %ge3A_1388 = arith.constant 496 : i32
    %ge3A_1389 = vector.broadcast %ge3A_1388 : i32 to vector<16xi32>
    %ge3A_1390 = arith.cmpi sge, %get3A_1381, %ge3A_1389 : vector<16xi32>
    %lt3A_1391 = arith.constant 744 : i32
    %lt3A_1392 = vector.broadcast %lt3A_1391 : i32 to vector<16xi32>
    %lt3A_1393 = arith.cmpi slt, %get3A_1381, %lt3A_1392 : vector<16xi32>
    %and3A_1394 = arith.andi %ge3A_1390, %lt3A_1393 : vector<16xi1>
    tpu.vector_store_idx %arg5[%sub3A_1384, %add3A_1387], %broadcast_in_dim3A_4 masked %and3A_1394 : memref<256x128xf32, #tpu.memory_space<vmem>>[vector<16xi32>, vector<16xi32>], vector<16xf32>, vector<16xi1>
    %get3A_1395 = arith.constant 208 : index
    %get3A_1396 = tpu.vector_load %arg4[%get3A_1395] {strides = array<i32>} : memref<512xi32, #tpu.memory_space<vmem>>, vector<16xi32>,
    %sub3A_1397 = arith.constant 496 : i32
    %sub3A_1398 = vector.broadcast %sub3A_1397 : i32 to vector<16xi32>
    %sub3A_1399 = arith.subi %get3A_1396, %sub3A_1398 : vector<16xi32>
    %add3A_1400 = arith.constant 80 : i32
    %add3A_1401 = vector.broadcast %add3A_1400 : i32 to vector<16xi32>
    %add3A_1402 = arith.addi %iota3A, %add3A_1401 : vector<16xi32>
    %ge3A_1403 = arith.constant 496 : i32
    %ge3A_1404 = vector.broadcast %ge3A_1403 : i32 to vector<16xi32>
    %ge3A_1405 = arith.cmpi sge, %get3A_1396, %ge3A_1404 : vector<16xi32>
    %lt3A_1406 = arith.constant 744 : i32
    %lt3A_1407 = vector.broadcast %lt3A_1406 : i32 to vector<16xi32>
    %lt3A_1408 = arith.cmpi slt, %get3A_1396, %lt3A_1407 : vector<16xi32>
    %and3A_1409 = arith.andi %ge3A_1405, %lt3A_1408 : vector<16xi1>
    tpu.vector_store_idx %arg5[%sub3A_1399, %add3A_1402], %broadcast_in_dim3A_4 masked %and3A_1409 : memref<256x128xf32, #tpu.memory_space<vmem>>[vector<16xi32>, vector<16xi32>], vector<16xf32>, vector<16xi1>
    %get3A_1410 = arith.constant 224 : index
    %get3A_1411 = tpu.vector_load %arg4[%get3A_1410] {strides = array<i32>} : memref<512xi32, #tpu.memory_space<vmem>>, vector<16xi32>,
    %sub3A_1412 = arith.constant 496 : i32
    %sub3A_1413 = vector.broadcast %sub3A_1412 : i32 to vector<16xi32>
    %sub3A_1414 = arith.subi %get3A_1411, %sub3A_1413 : vector<16xi32>
    %add3A_1415 = arith.constant 96 : i32
    %add3A_1416 = vector.broadcast %add3A_1415 : i32 to vector<16xi32>
    %add3A_1417 = arith.addi %iota3A, %add3A_1416 : vector<16xi32>
    %ge3A_1418 = arith.constant 496 : i32
    %ge3A_1419 = vector.broadcast %ge3A_1418 : i32 to vector<16xi32>
    %ge3A_1420 = arith.cmpi sge, %get3A_1411, %ge3A_1419 : vector<16xi32>
    %lt3A_1421 = arith.constant 744 : i32
    %lt3A_1422 = vector.broadcast %lt3A_1421 : i32 to vector<16xi32>
    %lt3A_1423 = arith.cmpi slt, %get3A_1411, %lt3A_1422 : vector<16xi32>
    %and3A_1424 = arith.andi %ge3A_1420, %lt3A_1423 : vector<16xi1>
    tpu.vector_store_idx %arg5[%sub3A_1414, %add3A_1417], %broadcast_in_dim3A_4 masked %and3A_1424 : memref<256x128xf32, #tpu.memory_space<vmem>>[vector<16xi32>, vector<16xi32>], vector<16xf32>, vector<16xi1>
    %get3A_1425 = arith.constant 240 : index
    %get3A_1426 = tpu.vector_load %arg4[%get3A_1425] {strides = array<i32>} : memref<512xi32, #tpu.memory_space<vmem>>, vector<16xi32>,
    %sub3A_1427 = arith.constant 496 : i32
    %sub3A_1428 = vector.broadcast %sub3A_1427 : i32 to vector<16xi32>
    %sub3A_1429 = arith.subi %get3A_1426, %sub3A_1428 : vector<16xi32>
    %add3A_1430 = arith.constant 112 : i32
    %add3A_1431 = vector.broadcast %add3A_1430 : i32 to vector<16xi32>
    %add3A_1432 = arith.addi %iota3A, %add3A_1431 : vector<16xi32>
    %ge3A_1433 = arith.constant 496 : i32
    %ge3A_1434 = vector.broadcast %ge3A_1433 : i32 to vector<16xi32>
    %ge3A_1435 = arith.cmpi sge, %get3A_1426, %ge3A_1434 : vector<16xi32>
    %lt3A_1436 = arith.constant 744 : i32
    %lt3A_1437 = vector.broadcast %lt3A_1436 : i32 to vector<16xi32>
    %lt3A_1438 = arith.cmpi slt, %get3A_1426, %lt3A_1437 : vector<16xi32>
    %and3A_1439 = arith.andi %ge3A_1435, %lt3A_1438 : vector<16xi1>
    tpu.vector_store_idx %arg5[%sub3A_1429, %add3A_1432], %broadcast_in_dim3A_4 masked %and3A_1439 : memref<256x128xf32, #tpu.memory_space<vmem>>[vector<16xi32>, vector<16xi32>], vector<16xf32>, vector<16xi1>
    %add3A_1440 = arith.constant 128 : i32
    %add3A_1441 = arith.addi %mul3A_2, %add3A_1440 : i32
    %dma_start3A_1442 = arith.constant 0 : i32
    %dma_start3A_1443 = arith.constant 0 : i32
    %dma_start3A_1444 = tpu.memref_slice %arg5[%dma_start3A_1442, %dma_start3A_1443] : memref<256x128xf32, #tpu.memory_space<vmem>> -> memref<248x128xf32, #tpu.memory_space<vmem>>
    %dma_start3A_1445 = arith.constant 496 : i32
    %dma_start3A_1446 = tpu.memref_slice %arg3[%dma_start3A_1445, %add3A_1441] : memref<1000x16384xf32, #tpu.memory_space<hbm>> -> memref<248x128xf32, #tpu.memory_space<hbm>>
    %dma_start3A_1447 = arith.constant 496 : i32
    %dma_start3A_1448 = tpu.memref_slice %arg3[%dma_start3A_1447, %add3A_1441] : memref<1000x16384xf32, #tpu.memory_space<hbm>> -> memref<248x128xf32, #tpu.memory_space<hbm>>
    %dma_start3A_1449 = arith.constant 0 : i32
    %dma_start3A_1450 = arith.constant 0 : i32
    %dma_start3A_1451 = tpu.memref_slice %arg5[%dma_start3A_1449, %dma_start3A_1450] : memref<256x128xf32, #tpu.memory_space<vmem>> -> memref<248x128xf32, #tpu.memory_space<vmem>>
    tpu.enqueue_dma source(%dma_start3A_1451 : memref<248x128xf32, #tpu.memory_space<vmem>>) target(%dma_start3A_1448 : memref<248x128xf32, #tpu.memory_space<hbm>>) target_semaphore(%arg8 : memref<!tpu.dma_semaphore, #tpu.memory_space<semaphore_mem>>)
    %dma_wait3A_1452 = arith.constant 0 : i32
    %dma_wait3A_1453 = arith.constant 0 : i32
    %dma_wait3A_1454 = tpu.memref_slice %arg6[%dma_wait3A_1452, %dma_wait3A_1453] : memref<256x128xf32, #tpu.memory_space<vmem>> -> memref<248x128xf32, #tpu.memory_space<vmem>>
    %dma_wait3A_1455 = arith.constant 0 : i32
    %dma_wait3A_1456 = tpu.memref_slice %arg3[%dma_wait3A_1455, %add3A_923] : memref<1000x16384xf32, #tpu.memory_space<hbm>> -> memref<248x128xf32, #tpu.memory_space<hbm>>
    %dma_wait3A_1457 = arith.constant 0 : i32
    %dma_wait3A_1458 = tpu.memref_slice %arg3[%dma_wait3A_1457, %add3A_923] : memref<1000x16384xf32, #tpu.memory_space<hbm>> -> memref<248x128xf32, #tpu.memory_space<hbm>>
    %dma_wait3A_1459 = arith.constant 0 : i32
    %dma_wait3A_1460 = arith.constant 0 : i32
    %dma_wait3A_1461 = tpu.memref_slice %arg6[%dma_wait3A_1459, %dma_wait3A_1460] : memref<256x128xf32, #tpu.memory_space<vmem>> -> memref<248x128xf32, #tpu.memory_space<vmem>>
    tpu.wait_dma2 semaphore(%arg9 : memref<!tpu.dma_semaphore, #tpu.memory_space<semaphore_mem>>) src(%dma_wait3A_1461 : memref<248x128xf32, #tpu.memory_space<vmem>>) dst(%dma_wait3A_1458 : memref<248x128xf32, #tpu.memory_space<hbm>>)
    %get3A_1462 = arith.constant 128 : index
    %get3A_1463 = tpu.vector_load %arg4[%get3A_1462] {strides = array<i32>} : memref<512xi32, #tpu.memory_space<vmem>>, vector<16xi32>,
    %sub3A_1464 = arith.constant 0 : i32
    %sub3A_1465 = vector.broadcast %sub3A_1464 : i32 to vector<16xi32>
    %sub3A_1466 = arith.subi %get3A_1463, %sub3A_1465 : vector<16xi32>
    %add3A_1467 = arith.constant 0 : i32
    %add3A_1468 = vector.broadcast %add3A_1467 : i32 to vector<16xi32>
    %add3A_1469 = arith.addi %iota3A, %add3A_1468 : vector<16xi32>
    %ge3A_1470 = arith.constant 0 : i32
    %ge3A_1471 = vector.broadcast %ge3A_1470 : i32 to vector<16xi32>
    %ge3A_1472 = arith.cmpi sge, %get3A_1463, %ge3A_1471 : vector<16xi32>
    %lt3A_1473 = arith.constant 248 : i32
    %lt3A_1474 = vector.broadcast %lt3A_1473 : i32 to vector<16xi32>
    %lt3A_1475 = arith.cmpi slt, %get3A_1463, %lt3A_1474 : vector<16xi32>
    %and3A_1476 = arith.andi %ge3A_1472, %lt3A_1475 : vector<16xi1>
    tpu.vector_store_idx %arg6[%sub3A_1466, %add3A_1469], %broadcast_in_dim3A_6 masked %and3A_1476 : memref<256x128xf32, #tpu.memory_space<vmem>>[vector<16xi32>, vector<16xi32>], vector<16xf32>, vector<16xi1>
    %get3A_1477 = arith.constant 144 : index
    %get3A_1478 = tpu.vector_load %arg4[%get3A_1477] {strides = array<i32>} : memref<512xi32, #tpu.memory_space<vmem>>, vector<16xi32>,
    %sub3A_1479 = arith.constant 0 : i32
    %sub3A_1480 = vector.broadcast %sub3A_1479 : i32 to vector<16xi32>
    %sub3A_1481 = arith.subi %get3A_1478, %sub3A_1480 : vector<16xi32>
    %add3A_1482 = arith.constant 16 : i32
    %add3A_1483 = vector.broadcast %add3A_1482 : i32 to vector<16xi32>
    %add3A_1484 = arith.addi %iota3A, %add3A_1483 : vector<16xi32>
    %ge3A_1485 = arith.constant 0 : i32
    %ge3A_1486 = vector.broadcast %ge3A_1485 : i32 to vector<16xi32>
    %ge3A_1487 = arith.cmpi sge, %get3A_1478, %ge3A_1486 : vector<16xi32>
    %lt3A_1488 = arith.constant 248 : i32
    %lt3A_1489 = vector.broadcast %lt3A_1488 : i32 to vector<16xi32>
    %lt3A_1490 = arith.cmpi slt, %get3A_1478, %lt3A_1489 : vector<16xi32>
    %and3A_1491 = arith.andi %ge3A_1487, %lt3A_1490 : vector<16xi1>
    tpu.vector_store_idx %arg6[%sub3A_1481, %add3A_1484], %broadcast_in_dim3A_6 masked %and3A_1491 : memref<256x128xf32, #tpu.memory_space<vmem>>[vector<16xi32>, vector<16xi32>], vector<16xf32>, vector<16xi1>
    %get3A_1492 = arith.constant 160 : index
    %get3A_1493 = tpu.vector_load %arg4[%get3A_1492] {strides = array<i32>} : memref<512xi32, #tpu.memory_space<vmem>>, vector<16xi32>,
    %sub3A_1494 = arith.constant 0 : i32
    %sub3A_1495 = vector.broadcast %sub3A_1494 : i32 to vector<16xi32>
    %sub3A_1496 = arith.subi %get3A_1493, %sub3A_1495 : vector<16xi32>
    %add3A_1497 = arith.constant 32 : i32
    %add3A_1498 = vector.broadcast %add3A_1497 : i32 to vector<16xi32>
    %add3A_1499 = arith.addi %iota3A, %add3A_1498 : vector<16xi32>
    %ge3A_1500 = arith.constant 0 : i32
    %ge3A_1501 = vector.broadcast %ge3A_1500 : i32 to vector<16xi32>
    %ge3A_1502 = arith.cmpi sge, %get3A_1493, %ge3A_1501 : vector<16xi32>
    %lt3A_1503 = arith.constant 248 : i32
    %lt3A_1504 = vector.broadcast %lt3A_1503 : i32 to vector<16xi32>
    %lt3A_1505 = arith.cmpi slt, %get3A_1493, %lt3A_1504 : vector<16xi32>
    %and3A_1506 = arith.andi %ge3A_1502, %lt3A_1505 : vector<16xi1>
    tpu.vector_store_idx %arg6[%sub3A_1496, %add3A_1499], %broadcast_in_dim3A_6 masked %and3A_1506 : memref<256x128xf32, #tpu.memory_space<vmem>>[vector<16xi32>, vector<16xi32>], vector<16xf32>, vector<16xi1>
    %get3A_1507 = arith.constant 176 : index
    %get3A_1508 = tpu.vector_load %arg4[%get3A_1507] {strides = array<i32>} : memref<512xi32, #tpu.memory_space<vmem>>, vector<16xi32>,
    %sub3A_1509 = arith.constant 0 : i32
    %sub3A_1510 = vector.broadcast %sub3A_1509 : i32 to vector<16xi32>
    %sub3A_1511 = arith.subi %get3A_1508, %sub3A_1510 : vector<16xi32>
    %add3A_1512 = arith.constant 48 : i32
    %add3A_1513 = vector.broadcast %add3A_1512 : i32 to vector<16xi32>
    %add3A_1514 = arith.addi %iota3A, %add3A_1513 : vector<16xi32>
    %ge3A_1515 = arith.constant 0 : i32
    %ge3A_1516 = vector.broadcast %ge3A_1515 : i32 to vector<16xi32>
    %ge3A_1517 = arith.cmpi sge, %get3A_1508, %ge3A_1516 : vector<16xi32>
    %lt3A_1518 = arith.constant 248 : i32
    %lt3A_1519 = vector.broadcast %lt3A_1518 : i32 to vector<16xi32>
    %lt3A_1520 = arith.cmpi slt, %get3A_1508, %lt3A_1519 : vector<16xi32>
    %and3A_1521 = arith.andi %ge3A_1517, %lt3A_1520 : vector<16xi1>
    tpu.vector_store_idx %arg6[%sub3A_1511, %add3A_1514], %broadcast_in_dim3A_6 masked %and3A_1521 : memref<256x128xf32, #tpu.memory_space<vmem>>[vector<16xi32>, vector<16xi32>], vector<16xf32>, vector<16xi1>
    %get3A_1522 = arith.constant 192 : index
    %get3A_1523 = tpu.vector_load %arg4[%get3A_1522] {strides = array<i32>} : memref<512xi32, #tpu.memory_space<vmem>>, vector<16xi32>,
    %sub3A_1524 = arith.constant 0 : i32
    %sub3A_1525 = vector.broadcast %sub3A_1524 : i32 to vector<16xi32>
    %sub3A_1526 = arith.subi %get3A_1523, %sub3A_1525 : vector<16xi32>
    %add3A_1527 = arith.constant 64 : i32
    %add3A_1528 = vector.broadcast %add3A_1527 : i32 to vector<16xi32>
    %add3A_1529 = arith.addi %iota3A, %add3A_1528 : vector<16xi32>
    %ge3A_1530 = arith.constant 0 : i32
    %ge3A_1531 = vector.broadcast %ge3A_1530 : i32 to vector<16xi32>
    %ge3A_1532 = arith.cmpi sge, %get3A_1523, %ge3A_1531 : vector<16xi32>
    %lt3A_1533 = arith.constant 248 : i32
    %lt3A_1534 = vector.broadcast %lt3A_1533 : i32 to vector<16xi32>
    %lt3A_1535 = arith.cmpi slt, %get3A_1523, %lt3A_1534 : vector<16xi32>
    %and3A_1536 = arith.andi %ge3A_1532, %lt3A_1535 : vector<16xi1>
    tpu.vector_store_idx %arg6[%sub3A_1526, %add3A_1529], %broadcast_in_dim3A_6 masked %and3A_1536 : memref<256x128xf32, #tpu.memory_space<vmem>>[vector<16xi32>, vector<16xi32>], vector<16xf32>, vector<16xi1>
    %get3A_1537 = arith.constant 208 : index
    %get3A_1538 = tpu.vector_load %arg4[%get3A_1537] {strides = array<i32>} : memref<512xi32, #tpu.memory_space<vmem>>, vector<16xi32>,
    %sub3A_1539 = arith.constant 0 : i32
    %sub3A_1540 = vector.broadcast %sub3A_1539 : i32 to vector<16xi32>
    %sub3A_1541 = arith.subi %get3A_1538, %sub3A_1540 : vector<16xi32>
    %add3A_1542 = arith.constant 80 : i32
    %add3A_1543 = vector.broadcast %add3A_1542 : i32 to vector<16xi32>
    %add3A_1544 = arith.addi %iota3A, %add3A_1543 : vector<16xi32>
    %ge3A_1545 = arith.constant 0 : i32
    %ge3A_1546 = vector.broadcast %ge3A_1545 : i32 to vector<16xi32>
    %ge3A_1547 = arith.cmpi sge, %get3A_1538, %ge3A_1546 : vector<16xi32>
    %lt3A_1548 = arith.constant 248 : i32
    %lt3A_1549 = vector.broadcast %lt3A_1548 : i32 to vector<16xi32>
    %lt3A_1550 = arith.cmpi slt, %get3A_1538, %lt3A_1549 : vector<16xi32>
    %and3A_1551 = arith.andi %ge3A_1547, %lt3A_1550 : vector<16xi1>
    tpu.vector_store_idx %arg6[%sub3A_1541, %add3A_1544], %broadcast_in_dim3A_6 masked %and3A_1551 : memref<256x128xf32, #tpu.memory_space<vmem>>[vector<16xi32>, vector<16xi32>], vector<16xf32>, vector<16xi1>
    %get3A_1552 = arith.constant 224 : index
    %get3A_1553 = tpu.vector_load %arg4[%get3A_1552] {strides = array<i32>} : memref<512xi32, #tpu.memory_space<vmem>>, vector<16xi32>,
    %sub3A_1554 = arith.constant 0 : i32
    %sub3A_1555 = vector.broadcast %sub3A_1554 : i32 to vector<16xi32>
    %sub3A_1556 = arith.subi %get3A_1553, %sub3A_1555 : vector<16xi32>
    %add3A_1557 = arith.constant 96 : i32
    %add3A_1558 = vector.broadcast %add3A_1557 : i32 to vector<16xi32>
    %add3A_1559 = arith.addi %iota3A, %add3A_1558 : vector<16xi32>
    %ge3A_1560 = arith.constant 0 : i32
    %ge3A_1561 = vector.broadcast %ge3A_1560 : i32 to vector<16xi32>
    %ge3A_1562 = arith.cmpi sge, %get3A_1553, %ge3A_1561 : vector<16xi32>
    %lt3A_1563 = arith.constant 248 : i32
    %lt3A_1564 = vector.broadcast %lt3A_1563 : i32 to vector<16xi32>
    %lt3A_1565 = arith.cmpi slt, %get3A_1553, %lt3A_1564 : vector<16xi32>
    %and3A_1566 = arith.andi %ge3A_1562, %lt3A_1565 : vector<16xi1>
    tpu.vector_store_idx %arg6[%sub3A_1556, %add3A_1559], %broadcast_in_dim3A_6 masked %and3A_1566 : memref<256x128xf32, #tpu.memory_space<vmem>>[vector<16xi32>, vector<16xi32>], vector<16xf32>, vector<16xi1>
    %get3A_1567 = arith.constant 240 : index
    %get3A_1568 = tpu.vector_load %arg4[%get3A_1567] {strides = array<i32>} : memref<512xi32, #tpu.memory_space<vmem>>, vector<16xi32>,
    %sub3A_1569 = arith.constant 0 : i32
    %sub3A_1570 = vector.broadcast %sub3A_1569 : i32 to vector<16xi32>
    %sub3A_1571 = arith.subi %get3A_1568, %sub3A_1570 : vector<16xi32>
    %add3A_1572 = arith.constant 112 : i32
    %add3A_1573 = vector.broadcast %add3A_1572 : i32 to vector<16xi32>
    %add3A_1574 = arith.addi %iota3A, %add3A_1573 : vector<16xi32>
    %ge3A_1575 = arith.constant 0 : i32
    %ge3A_1576 = vector.broadcast %ge3A_1575 : i32 to vector<16xi32>
    %ge3A_1577 = arith.cmpi sge, %get3A_1568, %ge3A_1576 : vector<16xi32>
    %lt3A_1578 = arith.constant 248 : i32
    %lt3A_1579 = vector.broadcast %lt3A_1578 : i32 to vector<16xi32>
    %lt3A_1580 = arith.cmpi slt, %get3A_1568, %lt3A_1579 : vector<16xi32>
    %and3A_1581 = arith.andi %ge3A_1577, %lt3A_1580 : vector<16xi1>
    tpu.vector_store_idx %arg6[%sub3A_1571, %add3A_1574], %broadcast_in_dim3A_6 masked %and3A_1581 : memref<256x128xf32, #tpu.memory_space<vmem>>[vector<16xi32>, vector<16xi32>], vector<16xf32>, vector<16xi1>
    %get3A_1582 = arith.constant 128 : index
    %get3A_1583 = tpu.vector_load %arg4[%get3A_1582] {strides = array<i32>} : memref<512xi32, #tpu.memory_space<vmem>>, vector<16xi32>,
    %sub3A_1584 = arith.constant 744 : i32
    %sub3A_1585 = vector.broadcast %sub3A_1584 : i32 to vector<16xi32>
    %sub3A_1586 = arith.subi %get3A_1583, %sub3A_1585 : vector<16xi32>
    %add3A_1587 = arith.constant 0 : i32
    %add3A_1588 = vector.broadcast %add3A_1587 : i32 to vector<16xi32>
    %add3A_1589 = arith.addi %iota3A, %add3A_1588 : vector<16xi32>
    %ge3A_1590 = arith.constant 744 : i32
    %ge3A_1591 = vector.broadcast %ge3A_1590 : i32 to vector<16xi32>
    %ge3A_1592 = arith.cmpi sge, %get3A_1583, %ge3A_1591 : vector<16xi32>
    %lt3A_1593 = arith.constant 1000 : i32
    %lt3A_1594 = vector.broadcast %lt3A_1593 : i32 to vector<16xi32>
    %lt3A_1595 = arith.cmpi slt, %get3A_1583, %lt3A_1594 : vector<16xi32>
    %and3A_1596 = arith.andi %ge3A_1592, %lt3A_1595 : vector<16xi1>
    tpu.vector_store_idx %arg6[%sub3A_1586, %add3A_1589], %broadcast_in_dim3A_4 masked %and3A_1596 : memref<256x128xf32, #tpu.memory_space<vmem>>[vector<16xi32>, vector<16xi32>], vector<16xf32>, vector<16xi1>
    %get3A_1597 = arith.constant 144 : index
    %get3A_1598 = tpu.vector_load %arg4[%get3A_1597] {strides = array<i32>} : memref<512xi32, #tpu.memory_space<vmem>>, vector<16xi32>,
    %sub3A_1599 = arith.constant 744 : i32
    %sub3A_1600 = vector.broadcast %sub3A_1599 : i32 to vector<16xi32>
    %sub3A_1601 = arith.subi %get3A_1598, %sub3A_1600 : vector<16xi32>
    %add3A_1602 = arith.constant 16 : i32
    %add3A_1603 = vector.broadcast %add3A_1602 : i32 to vector<16xi32>
    %add3A_1604 = arith.addi %iota3A, %add3A_1603 : vector<16xi32>
    %ge3A_1605 = arith.constant 744 : i32
    %ge3A_1606 = vector.broadcast %ge3A_1605 : i32 to vector<16xi32>
    %ge3A_1607 = arith.cmpi sge, %get3A_1598, %ge3A_1606 : vector<16xi32>
    %lt3A_1608 = arith.constant 1000 : i32
    %lt3A_1609 = vector.broadcast %lt3A_1608 : i32 to vector<16xi32>
    %lt3A_1610 = arith.cmpi slt, %get3A_1598, %lt3A_1609 : vector<16xi32>
    %and3A_1611 = arith.andi %ge3A_1607, %lt3A_1610 : vector<16xi1>
    tpu.vector_store_idx %arg6[%sub3A_1601, %add3A_1604], %broadcast_in_dim3A_4 masked %and3A_1611 : memref<256x128xf32, #tpu.memory_space<vmem>>[vector<16xi32>, vector<16xi32>], vector<16xf32>, vector<16xi1>
    %get3A_1612 = arith.constant 160 : index
    %get3A_1613 = tpu.vector_load %arg4[%get3A_1612] {strides = array<i32>} : memref<512xi32, #tpu.memory_space<vmem>>, vector<16xi32>,
    %sub3A_1614 = arith.constant 744 : i32
    %sub3A_1615 = vector.broadcast %sub3A_1614 : i32 to vector<16xi32>
    %sub3A_1616 = arith.subi %get3A_1613, %sub3A_1615 : vector<16xi32>
    %add3A_1617 = arith.constant 32 : i32
    %add3A_1618 = vector.broadcast %add3A_1617 : i32 to vector<16xi32>
    %add3A_1619 = arith.addi %iota3A, %add3A_1618 : vector<16xi32>
    %ge3A_1620 = arith.constant 744 : i32
    %ge3A_1621 = vector.broadcast %ge3A_1620 : i32 to vector<16xi32>
    %ge3A_1622 = arith.cmpi sge, %get3A_1613, %ge3A_1621 : vector<16xi32>
    %lt3A_1623 = arith.constant 1000 : i32
    %lt3A_1624 = vector.broadcast %lt3A_1623 : i32 to vector<16xi32>
    %lt3A_1625 = arith.cmpi slt, %get3A_1613, %lt3A_1624 : vector<16xi32>
    %and3A_1626 = arith.andi %ge3A_1622, %lt3A_1625 : vector<16xi1>
    tpu.vector_store_idx %arg6[%sub3A_1616, %add3A_1619], %broadcast_in_dim3A_4 masked %and3A_1626 : memref<256x128xf32, #tpu.memory_space<vmem>>[vector<16xi32>, vector<16xi32>], vector<16xf32>, vector<16xi1>
    %get3A_1627 = arith.constant 176 : index
    %get3A_1628 = tpu.vector_load %arg4[%get3A_1627] {strides = array<i32>} : memref<512xi32, #tpu.memory_space<vmem>>, vector<16xi32>,
    %sub3A_1629 = arith.constant 744 : i32
    %sub3A_1630 = vector.broadcast %sub3A_1629 : i32 to vector<16xi32>
    %sub3A_1631 = arith.subi %get3A_1628, %sub3A_1630 : vector<16xi32>
    %add3A_1632 = arith.constant 48 : i32
    %add3A_1633 = vector.broadcast %add3A_1632 : i32 to vector<16xi32>
    %add3A_1634 = arith.addi %iota3A, %add3A_1633 : vector<16xi32>
    %ge3A_1635 = arith.constant 744 : i32
    %ge3A_1636 = vector.broadcast %ge3A_1635 : i32 to vector<16xi32>
    %ge3A_1637 = arith.cmpi sge, %get3A_1628, %ge3A_1636 : vector<16xi32>
    %lt3A_1638 = arith.constant 1000 : i32
    %lt3A_1639 = vector.broadcast %lt3A_1638 : i32 to vector<16xi32>
    %lt3A_1640 = arith.cmpi slt, %get3A_1628, %lt3A_1639 : vector<16xi32>
    %and3A_1641 = arith.andi %ge3A_1637, %lt3A_1640 : vector<16xi1>
    tpu.vector_store_idx %arg6[%sub3A_1631, %add3A_1634], %broadcast_in_dim3A_4 masked %and3A_1641 : memref<256x128xf32, #tpu.memory_space<vmem>>[vector<16xi32>, vector<16xi32>], vector<16xf32>, vector<16xi1>
    %get3A_1642 = arith.constant 192 : index
    %get3A_1643 = tpu.vector_load %arg4[%get3A_1642] {strides = array<i32>} : memref<512xi32, #tpu.memory_space<vmem>>, vector<16xi32>,
    %sub3A_1644 = arith.constant 744 : i32
    %sub3A_1645 = vector.broadcast %sub3A_1644 : i32 to vector<16xi32>
    %sub3A_1646 = arith.subi %get3A_1643, %sub3A_1645 : vector<16xi32>
    %add3A_1647 = arith.constant 64 : i32
    %add3A_1648 = vector.broadcast %add3A_1647 : i32 to vector<16xi32>
    %add3A_1649 = arith.addi %iota3A, %add3A_1648 : vector<16xi32>
    %ge3A_1650 = arith.constant 744 : i32
    %ge3A_1651 = vector.broadcast %ge3A_1650 : i32 to vector<16xi32>
    %ge3A_1652 = arith.cmpi sge, %get3A_1643, %ge3A_1651 : vector<16xi32>
    %lt3A_1653 = arith.constant 1000 : i32
    %lt3A_1654 = vector.broadcast %lt3A_1653 : i32 to vector<16xi32>
    %lt3A_1655 = arith.cmpi slt, %get3A_1643, %lt3A_1654 : vector<16xi32>
    %and3A_1656 = arith.andi %ge3A_1652, %lt3A_1655 : vector<16xi1>
    tpu.vector_store_idx %arg6[%sub3A_1646, %add3A_1649], %broadcast_in_dim3A_4 masked %and3A_1656 : memref<256x128xf32, #tpu.memory_space<vmem>>[vector<16xi32>, vector<16xi32>], vector<16xf32>, vector<16xi1>
    %get3A_1657 = arith.constant 208 : index
    %get3A_1658 = tpu.vector_load %arg4[%get3A_1657] {strides = array<i32>} : memref<512xi32, #tpu.memory_space<vmem>>, vector<16xi32>,
    %sub3A_1659 = arith.constant 744 : i32
    %sub3A_1660 = vector.broadcast %sub3A_1659 : i32 to vector<16xi32>
    %sub3A_1661 = arith.subi %get3A_1658, %sub3A_1660 : vector<16xi32>
    %add3A_1662 = arith.constant 80 : i32
    %add3A_1663 = vector.broadcast %add3A_1662 : i32 to vector<16xi32>
    %add3A_1664 = arith.addi %iota3A, %add3A_1663 : vector<16xi32>
    %ge3A_1665 = arith.constant 744 : i32
    %ge3A_1666 = vector.broadcast %ge3A_1665 : i32 to vector<16xi32>
    %ge3A_1667 = arith.cmpi sge, %get3A_1658, %ge3A_1666 : vector<16xi32>
    %lt3A_1668 = arith.constant 1000 : i32
    %lt3A_1669 = vector.broadcast %lt3A_1668 : i32 to vector<16xi32>
    %lt3A_1670 = arith.cmpi slt, %get3A_1658, %lt3A_1669 : vector<16xi32>
    %and3A_1671 = arith.andi %ge3A_1667, %lt3A_1670 : vector<16xi1>
    tpu.vector_store_idx %arg6[%sub3A_1661, %add3A_1664], %broadcast_in_dim3A_4 masked %and3A_1671 : memref<256x128xf32, #tpu.memory_space<vmem>>[vector<16xi32>, vector<16xi32>], vector<16xf32>, vector<16xi1>
    %get3A_1672 = arith.constant 224 : index
    %get3A_1673 = tpu.vector_load %arg4[%get3A_1672] {strides = array<i32>} : memref<512xi32, #tpu.memory_space<vmem>>, vector<16xi32>,
    %sub3A_1674 = arith.constant 744 : i32
    %sub3A_1675 = vector.broadcast %sub3A_1674 : i32 to vector<16xi32>
    %sub3A_1676 = arith.subi %get3A_1673, %sub3A_1675 : vector<16xi32>
    %add3A_1677 = arith.constant 96 : i32
    %add3A_1678 = vector.broadcast %add3A_1677 : i32 to vector<16xi32>
    %add3A_1679 = arith.addi %iota3A, %add3A_1678 : vector<16xi32>
    %ge3A_1680 = arith.constant 744 : i32
    %ge3A_1681 = vector.broadcast %ge3A_1680 : i32 to vector<16xi32>
    %ge3A_1682 = arith.cmpi sge, %get3A_1673, %ge3A_1681 : vector<16xi32>
    %lt3A_1683 = arith.constant 1000 : i32
    %lt3A_1684 = vector.broadcast %lt3A_1683 : i32 to vector<16xi32>
    %lt3A_1685 = arith.cmpi slt, %get3A_1673, %lt3A_1684 : vector<16xi32>
    %and3A_1686 = arith.andi %ge3A_1682, %lt3A_1685 : vector<16xi1>
    tpu.vector_store_idx %arg6[%sub3A_1676, %add3A_1679], %broadcast_in_dim3A_4 masked %and3A_1686 : memref<256x128xf32, #tpu.memory_space<vmem>>[vector<16xi32>, vector<16xi32>], vector<16xf32>, vector<16xi1>
    %get3A_1687 = arith.constant 240 : index
    %get3A_1688 = tpu.vector_load %arg4[%get3A_1687] {strides = array<i32>} : memref<512xi32, #tpu.memory_space<vmem>>, vector<16xi32>,
    %sub3A_1689 = arith.constant 744 : i32
    %sub3A_1690 = vector.broadcast %sub3A_1689 : i32 to vector<16xi32>
    %sub3A_1691 = arith.subi %get3A_1688, %sub3A_1690 : vector<16xi32>
    %add3A_1692 = arith.constant 112 : i32
    %add3A_1693 = vector.broadcast %add3A_1692 : i32 to vector<16xi32>
    %add3A_1694 = arith.addi %iota3A, %add3A_1693 : vector<16xi32>
    %ge3A_1695 = arith.constant 744 : i32
    %ge3A_1696 = vector.broadcast %ge3A_1695 : i32 to vector<16xi32>
    %ge3A_1697 = arith.cmpi sge, %get3A_1688, %ge3A_1696 : vector<16xi32>
    %lt3A_1698 = arith.constant 1000 : i32
    %lt3A_1699 = vector.broadcast %lt3A_1698 : i32 to vector<16xi32>
    %lt3A_1700 = arith.cmpi slt, %get3A_1688, %lt3A_1699 : vector<16xi32>
    %and3A_1701 = arith.andi %ge3A_1697, %lt3A_1700 : vector<16xi1>
    tpu.vector_store_idx %arg6[%sub3A_1691, %add3A_1694], %broadcast_in_dim3A_4 masked %and3A_1701 : memref<256x128xf32, #tpu.memory_space<vmem>>[vector<16xi32>, vector<16xi32>], vector<16xf32>, vector<16xi1>
    %add3A_1702 = arith.constant 128 : i32
    %add3A_1703 = arith.addi %mul3A_2, %add3A_1702 : i32
    %dma_start3A_1704 = arith.constant 744 : i32
    %dma_start3A_1705 = tpu.memref_slice %arg3[%dma_start3A_1704, %add3A_1703] : memref<1000x16384xf32, #tpu.memory_space<hbm>> -> memref<256x128xf32, #tpu.memory_space<hbm>>
    %dma_start3A_1706 = arith.constant 744 : i32
    %dma_start3A_1707 = tpu.memref_slice %arg3[%dma_start3A_1706, %add3A_1703] : memref<1000x16384xf32, #tpu.memory_space<hbm>> -> memref<256x128xf32, #tpu.memory_space<hbm>>
    tpu.enqueue_dma source(%arg6 : memref<256x128xf32, #tpu.memory_space<vmem>>) target(%dma_start3A_1707 : memref<256x128xf32, #tpu.memory_space<hbm>>) target_semaphore(%arg9 : memref<!tpu.dma_semaphore, #tpu.memory_space<semaphore_mem>>)
    %dma_wait3A_1708 = arith.constant 0 : i32
    %dma_wait3A_1709 = arith.constant 0 : i32
    %dma_wait3A_1710 = tpu.memref_slice %arg7[%dma_wait3A_1708, %dma_wait3A_1709] : memref<256x128xf32, #tpu.memory_space<vmem>> -> memref<248x128xf32, #tpu.memory_space<vmem>>
    %dma_wait3A_1711 = arith.constant 248 : i32
    %dma_wait3A_1712 = tpu.memref_slice %arg3[%dma_wait3A_1711, %add3A_1185] : memref<1000x16384xf32, #tpu.memory_space<hbm>> -> memref<248x128xf32, #tpu.memory_space<hbm>>
    %dma_wait3A_1713 = arith.constant 248 : i32
    %dma_wait3A_1714 = tpu.memref_slice %arg3[%dma_wait3A_1713, %add3A_1185] : memref<1000x16384xf32, #tpu.memory_space<hbm>> -> memref<248x128xf32, #tpu.memory_space<hbm>>
    %dma_wait3A_1715 = arith.constant 0 : i32
    %dma_wait3A_1716 = arith.constant 0 : i32
    %dma_wait3A_1717 = tpu.memref_slice %arg7[%dma_wait3A_1715, %dma_wait3A_1716] : memref<256x128xf32, #tpu.memory_space<vmem>> -> memref<248x128xf32, #tpu.memory_space<vmem>>
    tpu.wait_dma2 semaphore(%arg10 : memref<!tpu.dma_semaphore, #tpu.memory_space<semaphore_mem>>) src(%dma_wait3A_1717 : memref<248x128xf32, #tpu.memory_space<vmem>>) dst(%dma_wait3A_1714 : memref<248x128xf32, #tpu.memory_space<hbm>>)
    %get3A_1718 = arith.constant 128 : index
    %get3A_1719 = tpu.vector_load %arg4[%get3A_1718] {strides = array<i32>} : memref<512xi32, #tpu.memory_space<vmem>>, vector<16xi32>,
    %sub3A_1720 = arith.constant 248 : i32
    %sub3A_1721 = vector.broadcast %sub3A_1720 : i32 to vector<16xi32>
    %sub3A_1722 = arith.subi %get3A_1719, %sub3A_1721 : vector<16xi32>
    %add3A_1723 = arith.constant 0 : i32
    %add3A_1724 = vector.broadcast %add3A_1723 : i32 to vector<16xi32>
    %add3A_1725 = arith.addi %iota3A, %add3A_1724 : vector<16xi32>
    %ge3A_1726 = arith.constant 248 : i32
    %ge3A_1727 = vector.broadcast %ge3A_1726 : i32 to vector<16xi32>
    %ge3A_1728 = arith.cmpi sge, %get3A_1719, %ge3A_1727 : vector<16xi32>
    %lt3A_1729 = arith.constant 496 : i32
    %lt3A_1730 = vector.broadcast %lt3A_1729 : i32 to vector<16xi32>
    %lt3A_1731 = arith.cmpi slt, %get3A_1719, %lt3A_1730 : vector<16xi32>
    %and3A_1732 = arith.andi %ge3A_1728, %lt3A_1731 : vector<16xi1>
    tpu.vector_store_idx %arg7[%sub3A_1722, %add3A_1725], %broadcast_in_dim3A_6 masked %and3A_1732 : memref<256x128xf32, #tpu.memory_space<vmem>>[vector<16xi32>, vector<16xi32>], vector<16xf32>, vector<16xi1>
    %get3A_1733 = arith.constant 144 : index
    %get3A_1734 = tpu.vector_load %arg4[%get3A_1733] {strides = array<i32>} : memref<512xi32, #tpu.memory_space<vmem>>, vector<16xi32>,
    %sub3A_1735 = arith.constant 248 : i32
    %sub3A_1736 = vector.broadcast %sub3A_1735 : i32 to vector<16xi32>
    %sub3A_1737 = arith.subi %get3A_1734, %sub3A_1736 : vector<16xi32>
    %add3A_1738 = arith.constant 16 : i32
    %add3A_1739 = vector.broadcast %add3A_1738 : i32 to vector<16xi32>
    %add3A_1740 = arith.addi %iota3A, %add3A_1739 : vector<16xi32>
    %ge3A_1741 = arith.constant 248 : i32
    %ge3A_1742 = vector.broadcast %ge3A_1741 : i32 to vector<16xi32>
    %ge3A_1743 = arith.cmpi sge, %get3A_1734, %ge3A_1742 : vector<16xi32>
    %lt3A_1744 = arith.constant 496 : i32
    %lt3A_1745 = vector.broadcast %lt3A_1744 : i32 to vector<16xi32>
    %lt3A_1746 = arith.cmpi slt, %get3A_1734, %lt3A_1745 : vector<16xi32>
    %and3A_1747 = arith.andi %ge3A_1743, %lt3A_1746 : vector<16xi1>
    tpu.vector_store_idx %arg7[%sub3A_1737, %add3A_1740], %broadcast_in_dim3A_6 masked %and3A_1747 : memref<256x128xf32, #tpu.memory_space<vmem>>[vector<16xi32>, vector<16xi32>], vector<16xf32>, vector<16xi1>
    %get3A_1748 = arith.constant 160 : index
    %get3A_1749 = tpu.vector_load %arg4[%get3A_1748] {strides = array<i32>} : memref<512xi32, #tpu.memory_space<vmem>>, vector<16xi32>,
    %sub3A_1750 = arith.constant 248 : i32
    %sub3A_1751 = vector.broadcast %sub3A_1750 : i32 to vector<16xi32>
    %sub3A_1752 = arith.subi %get3A_1749, %sub3A_1751 : vector<16xi32>
    %add3A_1753 = arith.constant 32 : i32
    %add3A_1754 = vector.broadcast %add3A_1753 : i32 to vector<16xi32>
    %add3A_1755 = arith.addi %iota3A, %add3A_1754 : vector<16xi32>
    %ge3A_1756 = arith.constant 248 : i32
    %ge3A_1757 = vector.broadcast %ge3A_1756 : i32 to vector<16xi32>
    %ge3A_1758 = arith.cmpi sge, %get3A_1749, %ge3A_1757 : vector<16xi32>
    %lt3A_1759 = arith.constant 496 : i32
    %lt3A_1760 = vector.broadcast %lt3A_1759 : i32 to vector<16xi32>
    %lt3A_1761 = arith.cmpi slt, %get3A_1749, %lt3A_1760 : vector<16xi32>
    %and3A_1762 = arith.andi %ge3A_1758, %lt3A_1761 : vector<16xi1>
    tpu.vector_store_idx %arg7[%sub3A_1752, %add3A_1755], %broadcast_in_dim3A_6 masked %and3A_1762 : memref<256x128xf32, #tpu.memory_space<vmem>>[vector<16xi32>, vector<16xi32>], vector<16xf32>, vector<16xi1>
    %get3A_1763 = arith.constant 176 : index
    %get3A_1764 = tpu.vector_load %arg4[%get3A_1763] {strides = array<i32>} : memref<512xi32, #tpu.memory_space<vmem>>, vector<16xi32>,
    %sub3A_1765 = arith.constant 248 : i32
    %sub3A_1766 = vector.broadcast %sub3A_1765 : i32 to vector<16xi32>
    %sub3A_1767 = arith.subi %get3A_1764, %sub3A_1766 : vector<16xi32>
    %add3A_1768 = arith.constant 48 : i32
    %add3A_1769 = vector.broadcast %add3A_1768 : i32 to vector<16xi32>
    %add3A_1770 = arith.addi %iota3A, %add3A_1769 : vector<16xi32>
    %ge3A_1771 = arith.constant 248 : i32
    %ge3A_1772 = vector.broadcast %ge3A_1771 : i32 to vector<16xi32>
    %ge3A_1773 = arith.cmpi sge, %get3A_1764, %ge3A_1772 : vector<16xi32>
    %lt3A_1774 = arith.constant 496 : i32
    %lt3A_1775 = vector.broadcast %lt3A_1774 : i32 to vector<16xi32>
    %lt3A_1776 = arith.cmpi slt, %get3A_1764, %lt3A_1775 : vector<16xi32>
    %and3A_1777 = arith.andi %ge3A_1773, %lt3A_1776 : vector<16xi1>
    tpu.vector_store_idx %arg7[%sub3A_1767, %add3A_1770], %broadcast_in_dim3A_6 masked %and3A_1777 : memref<256x128xf32, #tpu.memory_space<vmem>>[vector<16xi32>, vector<16xi32>], vector<16xf32>, vector<16xi1>
    %get3A_1778 = arith.constant 192 : index
    %get3A_1779 = tpu.vector_load %arg4[%get3A_1778] {strides = array<i32>} : memref<512xi32, #tpu.memory_space<vmem>>, vector<16xi32>,
    %sub3A_1780 = arith.constant 248 : i32
    %sub3A_1781 = vector.broadcast %sub3A_1780 : i32 to vector<16xi32>
    %sub3A_1782 = arith.subi %get3A_1779, %sub3A_1781 : vector<16xi32>
    %add3A_1783 = arith.constant 64 : i32
    %add3A_1784 = vector.broadcast %add3A_1783 : i32 to vector<16xi32>
    %add3A_1785 = arith.addi %iota3A, %add3A_1784 : vector<16xi32>
    %ge3A_1786 = arith.constant 248 : i32
    %ge3A_1787 = vector.broadcast %ge3A_1786 : i32 to vector<16xi32>
    %ge3A_1788 = arith.cmpi sge, %get3A_1779, %ge3A_1787 : vector<16xi32>
    %lt3A_1789 = arith.constant 496 : i32
    %lt3A_1790 = vector.broadcast %lt3A_1789 : i32 to vector<16xi32>
    %lt3A_1791 = arith.cmpi slt, %get3A_1779, %lt3A_1790 : vector<16xi32>
    %and3A_1792 = arith.andi %ge3A_1788, %lt3A_1791 : vector<16xi1>
    tpu.vector_store_idx %arg7[%sub3A_1782, %add3A_1785], %broadcast_in_dim3A_6 masked %and3A_1792 : memref<256x128xf32, #tpu.memory_space<vmem>>[vector<16xi32>, vector<16xi32>], vector<16xf32>, vector<16xi1>
    %get3A_1793 = arith.constant 208 : index
    %get3A_1794 = tpu.vector_load %arg4[%get3A_1793] {strides = array<i32>} : memref<512xi32, #tpu.memory_space<vmem>>, vector<16xi32>,
    %sub3A_1795 = arith.constant 248 : i32
    %sub3A_1796 = vector.broadcast %sub3A_1795 : i32 to vector<16xi32>
    %sub3A_1797 = arith.subi %get3A_1794, %sub3A_1796 : vector<16xi32>
    %add3A_1798 = arith.constant 80 : i32
    %add3A_1799 = vector.broadcast %add3A_1798 : i32 to vector<16xi32>
    %add3A_1800 = arith.addi %iota3A, %add3A_1799 : vector<16xi32>
    %ge3A_1801 = arith.constant 248 : i32
    %ge3A_1802 = vector.broadcast %ge3A_1801 : i32 to vector<16xi32>
    %ge3A_1803 = arith.cmpi sge, %get3A_1794, %ge3A_1802 : vector<16xi32>
    %lt3A_1804 = arith.constant 496 : i32
    %lt3A_1805 = vector.broadcast %lt3A_1804 : i32 to vector<16xi32>
    %lt3A_1806 = arith.cmpi slt, %get3A_1794, %lt3A_1805 : vector<16xi32>
    %and3A_1807 = arith.andi %ge3A_1803, %lt3A_1806 : vector<16xi1>
    tpu.vector_store_idx %arg7[%sub3A_1797, %add3A_1800], %broadcast_in_dim3A_6 masked %and3A_1807 : memref<256x128xf32, #tpu.memory_space<vmem>>[vector<16xi32>, vector<16xi32>], vector<16xf32>, vector<16xi1>
    %get3A_1808 = arith.constant 224 : index
    %get3A_1809 = tpu.vector_load %arg4[%get3A_1808] {strides = array<i32>} : memref<512xi32, #tpu.memory_space<vmem>>, vector<16xi32>,
    %sub3A_1810 = arith.constant 248 : i32
    %sub3A_1811 = vector.broadcast %sub3A_1810 : i32 to vector<16xi32>
    %sub3A_1812 = arith.subi %get3A_1809, %sub3A_1811 : vector<16xi32>
    %add3A_1813 = arith.constant 96 : i32
    %add3A_1814 = vector.broadcast %add3A_1813 : i32 to vector<16xi32>
    %add3A_1815 = arith.addi %iota3A, %add3A_1814 : vector<16xi32>
    %ge3A_1816 = arith.constant 248 : i32
    %ge3A_1817 = vector.broadcast %ge3A_1816 : i32 to vector<16xi32>
    %ge3A_1818 = arith.cmpi sge, %get3A_1809, %ge3A_1817 : vector<16xi32>
    %lt3A_1819 = arith.constant 496 : i32
    %lt3A_1820 = vector.broadcast %lt3A_1819 : i32 to vector<16xi32>
    %lt3A_1821 = arith.cmpi slt, %get3A_1809, %lt3A_1820 : vector<16xi32>
    %and3A_1822 = arith.andi %ge3A_1818, %lt3A_1821 : vector<16xi1>
    tpu.vector_store_idx %arg7[%sub3A_1812, %add3A_1815], %broadcast_in_dim3A_6 masked %and3A_1822 : memref<256x128xf32, #tpu.memory_space<vmem>>[vector<16xi32>, vector<16xi32>], vector<16xf32>, vector<16xi1>
    %get3A_1823 = arith.constant 240 : index
    %get3A_1824 = tpu.vector_load %arg4[%get3A_1823] {strides = array<i32>} : memref<512xi32, #tpu.memory_space<vmem>>, vector<16xi32>,
    %sub3A_1825 = arith.constant 248 : i32
    %sub3A_1826 = vector.broadcast %sub3A_1825 : i32 to vector<16xi32>
    %sub3A_1827 = arith.subi %get3A_1824, %sub3A_1826 : vector<16xi32>
    %add3A_1828 = arith.constant 112 : i32
    %add3A_1829 = vector.broadcast %add3A_1828 : i32 to vector<16xi32>
    %add3A_1830 = arith.addi %iota3A, %add3A_1829 : vector<16xi32>
    %ge3A_1831 = arith.constant 248 : i32
    %ge3A_1832 = vector.broadcast %ge3A_1831 : i32 to vector<16xi32>
    %ge3A_1833 = arith.cmpi sge, %get3A_1824, %ge3A_1832 : vector<16xi32>
    %lt3A_1834 = arith.constant 496 : i32
    %lt3A_1835 = vector.broadcast %lt3A_1834 : i32 to vector<16xi32>
    %lt3A_1836 = arith.cmpi slt, %get3A_1824, %lt3A_1835 : vector<16xi32>
    %and3A_1837 = arith.andi %ge3A_1833, %lt3A_1836 : vector<16xi1>
    tpu.vector_store_idx %arg7[%sub3A_1827, %add3A_1830], %broadcast_in_dim3A_6 masked %and3A_1837 : memref<256x128xf32, #tpu.memory_space<vmem>>[vector<16xi32>, vector<16xi32>], vector<16xf32>, vector<16xi1>
    %get3A_1838 = arith.constant 256 : index
    %get3A_1839 = tpu.vector_load %arg4[%get3A_1838] {strides = array<i32>} : memref<512xi32, #tpu.memory_space<vmem>>, vector<16xi32>,
    %sub3A_1840 = arith.constant 0 : i32
    %sub3A_1841 = vector.broadcast %sub3A_1840 : i32 to vector<16xi32>
    %sub3A_1842 = arith.subi %get3A_1839, %sub3A_1841 : vector<16xi32>
    %add3A_1843 = arith.constant 0 : i32
    %add3A_1844 = vector.broadcast %add3A_1843 : i32 to vector<16xi32>
    %add3A_1845 = arith.addi %iota3A, %add3A_1844 : vector<16xi32>
    %ge3A_1846 = arith.constant 0 : i32
    %ge3A_1847 = vector.broadcast %ge3A_1846 : i32 to vector<16xi32>
    %ge3A_1848 = arith.cmpi sge, %get3A_1839, %ge3A_1847 : vector<16xi32>
    %lt3A_1849 = arith.constant 248 : i32
    %lt3A_1850 = vector.broadcast %lt3A_1849 : i32 to vector<16xi32>
    %lt3A_1851 = arith.cmpi slt, %get3A_1839, %lt3A_1850 : vector<16xi32>
    %and3A_1852 = arith.andi %ge3A_1848, %lt3A_1851 : vector<16xi1>
    tpu.vector_store_idx %arg7[%sub3A_1842, %add3A_1845], %broadcast_in_dim3A_4 masked %and3A_1852 : memref<256x128xf32, #tpu.memory_space<vmem>>[vector<16xi32>, vector<16xi32>], vector<16xf32>, vector<16xi1>
    %get3A_1853 = arith.constant 272 : index
    %get3A_1854 = tpu.vector_load %arg4[%get3A_1853] {strides = array<i32>} : memref<512xi32, #tpu.memory_space<vmem>>, vector<16xi32>,
    %sub3A_1855 = arith.constant 0 : i32
    %sub3A_1856 = vector.broadcast %sub3A_1855 : i32 to vector<16xi32>
    %sub3A_1857 = arith.subi %get3A_1854, %sub3A_1856 : vector<16xi32>
    %add3A_1858 = arith.constant 16 : i32
    %add3A_1859 = vector.broadcast %add3A_1858 : i32 to vector<16xi32>
    %add3A_1860 = arith.addi %iota3A, %add3A_1859 : vector<16xi32>
    %ge3A_1861 = arith.constant 0 : i32
    %ge3A_1862 = vector.broadcast %ge3A_1861 : i32 to vector<16xi32>
    %ge3A_1863 = arith.cmpi sge, %get3A_1854, %ge3A_1862 : vector<16xi32>
    %lt3A_1864 = arith.constant 248 : i32
    %lt3A_1865 = vector.broadcast %lt3A_1864 : i32 to vector<16xi32>
    %lt3A_1866 = arith.cmpi slt, %get3A_1854, %lt3A_1865 : vector<16xi32>
    %and3A_1867 = arith.andi %ge3A_1863, %lt3A_1866 : vector<16xi1>
    tpu.vector_store_idx %arg7[%sub3A_1857, %add3A_1860], %broadcast_in_dim3A_4 masked %and3A_1867 : memref<256x128xf32, #tpu.memory_space<vmem>>[vector<16xi32>, vector<16xi32>], vector<16xf32>, vector<16xi1>
    %get3A_1868 = arith.constant 288 : index
    %get3A_1869 = tpu.vector_load %arg4[%get3A_1868] {strides = array<i32>} : memref<512xi32, #tpu.memory_space<vmem>>, vector<16xi32>,
    %sub3A_1870 = arith.constant 0 : i32
    %sub3A_1871 = vector.broadcast %sub3A_1870 : i32 to vector<16xi32>
    %sub3A_1872 = arith.subi %get3A_1869, %sub3A_1871 : vector<16xi32>
    %add3A_1873 = arith.constant 32 : i32
    %add3A_1874 = vector.broadcast %add3A_1873 : i32 to vector<16xi32>
    %add3A_1875 = arith.addi %iota3A, %add3A_1874 : vector<16xi32>
    %ge3A_1876 = arith.constant 0 : i32
    %ge3A_1877 = vector.broadcast %ge3A_1876 : i32 to vector<16xi32>
    %ge3A_1878 = arith.cmpi sge, %get3A_1869, %ge3A_1877 : vector<16xi32>
    %lt3A_1879 = arith.constant 248 : i32
    %lt3A_1880 = vector.broadcast %lt3A_1879 : i32 to vector<16xi32>
    %lt3A_1881 = arith.cmpi slt, %get3A_1869, %lt3A_1880 : vector<16xi32>
    %and3A_1882 = arith.andi %ge3A_1878, %lt3A_1881 : vector<16xi1>
    tpu.vector_store_idx %arg7[%sub3A_1872, %add3A_1875], %broadcast_in_dim3A_4 masked %and3A_1882 : memref<256x128xf32, #tpu.memory_space<vmem>>[vector<16xi32>, vector<16xi32>], vector<16xf32>, vector<16xi1>
    %get3A_1883 = arith.constant 304 : index
    %get3A_1884 = tpu.vector_load %arg4[%get3A_1883] {strides = array<i32>} : memref<512xi32, #tpu.memory_space<vmem>>, vector<16xi32>,
    %sub3A_1885 = arith.constant 0 : i32
    %sub3A_1886 = vector.broadcast %sub3A_1885 : i32 to vector<16xi32>
    %sub3A_1887 = arith.subi %get3A_1884, %sub3A_1886 : vector<16xi32>
    %add3A_1888 = arith.constant 48 : i32
    %add3A_1889 = vector.broadcast %add3A_1888 : i32 to vector<16xi32>
    %add3A_1890 = arith.addi %iota3A, %add3A_1889 : vector<16xi32>
    %ge3A_1891 = arith.constant 0 : i32
    %ge3A_1892 = vector.broadcast %ge3A_1891 : i32 to vector<16xi32>
    %ge3A_1893 = arith.cmpi sge, %get3A_1884, %ge3A_1892 : vector<16xi32>
    %lt3A_1894 = arith.constant 248 : i32
    %lt3A_1895 = vector.broadcast %lt3A_1894 : i32 to vector<16xi32>
    %lt3A_1896 = arith.cmpi slt, %get3A_1884, %lt3A_1895 : vector<16xi32>
    %and3A_1897 = arith.andi %ge3A_1893, %lt3A_1896 : vector<16xi1>
    tpu.vector_store_idx %arg7[%sub3A_1887, %add3A_1890], %broadcast_in_dim3A_4 masked %and3A_1897 : memref<256x128xf32, #tpu.memory_space<vmem>>[vector<16xi32>, vector<16xi32>], vector<16xf32>, vector<16xi1>
    %get3A_1898 = arith.constant 320 : index
    %get3A_1899 = tpu.vector_load %arg4[%get3A_1898] {strides = array<i32>} : memref<512xi32, #tpu.memory_space<vmem>>, vector<16xi32>,
    %sub3A_1900 = arith.constant 0 : i32
    %sub3A_1901 = vector.broadcast %sub3A_1900 : i32 to vector<16xi32>
    %sub3A_1902 = arith.subi %get3A_1899, %sub3A_1901 : vector<16xi32>
    %add3A_1903 = arith.constant 64 : i32
    %add3A_1904 = vector.broadcast %add3A_1903 : i32 to vector<16xi32>
    %add3A_1905 = arith.addi %iota3A, %add3A_1904 : vector<16xi32>
    %ge3A_1906 = arith.constant 0 : i32
    %ge3A_1907 = vector.broadcast %ge3A_1906 : i32 to vector<16xi32>
    %ge3A_1908 = arith.cmpi sge, %get3A_1899, %ge3A_1907 : vector<16xi32>
    %lt3A_1909 = arith.constant 248 : i32
    %lt3A_1910 = vector.broadcast %lt3A_1909 : i32 to vector<16xi32>
    %lt3A_1911 = arith.cmpi slt, %get3A_1899, %lt3A_1910 : vector<16xi32>
    %and3A_1912 = arith.andi %ge3A_1908, %lt3A_1911 : vector<16xi1>
    tpu.vector_store_idx %arg7[%sub3A_1902, %add3A_1905], %broadcast_in_dim3A_4 masked %and3A_1912 : memref<256x128xf32, #tpu.memory_space<vmem>>[vector<16xi32>, vector<16xi32>], vector<16xf32>, vector<16xi1>
    %get3A_1913 = arith.constant 336 : index
    %get3A_1914 = tpu.vector_load %arg4[%get3A_1913] {strides = array<i32>} : memref<512xi32, #tpu.memory_space<vmem>>, vector<16xi32>,
    %sub3A_1915 = arith.constant 0 : i32
    %sub3A_1916 = vector.broadcast %sub3A_1915 : i32 to vector<16xi32>
    %sub3A_1917 = arith.subi %get3A_1914, %sub3A_1916 : vector<16xi32>
    %add3A_1918 = arith.constant 80 : i32
    %add3A_1919 = vector.broadcast %add3A_1918 : i32 to vector<16xi32>
    %add3A_1920 = arith.addi %iota3A, %add3A_1919 : vector<16xi32>
    %ge3A_1921 = arith.constant 0 : i32
    %ge3A_1922 = vector.broadcast %ge3A_1921 : i32 to vector<16xi32>
    %ge3A_1923 = arith.cmpi sge, %get3A_1914, %ge3A_1922 : vector<16xi32>
    %lt3A_1924 = arith.constant 248 : i32
    %lt3A_1925 = vector.broadcast %lt3A_1924 : i32 to vector<16xi32>
    %lt3A_1926 = arith.cmpi slt, %get3A_1914, %lt3A_1925 : vector<16xi32>
    %and3A_1927 = arith.andi %ge3A_1923, %lt3A_1926 : vector<16xi1>
    tpu.vector_store_idx %arg7[%sub3A_1917, %add3A_1920], %broadcast_in_dim3A_4 masked %and3A_1927 : memref<256x128xf32, #tpu.memory_space<vmem>>[vector<16xi32>, vector<16xi32>], vector<16xf32>, vector<16xi1>
    %get3A_1928 = arith.constant 352 : index
    %get3A_1929 = tpu.vector_load %arg4[%get3A_1928] {strides = array<i32>} : memref<512xi32, #tpu.memory_space<vmem>>, vector<16xi32>,
    %sub3A_1930 = arith.constant 0 : i32
    %sub3A_1931 = vector.broadcast %sub3A_1930 : i32 to vector<16xi32>
    %sub3A_1932 = arith.subi %get3A_1929, %sub3A_1931 : vector<16xi32>
    %add3A_1933 = arith.constant 96 : i32
    %add3A_1934 = vector.broadcast %add3A_1933 : i32 to vector<16xi32>
    %add3A_1935 = arith.addi %iota3A, %add3A_1934 : vector<16xi32>
    %ge3A_1936 = arith.constant 0 : i32
    %ge3A_1937 = vector.broadcast %ge3A_1936 : i32 to vector<16xi32>
    %ge3A_1938 = arith.cmpi sge, %get3A_1929, %ge3A_1937 : vector<16xi32>
    %lt3A_1939 = arith.constant 248 : i32
    %lt3A_1940 = vector.broadcast %lt3A_1939 : i32 to vector<16xi32>
    %lt3A_1941 = arith.cmpi slt, %get3A_1929, %lt3A_1940 : vector<16xi32>
    %and3A_1942 = arith.andi %ge3A_1938, %lt3A_1941 : vector<16xi1>
    tpu.vector_store_idx %arg7[%sub3A_1932, %add3A_1935], %broadcast_in_dim3A_4 masked %and3A_1942 : memref<256x128xf32, #tpu.memory_space<vmem>>[vector<16xi32>, vector<16xi32>], vector<16xf32>, vector<16xi1>
    %get3A_1943 = arith.constant 368 : index
    %get3A_1944 = tpu.vector_load %arg4[%get3A_1943] {strides = array<i32>} : memref<512xi32, #tpu.memory_space<vmem>>, vector<16xi32>,
    %sub3A_1945 = arith.constant 0 : i32
    %sub3A_1946 = vector.broadcast %sub3A_1945 : i32 to vector<16xi32>
    %sub3A_1947 = arith.subi %get3A_1944, %sub3A_1946 : vector<16xi32>
    %add3A_1948 = arith.constant 112 : i32
    %add3A_1949 = vector.broadcast %add3A_1948 : i32 to vector<16xi32>
    %add3A_1950 = arith.addi %iota3A, %add3A_1949 : vector<16xi32>
    %ge3A_1951 = arith.constant 0 : i32
    %ge3A_1952 = vector.broadcast %ge3A_1951 : i32 to vector<16xi32>
    %ge3A_1953 = arith.cmpi sge, %get3A_1944, %ge3A_1952 : vector<16xi32>
    %lt3A_1954 = arith.constant 248 : i32
    %lt3A_1955 = vector.broadcast %lt3A_1954 : i32 to vector<16xi32>
    %lt3A_1956 = arith.cmpi slt, %get3A_1944, %lt3A_1955 : vector<16xi32>
    %and3A_1957 = arith.andi %ge3A_1953, %lt3A_1956 : vector<16xi1>
    tpu.vector_store_idx %arg7[%sub3A_1947, %add3A_1950], %broadcast_in_dim3A_4 masked %and3A_1957 : memref<256x128xf32, #tpu.memory_space<vmem>>[vector<16xi32>, vector<16xi32>], vector<16xf32>, vector<16xi1>
    %add3A_1958 = arith.constant 256 : i32
    %add3A_1959 = arith.addi %mul3A_2, %add3A_1958 : i32
    %dma_start3A_1960 = arith.constant 0 : i32
    %dma_start3A_1961 = arith.constant 0 : i32
    %dma_start3A_1962 = tpu.memref_slice %arg7[%dma_start3A_1960, %dma_start3A_1961] : memref<256x128xf32, #tpu.memory_space<vmem>> -> memref<248x128xf32, #tpu.memory_space<vmem>>
    %dma_start3A_1963 = arith.constant 0 : i32
    %dma_start3A_1964 = tpu.memref_slice %arg3[%dma_start3A_1963, %add3A_1959] : memref<1000x16384xf32, #tpu.memory_space<hbm>> -> memref<248x128xf32, #tpu.memory_space<hbm>>
    %dma_start3A_1965 = arith.constant 0 : i32
    %dma_start3A_1966 = tpu.memref_slice %arg3[%dma_start3A_1965, %add3A_1959] : memref<1000x16384xf32, #tpu.memory_space<hbm>> -> memref<248x128xf32, #tpu.memory_space<hbm>>
    %dma_start3A_1967 = arith.constant 0 : i32
    %dma_start3A_1968 = arith.constant 0 : i32
    %dma_start3A_1969 = tpu.memref_slice %arg7[%dma_start3A_1967, %dma_start3A_1968] : memref<256x128xf32, #tpu.memory_space<vmem>> -> memref<248x128xf32, #tpu.memory_space<vmem>>
    tpu.enqueue_dma source(%dma_start3A_1969 : memref<248x128xf32, #tpu.memory_space<vmem>>) target(%dma_start3A_1966 : memref<248x128xf32, #tpu.memory_space<hbm>>) target_semaphore(%arg10 : memref<!tpu.dma_semaphore, #tpu.memory_space<semaphore_mem>>)
    %dma_wait3A_1970 = arith.constant 0 : i32
    %dma_wait3A_1971 = arith.constant 0 : i32
    %dma_wait3A_1972 = tpu.memref_slice %arg5[%dma_wait3A_1970, %dma_wait3A_1971] : memref<256x128xf32, #tpu.memory_space<vmem>> -> memref<248x128xf32, #tpu.memory_space<vmem>>
    %dma_wait3A_1973 = arith.constant 496 : i32
    %dma_wait3A_1974 = tpu.memref_slice %arg3[%dma_wait3A_1973, %add3A_1441] : memref<1000x16384xf32, #tpu.memory_space<hbm>> -> memref<248x128xf32, #tpu.memory_space<hbm>>
    %dma_wait3A_1975 = arith.constant 496 : i32
    %dma_wait3A_1976 = tpu.memref_slice %arg3[%dma_wait3A_1975, %add3A_1441] : memref<1000x16384xf32, #tpu.memory_space<hbm>> -> memref<248x128xf32, #tpu.memory_space<hbm>>
    %dma_wait3A_1977 = arith.constant 0 : i32
    %dma_wait3A_1978 = arith.constant 0 : i32
    %dma_wait3A_1979 = tpu.memref_slice %arg5[%dma_wait3A_1977, %dma_wait3A_1978] : memref<256x128xf32, #tpu.memory_space<vmem>> -> memref<248x128xf32, #tpu.memory_space<vmem>>
    tpu.wait_dma2 semaphore(%arg8 : memref<!tpu.dma_semaphore, #tpu.memory_space<semaphore_mem>>) src(%dma_wait3A_1979 : memref<248x128xf32, #tpu.memory_space<vmem>>) dst(%dma_wait3A_1976 : memref<248x128xf32, #tpu.memory_space<hbm>>)
    %get3A_1980 = arith.constant 128 : index
    %get3A_1981 = tpu.vector_load %arg4[%get3A_1980] {strides = array<i32>} : memref<512xi32, #tpu.memory_space<vmem>>, vector<16xi32>,
    %sub3A_1982 = arith.constant 496 : i32
    %sub3A_1983 = vector.broadcast %sub3A_1982 : i32 to vector<16xi32>
    %sub3A_1984 = arith.subi %get3A_1981, %sub3A_1983 : vector<16xi32>
    %add3A_1985 = arith.constant 0 : i32
    %add3A_1986 = vector.broadcast %add3A_1985 : i32 to vector<16xi32>
    %add3A_1987 = arith.addi %iota3A, %add3A_1986 : vector<16xi32>
    %ge3A_1988 = arith.constant 496 : i32
    %ge3A_1989 = vector.broadcast %ge3A_1988 : i32 to vector<16xi32>
    %ge3A_1990 = arith.cmpi sge, %get3A_1981, %ge3A_1989 : vector<16xi32>
    %lt3A_1991 = arith.constant 744 : i32
    %lt3A_1992 = vector.broadcast %lt3A_1991 : i32 to vector<16xi32>
    %lt3A_1993 = arith.cmpi slt, %get3A_1981, %lt3A_1992 : vector<16xi32>
    %and3A_1994 = arith.andi %ge3A_1990, %lt3A_1993 : vector<16xi1>
    tpu.vector_store_idx %arg5[%sub3A_1984, %add3A_1987], %broadcast_in_dim3A_6 masked %and3A_1994 : memref<256x128xf32, #tpu.memory_space<vmem>>[vector<16xi32>, vector<16xi32>], vector<16xf32>, vector<16xi1>
    %get3A_1995 = arith.constant 144 : index
    %get3A_1996 = tpu.vector_load %arg4[%get3A_1995] {strides = array<i32>} : memref<512xi32, #tpu.memory_space<vmem>>, vector<16xi32>,
    %sub3A_1997 = arith.constant 496 : i32
    %sub3A_1998 = vector.broadcast %sub3A_1997 : i32 to vector<16xi32>
    %sub3A_1999 = arith.subi %get3A_1996, %sub3A_1998 : vector<16xi32>
    %add3A_2000 = arith.constant 16 : i32
    %add3A_2001 = vector.broadcast %add3A_2000 : i32 to vector<16xi32>
    %add3A_2002 = arith.addi %iota3A, %add3A_2001 : vector<16xi32>
    %ge3A_2003 = arith.constant 496 : i32
    %ge3A_2004 = vector.broadcast %ge3A_2003 : i32 to vector<16xi32>
    %ge3A_2005 = arith.cmpi sge, %get3A_1996, %ge3A_2004 : vector<16xi32>
    %lt3A_2006 = arith.constant 744 : i32
    %lt3A_2007 = vector.broadcast %lt3A_2006 : i32 to vector<16xi32>
    %lt3A_2008 = arith.cmpi slt, %get3A_1996, %lt3A_2007 : vector<16xi32>
    %and3A_2009 = arith.andi %ge3A_2005, %lt3A_2008 : vector<16xi1>
    tpu.vector_store_idx %arg5[%sub3A_1999, %add3A_2002], %broadcast_in_dim3A_6 masked %and3A_2009 : memref<256x128xf32, #tpu.memory_space<vmem>>[vector<16xi32>, vector<16xi32>], vector<16xf32>, vector<16xi1>
    %get3A_2010 = arith.constant 160 : index
    %get3A_2011 = tpu.vector_load %arg4[%get3A_2010] {strides = array<i32>} : memref<512xi32, #tpu.memory_space<vmem>>, vector<16xi32>,
    %sub3A_2012 = arith.constant 496 : i32
    %sub3A_2013 = vector.broadcast %sub3A_2012 : i32 to vector<16xi32>
    %sub3A_2014 = arith.subi %get3A_2011, %sub3A_2013 : vector<16xi32>
    %add3A_2015 = arith.constant 32 : i32
    %add3A_2016 = vector.broadcast %add3A_2015 : i32 to vector<16xi32>
    %add3A_2017 = arith.addi %iota3A, %add3A_2016 : vector<16xi32>
    %ge3A_2018 = arith.constant 496 : i32
    %ge3A_2019 = vector.broadcast %ge3A_2018 : i32 to vector<16xi32>
    %ge3A_2020 = arith.cmpi sge, %get3A_2011, %ge3A_2019 : vector<16xi32>
    %lt3A_2021 = arith.constant 744 : i32
    %lt3A_2022 = vector.broadcast %lt3A_2021 : i32 to vector<16xi32>
    %lt3A_2023 = arith.cmpi slt, %get3A_2011, %lt3A_2022 : vector<16xi32>
    %and3A_2024 = arith.andi %ge3A_2020, %lt3A_2023 : vector<16xi1>
    tpu.vector_store_idx %arg5[%sub3A_2014, %add3A_2017], %broadcast_in_dim3A_6 masked %and3A_2024 : memref<256x128xf32, #tpu.memory_space<vmem>>[vector<16xi32>, vector<16xi32>], vector<16xf32>, vector<16xi1>
    %get3A_2025 = arith.constant 176 : index
    %get3A_2026 = tpu.vector_load %arg4[%get3A_2025] {strides = array<i32>} : memref<512xi32, #tpu.memory_space<vmem>>, vector<16xi32>,
    %sub3A_2027 = arith.constant 496 : i32
    %sub3A_2028 = vector.broadcast %sub3A_2027 : i32 to vector<16xi32>
    %sub3A_2029 = arith.subi %get3A_2026, %sub3A_2028 : vector<16xi32>
    %add3A_2030 = arith.constant 48 : i32
    %add3A_2031 = vector.broadcast %add3A_2030 : i32 to vector<16xi32>
    %add3A_2032 = arith.addi %iota3A, %add3A_2031 : vector<16xi32>
    %ge3A_2033 = arith.constant 496 : i32
    %ge3A_2034 = vector.broadcast %ge3A_2033 : i32 to vector<16xi32>
    %ge3A_2035 = arith.cmpi sge, %get3A_2026, %ge3A_2034 : vector<16xi32>
    %lt3A_2036 = arith.constant 744 : i32
    %lt3A_2037 = vector.broadcast %lt3A_2036 : i32 to vector<16xi32>
    %lt3A_2038 = arith.cmpi slt, %get3A_2026, %lt3A_2037 : vector<16xi32>
    %and3A_2039 = arith.andi %ge3A_2035, %lt3A_2038 : vector<16xi1>
    tpu.vector_store_idx %arg5[%sub3A_2029, %add3A_2032], %broadcast_in_dim3A_6 masked %and3A_2039 : memref<256x128xf32, #tpu.memory_space<vmem>>[vector<16xi32>, vector<16xi32>], vector<16xf32>, vector<16xi1>
    %get3A_2040 = arith.constant 192 : index
    %get3A_2041 = tpu.vector_load %arg4[%get3A_2040] {strides = array<i32>} : memref<512xi32, #tpu.memory_space<vmem>>, vector<16xi32>,
    %sub3A_2042 = arith.constant 496 : i32
    %sub3A_2043 = vector.broadcast %sub3A_2042 : i32 to vector<16xi32>
    %sub3A_2044 = arith.subi %get3A_2041, %sub3A_2043 : vector<16xi32>
    %add3A_2045 = arith.constant 64 : i32
    %add3A_2046 = vector.broadcast %add3A_2045 : i32 to vector<16xi32>
    %add3A_2047 = arith.addi %iota3A, %add3A_2046 : vector<16xi32>
    %ge3A_2048 = arith.constant 496 : i32
    %ge3A_2049 = vector.broadcast %ge3A_2048 : i32 to vector<16xi32>
    %ge3A_2050 = arith.cmpi sge, %get3A_2041, %ge3A_2049 : vector<16xi32>
    %lt3A_2051 = arith.constant 744 : i32
    %lt3A_2052 = vector.broadcast %lt3A_2051 : i32 to vector<16xi32>
    %lt3A_2053 = arith.cmpi slt, %get3A_2041, %lt3A_2052 : vector<16xi32>
    %and3A_2054 = arith.andi %ge3A_2050, %lt3A_2053 : vector<16xi1>
    tpu.vector_store_idx %arg5[%sub3A_2044, %add3A_2047], %broadcast_in_dim3A_6 masked %and3A_2054 : memref<256x128xf32, #tpu.memory_space<vmem>>[vector<16xi32>, vector<16xi32>], vector<16xf32>, vector<16xi1>
    %get3A_2055 = arith.constant 208 : index
    %get3A_2056 = tpu.vector_load %arg4[%get3A_2055] {strides = array<i32>} : memref<512xi32, #tpu.memory_space<vmem>>, vector<16xi32>,
    %sub3A_2057 = arith.constant 496 : i32
    %sub3A_2058 = vector.broadcast %sub3A_2057 : i32 to vector<16xi32>
    %sub3A_2059 = arith.subi %get3A_2056, %sub3A_2058 : vector<16xi32>
    %add3A_2060 = arith.constant 80 : i32
    %add3A_2061 = vector.broadcast %add3A_2060 : i32 to vector<16xi32>
    %add3A_2062 = arith.addi %iota3A, %add3A_2061 : vector<16xi32>
    %ge3A_2063 = arith.constant 496 : i32
    %ge3A_2064 = vector.broadcast %ge3A_2063 : i32 to vector<16xi32>
    %ge3A_2065 = arith.cmpi sge, %get3A_2056, %ge3A_2064 : vector<16xi32>
    %lt3A_2066 = arith.constant 744 : i32
    %lt3A_2067 = vector.broadcast %lt3A_2066 : i32 to vector<16xi32>
    %lt3A_2068 = arith.cmpi slt, %get3A_2056, %lt3A_2067 : vector<16xi32>
    %and3A_2069 = arith.andi %ge3A_2065, %lt3A_2068 : vector<16xi1>
    tpu.vector_store_idx %arg5[%sub3A_2059, %add3A_2062], %broadcast_in_dim3A_6 masked %and3A_2069 : memref<256x128xf32, #tpu.memory_space<vmem>>[vector<16xi32>, vector<16xi32>], vector<16xf32>, vector<16xi1>
    %get3A_2070 = arith.constant 224 : index
    %get3A_2071 = tpu.vector_load %arg4[%get3A_2070] {strides = array<i32>} : memref<512xi32, #tpu.memory_space<vmem>>, vector<16xi32>,
    %sub3A_2072 = arith.constant 496 : i32
    %sub3A_2073 = vector.broadcast %sub3A_2072 : i32 to vector<16xi32>
    %sub3A_2074 = arith.subi %get3A_2071, %sub3A_2073 : vector<16xi32>
    %add3A_2075 = arith.constant 96 : i32
    %add3A_2076 = vector.broadcast %add3A_2075 : i32 to vector<16xi32>
    %add3A_2077 = arith.addi %iota3A, %add3A_2076 : vector<16xi32>
    %ge3A_2078 = arith.constant 496 : i32
    %ge3A_2079 = vector.broadcast %ge3A_2078 : i32 to vector<16xi32>
    %ge3A_2080 = arith.cmpi sge, %get3A_2071, %ge3A_2079 : vector<16xi32>
    %lt3A_2081 = arith.constant 744 : i32
    %lt3A_2082 = vector.broadcast %lt3A_2081 : i32 to vector<16xi32>
    %lt3A_2083 = arith.cmpi slt, %get3A_2071, %lt3A_2082 : vector<16xi32>
    %and3A_2084 = arith.andi %ge3A_2080, %lt3A_2083 : vector<16xi1>
    tpu.vector_store_idx %arg5[%sub3A_2074, %add3A_2077], %broadcast_in_dim3A_6 masked %and3A_2084 : memref<256x128xf32, #tpu.memory_space<vmem>>[vector<16xi32>, vector<16xi32>], vector<16xf32>, vector<16xi1>
    %get3A_2085 = arith.constant 240 : index
    %get3A_2086 = tpu.vector_load %arg4[%get3A_2085] {strides = array<i32>} : memref<512xi32, #tpu.memory_space<vmem>>, vector<16xi32>,
    %sub3A_2087 = arith.constant 496 : i32
    %sub3A_2088 = vector.broadcast %sub3A_2087 : i32 to vector<16xi32>
    %sub3A_2089 = arith.subi %get3A_2086, %sub3A_2088 : vector<16xi32>
    %add3A_2090 = arith.constant 112 : i32
    %add3A_2091 = vector.broadcast %add3A_2090 : i32 to vector<16xi32>
    %add3A_2092 = arith.addi %iota3A, %add3A_2091 : vector<16xi32>
    %ge3A_2093 = arith.constant 496 : i32
    %ge3A_2094 = vector.broadcast %ge3A_2093 : i32 to vector<16xi32>
    %ge3A_2095 = arith.cmpi sge, %get3A_2086, %ge3A_2094 : vector<16xi32>
    %lt3A_2096 = arith.constant 744 : i32
    %lt3A_2097 = vector.broadcast %lt3A_2096 : i32 to vector<16xi32>
    %lt3A_2098 = arith.cmpi slt, %get3A_2086, %lt3A_2097 : vector<16xi32>
    %and3A_2099 = arith.andi %ge3A_2095, %lt3A_2098 : vector<16xi1>
    tpu.vector_store_idx %arg5[%sub3A_2089, %add3A_2092], %broadcast_in_dim3A_6 masked %and3A_2099 : memref<256x128xf32, #tpu.memory_space<vmem>>[vector<16xi32>, vector<16xi32>], vector<16xf32>, vector<16xi1>
    %get3A_2100 = arith.constant 256 : index
    %get3A_2101 = tpu.vector_load %arg4[%get3A_2100] {strides = array<i32>} : memref<512xi32, #tpu.memory_space<vmem>>, vector<16xi32>,
    %sub3A_2102 = arith.constant 248 : i32
    %sub3A_2103 = vector.broadcast %sub3A_2102 : i32 to vector<16xi32>
    %sub3A_2104 = arith.subi %get3A_2101, %sub3A_2103 : vector<16xi32>
    %add3A_2105 = arith.constant 0 : i32
    %add3A_2106 = vector.broadcast %add3A_2105 : i32 to vector<16xi32>
    %add3A_2107 = arith.addi %iota3A, %add3A_2106 : vector<16xi32>
    %ge3A_2108 = arith.constant 248 : i32
    %ge3A_2109 = vector.broadcast %ge3A_2108 : i32 to vector<16xi32>
    %ge3A_2110 = arith.cmpi sge, %get3A_2101, %ge3A_2109 : vector<16xi32>
    %lt3A_2111 = arith.constant 496 : i32
    %lt3A_2112 = vector.broadcast %lt3A_2111 : i32 to vector<16xi32>
    %lt3A_2113 = arith.cmpi slt, %get3A_2101, %lt3A_2112 : vector<16xi32>
    %and3A_2114 = arith.andi %ge3A_2110, %lt3A_2113 : vector<16xi1>
    tpu.vector_store_idx %arg5[%sub3A_2104, %add3A_2107], %broadcast_in_dim3A_4 masked %and3A_2114 : memref<256x128xf32, #tpu.memory_space<vmem>>[vector<16xi32>, vector<16xi32>], vector<16xf32>, vector<16xi1>
    %get3A_2115 = arith.constant 272 : index
    %get3A_2116 = tpu.vector_load %arg4[%get3A_2115] {strides = array<i32>} : memref<512xi32, #tpu.memory_space<vmem>>, vector<16xi32>,
    %sub3A_2117 = arith.constant 248 : i32
    %sub3A_2118 = vector.broadcast %sub3A_2117 : i32 to vector<16xi32>
    %sub3A_2119 = arith.subi %get3A_2116, %sub3A_2118 : vector<16xi32>
    %add3A_2120 = arith.constant 16 : i32
    %add3A_2121 = vector.broadcast %add3A_2120 : i32 to vector<16xi32>
    %add3A_2122 = arith.addi %iota3A, %add3A_2121 : vector<16xi32>
    %ge3A_2123 = arith.constant 248 : i32
    %ge3A_2124 = vector.broadcast %ge3A_2123 : i32 to vector<16xi32>
    %ge3A_2125 = arith.cmpi sge, %get3A_2116, %ge3A_2124 : vector<16xi32>
    %lt3A_2126 = arith.constant 496 : i32
    %lt3A_2127 = vector.broadcast %lt3A_2126 : i32 to vector<16xi32>
    %lt3A_2128 = arith.cmpi slt, %get3A_2116, %lt3A_2127 : vector<16xi32>
    %and3A_2129 = arith.andi %ge3A_2125, %lt3A_2128 : vector<16xi1>
    tpu.vector_store_idx %arg5[%sub3A_2119, %add3A_2122], %broadcast_in_dim3A_4 masked %and3A_2129 : memref<256x128xf32, #tpu.memory_space<vmem>>[vector<16xi32>, vector<16xi32>], vector<16xf32>, vector<16xi1>
    %get3A_2130 = arith.constant 288 : index
    %get3A_2131 = tpu.vector_load %arg4[%get3A_2130] {strides = array<i32>} : memref<512xi32, #tpu.memory_space<vmem>>, vector<16xi32>,
    %sub3A_2132 = arith.constant 248 : i32
    %sub3A_2133 = vector.broadcast %sub3A_2132 : i32 to vector<16xi32>
    %sub3A_2134 = arith.subi %get3A_2131, %sub3A_2133 : vector<16xi32>
    %add3A_2135 = arith.constant 32 : i32
    %add3A_2136 = vector.broadcast %add3A_2135 : i32 to vector<16xi32>
    %add3A_2137 = arith.addi %iota3A, %add3A_2136 : vector<16xi32>
    %ge3A_2138 = arith.constant 248 : i32
    %ge3A_2139 = vector.broadcast %ge3A_2138 : i32 to vector<16xi32>
    %ge3A_2140 = arith.cmpi sge, %get3A_2131, %ge3A_2139 : vector<16xi32>
    %lt3A_2141 = arith.constant 496 : i32
    %lt3A_2142 = vector.broadcast %lt3A_2141 : i32 to vector<16xi32>
    %lt3A_2143 = arith.cmpi slt, %get3A_2131, %lt3A_2142 : vector<16xi32>
    %and3A_2144 = arith.andi %ge3A_2140, %lt3A_2143 : vector<16xi1>
    tpu.vector_store_idx %arg5[%sub3A_2134, %add3A_2137], %broadcast_in_dim3A_4 masked %and3A_2144 : memref<256x128xf32, #tpu.memory_space<vmem>>[vector<16xi32>, vector<16xi32>], vector<16xf32>, vector<16xi1>
    %get3A_2145 = arith.constant 304 : index
    %get3A_2146 = tpu.vector_load %arg4[%get3A_2145] {strides = array<i32>} : memref<512xi32, #tpu.memory_space<vmem>>, vector<16xi32>,
    %sub3A_2147 = arith.constant 248 : i32
    %sub3A_2148 = vector.broadcast %sub3A_2147 : i32 to vector<16xi32>
    %sub3A_2149 = arith.subi %get3A_2146, %sub3A_2148 : vector<16xi32>
    %add3A_2150 = arith.constant 48 : i32
    %add3A_2151 = vector.broadcast %add3A_2150 : i32 to vector<16xi32>
    %add3A_2152 = arith.addi %iota3A, %add3A_2151 : vector<16xi32>
    %ge3A_2153 = arith.constant 248 : i32
    %ge3A_2154 = vector.broadcast %ge3A_2153 : i32 to vector<16xi32>
    %ge3A_2155 = arith.cmpi sge, %get3A_2146, %ge3A_2154 : vector<16xi32>
    %lt3A_2156 = arith.constant 496 : i32
    %lt3A_2157 = vector.broadcast %lt3A_2156 : i32 to vector<16xi32>
    %lt3A_2158 = arith.cmpi slt, %get3A_2146, %lt3A_2157 : vector<16xi32>
    %and3A_2159 = arith.andi %ge3A_2155, %lt3A_2158 : vector<16xi1>
    tpu.vector_store_idx %arg5[%sub3A_2149, %add3A_2152], %broadcast_in_dim3A_4 masked %and3A_2159 : memref<256x128xf32, #tpu.memory_space<vmem>>[vector<16xi32>, vector<16xi32>], vector<16xf32>, vector<16xi1>
    %get3A_2160 = arith.constant 320 : index
    %get3A_2161 = tpu.vector_load %arg4[%get3A_2160] {strides = array<i32>} : memref<512xi32, #tpu.memory_space<vmem>>, vector<16xi32>,
    %sub3A_2162 = arith.constant 248 : i32
    %sub3A_2163 = vector.broadcast %sub3A_2162 : i32 to vector<16xi32>
    %sub3A_2164 = arith.subi %get3A_2161, %sub3A_2163 : vector<16xi32>
    %add3A_2165 = arith.constant 64 : i32
    %add3A_2166 = vector.broadcast %add3A_2165 : i32 to vector<16xi32>
    %add3A_2167 = arith.addi %iota3A, %add3A_2166 : vector<16xi32>
    %ge3A_2168 = arith.constant 248 : i32
    %ge3A_2169 = vector.broadcast %ge3A_2168 : i32 to vector<16xi32>
    %ge3A_2170 = arith.cmpi sge, %get3A_2161, %ge3A_2169 : vector<16xi32>
    %lt3A_2171 = arith.constant 496 : i32
    %lt3A_2172 = vector.broadcast %lt3A_2171 : i32 to vector<16xi32>
    %lt3A_2173 = arith.cmpi slt, %get3A_2161, %lt3A_2172 : vector<16xi32>
    %and3A_2174 = arith.andi %ge3A_2170, %lt3A_2173 : vector<16xi1>
    tpu.vector_store_idx %arg5[%sub3A_2164, %add3A_2167], %broadcast_in_dim3A_4 masked %and3A_2174 : memref<256x128xf32, #tpu.memory_space<vmem>>[vector<16xi32>, vector<16xi32>], vector<16xf32>, vector<16xi1>
    %get3A_2175 = arith.constant 336 : index
    %get3A_2176 = tpu.vector_load %arg4[%get3A_2175] {strides = array<i32>} : memref<512xi32, #tpu.memory_space<vmem>>, vector<16xi32>,
    %sub3A_2177 = arith.constant 248 : i32
    %sub3A_2178 = vector.broadcast %sub3A_2177 : i32 to vector<16xi32>
    %sub3A_2179 = arith.subi %get3A_2176, %sub3A_2178 : vector<16xi32>
    %add3A_2180 = arith.constant 80 : i32
    %add3A_2181 = vector.broadcast %add3A_2180 : i32 to vector<16xi32>
    %add3A_2182 = arith.addi %iota3A, %add3A_2181 : vector<16xi32>
    %ge3A_2183 = arith.constant 248 : i32
    %ge3A_2184 = vector.broadcast %ge3A_2183 : i32 to vector<16xi32>
    %ge3A_2185 = arith.cmpi sge, %get3A_2176, %ge3A_2184 : vector<16xi32>
    %lt3A_2186 = arith.constant 496 : i32
    %lt3A_2187 = vector.broadcast %lt3A_2186 : i32 to vector<16xi32>
    %lt3A_2188 = arith.cmpi slt, %get3A_2176, %lt3A_2187 : vector<16xi32>
    %and3A_2189 = arith.andi %ge3A_2185, %lt3A_2188 : vector<16xi1>
    tpu.vector_store_idx %arg5[%sub3A_2179, %add3A_2182], %broadcast_in_dim3A_4 masked %and3A_2189 : memref<256x128xf32, #tpu.memory_space<vmem>>[vector<16xi32>, vector<16xi32>], vector<16xf32>, vector<16xi1>
    %get3A_2190 = arith.constant 352 : index
    %get3A_2191 = tpu.vector_load %arg4[%get3A_2190] {strides = array<i32>} : memref<512xi32, #tpu.memory_space<vmem>>, vector<16xi32>,
    %sub3A_2192 = arith.constant 248 : i32
    %sub3A_2193 = vector.broadcast %sub3A_2192 : i32 to vector<16xi32>
    %sub3A_2194 = arith.subi %get3A_2191, %sub3A_2193 : vector<16xi32>
    %add3A_2195 = arith.constant 96 : i32
    %add3A_2196 = vector.broadcast %add3A_2195 : i32 to vector<16xi32>
    %add3A_2197 = arith.addi %iota3A, %add3A_2196 : vector<16xi32>
    %ge3A_2198 = arith.constant 248 : i32
    %ge3A_2199 = vector.broadcast %ge3A_2198 : i32 to vector<16xi32>
    %ge3A_2200 = arith.cmpi sge, %get3A_2191, %ge3A_2199 : vector<16xi32>
    %lt3A_2201 = arith.constant 496 : i32
    %lt3A_2202 = vector.broadcast %lt3A_2201 : i32 to vector<16xi32>
    %lt3A_2203 = arith.cmpi slt, %get3A_2191, %lt3A_2202 : vector<16xi32>
    %and3A_2204 = arith.andi %ge3A_2200, %lt3A_2203 : vector<16xi1>
    tpu.vector_store_idx %arg5[%sub3A_2194, %add3A_2197], %broadcast_in_dim3A_4 masked %and3A_2204 : memref<256x128xf32, #tpu.memory_space<vmem>>[vector<16xi32>, vector<16xi32>], vector<16xf32>, vector<16xi1>
    %get3A_2205 = arith.constant 368 : index
    %get3A_2206 = tpu.vector_load %arg4[%get3A_2205] {strides = array<i32>} : memref<512xi32, #tpu.memory_space<vmem>>, vector<16xi32>,
    %sub3A_2207 = arith.constant 248 : i32
    %sub3A_2208 = vector.broadcast %sub3A_2207 : i32 to vector<16xi32>
    %sub3A_2209 = arith.subi %get3A_2206, %sub3A_2208 : vector<16xi32>
    %add3A_2210 = arith.constant 112 : i32
    %add3A_2211 = vector.broadcast %add3A_2210 : i32 to vector<16xi32>
    %add3A_2212 = arith.addi %iota3A, %add3A_2211 : vector<16xi32>
    %ge3A_2213 = arith.constant 248 : i32
    %ge3A_2214 = vector.broadcast %ge3A_2213 : i32 to vector<16xi32>
    %ge3A_2215 = arith.cmpi sge, %get3A_2206, %ge3A_2214 : vector<16xi32>
    %lt3A_2216 = arith.constant 496 : i32
    %lt3A_2217 = vector.broadcast %lt3A_2216 : i32 to vector<16xi32>
    %lt3A_2218 = arith.cmpi slt, %get3A_2206, %lt3A_2217 : vector<16xi32>
    %and3A_2219 = arith.andi %ge3A_2215, %lt3A_2218 : vector<16xi1>
    tpu.vector_store_idx %arg5[%sub3A_2209, %add3A_2212], %broadcast_in_dim3A_4 masked %and3A_2219 : memref<256x128xf32, #tpu.memory_space<vmem>>[vector<16xi32>, vector<16xi32>], vector<16xf32>, vector<16xi1>
    %add3A_2220 = arith.constant 256 : i32
    %add3A_2221 = arith.addi %mul3A_2, %add3A_2220 : i32
    %dma_start3A_2222 = arith.constant 0 : i32
    %dma_start3A_2223 = arith.constant 0 : i32
    %dma_start3A_2224 = tpu.memref_slice %arg5[%dma_start3A_2222, %dma_start3A_2223] : memref<256x128xf32, #tpu.memory_space<vmem>> -> memref<248x128xf32, #tpu.memory_space<vmem>>
    %dma_start3A_2225 = arith.constant 248 : i32
    %dma_start3A_2226 = tpu.memref_slice %arg3[%dma_start3A_2225, %add3A_2221] : memref<1000x16384xf32, #tpu.memory_space<hbm>> -> memref<248x128xf32, #tpu.memory_space<hbm>>
    %dma_start3A_2227 = arith.constant 248 : i32
    %dma_start3A_2228 = tpu.memref_slice %arg3[%dma_start3A_2227, %add3A_2221] : memref<1000x16384xf32, #tpu.memory_space<hbm>> -> memref<248x128xf32, #tpu.memory_space<hbm>>
    %dma_start3A_2229 = arith.constant 0 : i32
    %dma_start3A_2230 = arith.constant 0 : i32
    %dma_start3A_2231 = tpu.memref_slice %arg5[%dma_start3A_2229, %dma_start3A_2230] : memref<256x128xf32, #tpu.memory_space<vmem>> -> memref<248x128xf32, #tpu.memory_space<vmem>>
    tpu.enqueue_dma source(%dma_start3A_2231 : memref<248x128xf32, #tpu.memory_space<vmem>>) target(%dma_start3A_2228 : memref<248x128xf32, #tpu.memory_space<hbm>>) target_semaphore(%arg8 : memref<!tpu.dma_semaphore, #tpu.memory_space<semaphore_mem>>)
    %dma_wait3A_2232 = arith.constant 744 : i32
    %dma_wait3A_2233 = tpu.memref_slice %arg3[%dma_wait3A_2232, %add3A_1703] : memref<1000x16384xf32, #tpu.memory_space<hbm>> -> memref<256x128xf32, #tpu.memory_space<hbm>>
    %dma_wait3A_2234 = arith.constant 744 : i32
    %dma_wait3A_2235 = tpu.memref_slice %arg3[%dma_wait3A_2234, %add3A_1703] : memref<1000x16384xf32, #tpu.memory_space<hbm>> -> memref<256x128xf32, #tpu.memory_space<hbm>>
    tpu.wait_dma2 semaphore(%arg9 : memref<!tpu.dma_semaphore, #tpu.memory_space<semaphore_mem>>) src(%arg6 : memref<256x128xf32, #tpu.memory_space<vmem>>) dst(%dma_wait3A_2235 : memref<256x128xf32, #tpu.memory_space<hbm>>)
    %get3A_2236 = arith.constant 128 : index
    %get3A_2237 = tpu.vector_load %arg4[%get3A_2236] {strides = array<i32>} : memref<512xi32, #tpu.memory_space<vmem>>, vector<16xi32>,
    %sub3A_2238 = arith.constant 744 : i32
    %sub3A_2239 = vector.broadcast %sub3A_2238 : i32 to vector<16xi32>
    %sub3A_2240 = arith.subi %get3A_2237, %sub3A_2239 : vector<16xi32>
    %add3A_2241 = arith.constant 0 : i32
    %add3A_2242 = vector.broadcast %add3A_2241 : i32 to vector<16xi32>
    %add3A_2243 = arith.addi %iota3A, %add3A_2242 : vector<16xi32>
    %ge3A_2244 = arith.constant 744 : i32
    %ge3A_2245 = vector.broadcast %ge3A_2244 : i32 to vector<16xi32>
    %ge3A_2246 = arith.cmpi sge, %get3A_2237, %ge3A_2245 : vector<16xi32>
    %lt3A_2247 = arith.constant 1000 : i32
    %lt3A_2248 = vector.broadcast %lt3A_2247 : i32 to vector<16xi32>
    %lt3A_2249 = arith.cmpi slt, %get3A_2237, %lt3A_2248 : vector<16xi32>
    %and3A_2250 = arith.andi %ge3A_2246, %lt3A_2249 : vector<16xi1>
    tpu.vector_store_idx %arg6[%sub3A_2240, %add3A_2243], %broadcast_in_dim3A_6 masked %and3A_2250 : memref<256x128xf32, #tpu.memory_space<vmem>>[vector<16xi32>, vector<16xi32>], vector<16xf32>, vector<16xi1>
    %get3A_2251 = arith.constant 144 : index
    %get3A_2252 = tpu.vector_load %arg4[%get3A_2251] {strides = array<i32>} : memref<512xi32, #tpu.memory_space<vmem>>, vector<16xi32>,
    %sub3A_2253 = arith.constant 744 : i32
    %sub3A_2254 = vector.broadcast %sub3A_2253 : i32 to vector<16xi32>
    %sub3A_2255 = arith.subi %get3A_2252, %sub3A_2254 : vector<16xi32>
    %add3A_2256 = arith.constant 16 : i32
    %add3A_2257 = vector.broadcast %add3A_2256 : i32 to vector<16xi32>
    %add3A_2258 = arith.addi %iota3A, %add3A_2257 : vector<16xi32>
    %ge3A_2259 = arith.constant 744 : i32
    %ge3A_2260 = vector.broadcast %ge3A_2259 : i32 to vector<16xi32>
    %ge3A_2261 = arith.cmpi sge, %get3A_2252, %ge3A_2260 : vector<16xi32>
    %lt3A_2262 = arith.constant 1000 : i32
    %lt3A_2263 = vector.broadcast %lt3A_2262 : i32 to vector<16xi32>
    %lt3A_2264 = arith.cmpi slt, %get3A_2252, %lt3A_2263 : vector<16xi32>
    %and3A_2265 = arith.andi %ge3A_2261, %lt3A_2264 : vector<16xi1>
    tpu.vector_store_idx %arg6[%sub3A_2255, %add3A_2258], %broadcast_in_dim3A_6 masked %and3A_2265 : memref<256x128xf32, #tpu.memory_space<vmem>>[vector<16xi32>, vector<16xi32>], vector<16xf32>, vector<16xi1>
    %get3A_2266 = arith.constant 160 : index
    %get3A_2267 = tpu.vector_load %arg4[%get3A_2266] {strides = array<i32>} : memref<512xi32, #tpu.memory_space<vmem>>, vector<16xi32>,
    %sub3A_2268 = arith.constant 744 : i32
    %sub3A_2269 = vector.broadcast %sub3A_2268 : i32 to vector<16xi32>
    %sub3A_2270 = arith.subi %get3A_2267, %sub3A_2269 : vector<16xi32>
    %add3A_2271 = arith.constant 32 : i32
    %add3A_2272 = vector.broadcast %add3A_2271 : i32 to vector<16xi32>
    %add3A_2273 = arith.addi %iota3A, %add3A_2272 : vector<16xi32>
    %ge3A_2274 = arith.constant 744 : i32
    %ge3A_2275 = vector.broadcast %ge3A_2274 : i32 to vector<16xi32>
    %ge3A_2276 = arith.cmpi sge, %get3A_2267, %ge3A_2275 : vector<16xi32>
    %lt3A_2277 = arith.constant 1000 : i32
    %lt3A_2278 = vector.broadcast %lt3A_2277 : i32 to vector<16xi32>
    %lt3A_2279 = arith.cmpi slt, %get3A_2267, %lt3A_2278 : vector<16xi32>
    %and3A_2280 = arith.andi %ge3A_2276, %lt3A_2279 : vector<16xi1>
    tpu.vector_store_idx %arg6[%sub3A_2270, %add3A_2273], %broadcast_in_dim3A_6 masked %and3A_2280 : memref<256x128xf32, #tpu.memory_space<vmem>>[vector<16xi32>, vector<16xi32>], vector<16xf32>, vector<16xi1>
    %get3A_2281 = arith.constant 176 : index
    %get3A_2282 = tpu.vector_load %arg4[%get3A_2281] {strides = array<i32>} : memref<512xi32, #tpu.memory_space<vmem>>, vector<16xi32>,
    %sub3A_2283 = arith.constant 744 : i32
    %sub3A_2284 = vector.broadcast %sub3A_2283 : i32 to vector<16xi32>
    %sub3A_2285 = arith.subi %get3A_2282, %sub3A_2284 : vector<16xi32>
    %add3A_2286 = arith.constant 48 : i32
    %add3A_2287 = vector.broadcast %add3A_2286 : i32 to vector<16xi32>
    %add3A_2288 = arith.addi %iota3A, %add3A_2287 : vector<16xi32>
    %ge3A_2289 = arith.constant 744 : i32
    %ge3A_2290 = vector.broadcast %ge3A_2289 : i32 to vector<16xi32>
    %ge3A_2291 = arith.cmpi sge, %get3A_2282, %ge3A_2290 : vector<16xi32>
    %lt3A_2292 = arith.constant 1000 : i32
    %lt3A_2293 = vector.broadcast %lt3A_2292 : i32 to vector<16xi32>
    %lt3A_2294 = arith.cmpi slt, %get3A_2282, %lt3A_2293 : vector<16xi32>
    %and3A_2295 = arith.andi %ge3A_2291, %lt3A_2294 : vector<16xi1>
    tpu.vector_store_idx %arg6[%sub3A_2285, %add3A_2288], %broadcast_in_dim3A_6 masked %and3A_2295 : memref<256x128xf32, #tpu.memory_space<vmem>>[vector<16xi32>, vector<16xi32>], vector<16xf32>, vector<16xi1>
    %get3A_2296 = arith.constant 192 : index
    %get3A_2297 = tpu.vector_load %arg4[%get3A_2296] {strides = array<i32>} : memref<512xi32, #tpu.memory_space<vmem>>, vector<16xi32>,
    %sub3A_2298 = arith.constant 744 : i32
    %sub3A_2299 = vector.broadcast %sub3A_2298 : i32 to vector<16xi32>
    %sub3A_2300 = arith.subi %get3A_2297, %sub3A_2299 : vector<16xi32>
    %add3A_2301 = arith.constant 64 : i32
    %add3A_2302 = vector.broadcast %add3A_2301 : i32 to vector<16xi32>
    %add3A_2303 = arith.addi %iota3A, %add3A_2302 : vector<16xi32>
    %ge3A_2304 = arith.constant 744 : i32
    %ge3A_2305 = vector.broadcast %ge3A_2304 : i32 to vector<16xi32>
    %ge3A_2306 = arith.cmpi sge, %get3A_2297, %ge3A_2305 : vector<16xi32>
    %lt3A_2307 = arith.constant 1000 : i32
    %lt3A_2308 = vector.broadcast %lt3A_2307 : i32 to vector<16xi32>
    %lt3A_2309 = arith.cmpi slt, %get3A_2297, %lt3A_2308 : vector<16xi32>
    %and3A_2310 = arith.andi %ge3A_2306, %lt3A_2309 : vector<16xi1>
    tpu.vector_store_idx %arg6[%sub3A_2300, %add3A_2303], %broadcast_in_dim3A_6 masked %and3A_2310 : memref<256x128xf32, #tpu.memory_space<vmem>>[vector<16xi32>, vector<16xi32>], vector<16xf32>, vector<16xi1>
    %get3A_2311 = arith.constant 208 : index
    %get3A_2312 = tpu.vector_load %arg4[%get3A_2311] {strides = array<i32>} : memref<512xi32, #tpu.memory_space<vmem>>, vector<16xi32>,
    %sub3A_2313 = arith.constant 744 : i32
    %sub3A_2314 = vector.broadcast %sub3A_2313 : i32 to vector<16xi32>
    %sub3A_2315 = arith.subi %get3A_2312, %sub3A_2314 : vector<16xi32>
    %add3A_2316 = arith.constant 80 : i32
    %add3A_2317 = vector.broadcast %add3A_2316 : i32 to vector<16xi32>
    %add3A_2318 = arith.addi %iota3A, %add3A_2317 : vector<16xi32>
    %ge3A_2319 = arith.constant 744 : i32
    %ge3A_2320 = vector.broadcast %ge3A_2319 : i32 to vector<16xi32>
    %ge3A_2321 = arith.cmpi sge, %get3A_2312, %ge3A_2320 : vector<16xi32>
    %lt3A_2322 = arith.constant 1000 : i32
    %lt3A_2323 = vector.broadcast %lt3A_2322 : i32 to vector<16xi32>
    %lt3A_2324 = arith.cmpi slt, %get3A_2312, %lt3A_2323 : vector<16xi32>
    %and3A_2325 = arith.andi %ge3A_2321, %lt3A_2324 : vector<16xi1>
    tpu.vector_store_idx %arg6[%sub3A_2315, %add3A_2318], %broadcast_in_dim3A_6 masked %and3A_2325 : memref<256x128xf32, #tpu.memory_space<vmem>>[vector<16xi32>, vector<16xi32>], vector<16xf32>, vector<16xi1>
    %get3A_2326 = arith.constant 224 : index
    %get3A_2327 = tpu.vector_load %arg4[%get3A_2326] {strides = array<i32>} : memref<512xi32, #tpu.memory_space<vmem>>, vector<16xi32>,
    %sub3A_2328 = arith.constant 744 : i32
    %sub3A_2329 = vector.broadcast %sub3A_2328 : i32 to vector<16xi32>
    %sub3A_2330 = arith.subi %get3A_2327, %sub3A_2329 : vector<16xi32>
    %add3A_2331 = arith.constant 96 : i32
    %add3A_2332 = vector.broadcast %add3A_2331 : i32 to vector<16xi32>
    %add3A_2333 = arith.addi %iota3A, %add3A_2332 : vector<16xi32>
    %ge3A_2334 = arith.constant 744 : i32
    %ge3A_2335 = vector.broadcast %ge3A_2334 : i32 to vector<16xi32>
    %ge3A_2336 = arith.cmpi sge, %get3A_2327, %ge3A_2335 : vector<16xi32>
    %lt3A_2337 = arith.constant 1000 : i32
    %lt3A_2338 = vector.broadcast %lt3A_2337 : i32 to vector<16xi32>
    %lt3A_2339 = arith.cmpi slt, %get3A_2327, %lt3A_2338 : vector<16xi32>
    %and3A_2340 = arith.andi %ge3A_2336, %lt3A_2339 : vector<16xi1>
    tpu.vector_store_idx %arg6[%sub3A_2330, %add3A_2333], %broadcast_in_dim3A_6 masked %and3A_2340 : memref<256x128xf32, #tpu.memory_space<vmem>>[vector<16xi32>, vector<16xi32>], vector<16xf32>, vector<16xi1>
    %get3A_2341 = arith.constant 240 : index
    %get3A_2342 = tpu.vector_load %arg4[%get3A_2341] {strides = array<i32>} : memref<512xi32, #tpu.memory_space<vmem>>, vector<16xi32>,
    %sub3A_2343 = arith.constant 744 : i32
    %sub3A_2344 = vector.broadcast %sub3A_2343 : i32 to vector<16xi32>
    %sub3A_2345 = arith.subi %get3A_2342, %sub3A_2344 : vector<16xi32>
    %add3A_2346 = arith.constant 112 : i32
    %add3A_2347 = vector.broadcast %add3A_2346 : i32 to vector<16xi32>
    %add3A_2348 = arith.addi %iota3A, %add3A_2347 : vector<16xi32>
    %ge3A_2349 = arith.constant 744 : i32
    %ge3A_2350 = vector.broadcast %ge3A_2349 : i32 to vector<16xi32>
    %ge3A_2351 = arith.cmpi sge, %get3A_2342, %ge3A_2350 : vector<16xi32>
    %lt3A_2352 = arith.constant 1000 : i32
    %lt3A_2353 = vector.broadcast %lt3A_2352 : i32 to vector<16xi32>
    %lt3A_2354 = arith.cmpi slt, %get3A_2342, %lt3A_2353 : vector<16xi32>
    %and3A_2355 = arith.andi %ge3A_2351, %lt3A_2354 : vector<16xi1>
    tpu.vector_store_idx %arg6[%sub3A_2345, %add3A_2348], %broadcast_in_dim3A_6 masked %and3A_2355 : memref<256x128xf32, #tpu.memory_space<vmem>>[vector<16xi32>, vector<16xi32>], vector<16xf32>, vector<16xi1>
    %get3A_2356 = arith.constant 256 : index
    %get3A_2357 = tpu.vector_load %arg4[%get3A_2356] {strides = array<i32>} : memref<512xi32, #tpu.memory_space<vmem>>, vector<16xi32>,
    %sub3A_2358 = arith.constant 496 : i32
    %sub3A_2359 = vector.broadcast %sub3A_2358 : i32 to vector<16xi32>
    %sub3A_2360 = arith.subi %get3A_2357, %sub3A_2359 : vector<16xi32>
    %add3A_2361 = arith.constant 0 : i32
    %add3A_2362 = vector.broadcast %add3A_2361 : i32 to vector<16xi32>
    %add3A_2363 = arith.addi %iota3A, %add3A_2362 : vector<16xi32>
    %ge3A_2364 = arith.constant 496 : i32
    %ge3A_2365 = vector.broadcast %ge3A_2364 : i32 to vector<16xi32>
    %ge3A_2366 = arith.cmpi sge, %get3A_2357, %ge3A_2365 : vector<16xi32>
    %lt3A_2367 = arith.constant 744 : i32
    %lt3A_2368 = vector.broadcast %lt3A_2367 : i32 to vector<16xi32>
    %lt3A_2369 = arith.cmpi slt, %get3A_2357, %lt3A_2368 : vector<16xi32>
    %and3A_2370 = arith.andi %ge3A_2366, %lt3A_2369 : vector<16xi1>
    tpu.vector_store_idx %arg6[%sub3A_2360, %add3A_2363], %broadcast_in_dim3A_4 masked %and3A_2370 : memref<256x128xf32, #tpu.memory_space<vmem>>[vector<16xi32>, vector<16xi32>], vector<16xf32>, vector<16xi1>
    %get3A_2371 = arith.constant 272 : index
    %get3A_2372 = tpu.vector_load %arg4[%get3A_2371] {strides = array<i32>} : memref<512xi32, #tpu.memory_space<vmem>>, vector<16xi32>,
    %sub3A_2373 = arith.constant 496 : i32
    %sub3A_2374 = vector.broadcast %sub3A_2373 : i32 to vector<16xi32>
    %sub3A_2375 = arith.subi %get3A_2372, %sub3A_2374 : vector<16xi32>
    %add3A_2376 = arith.constant 16 : i32
    %add3A_2377 = vector.broadcast %add3A_2376 : i32 to vector<16xi32>
    %add3A_2378 = arith.addi %iota3A, %add3A_2377 : vector<16xi32>
    %ge3A_2379 = arith.constant 496 : i32
    %ge3A_2380 = vector.broadcast %ge3A_2379 : i32 to vector<16xi32>
    %ge3A_2381 = arith.cmpi sge, %get3A_2372, %ge3A_2380 : vector<16xi32>
    %lt3A_2382 = arith.constant 744 : i32
    %lt3A_2383 = vector.broadcast %lt3A_2382 : i32 to vector<16xi32>
    %lt3A_2384 = arith.cmpi slt, %get3A_2372, %lt3A_2383 : vector<16xi32>
    %and3A_2385 = arith.andi %ge3A_2381, %lt3A_2384 : vector<16xi1>
    tpu.vector_store_idx %arg6[%sub3A_2375, %add3A_2378], %broadcast_in_dim3A_4 masked %and3A_2385 : memref<256x128xf32, #tpu.memory_space<vmem>>[vector<16xi32>, vector<16xi32>], vector<16xf32>, vector<16xi1>
    %get3A_2386 = arith.constant 288 : index
    %get3A_2387 = tpu.vector_load %arg4[%get3A_2386] {strides = array<i32>} : memref<512xi32, #tpu.memory_space<vmem>>, vector<16xi32>,
    %sub3A_2388 = arith.constant 496 : i32
    %sub3A_2389 = vector.broadcast %sub3A_2388 : i32 to vector<16xi32>
    %sub3A_2390 = arith.subi %get3A_2387, %sub3A_2389 : vector<16xi32>
    %add3A_2391 = arith.constant 32 : i32
    %add3A_2392 = vector.broadcast %add3A_2391 : i32 to vector<16xi32>
    %add3A_2393 = arith.addi %iota3A, %add3A_2392 : vector<16xi32>
    %ge3A_2394 = arith.constant 496 : i32
    %ge3A_2395 = vector.broadcast %ge3A_2394 : i32 to vector<16xi32>
    %ge3A_2396 = arith.cmpi sge, %get3A_2387, %ge3A_2395 : vector<16xi32>
    %lt3A_2397 = arith.constant 744 : i32
    %lt3A_2398 = vector.broadcast %lt3A_2397 : i32 to vector<16xi32>
    %lt3A_2399 = arith.cmpi slt, %get3A_2387, %lt3A_2398 : vector<16xi32>
    %and3A_2400 = arith.andi %ge3A_2396, %lt3A_2399 : vector<16xi1>
    tpu.vector_store_idx %arg6[%sub3A_2390, %add3A_2393], %broadcast_in_dim3A_4 masked %and3A_2400 : memref<256x128xf32, #tpu.memory_space<vmem>>[vector<16xi32>, vector<16xi32>], vector<16xf32>, vector<16xi1>
    %get3A_2401 = arith.constant 304 : index
    %get3A_2402 = tpu.vector_load %arg4[%get3A_2401] {strides = array<i32>} : memref<512xi32, #tpu.memory_space<vmem>>, vector<16xi32>,
    %sub3A_2403 = arith.constant 496 : i32
    %sub3A_2404 = vector.broadcast %sub3A_2403 : i32 to vector<16xi32>
    %sub3A_2405 = arith.subi %get3A_2402, %sub3A_2404 : vector<16xi32>
    %add3A_2406 = arith.constant 48 : i32
    %add3A_2407 = vector.broadcast %add3A_2406 : i32 to vector<16xi32>
    %add3A_2408 = arith.addi %iota3A, %add3A_2407 : vector<16xi32>
    %ge3A_2409 = arith.constant 496 : i32
    %ge3A_2410 = vector.broadcast %ge3A_2409 : i32 to vector<16xi32>
    %ge3A_2411 = arith.cmpi sge, %get3A_2402, %ge3A_2410 : vector<16xi32>
    %lt3A_2412 = arith.constant 744 : i32
    %lt3A_2413 = vector.broadcast %lt3A_2412 : i32 to vector<16xi32>
    %lt3A_2414 = arith.cmpi slt, %get3A_2402, %lt3A_2413 : vector<16xi32>
    %and3A_2415 = arith.andi %ge3A_2411, %lt3A_2414 : vector<16xi1>
    tpu.vector_store_idx %arg6[%sub3A_2405, %add3A_2408], %broadcast_in_dim3A_4 masked %and3A_2415 : memref<256x128xf32, #tpu.memory_space<vmem>>[vector<16xi32>, vector<16xi32>], vector<16xf32>, vector<16xi1>
    %get3A_2416 = arith.constant 320 : index
    %get3A_2417 = tpu.vector_load %arg4[%get3A_2416] {strides = array<i32>} : memref<512xi32, #tpu.memory_space<vmem>>, vector<16xi32>,
    %sub3A_2418 = arith.constant 496 : i32
    %sub3A_2419 = vector.broadcast %sub3A_2418 : i32 to vector<16xi32>
    %sub3A_2420 = arith.subi %get3A_2417, %sub3A_2419 : vector<16xi32>
    %add3A_2421 = arith.constant 64 : i32
    %add3A_2422 = vector.broadcast %add3A_2421 : i32 to vector<16xi32>
    %add3A_2423 = arith.addi %iota3A, %add3A_2422 : vector<16xi32>
    %ge3A_2424 = arith.constant 496 : i32
    %ge3A_2425 = vector.broadcast %ge3A_2424 : i32 to vector<16xi32>
    %ge3A_2426 = arith.cmpi sge, %get3A_2417, %ge3A_2425 : vector<16xi32>
    %lt3A_2427 = arith.constant 744 : i32
    %lt3A_2428 = vector.broadcast %lt3A_2427 : i32 to vector<16xi32>
    %lt3A_2429 = arith.cmpi slt, %get3A_2417, %lt3A_2428 : vector<16xi32>
    %and3A_2430 = arith.andi %ge3A_2426, %lt3A_2429 : vector<16xi1>
    tpu.vector_store_idx %arg6[%sub3A_2420, %add3A_2423], %broadcast_in_dim3A_4 masked %and3A_2430 : memref<256x128xf32, #tpu.memory_space<vmem>>[vector<16xi32>, vector<16xi32>], vector<16xf32>, vector<16xi1>
    %get3A_2431 = arith.constant 336 : index
    %get3A_2432 = tpu.vector_load %arg4[%get3A_2431] {strides = array<i32>} : memref<512xi32, #tpu.memory_space<vmem>>, vector<16xi32>,
    %sub3A_2433 = arith.constant 496 : i32
    %sub3A_2434 = vector.broadcast %sub3A_2433 : i32 to vector<16xi32>
    %sub3A_2435 = arith.subi %get3A_2432, %sub3A_2434 : vector<16xi32>
    %add3A_2436 = arith.constant 80 : i32
    %add3A_2437 = vector.broadcast %add3A_2436 : i32 to vector<16xi32>
    %add3A_2438 = arith.addi %iota3A, %add3A_2437 : vector<16xi32>
    %ge3A_2439 = arith.constant 496 : i32
    %ge3A_2440 = vector.broadcast %ge3A_2439 : i32 to vector<16xi32>
    %ge3A_2441 = arith.cmpi sge, %get3A_2432, %ge3A_2440 : vector<16xi32>
    %lt3A_2442 = arith.constant 744 : i32
    %lt3A_2443 = vector.broadcast %lt3A_2442 : i32 to vector<16xi32>
    %lt3A_2444 = arith.cmpi slt, %get3A_2432, %lt3A_2443 : vector<16xi32>
    %and3A_2445 = arith.andi %ge3A_2441, %lt3A_2444 : vector<16xi1>
    tpu.vector_store_idx %arg6[%sub3A_2435, %add3A_2438], %broadcast_in_dim3A_4 masked %and3A_2445 : memref<256x128xf32, #tpu.memory_space<vmem>>[vector<16xi32>, vector<16xi32>], vector<16xf32>, vector<16xi1>
    %get3A_2446 = arith.constant 352 : index
    %get3A_2447 = tpu.vector_load %arg4[%get3A_2446] {strides = array<i32>} : memref<512xi32, #tpu.memory_space<vmem>>, vector<16xi32>,
    %sub3A_2448 = arith.constant 496 : i32
    %sub3A_2449 = vector.broadcast %sub3A_2448 : i32 to vector<16xi32>
    %sub3A_2450 = arith.subi %get3A_2447, %sub3A_2449 : vector<16xi32>
    %add3A_2451 = arith.constant 96 : i32
    %add3A_2452 = vector.broadcast %add3A_2451 : i32 to vector<16xi32>
    %add3A_2453 = arith.addi %iota3A, %add3A_2452 : vector<16xi32>
    %ge3A_2454 = arith.constant 496 : i32
    %ge3A_2455 = vector.broadcast %ge3A_2454 : i32 to vector<16xi32>
    %ge3A_2456 = arith.cmpi sge, %get3A_2447, %ge3A_2455 : vector<16xi32>
    %lt3A_2457 = arith.constant 744 : i32
    %lt3A_2458 = vector.broadcast %lt3A_2457 : i32 to vector<16xi32>
    %lt3A_2459 = arith.cmpi slt, %get3A_2447, %lt3A_2458 : vector<16xi32>
    %and3A_2460 = arith.andi %ge3A_2456, %lt3A_2459 : vector<16xi1>
    tpu.vector_store_idx %arg6[%sub3A_2450, %add3A_2453], %broadcast_in_dim3A_4 masked %and3A_2460 : memref<256x128xf32, #tpu.memory_space<vmem>>[vector<16xi32>, vector<16xi32>], vector<16xf32>, vector<16xi1>
    %get3A_2461 = arith.constant 368 : index
    %get3A_2462 = tpu.vector_load %arg4[%get3A_2461] {strides = array<i32>} : memref<512xi32, #tpu.memory_space<vmem>>, vector<16xi32>,
    %sub3A_2463 = arith.constant 496 : i32
    %sub3A_2464 = vector.broadcast %sub3A_2463 : i32 to vector<16xi32>
    %sub3A_2465 = arith.subi %get3A_2462, %sub3A_2464 : vector<16xi32>
    %add3A_2466 = arith.constant 112 : i32
    %add3A_2467 = vector.broadcast %add3A_2466 : i32 to vector<16xi32>
    %add3A_2468 = arith.addi %iota3A, %add3A_2467 : vector<16xi32>
    %ge3A_2469 = arith.constant 496 : i32
    %ge3A_2470 = vector.broadcast %ge3A_2469 : i32 to vector<16xi32>
    %ge3A_2471 = arith.cmpi sge, %get3A_2462, %ge3A_2470 : vector<16xi32>
    %lt3A_2472 = arith.constant 744 : i32
    %lt3A_2473 = vector.broadcast %lt3A_2472 : i32 to vector<16xi32>
    %lt3A_2474 = arith.cmpi slt, %get3A_2462, %lt3A_2473 : vector<16xi32>
    %and3A_2475 = arith.andi %ge3A_2471, %lt3A_2474 : vector<16xi1>
    tpu.vector_store_idx %arg6[%sub3A_2465, %add3A_2468], %broadcast_in_dim3A_4 masked %and3A_2475 : memref<256x128xf32, #tpu.memory_space<vmem>>[vector<16xi32>, vector<16xi32>], vector<16xf32>, vector<16xi1>
    %add3A_2476 = arith.constant 256 : i32
    %add3A_2477 = arith.addi %mul3A_2, %add3A_2476 : i32
    %dma_start3A_2478 = arith.constant 0 : i32
    %dma_start3A_2479 = arith.constant 0 : i32
    %dma_start3A_2480 = tpu.memref_slice %arg6[%dma_start3A_2478, %dma_start3A_2479] : memref<256x128xf32, #tpu.memory_space<vmem>> -> memref<248x128xf32, #tpu.memory_space<vmem>>
    %dma_start3A_2481 = arith.constant 496 : i32
    %dma_start3A_2482 = tpu.memref_slice %arg3[%dma_start3A_2481, %add3A_2477] : memref<1000x16384xf32, #tpu.memory_space<hbm>> -> memref<248x128xf32, #tpu.memory_space<hbm>>
    %dma_start3A_2483 = arith.constant 496 : i32
    %dma_start3A_2484 = tpu.memref_slice %arg3[%dma_start3A_2483, %add3A_2477] : memref<1000x16384xf32, #tpu.memory_space<hbm>> -> memref<248x128xf32, #tpu.memory_space<hbm>>
    %dma_start3A_2485 = arith.constant 0 : i32
    %dma_start3A_2486 = arith.constant 0 : i32
    %dma_start3A_2487 = tpu.memref_slice %arg6[%dma_start3A_2485, %dma_start3A_2486] : memref<256x128xf32, #tpu.memory_space<vmem>> -> memref<248x128xf32, #tpu.memory_space<vmem>>
    tpu.enqueue_dma source(%dma_start3A_2487 : memref<248x128xf32, #tpu.memory_space<vmem>>) target(%dma_start3A_2484 : memref<248x128xf32, #tpu.memory_space<hbm>>) target_semaphore(%arg9 : memref<!tpu.dma_semaphore, #tpu.memory_space<semaphore_mem>>)
    %dma_wait3A_2488 = arith.constant 0 : i32
    %dma_wait3A_2489 = arith.constant 0 : i32
    %dma_wait3A_2490 = tpu.memref_slice %arg7[%dma_wait3A_2488, %dma_wait3A_2489] : memref<256x128xf32, #tpu.memory_space<vmem>> -> memref<248x128xf32, #tpu.memory_space<vmem>>
    %dma_wait3A_2491 = arith.constant 0 : i32
    %dma_wait3A_2492 = tpu.memref_slice %arg3[%dma_wait3A_2491, %add3A_1959] : memref<1000x16384xf32, #tpu.memory_space<hbm>> -> memref<248x128xf32, #tpu.memory_space<hbm>>
    %dma_wait3A_2493 = arith.constant 0 : i32
    %dma_wait3A_2494 = tpu.memref_slice %arg3[%dma_wait3A_2493, %add3A_1959] : memref<1000x16384xf32, #tpu.memory_space<hbm>> -> memref<248x128xf32, #tpu.memory_space<hbm>>
    %dma_wait3A_2495 = arith.constant 0 : i32
    %dma_wait3A_2496 = arith.constant 0 : i32
    %dma_wait3A_2497 = tpu.memref_slice %arg7[%dma_wait3A_2495, %dma_wait3A_2496] : memref<256x128xf32, #tpu.memory_space<vmem>> -> memref<248x128xf32, #tpu.memory_space<vmem>>
    tpu.wait_dma2 semaphore(%arg10 : memref<!tpu.dma_semaphore, #tpu.memory_space<semaphore_mem>>) src(%dma_wait3A_2497 : memref<248x128xf32, #tpu.memory_space<vmem>>) dst(%dma_wait3A_2494 : memref<248x128xf32, #tpu.memory_space<hbm>>)
    %get3A_2498 = arith.constant 256 : index
    %get3A_2499 = tpu.vector_load %arg4[%get3A_2498] {strides = array<i32>} : memref<512xi32, #tpu.memory_space<vmem>>, vector<16xi32>,
    %sub3A_2500 = arith.constant 0 : i32
    %sub3A_2501 = vector.broadcast %sub3A_2500 : i32 to vector<16xi32>
    %sub3A_2502 = arith.subi %get3A_2499, %sub3A_2501 : vector<16xi32>
    %add3A_2503 = arith.constant 0 : i32
    %add3A_2504 = vector.broadcast %add3A_2503 : i32 to vector<16xi32>
    %add3A_2505 = arith.addi %iota3A, %add3A_2504 : vector<16xi32>
    %ge3A_2506 = arith.constant 0 : i32
    %ge3A_2507 = vector.broadcast %ge3A_2506 : i32 to vector<16xi32>
    %ge3A_2508 = arith.cmpi sge, %get3A_2499, %ge3A_2507 : vector<16xi32>
    %lt3A_2509 = arith.constant 248 : i32
    %lt3A_2510 = vector.broadcast %lt3A_2509 : i32 to vector<16xi32>
    %lt3A_2511 = arith.cmpi slt, %get3A_2499, %lt3A_2510 : vector<16xi32>
    %and3A_2512 = arith.andi %ge3A_2508, %lt3A_2511 : vector<16xi1>
    tpu.vector_store_idx %arg7[%sub3A_2502, %add3A_2505], %broadcast_in_dim3A_6 masked %and3A_2512 : memref<256x128xf32, #tpu.memory_space<vmem>>[vector<16xi32>, vector<16xi32>], vector<16xf32>, vector<16xi1>
    %get3A_2513 = arith.constant 272 : index
    %get3A_2514 = tpu.vector_load %arg4[%get3A_2513] {strides = array<i32>} : memref<512xi32, #tpu.memory_space<vmem>>, vector<16xi32>,
    %sub3A_2515 = arith.constant 0 : i32
    %sub3A_2516 = vector.broadcast %sub3A_2515 : i32 to vector<16xi32>
    %sub3A_2517 = arith.subi %get3A_2514, %sub3A_2516 : vector<16xi32>
    %add3A_2518 = arith.constant 16 : i32
    %add3A_2519 = vector.broadcast %add3A_2518 : i32 to vector<16xi32>
    %add3A_2520 = arith.addi %iota3A, %add3A_2519 : vector<16xi32>
    %ge3A_2521 = arith.constant 0 : i32
    %ge3A_2522 = vector.broadcast %ge3A_2521 : i32 to vector<16xi32>
    %ge3A_2523 = arith.cmpi sge, %get3A_2514, %ge3A_2522 : vector<16xi32>
    %lt3A_2524 = arith.constant 248 : i32
    %lt3A_2525 = vector.broadcast %lt3A_2524 : i32 to vector<16xi32>
    %lt3A_2526 = arith.cmpi slt, %get3A_2514, %lt3A_2525 : vector<16xi32>
    %and3A_2527 = arith.andi %ge3A_2523, %lt3A_2526 : vector<16xi1>
    tpu.vector_store_idx %arg7[%sub3A_2517, %add3A_2520], %broadcast_in_dim3A_6 masked %and3A_2527 : memref<256x128xf32, #tpu.memory_space<vmem>>[vector<16xi32>, vector<16xi32>], vector<16xf32>, vector<16xi1>
    %get3A_2528 = arith.constant 288 : index
    %get3A_2529 = tpu.vector_load %arg4[%get3A_2528] {strides = array<i32>} : memref<512xi32, #tpu.memory_space<vmem>>, vector<16xi32>,
    %sub3A_2530 = arith.constant 0 : i32
    %sub3A_2531 = vector.broadcast %sub3A_2530 : i32 to vector<16xi32>
    %sub3A_2532 = arith.subi %get3A_2529, %sub3A_2531 : vector<16xi32>
    %add3A_2533 = arith.constant 32 : i32
    %add3A_2534 = vector.broadcast %add3A_2533 : i32 to vector<16xi32>
    %add3A_2535 = arith.addi %iota3A, %add3A_2534 : vector<16xi32>
    %ge3A_2536 = arith.constant 0 : i32
    %ge3A_2537 = vector.broadcast %ge3A_2536 : i32 to vector<16xi32>
    %ge3A_2538 = arith.cmpi sge, %get3A_2529, %ge3A_2537 : vector<16xi32>
    %lt3A_2539 = arith.constant 248 : i32
    %lt3A_2540 = vector.broadcast %lt3A_2539 : i32 to vector<16xi32>
    %lt3A_2541 = arith.cmpi slt, %get3A_2529, %lt3A_2540 : vector<16xi32>
    %and3A_2542 = arith.andi %ge3A_2538, %lt3A_2541 : vector<16xi1>
    tpu.vector_store_idx %arg7[%sub3A_2532, %add3A_2535], %broadcast_in_dim3A_6 masked %and3A_2542 : memref<256x128xf32, #tpu.memory_space<vmem>>[vector<16xi32>, vector<16xi32>], vector<16xf32>, vector<16xi1>
    %get3A_2543 = arith.constant 304 : index
    %get3A_2544 = tpu.vector_load %arg4[%get3A_2543] {strides = array<i32>} : memref<512xi32, #tpu.memory_space<vmem>>, vector<16xi32>,
    %sub3A_2545 = arith.constant 0 : i32
    %sub3A_2546 = vector.broadcast %sub3A_2545 : i32 to vector<16xi32>
    %sub3A_2547 = arith.subi %get3A_2544, %sub3A_2546 : vector<16xi32>
    %add3A_2548 = arith.constant 48 : i32
    %add3A_2549 = vector.broadcast %add3A_2548 : i32 to vector<16xi32>
    %add3A_2550 = arith.addi %iota3A, %add3A_2549 : vector<16xi32>
    %ge3A_2551 = arith.constant 0 : i32
    %ge3A_2552 = vector.broadcast %ge3A_2551 : i32 to vector<16xi32>
    %ge3A_2553 = arith.cmpi sge, %get3A_2544, %ge3A_2552 : vector<16xi32>
    %lt3A_2554 = arith.constant 248 : i32
    %lt3A_2555 = vector.broadcast %lt3A_2554 : i32 to vector<16xi32>
    %lt3A_2556 = arith.cmpi slt, %get3A_2544, %lt3A_2555 : vector<16xi32>
    %and3A_2557 = arith.andi %ge3A_2553, %lt3A_2556 : vector<16xi1>
    tpu.vector_store_idx %arg7[%sub3A_2547, %add3A_2550], %broadcast_in_dim3A_6 masked %and3A_2557 : memref<256x128xf32, #tpu.memory_space<vmem>>[vector<16xi32>, vector<16xi32>], vector<16xf32>, vector<16xi1>
    %get3A_2558 = arith.constant 320 : index
    %get3A_2559 = tpu.vector_load %arg4[%get3A_2558] {strides = array<i32>} : memref<512xi32, #tpu.memory_space<vmem>>, vector<16xi32>,
    %sub3A_2560 = arith.constant 0 : i32
    %sub3A_2561 = vector.broadcast %sub3A_2560 : i32 to vector<16xi32>
    %sub3A_2562 = arith.subi %get3A_2559, %sub3A_2561 : vector<16xi32>
    %add3A_2563 = arith.constant 64 : i32
    %add3A_2564 = vector.broadcast %add3A_2563 : i32 to vector<16xi32>
    %add3A_2565 = arith.addi %iota3A, %add3A_2564 : vector<16xi32>
    %ge3A_2566 = arith.constant 0 : i32
    %ge3A_2567 = vector.broadcast %ge3A_2566 : i32 to vector<16xi32>
    %ge3A_2568 = arith.cmpi sge, %get3A_2559, %ge3A_2567 : vector<16xi32>
    %lt3A_2569 = arith.constant 248 : i32
    %lt3A_2570 = vector.broadcast %lt3A_2569 : i32 to vector<16xi32>
    %lt3A_2571 = arith.cmpi slt, %get3A_2559, %lt3A_2570 : vector<16xi32>
    %and3A_2572 = arith.andi %ge3A_2568, %lt3A_2571 : vector<16xi1>
    tpu.vector_store_idx %arg7[%sub3A_2562, %add3A_2565], %broadcast_in_dim3A_6 masked %and3A_2572 : memref<256x128xf32, #tpu.memory_space<vmem>>[vector<16xi32>, vector<16xi32>], vector<16xf32>, vector<16xi1>
    %get3A_2573 = arith.constant 336 : index
    %get3A_2574 = tpu.vector_load %arg4[%get3A_2573] {strides = array<i32>} : memref<512xi32, #tpu.memory_space<vmem>>, vector<16xi32>,
    %sub3A_2575 = arith.constant 0 : i32
    %sub3A_2576 = vector.broadcast %sub3A_2575 : i32 to vector<16xi32>
    %sub3A_2577 = arith.subi %get3A_2574, %sub3A_2576 : vector<16xi32>
    %add3A_2578 = arith.constant 80 : i32
    %add3A_2579 = vector.broadcast %add3A_2578 : i32 to vector<16xi32>
    %add3A_2580 = arith.addi %iota3A, %add3A_2579 : vector<16xi32>
    %ge3A_2581 = arith.constant 0 : i32
    %ge3A_2582 = vector.broadcast %ge3A_2581 : i32 to vector<16xi32>
    %ge3A_2583 = arith.cmpi sge, %get3A_2574, %ge3A_2582 : vector<16xi32>
    %lt3A_2584 = arith.constant 248 : i32
    %lt3A_2585 = vector.broadcast %lt3A_2584 : i32 to vector<16xi32>
    %lt3A_2586 = arith.cmpi slt, %get3A_2574, %lt3A_2585 : vector<16xi32>
    %and3A_2587 = arith.andi %ge3A_2583, %lt3A_2586 : vector<16xi1>
    tpu.vector_store_idx %arg7[%sub3A_2577, %add3A_2580], %broadcast_in_dim3A_6 masked %and3A_2587 : memref<256x128xf32, #tpu.memory_space<vmem>>[vector<16xi32>, vector<16xi32>], vector<16xf32>, vector<16xi1>
    %get3A_2588 = arith.constant 352 : index
    %get3A_2589 = tpu.vector_load %arg4[%get3A_2588] {strides = array<i32>} : memref<512xi32, #tpu.memory_space<vmem>>, vector<16xi32>,
    %sub3A_2590 = arith.constant 0 : i32
    %sub3A_2591 = vector.broadcast %sub3A_2590 : i32 to vector<16xi32>
    %sub3A_2592 = arith.subi %get3A_2589, %sub3A_2591 : vector<16xi32>
    %add3A_2593 = arith.constant 96 : i32
    %add3A_2594 = vector.broadcast %add3A_2593 : i32 to vector<16xi32>
    %add3A_2595 = arith.addi %iota3A, %add3A_2594 : vector<16xi32>
    %ge3A_2596 = arith.constant 0 : i32
    %ge3A_2597 = vector.broadcast %ge3A_2596 : i32 to vector<16xi32>
    %ge3A_2598 = arith.cmpi sge, %get3A_2589, %ge3A_2597 : vector<16xi32>
    %lt3A_2599 = arith.constant 248 : i32
    %lt3A_2600 = vector.broadcast %lt3A_2599 : i32 to vector<16xi32>
    %lt3A_2601 = arith.cmpi slt, %get3A_2589, %lt3A_2600 : vector<16xi32>
    %and3A_2602 = arith.andi %ge3A_2598, %lt3A_2601 : vector<16xi1>
    tpu.vector_store_idx %arg7[%sub3A_2592, %add3A_2595], %broadcast_in_dim3A_6 masked %and3A_2602 : memref<256x128xf32, #tpu.memory_space<vmem>>[vector<16xi32>, vector<16xi32>], vector<16xf32>, vector<16xi1>
    %get3A_2603 = arith.constant 368 : index
    %get3A_2604 = tpu.vector_load %arg4[%get3A_2603] {strides = array<i32>} : memref<512xi32, #tpu.memory_space<vmem>>, vector<16xi32>,
    %sub3A_2605 = arith.constant 0 : i32
    %sub3A_2606 = vector.broadcast %sub3A_2605 : i32 to vector<16xi32>
    %sub3A_2607 = arith.subi %get3A_2604, %sub3A_2606 : vector<16xi32>
    %add3A_2608 = arith.constant 112 : i32
    %add3A_2609 = vector.broadcast %add3A_2608 : i32 to vector<16xi32>
    %add3A_2610 = arith.addi %iota3A, %add3A_2609 : vector<16xi32>
    %ge3A_2611 = arith.constant 0 : i32
    %ge3A_2612 = vector.broadcast %ge3A_2611 : i32 to vector<16xi32>
    %ge3A_2613 = arith.cmpi sge, %get3A_2604, %ge3A_2612 : vector<16xi32>
    %lt3A_2614 = arith.constant 248 : i32
    %lt3A_2615 = vector.broadcast %lt3A_2614 : i32 to vector<16xi32>
    %lt3A_2616 = arith.cmpi slt, %get3A_2604, %lt3A_2615 : vector<16xi32>
    %and3A_2617 = arith.andi %ge3A_2613, %lt3A_2616 : vector<16xi1>
    tpu.vector_store_idx %arg7[%sub3A_2607, %add3A_2610], %broadcast_in_dim3A_6 masked %and3A_2617 : memref<256x128xf32, #tpu.memory_space<vmem>>[vector<16xi32>, vector<16xi32>], vector<16xf32>, vector<16xi1>
    %get3A_2618 = arith.constant 256 : index
    %get3A_2619 = tpu.vector_load %arg4[%get3A_2618] {strides = array<i32>} : memref<512xi32, #tpu.memory_space<vmem>>, vector<16xi32>,
    %sub3A_2620 = arith.constant 744 : i32
    %sub3A_2621 = vector.broadcast %sub3A_2620 : i32 to vector<16xi32>
    %sub3A_2622 = arith.subi %get3A_2619, %sub3A_2621 : vector<16xi32>
    %add3A_2623 = arith.constant 0 : i32
    %add3A_2624 = vector.broadcast %add3A_2623 : i32 to vector<16xi32>
    %add3A_2625 = arith.addi %iota3A, %add3A_2624 : vector<16xi32>
    %ge3A_2626 = arith.constant 744 : i32
    %ge3A_2627 = vector.broadcast %ge3A_2626 : i32 to vector<16xi32>
    %ge3A_2628 = arith.cmpi sge, %get3A_2619, %ge3A_2627 : vector<16xi32>
    %lt3A_2629 = arith.constant 1000 : i32
    %lt3A_2630 = vector.broadcast %lt3A_2629 : i32 to vector<16xi32>
    %lt3A_2631 = arith.cmpi slt, %get3A_2619, %lt3A_2630 : vector<16xi32>
    %and3A_2632 = arith.andi %ge3A_2628, %lt3A_2631 : vector<16xi1>
    tpu.vector_store_idx %arg7[%sub3A_2622, %add3A_2625], %broadcast_in_dim3A_4 masked %and3A_2632 : memref<256x128xf32, #tpu.memory_space<vmem>>[vector<16xi32>, vector<16xi32>], vector<16xf32>, vector<16xi1>
    %get3A_2633 = arith.constant 272 : index
    %get3A_2634 = tpu.vector_load %arg4[%get3A_2633] {strides = array<i32>} : memref<512xi32, #tpu.memory_space<vmem>>, vector<16xi32>,
    %sub3A_2635 = arith.constant 744 : i32
    %sub3A_2636 = vector.broadcast %sub3A_2635 : i32 to vector<16xi32>
    %sub3A_2637 = arith.subi %get3A_2634, %sub3A_2636 : vector<16xi32>
    %add3A_2638 = arith.constant 16 : i32
    %add3A_2639 = vector.broadcast %add3A_2638 : i32 to vector<16xi32>
    %add3A_2640 = arith.addi %iota3A, %add3A_2639 : vector<16xi32>
    %ge3A_2641 = arith.constant 744 : i32
    %ge3A_2642 = vector.broadcast %ge3A_2641 : i32 to vector<16xi32>
    %ge3A_2643 = arith.cmpi sge, %get3A_2634, %ge3A_2642 : vector<16xi32>
    %lt3A_2644 = arith.constant 1000 : i32
    %lt3A_2645 = vector.broadcast %lt3A_2644 : i32 to vector<16xi32>
    %lt3A_2646 = arith.cmpi slt, %get3A_2634, %lt3A_2645 : vector<16xi32>
    %and3A_2647 = arith.andi %ge3A_2643, %lt3A_2646 : vector<16xi1>
    tpu.vector_store_idx %arg7[%sub3A_2637, %add3A_2640], %broadcast_in_dim3A_4 masked %and3A_2647 : memref<256x128xf32, #tpu.memory_space<vmem>>[vector<16xi32>, vector<16xi32>], vector<16xf32>, vector<16xi1>
    %get3A_2648 = arith.constant 288 : index
    %get3A_2649 = tpu.vector_load %arg4[%get3A_2648] {strides = array<i32>} : memref<512xi32, #tpu.memory_space<vmem>>, vector<16xi32>,
    %sub3A_2650 = arith.constant 744 : i32
    %sub3A_2651 = vector.broadcast %sub3A_2650 : i32 to vector<16xi32>
    %sub3A_2652 = arith.subi %get3A_2649, %sub3A_2651 : vector<16xi32>
    %add3A_2653 = arith.constant 32 : i32
    %add3A_2654 = vector.broadcast %add3A_2653 : i32 to vector<16xi32>
    %add3A_2655 = arith.addi %iota3A, %add3A_2654 : vector<16xi32>
    %ge3A_2656 = arith.constant 744 : i32
    %ge3A_2657 = vector.broadcast %ge3A_2656 : i32 to vector<16xi32>
    %ge3A_2658 = arith.cmpi sge, %get3A_2649, %ge3A_2657 : vector<16xi32>
    %lt3A_2659 = arith.constant 1000 : i32
    %lt3A_2660 = vector.broadcast %lt3A_2659 : i32 to vector<16xi32>
    %lt3A_2661 = arith.cmpi slt, %get3A_2649, %lt3A_2660 : vector<16xi32>
    %and3A_2662 = arith.andi %ge3A_2658, %lt3A_2661 : vector<16xi1>
    tpu.vector_store_idx %arg7[%sub3A_2652, %add3A_2655], %broadcast_in_dim3A_4 masked %and3A_2662 : memref<256x128xf32, #tpu.memory_space<vmem>>[vector<16xi32>, vector<16xi32>], vector<16xf32>, vector<16xi1>
    %get3A_2663 = arith.constant 304 : index
    %get3A_2664 = tpu.vector_load %arg4[%get3A_2663] {strides = array<i32>} : memref<512xi32, #tpu.memory_space<vmem>>, vector<16xi32>,
    %sub3A_2665 = arith.constant 744 : i32
    %sub3A_2666 = vector.broadcast %sub3A_2665 : i32 to vector<16xi32>
    %sub3A_2667 = arith.subi %get3A_2664, %sub3A_2666 : vector<16xi32>
    %add3A_2668 = arith.constant 48 : i32
    %add3A_2669 = vector.broadcast %add3A_2668 : i32 to vector<16xi32>
    %add3A_2670 = arith.addi %iota3A, %add3A_2669 : vector<16xi32>
    %ge3A_2671 = arith.constant 744 : i32
    %ge3A_2672 = vector.broadcast %ge3A_2671 : i32 to vector<16xi32>
    %ge3A_2673 = arith.cmpi sge, %get3A_2664, %ge3A_2672 : vector<16xi32>
    %lt3A_2674 = arith.constant 1000 : i32
    %lt3A_2675 = vector.broadcast %lt3A_2674 : i32 to vector<16xi32>
    %lt3A_2676 = arith.cmpi slt, %get3A_2664, %lt3A_2675 : vector<16xi32>
    %and3A_2677 = arith.andi %ge3A_2673, %lt3A_2676 : vector<16xi1>
    tpu.vector_store_idx %arg7[%sub3A_2667, %add3A_2670], %broadcast_in_dim3A_4 masked %and3A_2677 : memref<256x128xf32, #tpu.memory_space<vmem>>[vector<16xi32>, vector<16xi32>], vector<16xf32>, vector<16xi1>
    %get3A_2678 = arith.constant 320 : index
    %get3A_2679 = tpu.vector_load %arg4[%get3A_2678] {strides = array<i32>} : memref<512xi32, #tpu.memory_space<vmem>>, vector<16xi32>,
    %sub3A_2680 = arith.constant 744 : i32
    %sub3A_2681 = vector.broadcast %sub3A_2680 : i32 to vector<16xi32>
    %sub3A_2682 = arith.subi %get3A_2679, %sub3A_2681 : vector<16xi32>
    %add3A_2683 = arith.constant 64 : i32
    %add3A_2684 = vector.broadcast %add3A_2683 : i32 to vector<16xi32>
    %add3A_2685 = arith.addi %iota3A, %add3A_2684 : vector<16xi32>
    %ge3A_2686 = arith.constant 744 : i32
    %ge3A_2687 = vector.broadcast %ge3A_2686 : i32 to vector<16xi32>
    %ge3A_2688 = arith.cmpi sge, %get3A_2679, %ge3A_2687 : vector<16xi32>
    %lt3A_2689 = arith.constant 1000 : i32
    %lt3A_2690 = vector.broadcast %lt3A_2689 : i32 to vector<16xi32>
    %lt3A_2691 = arith.cmpi slt, %get3A_2679, %lt3A_2690 : vector<16xi32>
    %and3A_2692 = arith.andi %ge3A_2688, %lt3A_2691 : vector<16xi1>
    tpu.vector_store_idx %arg7[%sub3A_2682, %add3A_2685], %broadcast_in_dim3A_4 masked %and3A_2692 : memref<256x128xf32, #tpu.memory_space<vmem>>[vector<16xi32>, vector<16xi32>], vector<16xf32>, vector<16xi1>
    %get3A_2693 = arith.constant 336 : index
    %get3A_2694 = tpu.vector_load %arg4[%get3A_2693] {strides = array<i32>} : memref<512xi32, #tpu.memory_space<vmem>>, vector<16xi32>,
    %sub3A_2695 = arith.constant 744 : i32
    %sub3A_2696 = vector.broadcast %sub3A_2695 : i32 to vector<16xi32>
    %sub3A_2697 = arith.subi %get3A_2694, %sub3A_2696 : vector<16xi32>
    %add3A_2698 = arith.constant 80 : i32
    %add3A_2699 = vector.broadcast %add3A_2698 : i32 to vector<16xi32>
    %add3A_2700 = arith.addi %iota3A, %add3A_2699 : vector<16xi32>
    %ge3A_2701 = arith.constant 744 : i32
    %ge3A_2702 = vector.broadcast %ge3A_2701 : i32 to vector<16xi32>
    %ge3A_2703 = arith.cmpi sge, %get3A_2694, %ge3A_2702 : vector<16xi32>
    %lt3A_2704 = arith.constant 1000 : i32
    %lt3A_2705 = vector.broadcast %lt3A_2704 : i32 to vector<16xi32>
    %lt3A_2706 = arith.cmpi slt, %get3A_2694, %lt3A_2705 : vector<16xi32>
    %and3A_2707 = arith.andi %ge3A_2703, %lt3A_2706 : vector<16xi1>
    tpu.vector_store_idx %arg7[%sub3A_2697, %add3A_2700], %broadcast_in_dim3A_4 masked %and3A_2707 : memref<256x128xf32, #tpu.memory_space<vmem>>[vector<16xi32>, vector<16xi32>], vector<16xf32>, vector<16xi1>
    %get3A_2708 = arith.constant 352 : index
    %get3A_2709 = tpu.vector_load %arg4[%get3A_2708] {strides = array<i32>} : memref<512xi32, #tpu.memory_space<vmem>>, vector<16xi32>,
    %sub3A_2710 = arith.constant 744 : i32
    %sub3A_2711 = vector.broadcast %sub3A_2710 : i32 to vector<16xi32>
    %sub3A_2712 = arith.subi %get3A_2709, %sub3A_2711 : vector<16xi32>
    %add3A_2713 = arith.constant 96 : i32
    %add3A_2714 = vector.broadcast %add3A_2713 : i32 to vector<16xi32>
    %add3A_2715 = arith.addi %iota3A, %add3A_2714 : vector<16xi32>
    %ge3A_2716 = arith.constant 744 : i32
    %ge3A_2717 = vector.broadcast %ge3A_2716 : i32 to vector<16xi32>
    %ge3A_2718 = arith.cmpi sge, %get3A_2709, %ge3A_2717 : vector<16xi32>
    %lt3A_2719 = arith.constant 1000 : i32
    %lt3A_2720 = vector.broadcast %lt3A_2719 : i32 to vector<16xi32>
    %lt3A_2721 = arith.cmpi slt, %get3A_2709, %lt3A_2720 : vector<16xi32>
    %and3A_2722 = arith.andi %ge3A_2718, %lt3A_2721 : vector<16xi1>
    tpu.vector_store_idx %arg7[%sub3A_2712, %add3A_2715], %broadcast_in_dim3A_4 masked %and3A_2722 : memref<256x128xf32, #tpu.memory_space<vmem>>[vector<16xi32>, vector<16xi32>], vector<16xf32>, vector<16xi1>
    %get3A_2723 = arith.constant 368 : index
    %get3A_2724 = tpu.vector_load %arg4[%get3A_2723] {strides = array<i32>} : memref<512xi32, #tpu.memory_space<vmem>>, vector<16xi32>,
    %sub3A_2725 = arith.constant 744 : i32
    %sub3A_2726 = vector.broadcast %sub3A_2725 : i32 to vector<16xi32>
    %sub3A_2727 = arith.subi %get3A_2724, %sub3A_2726 : vector<16xi32>
    %add3A_2728 = arith.constant 112 : i32
    %add3A_2729 = vector.broadcast %add3A_2728 : i32 to vector<16xi32>
    %add3A_2730 = arith.addi %iota3A, %add3A_2729 : vector<16xi32>
    %ge3A_2731 = arith.constant 744 : i32
    %ge3A_2732 = vector.broadcast %ge3A_2731 : i32 to vector<16xi32>
    %ge3A_2733 = arith.cmpi sge, %get3A_2724, %ge3A_2732 : vector<16xi32>
    %lt3A_2734 = arith.constant 1000 : i32
    %lt3A_2735 = vector.broadcast %lt3A_2734 : i32 to vector<16xi32>
    %lt3A_2736 = arith.cmpi slt, %get3A_2724, %lt3A_2735 : vector<16xi32>
    %and3A_2737 = arith.andi %ge3A_2733, %lt3A_2736 : vector<16xi1>
    tpu.vector_store_idx %arg7[%sub3A_2727, %add3A_2730], %broadcast_in_dim3A_4 masked %and3A_2737 : memref<256x128xf32, #tpu.memory_space<vmem>>[vector<16xi32>, vector<16xi32>], vector<16xf32>, vector<16xi1>
    %add3A_2738 = arith.constant 256 : i32
    %add3A_2739 = arith.addi %mul3A_2, %add3A_2738 : i32
    %dma_start3A_2740 = arith.constant 744 : i32
    %dma_start3A_2741 = tpu.memref_slice %arg3[%dma_start3A_2740, %add3A_2739] : memref<1000x16384xf32, #tpu.memory_space<hbm>> -> memref<256x128xf32, #tpu.memory_space<hbm>>
    %dma_start3A_2742 = arith.constant 744 : i32
    %dma_start3A_2743 = tpu.memref_slice %arg3[%dma_start3A_2742, %add3A_2739] : memref<1000x16384xf32, #tpu.memory_space<hbm>> -> memref<256x128xf32, #tpu.memory_space<hbm>>
    tpu.enqueue_dma source(%arg7 : memref<256x128xf32, #tpu.memory_space<vmem>>) target(%dma_start3A_2743 : memref<256x128xf32, #tpu.memory_space<hbm>>) target_semaphore(%arg10 : memref<!tpu.dma_semaphore, #tpu.memory_space<semaphore_mem>>)
    %dma_wait3A_2744 = arith.constant 0 : i32
    %dma_wait3A_2745 = arith.constant 0 : i32
    %dma_wait3A_2746 = tpu.memref_slice %arg5[%dma_wait3A_2744, %dma_wait3A_2745] : memref<256x128xf32, #tpu.memory_space<vmem>> -> memref<248x128xf32, #tpu.memory_space<vmem>>
    %dma_wait3A_2747 = arith.constant 248 : i32
    %dma_wait3A_2748 = tpu.memref_slice %arg3[%dma_wait3A_2747, %add3A_2221] : memref<1000x16384xf32, #tpu.memory_space<hbm>> -> memref<248x128xf32, #tpu.memory_space<hbm>>
    %dma_wait3A_2749 = arith.constant 248 : i32
    %dma_wait3A_2750 = tpu.memref_slice %arg3[%dma_wait3A_2749, %add3A_2221] : memref<1000x16384xf32, #tpu.memory_space<hbm>> -> memref<248x128xf32, #tpu.memory_space<hbm>>
    %dma_wait3A_2751 = arith.constant 0 : i32
    %dma_wait3A_2752 = arith.constant 0 : i32
    %dma_wait3A_2753 = tpu.memref_slice %arg5[%dma_wait3A_2751, %dma_wait3A_2752] : memref<256x128xf32, #tpu.memory_space<vmem>> -> memref<248x128xf32, #tpu.memory_space<vmem>>
    tpu.wait_dma2 semaphore(%arg8 : memref<!tpu.dma_semaphore, #tpu.memory_space<semaphore_mem>>) src(%dma_wait3A_2753 : memref<248x128xf32, #tpu.memory_space<vmem>>) dst(%dma_wait3A_2750 : memref<248x128xf32, #tpu.memory_space<hbm>>)
    %get3A_2754 = arith.constant 256 : index
    %get3A_2755 = tpu.vector_load %arg4[%get3A_2754] {strides = array<i32>} : memref<512xi32, #tpu.memory_space<vmem>>, vector<16xi32>,
    %sub3A_2756 = arith.constant 248 : i32
    %sub3A_2757 = vector.broadcast %sub3A_2756 : i32 to vector<16xi32>
    %sub3A_2758 = arith.subi %get3A_2755, %sub3A_2757 : vector<16xi32>
    %add3A_2759 = arith.constant 0 : i32
    %add3A_2760 = vector.broadcast %add3A_2759 : i32 to vector<16xi32>
    %add3A_2761 = arith.addi %iota3A, %add3A_2760 : vector<16xi32>
    %ge3A_2762 = arith.constant 248 : i32
    %ge3A_2763 = vector.broadcast %ge3A_2762 : i32 to vector<16xi32>
    %ge3A_2764 = arith.cmpi sge, %get3A_2755, %ge3A_2763 : vector<16xi32>
    %lt3A_2765 = arith.constant 496 : i32
    %lt3A_2766 = vector.broadcast %lt3A_2765 : i32 to vector<16xi32>
    %lt3A_2767 = arith.cmpi slt, %get3A_2755, %lt3A_2766 : vector<16xi32>
    %and3A_2768 = arith.andi %ge3A_2764, %lt3A_2767 : vector<16xi1>
    tpu.vector_store_idx %arg5[%sub3A_2758, %add3A_2761], %broadcast_in_dim3A_6 masked %and3A_2768 : memref<256x128xf32, #tpu.memory_space<vmem>>[vector<16xi32>, vector<16xi32>], vector<16xf32>, vector<16xi1>
    %get3A_2769 = arith.constant 272 : index
    %get3A_2770 = tpu.vector_load %arg4[%get3A_2769] {strides = array<i32>} : memref<512xi32, #tpu.memory_space<vmem>>, vector<16xi32>,
    %sub3A_2771 = arith.constant 248 : i32
    %sub3A_2772 = vector.broadcast %sub3A_2771 : i32 to vector<16xi32>
    %sub3A_2773 = arith.subi %get3A_2770, %sub3A_2772 : vector<16xi32>
    %add3A_2774 = arith.constant 16 : i32
    %add3A_2775 = vector.broadcast %add3A_2774 : i32 to vector<16xi32>
    %add3A_2776 = arith.addi %iota3A, %add3A_2775 : vector<16xi32>
    %ge3A_2777 = arith.constant 248 : i32
    %ge3A_2778 = vector.broadcast %ge3A_2777 : i32 to vector<16xi32>
    %ge3A_2779 = arith.cmpi sge, %get3A_2770, %ge3A_2778 : vector<16xi32>
    %lt3A_2780 = arith.constant 496 : i32
    %lt3A_2781 = vector.broadcast %lt3A_2780 : i32 to vector<16xi32>
    %lt3A_2782 = arith.cmpi slt, %get3A_2770, %lt3A_2781 : vector<16xi32>
    %and3A_2783 = arith.andi %ge3A_2779, %lt3A_2782 : vector<16xi1>
    tpu.vector_store_idx %arg5[%sub3A_2773, %add3A_2776], %broadcast_in_dim3A_6 masked %and3A_2783 : memref<256x128xf32, #tpu.memory_space<vmem>>[vector<16xi32>, vector<16xi32>], vector<16xf32>, vector<16xi1>
    %get3A_2784 = arith.constant 288 : index
    %get3A_2785 = tpu.vector_load %arg4[%get3A_2784] {strides = array<i32>} : memref<512xi32, #tpu.memory_space<vmem>>, vector<16xi32>,
    %sub3A_2786 = arith.constant 248 : i32
    %sub3A_2787 = vector.broadcast %sub3A_2786 : i32 to vector<16xi32>
    %sub3A_2788 = arith.subi %get3A_2785, %sub3A_2787 : vector<16xi32>
    %add3A_2789 = arith.constant 32 : i32
    %add3A_2790 = vector.broadcast %add3A_2789 : i32 to vector<16xi32>
    %add3A_2791 = arith.addi %iota3A, %add3A_2790 : vector<16xi32>
    %ge3A_2792 = arith.constant 248 : i32
    %ge3A_2793 = vector.broadcast %ge3A_2792 : i32 to vector<16xi32>
    %ge3A_2794 = arith.cmpi sge, %get3A_2785, %ge3A_2793 : vector<16xi32>
    %lt3A_2795 = arith.constant 496 : i32
    %lt3A_2796 = vector.broadcast %lt3A_2795 : i32 to vector<16xi32>
    %lt3A_2797 = arith.cmpi slt, %get3A_2785, %lt3A_2796 : vector<16xi32>
    %and3A_2798 = arith.andi %ge3A_2794, %lt3A_2797 : vector<16xi1>
    tpu.vector_store_idx %arg5[%sub3A_2788, %add3A_2791], %broadcast_in_dim3A_6 masked %and3A_2798 : memref<256x128xf32, #tpu.memory_space<vmem>>[vector<16xi32>, vector<16xi32>], vector<16xf32>, vector<16xi1>
    %get3A_2799 = arith.constant 304 : index
    %get3A_2800 = tpu.vector_load %arg4[%get3A_2799] {strides = array<i32>} : memref<512xi32, #tpu.memory_space<vmem>>, vector<16xi32>,
    %sub3A_2801 = arith.constant 248 : i32
    %sub3A_2802 = vector.broadcast %sub3A_2801 : i32 to vector<16xi32>
    %sub3A_2803 = arith.subi %get3A_2800, %sub3A_2802 : vector<16xi32>
    %add3A_2804 = arith.constant 48 : i32
    %add3A_2805 = vector.broadcast %add3A_2804 : i32 to vector<16xi32>
    %add3A_2806 = arith.addi %iota3A, %add3A_2805 : vector<16xi32>
    %ge3A_2807 = arith.constant 248 : i32
    %ge3A_2808 = vector.broadcast %ge3A_2807 : i32 to vector<16xi32>
    %ge3A_2809 = arith.cmpi sge, %get3A_2800, %ge3A_2808 : vector<16xi32>
    %lt3A_2810 = arith.constant 496 : i32
    %lt3A_2811 = vector.broadcast %lt3A_2810 : i32 to vector<16xi32>
    %lt3A_2812 = arith.cmpi slt, %get3A_2800, %lt3A_2811 : vector<16xi32>
    %and3A_2813 = arith.andi %ge3A_2809, %lt3A_2812 : vector<16xi1>
    tpu.vector_store_idx %arg5[%sub3A_2803, %add3A_2806], %broadcast_in_dim3A_6 masked %and3A_2813 : memref<256x128xf32, #tpu.memory_space<vmem>>[vector<16xi32>, vector<16xi32>], vector<16xf32>, vector<16xi1>
    %get3A_2814 = arith.constant 320 : index
    %get3A_2815 = tpu.vector_load %arg4[%get3A_2814] {strides = array<i32>} : memref<512xi32, #tpu.memory_space<vmem>>, vector<16xi32>,
    %sub3A_2816 = arith.constant 248 : i32
    %sub3A_2817 = vector.broadcast %sub3A_2816 : i32 to vector<16xi32>
    %sub3A_2818 = arith.subi %get3A_2815, %sub3A_2817 : vector<16xi32>
    %add3A_2819 = arith.constant 64 : i32
    %add3A_2820 = vector.broadcast %add3A_2819 : i32 to vector<16xi32>
    %add3A_2821 = arith.addi %iota3A, %add3A_2820 : vector<16xi32>
    %ge3A_2822 = arith.constant 248 : i32
    %ge3A_2823 = vector.broadcast %ge3A_2822 : i32 to vector<16xi32>
    %ge3A_2824 = arith.cmpi sge, %get3A_2815, %ge3A_2823 : vector<16xi32>
    %lt3A_2825 = arith.constant 496 : i32
    %lt3A_2826 = vector.broadcast %lt3A_2825 : i32 to vector<16xi32>
    %lt3A_2827 = arith.cmpi slt, %get3A_2815, %lt3A_2826 : vector<16xi32>
    %and3A_2828 = arith.andi %ge3A_2824, %lt3A_2827 : vector<16xi1>
    tpu.vector_store_idx %arg5[%sub3A_2818, %add3A_2821], %broadcast_in_dim3A_6 masked %and3A_2828 : memref<256x128xf32, #tpu.memory_space<vmem>>[vector<16xi32>, vector<16xi32>], vector<16xf32>, vector<16xi1>
    %get3A_2829 = arith.constant 336 : index
    %get3A_2830 = tpu.vector_load %arg4[%get3A_2829] {strides = array<i32>} : memref<512xi32, #tpu.memory_space<vmem>>, vector<16xi32>,
    %sub3A_2831 = arith.constant 248 : i32
    %sub3A_2832 = vector.broadcast %sub3A_2831 : i32 to vector<16xi32>
    %sub3A_2833 = arith.subi %get3A_2830, %sub3A_2832 : vector<16xi32>
    %add3A_2834 = arith.constant 80 : i32
    %add3A_2835 = vector.broadcast %add3A_2834 : i32 to vector<16xi32>
    %add3A_2836 = arith.addi %iota3A, %add3A_2835 : vector<16xi32>
    %ge3A_2837 = arith.constant 248 : i32
    %ge3A_2838 = vector.broadcast %ge3A_2837 : i32 to vector<16xi32>
    %ge3A_2839 = arith.cmpi sge, %get3A_2830, %ge3A_2838 : vector<16xi32>
    %lt3A_2840 = arith.constant 496 : i32
    %lt3A_2841 = vector.broadcast %lt3A_2840 : i32 to vector<16xi32>
    %lt3A_2842 = arith.cmpi slt, %get3A_2830, %lt3A_2841 : vector<16xi32>
    %and3A_2843 = arith.andi %ge3A_2839, %lt3A_2842 : vector<16xi1>
    tpu.vector_store_idx %arg5[%sub3A_2833, %add3A_2836], %broadcast_in_dim3A_6 masked %and3A_2843 : memref<256x128xf32, #tpu.memory_space<vmem>>[vector<16xi32>, vector<16xi32>], vector<16xf32>, vector<16xi1>
    %get3A_2844 = arith.constant 352 : index
    %get3A_2845 = tpu.vector_load %arg4[%get3A_2844] {strides = array<i32>} : memref<512xi32, #tpu.memory_space<vmem>>, vector<16xi32>,
    %sub3A_2846 = arith.constant 248 : i32
    %sub3A_2847 = vector.broadcast %sub3A_2846 : i32 to vector<16xi32>
    %sub3A_2848 = arith.subi %get3A_2845, %sub3A_2847 : vector<16xi32>
    %add3A_2849 = arith.constant 96 : i32
    %add3A_2850 = vector.broadcast %add3A_2849 : i32 to vector<16xi32>
    %add3A_2851 = arith.addi %iota3A, %add3A_2850 : vector<16xi32>
    %ge3A_2852 = arith.constant 248 : i32
    %ge3A_2853 = vector.broadcast %ge3A_2852 : i32 to vector<16xi32>
    %ge3A_2854 = arith.cmpi sge, %get3A_2845, %ge3A_2853 : vector<16xi32>
    %lt3A_2855 = arith.constant 496 : i32
    %lt3A_2856 = vector.broadcast %lt3A_2855 : i32 to vector<16xi32>
    %lt3A_2857 = arith.cmpi slt, %get3A_2845, %lt3A_2856 : vector<16xi32>
    %and3A_2858 = arith.andi %ge3A_2854, %lt3A_2857 : vector<16xi1>
    tpu.vector_store_idx %arg5[%sub3A_2848, %add3A_2851], %broadcast_in_dim3A_6 masked %and3A_2858 : memref<256x128xf32, #tpu.memory_space<vmem>>[vector<16xi32>, vector<16xi32>], vector<16xf32>, vector<16xi1>
    %get3A_2859 = arith.constant 368 : index
    %get3A_2860 = tpu.vector_load %arg4[%get3A_2859] {strides = array<i32>} : memref<512xi32, #tpu.memory_space<vmem>>, vector<16xi32>,
    %sub3A_2861 = arith.constant 248 : i32
    %sub3A_2862 = vector.broadcast %sub3A_2861 : i32 to vector<16xi32>
    %sub3A_2863 = arith.subi %get3A_2860, %sub3A_2862 : vector<16xi32>
    %add3A_2864 = arith.constant 112 : i32
    %add3A_2865 = vector.broadcast %add3A_2864 : i32 to vector<16xi32>
    %add3A_2866 = arith.addi %iota3A, %add3A_2865 : vector<16xi32>
    %ge3A_2867 = arith.constant 248 : i32
    %ge3A_2868 = vector.broadcast %ge3A_2867 : i32 to vector<16xi32>
    %ge3A_2869 = arith.cmpi sge, %get3A_2860, %ge3A_2868 : vector<16xi32>
    %lt3A_2870 = arith.constant 496 : i32
    %lt3A_2871 = vector.broadcast %lt3A_2870 : i32 to vector<16xi32>
    %lt3A_2872 = arith.cmpi slt, %get3A_2860, %lt3A_2871 : vector<16xi32>
    %and3A_2873 = arith.andi %ge3A_2869, %lt3A_2872 : vector<16xi1>
    tpu.vector_store_idx %arg5[%sub3A_2863, %add3A_2866], %broadcast_in_dim3A_6 masked %and3A_2873 : memref<256x128xf32, #tpu.memory_space<vmem>>[vector<16xi32>, vector<16xi32>], vector<16xf32>, vector<16xi1>
    %get3A_2874 = arith.constant 384 : index
    %get3A_2875 = tpu.vector_load %arg4[%get3A_2874] {strides = array<i32>} : memref<512xi32, #tpu.memory_space<vmem>>, vector<16xi32>,
    %sub3A_2876 = arith.constant 0 : i32
    %sub3A_2877 = vector.broadcast %sub3A_2876 : i32 to vector<16xi32>
    %sub3A_2878 = arith.subi %get3A_2875, %sub3A_2877 : vector<16xi32>
    %add3A_2879 = arith.constant 0 : i32
    %add3A_2880 = vector.broadcast %add3A_2879 : i32 to vector<16xi32>
    %add3A_2881 = arith.addi %iota3A, %add3A_2880 : vector<16xi32>
    %ge3A_2882 = arith.constant 0 : i32
    %ge3A_2883 = vector.broadcast %ge3A_2882 : i32 to vector<16xi32>
    %ge3A_2884 = arith.cmpi sge, %get3A_2875, %ge3A_2883 : vector<16xi32>
    %lt3A_2885 = arith.constant 248 : i32
    %lt3A_2886 = vector.broadcast %lt3A_2885 : i32 to vector<16xi32>
    %lt3A_2887 = arith.cmpi slt, %get3A_2875, %lt3A_2886 : vector<16xi32>
    %and3A_2888 = arith.andi %ge3A_2884, %lt3A_2887 : vector<16xi1>
    tpu.vector_store_idx %arg5[%sub3A_2878, %add3A_2881], %broadcast_in_dim3A_4 masked %and3A_2888 : memref<256x128xf32, #tpu.memory_space<vmem>>[vector<16xi32>, vector<16xi32>], vector<16xf32>, vector<16xi1>
    %get3A_2889 = arith.constant 400 : index
    %get3A_2890 = tpu.vector_load %arg4[%get3A_2889] {strides = array<i32>} : memref<512xi32, #tpu.memory_space<vmem>>, vector<16xi32>,
    %sub3A_2891 = arith.constant 0 : i32
    %sub3A_2892 = vector.broadcast %sub3A_2891 : i32 to vector<16xi32>
    %sub3A_2893 = arith.subi %get3A_2890, %sub3A_2892 : vector<16xi32>
    %add3A_2894 = arith.constant 16 : i32
    %add3A_2895 = vector.broadcast %add3A_2894 : i32 to vector<16xi32>
    %add3A_2896 = arith.addi %iota3A, %add3A_2895 : vector<16xi32>
    %ge3A_2897 = arith.constant 0 : i32
    %ge3A_2898 = vector.broadcast %ge3A_2897 : i32 to vector<16xi32>
    %ge3A_2899 = arith.cmpi sge, %get3A_2890, %ge3A_2898 : vector<16xi32>
    %lt3A_2900 = arith.constant 248 : i32
    %lt3A_2901 = vector.broadcast %lt3A_2900 : i32 to vector<16xi32>
    %lt3A_2902 = arith.cmpi slt, %get3A_2890, %lt3A_2901 : vector<16xi32>
    %and3A_2903 = arith.andi %ge3A_2899, %lt3A_2902 : vector<16xi1>
    tpu.vector_store_idx %arg5[%sub3A_2893, %add3A_2896], %broadcast_in_dim3A_4 masked %and3A_2903 : memref<256x128xf32, #tpu.memory_space<vmem>>[vector<16xi32>, vector<16xi32>], vector<16xf32>, vector<16xi1>
    %get3A_2904 = arith.constant 416 : index
    %get3A_2905 = tpu.vector_load %arg4[%get3A_2904] {strides = array<i32>} : memref<512xi32, #tpu.memory_space<vmem>>, vector<16xi32>,
    %sub3A_2906 = arith.constant 0 : i32
    %sub3A_2907 = vector.broadcast %sub3A_2906 : i32 to vector<16xi32>
    %sub3A_2908 = arith.subi %get3A_2905, %sub3A_2907 : vector<16xi32>
    %add3A_2909 = arith.constant 32 : i32
    %add3A_2910 = vector.broadcast %add3A_2909 : i32 to vector<16xi32>
    %add3A_2911 = arith.addi %iota3A, %add3A_2910 : vector<16xi32>
    %ge3A_2912 = arith.constant 0 : i32
    %ge3A_2913 = vector.broadcast %ge3A_2912 : i32 to vector<16xi32>
    %ge3A_2914 = arith.cmpi sge, %get3A_2905, %ge3A_2913 : vector<16xi32>
    %lt3A_2915 = arith.constant 248 : i32
    %lt3A_2916 = vector.broadcast %lt3A_2915 : i32 to vector<16xi32>
    %lt3A_2917 = arith.cmpi slt, %get3A_2905, %lt3A_2916 : vector<16xi32>
    %and3A_2918 = arith.andi %ge3A_2914, %lt3A_2917 : vector<16xi1>
    tpu.vector_store_idx %arg5[%sub3A_2908, %add3A_2911], %broadcast_in_dim3A_4 masked %and3A_2918 : memref<256x128xf32, #tpu.memory_space<vmem>>[vector<16xi32>, vector<16xi32>], vector<16xf32>, vector<16xi1>
    %get3A_2919 = arith.constant 432 : index
    %get3A_2920 = tpu.vector_load %arg4[%get3A_2919] {strides = array<i32>} : memref<512xi32, #tpu.memory_space<vmem>>, vector<16xi32>,
    %sub3A_2921 = arith.constant 0 : i32
    %sub3A_2922 = vector.broadcast %sub3A_2921 : i32 to vector<16xi32>
    %sub3A_2923 = arith.subi %get3A_2920, %sub3A_2922 : vector<16xi32>
    %add3A_2924 = arith.constant 48 : i32
    %add3A_2925 = vector.broadcast %add3A_2924 : i32 to vector<16xi32>
    %add3A_2926 = arith.addi %iota3A, %add3A_2925 : vector<16xi32>
    %ge3A_2927 = arith.constant 0 : i32
    %ge3A_2928 = vector.broadcast %ge3A_2927 : i32 to vector<16xi32>
    %ge3A_2929 = arith.cmpi sge, %get3A_2920, %ge3A_2928 : vector<16xi32>
    %lt3A_2930 = arith.constant 248 : i32
    %lt3A_2931 = vector.broadcast %lt3A_2930 : i32 to vector<16xi32>
    %lt3A_2932 = arith.cmpi slt, %get3A_2920, %lt3A_2931 : vector<16xi32>
    %and3A_2933 = arith.andi %ge3A_2929, %lt3A_2932 : vector<16xi1>
    tpu.vector_store_idx %arg5[%sub3A_2923, %add3A_2926], %broadcast_in_dim3A_4 masked %and3A_2933 : memref<256x128xf32, #tpu.memory_space<vmem>>[vector<16xi32>, vector<16xi32>], vector<16xf32>, vector<16xi1>
    %get3A_2934 = arith.constant 448 : index
    %get3A_2935 = tpu.vector_load %arg4[%get3A_2934] {strides = array<i32>} : memref<512xi32, #tpu.memory_space<vmem>>, vector<16xi32>,
    %sub3A_2936 = arith.constant 0 : i32
    %sub3A_2937 = vector.broadcast %sub3A_2936 : i32 to vector<16xi32>
    %sub3A_2938 = arith.subi %get3A_2935, %sub3A_2937 : vector<16xi32>
    %add3A_2939 = arith.constant 64 : i32
    %add3A_2940 = vector.broadcast %add3A_2939 : i32 to vector<16xi32>
    %add3A_2941 = arith.addi %iota3A, %add3A_2940 : vector<16xi32>
    %ge3A_2942 = arith.constant 0 : i32
    %ge3A_2943 = vector.broadcast %ge3A_2942 : i32 to vector<16xi32>
    %ge3A_2944 = arith.cmpi sge, %get3A_2935, %ge3A_2943 : vector<16xi32>
    %lt3A_2945 = arith.constant 248 : i32
    %lt3A_2946 = vector.broadcast %lt3A_2945 : i32 to vector<16xi32>
    %lt3A_2947 = arith.cmpi slt, %get3A_2935, %lt3A_2946 : vector<16xi32>
    %and3A_2948 = arith.andi %ge3A_2944, %lt3A_2947 : vector<16xi1>
    tpu.vector_store_idx %arg5[%sub3A_2938, %add3A_2941], %broadcast_in_dim3A_4 masked %and3A_2948 : memref<256x128xf32, #tpu.memory_space<vmem>>[vector<16xi32>, vector<16xi32>], vector<16xf32>, vector<16xi1>
    %get3A_2949 = arith.constant 464 : index
    %get3A_2950 = tpu.vector_load %arg4[%get3A_2949] {strides = array<i32>} : memref<512xi32, #tpu.memory_space<vmem>>, vector<16xi32>,
    %sub3A_2951 = arith.constant 0 : i32
    %sub3A_2952 = vector.broadcast %sub3A_2951 : i32 to vector<16xi32>
    %sub3A_2953 = arith.subi %get3A_2950, %sub3A_2952 : vector<16xi32>
    %add3A_2954 = arith.constant 80 : i32
    %add3A_2955 = vector.broadcast %add3A_2954 : i32 to vector<16xi32>
    %add3A_2956 = arith.addi %iota3A, %add3A_2955 : vector<16xi32>
    %ge3A_2957 = arith.constant 0 : i32
    %ge3A_2958 = vector.broadcast %ge3A_2957 : i32 to vector<16xi32>
    %ge3A_2959 = arith.cmpi sge, %get3A_2950, %ge3A_2958 : vector<16xi32>
    %lt3A_2960 = arith.constant 248 : i32
    %lt3A_2961 = vector.broadcast %lt3A_2960 : i32 to vector<16xi32>
    %lt3A_2962 = arith.cmpi slt, %get3A_2950, %lt3A_2961 : vector<16xi32>
    %and3A_2963 = arith.andi %ge3A_2959, %lt3A_2962 : vector<16xi1>
    tpu.vector_store_idx %arg5[%sub3A_2953, %add3A_2956], %broadcast_in_dim3A_4 masked %and3A_2963 : memref<256x128xf32, #tpu.memory_space<vmem>>[vector<16xi32>, vector<16xi32>], vector<16xf32>, vector<16xi1>
    %get3A_2964 = arith.constant 480 : index
    %get3A_2965 = tpu.vector_load %arg4[%get3A_2964] {strides = array<i32>} : memref<512xi32, #tpu.memory_space<vmem>>, vector<16xi32>,
    %sub3A_2966 = arith.constant 0 : i32
    %sub3A_2967 = vector.broadcast %sub3A_2966 : i32 to vector<16xi32>
    %sub3A_2968 = arith.subi %get3A_2965, %sub3A_2967 : vector<16xi32>
    %add3A_2969 = arith.constant 96 : i32
    %add3A_2970 = vector.broadcast %add3A_2969 : i32 to vector<16xi32>
    %add3A_2971 = arith.addi %iota3A, %add3A_2970 : vector<16xi32>
    %ge3A_2972 = arith.constant 0 : i32
    %ge3A_2973 = vector.broadcast %ge3A_2972 : i32 to vector<16xi32>
    %ge3A_2974 = arith.cmpi sge, %get3A_2965, %ge3A_2973 : vector<16xi32>
    %lt3A_2975 = arith.constant 248 : i32
    %lt3A_2976 = vector.broadcast %lt3A_2975 : i32 to vector<16xi32>
    %lt3A_2977 = arith.cmpi slt, %get3A_2965, %lt3A_2976 : vector<16xi32>
    %and3A_2978 = arith.andi %ge3A_2974, %lt3A_2977 : vector<16xi1>
    tpu.vector_store_idx %arg5[%sub3A_2968, %add3A_2971], %broadcast_in_dim3A_4 masked %and3A_2978 : memref<256x128xf32, #tpu.memory_space<vmem>>[vector<16xi32>, vector<16xi32>], vector<16xf32>, vector<16xi1>
    %get3A_2979 = arith.constant 496 : index
    %get3A_2980 = tpu.vector_load %arg4[%get3A_2979] {strides = array<i32>} : memref<512xi32, #tpu.memory_space<vmem>>, vector<16xi32>,
    %sub3A_2981 = arith.constant 0 : i32
    %sub3A_2982 = vector.broadcast %sub3A_2981 : i32 to vector<16xi32>
    %sub3A_2983 = arith.subi %get3A_2980, %sub3A_2982 : vector<16xi32>
    %add3A_2984 = arith.constant 112 : i32
    %add3A_2985 = vector.broadcast %add3A_2984 : i32 to vector<16xi32>
    %add3A_2986 = arith.addi %iota3A, %add3A_2985 : vector<16xi32>
    %ge3A_2987 = arith.constant 0 : i32
    %ge3A_2988 = vector.broadcast %ge3A_2987 : i32 to vector<16xi32>
    %ge3A_2989 = arith.cmpi sge, %get3A_2980, %ge3A_2988 : vector<16xi32>
    %lt3A_2990 = arith.constant 248 : i32
    %lt3A_2991 = vector.broadcast %lt3A_2990 : i32 to vector<16xi32>
    %lt3A_2992 = arith.cmpi slt, %get3A_2980, %lt3A_2991 : vector<16xi32>
    %and3A_2993 = arith.andi %ge3A_2989, %lt3A_2992 : vector<16xi1>
    tpu.vector_store_idx %arg5[%sub3A_2983, %add3A_2986], %broadcast_in_dim3A_4 masked %and3A_2993 : memref<256x128xf32, #tpu.memory_space<vmem>>[vector<16xi32>, vector<16xi32>], vector<16xf32>, vector<16xi1>
    %add3A_2994 = arith.constant 384 : i32
    %add3A_2995 = arith.addi %mul3A_2, %add3A_2994 : i32
    %dma_start3A_2996 = arith.constant 0 : i32
    %dma_start3A_2997 = arith.constant 0 : i32
    %dma_start3A_2998 = tpu.memref_slice %arg5[%dma_start3A_2996, %dma_start3A_2997] : memref<256x128xf32, #tpu.memory_space<vmem>> -> memref<248x128xf32, #tpu.memory_space<vmem>>
    %dma_start3A_2999 = arith.constant 0 : i32
    %dma_start3A_3000 = tpu.memref_slice %arg3[%dma_start3A_2999, %add3A_2995] : memref<1000x16384xf32, #tpu.memory_space<hbm>> -> memref<248x128xf32, #tpu.memory_space<hbm>>
    %dma_start3A_3001 = arith.constant 0 : i32
    %dma_start3A_3002 = tpu.memref_slice %arg3[%dma_start3A_3001, %add3A_2995] : memref<1000x16384xf32, #tpu.memory_space<hbm>> -> memref<248x128xf32, #tpu.memory_space<hbm>>
    %dma_start3A_3003 = arith.constant 0 : i32
    %dma_start3A_3004 = arith.constant 0 : i32
    %dma_start3A_3005 = tpu.memref_slice %arg5[%dma_start3A_3003, %dma_start3A_3004] : memref<256x128xf32, #tpu.memory_space<vmem>> -> memref<248x128xf32, #tpu.memory_space<vmem>>
    tpu.enqueue_dma source(%dma_start3A_3005 : memref<248x128xf32, #tpu.memory_space<vmem>>) target(%dma_start3A_3002 : memref<248x128xf32, #tpu.memory_space<hbm>>) target_semaphore(%arg8 : memref<!tpu.dma_semaphore, #tpu.memory_space<semaphore_mem>>)
    %dma_wait3A_3006 = arith.constant 0 : i32
    %dma_wait3A_3007 = arith.constant 0 : i32
    %dma_wait3A_3008 = tpu.memref_slice %arg6[%dma_wait3A_3006, %dma_wait3A_3007] : memref<256x128xf32, #tpu.memory_space<vmem>> -> memref<248x128xf32, #tpu.memory_space<vmem>>
    %dma_wait3A_3009 = arith.constant 496 : i32
    %dma_wait3A_3010 = tpu.memref_slice %arg3[%dma_wait3A_3009, %add3A_2477] : memref<1000x16384xf32, #tpu.memory_space<hbm>> -> memref<248x128xf32, #tpu.memory_space<hbm>>
    %dma_wait3A_3011 = arith.constant 496 : i32
    %dma_wait3A_3012 = tpu.memref_slice %arg3[%dma_wait3A_3011, %add3A_2477] : memref<1000x16384xf32, #tpu.memory_space<hbm>> -> memref<248x128xf32, #tpu.memory_space<hbm>>
    %dma_wait3A_3013 = arith.constant 0 : i32
    %dma_wait3A_3014 = arith.constant 0 : i32
    %dma_wait3A_3015 = tpu.memref_slice %arg6[%dma_wait3A_3013, %dma_wait3A_3014] : memref<256x128xf32, #tpu.memory_space<vmem>> -> memref<248x128xf32, #tpu.memory_space<vmem>>
    tpu.wait_dma2 semaphore(%arg9 : memref<!tpu.dma_semaphore, #tpu.memory_space<semaphore_mem>>) src(%dma_wait3A_3015 : memref<248x128xf32, #tpu.memory_space<vmem>>) dst(%dma_wait3A_3012 : memref<248x128xf32, #tpu.memory_space<hbm>>)
    %get3A_3016 = arith.constant 256 : index
    %get3A_3017 = tpu.vector_load %arg4[%get3A_3016] {strides = array<i32>} : memref<512xi32, #tpu.memory_space<vmem>>, vector<16xi32>,
    %sub3A_3018 = arith.constant 496 : i32
    %sub3A_3019 = vector.broadcast %sub3A_3018 : i32 to vector<16xi32>
    %sub3A_3020 = arith.subi %get3A_3017, %sub3A_3019 : vector<16xi32>
    %add3A_3021 = arith.constant 0 : i32
    %add3A_3022 = vector.broadcast %add3A_3021 : i32 to vector<16xi32>
    %add3A_3023 = arith.addi %iota3A, %add3A_3022 : vector<16xi32>
    %ge3A_3024 = arith.constant 496 : i32
    %ge3A_3025 = vector.broadcast %ge3A_3024 : i32 to vector<16xi32>
    %ge3A_3026 = arith.cmpi sge, %get3A_3017, %ge3A_3025 : vector<16xi32>
    %lt3A_3027 = arith.constant 744 : i32
    %lt3A_3028 = vector.broadcast %lt3A_3027 : i32 to vector<16xi32>
    %lt3A_3029 = arith.cmpi slt, %get3A_3017, %lt3A_3028 : vector<16xi32>
    %and3A_3030 = arith.andi %ge3A_3026, %lt3A_3029 : vector<16xi1>
    tpu.vector_store_idx %arg6[%sub3A_3020, %add3A_3023], %broadcast_in_dim3A_6 masked %and3A_3030 : memref<256x128xf32, #tpu.memory_space<vmem>>[vector<16xi32>, vector<16xi32>], vector<16xf32>, vector<16xi1>
    %get3A_3031 = arith.constant 272 : index
    %get3A_3032 = tpu.vector_load %arg4[%get3A_3031] {strides = array<i32>} : memref<512xi32, #tpu.memory_space<vmem>>, vector<16xi32>,
    %sub3A_3033 = arith.constant 496 : i32
    %sub3A_3034 = vector.broadcast %sub3A_3033 : i32 to vector<16xi32>
    %sub3A_3035 = arith.subi %get3A_3032, %sub3A_3034 : vector<16xi32>
    %add3A_3036 = arith.constant 16 : i32
    %add3A_3037 = vector.broadcast %add3A_3036 : i32 to vector<16xi32>
    %add3A_3038 = arith.addi %iota3A, %add3A_3037 : vector<16xi32>
    %ge3A_3039 = arith.constant 496 : i32
    %ge3A_3040 = vector.broadcast %ge3A_3039 : i32 to vector<16xi32>
    %ge3A_3041 = arith.cmpi sge, %get3A_3032, %ge3A_3040 : vector<16xi32>
    %lt3A_3042 = arith.constant 744 : i32
    %lt3A_3043 = vector.broadcast %lt3A_3042 : i32 to vector<16xi32>
    %lt3A_3044 = arith.cmpi slt, %get3A_3032, %lt3A_3043 : vector<16xi32>
    %and3A_3045 = arith.andi %ge3A_3041, %lt3A_3044 : vector<16xi1>
    tpu.vector_store_idx %arg6[%sub3A_3035, %add3A_3038], %broadcast_in_dim3A_6 masked %and3A_3045 : memref<256x128xf32, #tpu.memory_space<vmem>>[vector<16xi32>, vector<16xi32>], vector<16xf32>, vector<16xi1>
    %get3A_3046 = arith.constant 288 : index
    %get3A_3047 = tpu.vector_load %arg4[%get3A_3046] {strides = array<i32>} : memref<512xi32, #tpu.memory_space<vmem>>, vector<16xi32>,
    %sub3A_3048 = arith.constant 496 : i32
    %sub3A_3049 = vector.broadcast %sub3A_3048 : i32 to vector<16xi32>
    %sub3A_3050 = arith.subi %get3A_3047, %sub3A_3049 : vector<16xi32>
    %add3A_3051 = arith.constant 32 : i32
    %add3A_3052 = vector.broadcast %add3A_3051 : i32 to vector<16xi32>
    %add3A_3053 = arith.addi %iota3A, %add3A_3052 : vector<16xi32>
    %ge3A_3054 = arith.constant 496 : i32
    %ge3A_3055 = vector.broadcast %ge3A_3054 : i32 to vector<16xi32>
    %ge3A_3056 = arith.cmpi sge, %get3A_3047, %ge3A_3055 : vector<16xi32>
    %lt3A_3057 = arith.constant 744 : i32
    %lt3A_3058 = vector.broadcast %lt3A_3057 : i32 to vector<16xi32>
    %lt3A_3059 = arith.cmpi slt, %get3A_3047, %lt3A_3058 : vector<16xi32>
    %and3A_3060 = arith.andi %ge3A_3056, %lt3A_3059 : vector<16xi1>
    tpu.vector_store_idx %arg6[%sub3A_3050, %add3A_3053], %broadcast_in_dim3A_6 masked %and3A_3060 : memref<256x128xf32, #tpu.memory_space<vmem>>[vector<16xi32>, vector<16xi32>], vector<16xf32>, vector<16xi1>
    %get3A_3061 = arith.constant 304 : index
    %get3A_3062 = tpu.vector_load %arg4[%get3A_3061] {strides = array<i32>} : memref<512xi32, #tpu.memory_space<vmem>>, vector<16xi32>,
    %sub3A_3063 = arith.constant 496 : i32
    %sub3A_3064 = vector.broadcast %sub3A_3063 : i32 to vector<16xi32>
    %sub3A_3065 = arith.subi %get3A_3062, %sub3A_3064 : vector<16xi32>
    %add3A_3066 = arith.constant 48 : i32
    %add3A_3067 = vector.broadcast %add3A_3066 : i32 to vector<16xi32>
    %add3A_3068 = arith.addi %iota3A, %add3A_3067 : vector<16xi32>
    %ge3A_3069 = arith.constant 496 : i32
    %ge3A_3070 = vector.broadcast %ge3A_3069 : i32 to vector<16xi32>
    %ge3A_3071 = arith.cmpi sge, %get3A_3062, %ge3A_3070 : vector<16xi32>
    %lt3A_3072 = arith.constant 744 : i32
    %lt3A_3073 = vector.broadcast %lt3A_3072 : i32 to vector<16xi32>
    %lt3A_3074 = arith.cmpi slt, %get3A_3062, %lt3A_3073 : vector<16xi32>
    %and3A_3075 = arith.andi %ge3A_3071, %lt3A_3074 : vector<16xi1>
    tpu.vector_store_idx %arg6[%sub3A_3065, %add3A_3068], %broadcast_in_dim3A_6 masked %and3A_3075 : memref<256x128xf32, #tpu.memory_space<vmem>>[vector<16xi32>, vector<16xi32>], vector<16xf32>, vector<16xi1>
    %get3A_3076 = arith.constant 320 : index
    %get3A_3077 = tpu.vector_load %arg4[%get3A_3076] {strides = array<i32>} : memref<512xi32, #tpu.memory_space<vmem>>, vector<16xi32>,
    %sub3A_3078 = arith.constant 496 : i32
    %sub3A_3079 = vector.broadcast %sub3A_3078 : i32 to vector<16xi32>
    %sub3A_3080 = arith.subi %get3A_3077, %sub3A_3079 : vector<16xi32>
    %add3A_3081 = arith.constant 64 : i32
    %add3A_3082 = vector.broadcast %add3A_3081 : i32 to vector<16xi32>
    %add3A_3083 = arith.addi %iota3A, %add3A_3082 : vector<16xi32>
    %ge3A_3084 = arith.constant 496 : i32
    %ge3A_3085 = vector.broadcast %ge3A_3084 : i32 to vector<16xi32>
    %ge3A_3086 = arith.cmpi sge, %get3A_3077, %ge3A_3085 : vector<16xi32>
    %lt3A_3087 = arith.constant 744 : i32
    %lt3A_3088 = vector.broadcast %lt3A_3087 : i32 to vector<16xi32>
    %lt3A_3089 = arith.cmpi slt, %get3A_3077, %lt3A_3088 : vector<16xi32>
    %and3A_3090 = arith.andi %ge3A_3086, %lt3A_3089 : vector<16xi1>
    tpu.vector_store_idx %arg6[%sub3A_3080, %add3A_3083], %broadcast_in_dim3A_6 masked %and3A_3090 : memref<256x128xf32, #tpu.memory_space<vmem>>[vector<16xi32>, vector<16xi32>], vector<16xf32>, vector<16xi1>
    %get3A_3091 = arith.constant 336 : index
    %get3A_3092 = tpu.vector_load %arg4[%get3A_3091] {strides = array<i32>} : memref<512xi32, #tpu.memory_space<vmem>>, vector<16xi32>,
    %sub3A_3093 = arith.constant 496 : i32
    %sub3A_3094 = vector.broadcast %sub3A_3093 : i32 to vector<16xi32>
    %sub3A_3095 = arith.subi %get3A_3092, %sub3A_3094 : vector<16xi32>
    %add3A_3096 = arith.constant 80 : i32
    %add3A_3097 = vector.broadcast %add3A_3096 : i32 to vector<16xi32>
    %add3A_3098 = arith.addi %iota3A, %add3A_3097 : vector<16xi32>
    %ge3A_3099 = arith.constant 496 : i32
    %ge3A_3100 = vector.broadcast %ge3A_3099 : i32 to vector<16xi32>
    %ge3A_3101 = arith.cmpi sge, %get3A_3092, %ge3A_3100 : vector<16xi32>
    %lt3A_3102 = arith.constant 744 : i32
    %lt3A_3103 = vector.broadcast %lt3A_3102 : i32 to vector<16xi32>
    %lt3A_3104 = arith.cmpi slt, %get3A_3092, %lt3A_3103 : vector<16xi32>
    %and3A_3105 = arith.andi %ge3A_3101, %lt3A_3104 : vector<16xi1>
    tpu.vector_store_idx %arg6[%sub3A_3095, %add3A_3098], %broadcast_in_dim3A_6 masked %and3A_3105 : memref<256x128xf32, #tpu.memory_space<vmem>>[vector<16xi32>, vector<16xi32>], vector<16xf32>, vector<16xi1>
    %get3A_3106 = arith.constant 352 : index
    %get3A_3107 = tpu.vector_load %arg4[%get3A_3106] {strides = array<i32>} : memref<512xi32, #tpu.memory_space<vmem>>, vector<16xi32>,
    %sub3A_3108 = arith.constant 496 : i32
    %sub3A_3109 = vector.broadcast %sub3A_3108 : i32 to vector<16xi32>
    %sub3A_3110 = arith.subi %get3A_3107, %sub3A_3109 : vector<16xi32>
    %add3A_3111 = arith.constant 96 : i32
    %add3A_3112 = vector.broadcast %add3A_3111 : i32 to vector<16xi32>
    %add3A_3113 = arith.addi %iota3A, %add3A_3112 : vector<16xi32>
    %ge3A_3114 = arith.constant 496 : i32
    %ge3A_3115 = vector.broadcast %ge3A_3114 : i32 to vector<16xi32>
    %ge3A_3116 = arith.cmpi sge, %get3A_3107, %ge3A_3115 : vector<16xi32>
    %lt3A_3117 = arith.constant 744 : i32
    %lt3A_3118 = vector.broadcast %lt3A_3117 : i32 to vector<16xi32>
    %lt3A_3119 = arith.cmpi slt, %get3A_3107, %lt3A_3118 : vector<16xi32>
    %and3A_3120 = arith.andi %ge3A_3116, %lt3A_3119 : vector<16xi1>
    tpu.vector_store_idx %arg6[%sub3A_3110, %add3A_3113], %broadcast_in_dim3A_6 masked %and3A_3120 : memref<256x128xf32, #tpu.memory_space<vmem>>[vector<16xi32>, vector<16xi32>], vector<16xf32>, vector<16xi1>
    %get3A_3121 = arith.constant 368 : index
    %get3A_3122 = tpu.vector_load %arg4[%get3A_3121] {strides = array<i32>} : memref<512xi32, #tpu.memory_space<vmem>>, vector<16xi32>,
    %sub3A_3123 = arith.constant 496 : i32
    %sub3A_3124 = vector.broadcast %sub3A_3123 : i32 to vector<16xi32>
    %sub3A_3125 = arith.subi %get3A_3122, %sub3A_3124 : vector<16xi32>
    %add3A_3126 = arith.constant 112 : i32
    %add3A_3127 = vector.broadcast %add3A_3126 : i32 to vector<16xi32>
    %add3A_3128 = arith.addi %iota3A, %add3A_3127 : vector<16xi32>
    %ge3A_3129 = arith.constant 496 : i32
    %ge3A_3130 = vector.broadcast %ge3A_3129 : i32 to vector<16xi32>
    %ge3A_3131 = arith.cmpi sge, %get3A_3122, %ge3A_3130 : vector<16xi32>
    %lt3A_3132 = arith.constant 744 : i32
    %lt3A_3133 = vector.broadcast %lt3A_3132 : i32 to vector<16xi32>
    %lt3A_3134 = arith.cmpi slt, %get3A_3122, %lt3A_3133 : vector<16xi32>
    %and3A_3135 = arith.andi %ge3A_3131, %lt3A_3134 : vector<16xi1>
    tpu.vector_store_idx %arg6[%sub3A_3125, %add3A_3128], %broadcast_in_dim3A_6 masked %and3A_3135 : memref<256x128xf32, #tpu.memory_space<vmem>>[vector<16xi32>, vector<16xi32>], vector<16xf32>, vector<16xi1>
    %get3A_3136 = arith.constant 384 : index
    %get3A_3137 = tpu.vector_load %arg4[%get3A_3136] {strides = array<i32>} : memref<512xi32, #tpu.memory_space<vmem>>, vector<16xi32>,
    %sub3A_3138 = arith.constant 248 : i32
    %sub3A_3139 = vector.broadcast %sub3A_3138 : i32 to vector<16xi32>
    %sub3A_3140 = arith.subi %get3A_3137, %sub3A_3139 : vector<16xi32>
    %add3A_3141 = arith.constant 0 : i32
    %add3A_3142 = vector.broadcast %add3A_3141 : i32 to vector<16xi32>
    %add3A_3143 = arith.addi %iota3A, %add3A_3142 : vector<16xi32>
    %ge3A_3144 = arith.constant 248 : i32
    %ge3A_3145 = vector.broadcast %ge3A_3144 : i32 to vector<16xi32>
    %ge3A_3146 = arith.cmpi sge, %get3A_3137, %ge3A_3145 : vector<16xi32>
    %lt3A_3147 = arith.constant 496 : i32
    %lt3A_3148 = vector.broadcast %lt3A_3147 : i32 to vector<16xi32>
    %lt3A_3149 = arith.cmpi slt, %get3A_3137, %lt3A_3148 : vector<16xi32>
    %and3A_3150 = arith.andi %ge3A_3146, %lt3A_3149 : vector<16xi1>
    tpu.vector_store_idx %arg6[%sub3A_3140, %add3A_3143], %broadcast_in_dim3A_4 masked %and3A_3150 : memref<256x128xf32, #tpu.memory_space<vmem>>[vector<16xi32>, vector<16xi32>], vector<16xf32>, vector<16xi1>
    %get3A_3151 = arith.constant 400 : index
    %get3A_3152 = tpu.vector_load %arg4[%get3A_3151] {strides = array<i32>} : memref<512xi32, #tpu.memory_space<vmem>>, vector<16xi32>,
    %sub3A_3153 = arith.constant 248 : i32
    %sub3A_3154 = vector.broadcast %sub3A_3153 : i32 to vector<16xi32>
    %sub3A_3155 = arith.subi %get3A_3152, %sub3A_3154 : vector<16xi32>
    %add3A_3156 = arith.constant 16 : i32
    %add3A_3157 = vector.broadcast %add3A_3156 : i32 to vector<16xi32>
    %add3A_3158 = arith.addi %iota3A, %add3A_3157 : vector<16xi32>
    %ge3A_3159 = arith.constant 248 : i32
    %ge3A_3160 = vector.broadcast %ge3A_3159 : i32 to vector<16xi32>
    %ge3A_3161 = arith.cmpi sge, %get3A_3152, %ge3A_3160 : vector<16xi32>
    %lt3A_3162 = arith.constant 496 : i32
    %lt3A_3163 = vector.broadcast %lt3A_3162 : i32 to vector<16xi32>
    %lt3A_3164 = arith.cmpi slt, %get3A_3152, %lt3A_3163 : vector<16xi32>
    %and3A_3165 = arith.andi %ge3A_3161, %lt3A_3164 : vector<16xi1>
    tpu.vector_store_idx %arg6[%sub3A_3155, %add3A_3158], %broadcast_in_dim3A_4 masked %and3A_3165 : memref<256x128xf32, #tpu.memory_space<vmem>>[vector<16xi32>, vector<16xi32>], vector<16xf32>, vector<16xi1>
    %get3A_3166 = arith.constant 416 : index
    %get3A_3167 = tpu.vector_load %arg4[%get3A_3166] {strides = array<i32>} : memref<512xi32, #tpu.memory_space<vmem>>, vector<16xi32>,
    %sub3A_3168 = arith.constant 248 : i32
    %sub3A_3169 = vector.broadcast %sub3A_3168 : i32 to vector<16xi32>
    %sub3A_3170 = arith.subi %get3A_3167, %sub3A_3169 : vector<16xi32>
    %add3A_3171 = arith.constant 32 : i32
    %add3A_3172 = vector.broadcast %add3A_3171 : i32 to vector<16xi32>
    %add3A_3173 = arith.addi %iota3A, %add3A_3172 : vector<16xi32>
    %ge3A_3174 = arith.constant 248 : i32
    %ge3A_3175 = vector.broadcast %ge3A_3174 : i32 to vector<16xi32>
    %ge3A_3176 = arith.cmpi sge, %get3A_3167, %ge3A_3175 : vector<16xi32>
    %lt3A_3177 = arith.constant 496 : i32
    %lt3A_3178 = vector.broadcast %lt3A_3177 : i32 to vector<16xi32>
    %lt3A_3179 = arith.cmpi slt, %get3A_3167, %lt3A_3178 : vector<16xi32>
    %and3A_3180 = arith.andi %ge3A_3176, %lt3A_3179 : vector<16xi1>
    tpu.vector_store_idx %arg6[%sub3A_3170, %add3A_3173], %broadcast_in_dim3A_4 masked %and3A_3180 : memref<256x128xf32, #tpu.memory_space<vmem>>[vector<16xi32>, vector<16xi32>], vector<16xf32>, vector<16xi1>
    %get3A_3181 = arith.constant 432 : index
    %get3A_3182 = tpu.vector_load %arg4[%get3A_3181] {strides = array<i32>} : memref<512xi32, #tpu.memory_space<vmem>>, vector<16xi32>,
    %sub3A_3183 = arith.constant 248 : i32
    %sub3A_3184 = vector.broadcast %sub3A_3183 : i32 to vector<16xi32>
    %sub3A_3185 = arith.subi %get3A_3182, %sub3A_3184 : vector<16xi32>
    %add3A_3186 = arith.constant 48 : i32
    %add3A_3187 = vector.broadcast %add3A_3186 : i32 to vector<16xi32>
    %add3A_3188 = arith.addi %iota3A, %add3A_3187 : vector<16xi32>
    %ge3A_3189 = arith.constant 248 : i32
    %ge3A_3190 = vector.broadcast %ge3A_3189 : i32 to vector<16xi32>
    %ge3A_3191 = arith.cmpi sge, %get3A_3182, %ge3A_3190 : vector<16xi32>
    %lt3A_3192 = arith.constant 496 : i32
    %lt3A_3193 = vector.broadcast %lt3A_3192 : i32 to vector<16xi32>
    %lt3A_3194 = arith.cmpi slt, %get3A_3182, %lt3A_3193 : vector<16xi32>
    %and3A_3195 = arith.andi %ge3A_3191, %lt3A_3194 : vector<16xi1>
    tpu.vector_store_idx %arg6[%sub3A_3185, %add3A_3188], %broadcast_in_dim3A_4 masked %and3A_3195 : memref<256x128xf32, #tpu.memory_space<vmem>>[vector<16xi32>, vector<16xi32>], vector<16xf32>, vector<16xi1>
    %get3A_3196 = arith.constant 448 : index
    %get3A_3197 = tpu.vector_load %arg4[%get3A_3196] {strides = array<i32>} : memref<512xi32, #tpu.memory_space<vmem>>, vector<16xi32>,
    %sub3A_3198 = arith.constant 248 : i32
    %sub3A_3199 = vector.broadcast %sub3A_3198 : i32 to vector<16xi32>
    %sub3A_3200 = arith.subi %get3A_3197, %sub3A_3199 : vector<16xi32>
    %add3A_3201 = arith.constant 64 : i32
    %add3A_3202 = vector.broadcast %add3A_3201 : i32 to vector<16xi32>
    %add3A_3203 = arith.addi %iota3A, %add3A_3202 : vector<16xi32>
    %ge3A_3204 = arith.constant 248 : i32
    %ge3A_3205 = vector.broadcast %ge3A_3204 : i32 to vector<16xi32>
    %ge3A_3206 = arith.cmpi sge, %get3A_3197, %ge3A_3205 : vector<16xi32>
    %lt3A_3207 = arith.constant 496 : i32
    %lt3A_3208 = vector.broadcast %lt3A_3207 : i32 to vector<16xi32>
    %lt3A_3209 = arith.cmpi slt, %get3A_3197, %lt3A_3208 : vector<16xi32>
    %and3A_3210 = arith.andi %ge3A_3206, %lt3A_3209 : vector<16xi1>
    tpu.vector_store_idx %arg6[%sub3A_3200, %add3A_3203], %broadcast_in_dim3A_4 masked %and3A_3210 : memref<256x128xf32, #tpu.memory_space<vmem>>[vector<16xi32>, vector<16xi32>], vector<16xf32>, vector<16xi1>
    %get3A_3211 = arith.constant 464 : index
    %get3A_3212 = tpu.vector_load %arg4[%get3A_3211] {strides = array<i32>} : memref<512xi32, #tpu.memory_space<vmem>>, vector<16xi32>,
    %sub3A_3213 = arith.constant 248 : i32
    %sub3A_3214 = vector.broadcast %sub3A_3213 : i32 to vector<16xi32>
    %sub3A_3215 = arith.subi %get3A_3212, %sub3A_3214 : vector<16xi32>
    %add3A_3216 = arith.constant 80 : i32
    %add3A_3217 = vector.broadcast %add3A_3216 : i32 to vector<16xi32>
    %add3A_3218 = arith.addi %iota3A, %add3A_3217 : vector<16xi32>
    %ge3A_3219 = arith.constant 248 : i32
    %ge3A_3220 = vector.broadcast %ge3A_3219 : i32 to vector<16xi32>
    %ge3A_3221 = arith.cmpi sge, %get3A_3212, %ge3A_3220 : vector<16xi32>
    %lt3A_3222 = arith.constant 496 : i32
    %lt3A_3223 = vector.broadcast %lt3A_3222 : i32 to vector<16xi32>
    %lt3A_3224 = arith.cmpi slt, %get3A_3212, %lt3A_3223 : vector<16xi32>
    %and3A_3225 = arith.andi %ge3A_3221, %lt3A_3224 : vector<16xi1>
    tpu.vector_store_idx %arg6[%sub3A_3215, %add3A_3218], %broadcast_in_dim3A_4 masked %and3A_3225 : memref<256x128xf32, #tpu.memory_space<vmem>>[vector<16xi32>, vector<16xi32>], vector<16xf32>, vector<16xi1>
    %get3A_3226 = arith.constant 480 : index
    %get3A_3227 = tpu.vector_load %arg4[%get3A_3226] {strides = array<i32>} : memref<512xi32, #tpu.memory_space<vmem>>, vector<16xi32>,
    %sub3A_3228 = arith.constant 248 : i32
    %sub3A_3229 = vector.broadcast %sub3A_3228 : i32 to vector<16xi32>
    %sub3A_3230 = arith.subi %get3A_3227, %sub3A_3229 : vector<16xi32>
    %add3A_3231 = arith.constant 96 : i32
    %add3A_3232 = vector.broadcast %add3A_3231 : i32 to vector<16xi32>
    %add3A_3233 = arith.addi %iota3A, %add3A_3232 : vector<16xi32>
    %ge3A_3234 = arith.constant 248 : i32
    %ge3A_3235 = vector.broadcast %ge3A_3234 : i32 to vector<16xi32>
    %ge3A_3236 = arith.cmpi sge, %get3A_3227, %ge3A_3235 : vector<16xi32>
    %lt3A_3237 = arith.constant 496 : i32
    %lt3A_3238 = vector.broadcast %lt3A_3237 : i32 to vector<16xi32>
    %lt3A_3239 = arith.cmpi slt, %get3A_3227, %lt3A_3238 : vector<16xi32>
    %and3A_3240 = arith.andi %ge3A_3236, %lt3A_3239 : vector<16xi1>
    tpu.vector_store_idx %arg6[%sub3A_3230, %add3A_3233], %broadcast_in_dim3A_4 masked %and3A_3240 : memref<256x128xf32, #tpu.memory_space<vmem>>[vector<16xi32>, vector<16xi32>], vector<16xf32>, vector<16xi1>
    %get3A_3241 = arith.constant 496 : index
    %get3A_3242 = tpu.vector_load %arg4[%get3A_3241] {strides = array<i32>} : memref<512xi32, #tpu.memory_space<vmem>>, vector<16xi32>,
    %sub3A_3243 = arith.constant 248 : i32
    %sub3A_3244 = vector.broadcast %sub3A_3243 : i32 to vector<16xi32>
    %sub3A_3245 = arith.subi %get3A_3242, %sub3A_3244 : vector<16xi32>
    %add3A_3246 = arith.constant 112 : i32
    %add3A_3247 = vector.broadcast %add3A_3246 : i32 to vector<16xi32>
    %add3A_3248 = arith.addi %iota3A, %add3A_3247 : vector<16xi32>
    %ge3A_3249 = arith.constant 248 : i32
    %ge3A_3250 = vector.broadcast %ge3A_3249 : i32 to vector<16xi32>
    %ge3A_3251 = arith.cmpi sge, %get3A_3242, %ge3A_3250 : vector<16xi32>
    %lt3A_3252 = arith.constant 496 : i32
    %lt3A_3253 = vector.broadcast %lt3A_3252 : i32 to vector<16xi32>
    %lt3A_3254 = arith.cmpi slt, %get3A_3242, %lt3A_3253 : vector<16xi32>
    %and3A_3255 = arith.andi %ge3A_3251, %lt3A_3254 : vector<16xi1>
    tpu.vector_store_idx %arg6[%sub3A_3245, %add3A_3248], %broadcast_in_dim3A_4 masked %and3A_3255 : memref<256x128xf32, #tpu.memory_space<vmem>>[vector<16xi32>, vector<16xi32>], vector<16xf32>, vector<16xi1>
    %add3A_3256 = arith.constant 384 : i32
    %add3A_3257 = arith.addi %mul3A_2, %add3A_3256 : i32
    %dma_start3A_3258 = arith.constant 0 : i32
    %dma_start3A_3259 = arith.constant 0 : i32
    %dma_start3A_3260 = tpu.memref_slice %arg6[%dma_start3A_3258, %dma_start3A_3259] : memref<256x128xf32, #tpu.memory_space<vmem>> -> memref<248x128xf32, #tpu.memory_space<vmem>>
    %dma_start3A_3261 = arith.constant 248 : i32
    %dma_start3A_3262 = tpu.memref_slice %arg3[%dma_start3A_3261, %add3A_3257] : memref<1000x16384xf32, #tpu.memory_space<hbm>> -> memref<248x128xf32, #tpu.memory_space<hbm>>
    %dma_start3A_3263 = arith.constant 248 : i32
    %dma_start3A_3264 = tpu.memref_slice %arg3[%dma_start3A_3263, %add3A_3257] : memref<1000x16384xf32, #tpu.memory_space<hbm>> -> memref<248x128xf32, #tpu.memory_space<hbm>>
    %dma_start3A_3265 = arith.constant 0 : i32
    %dma_start3A_3266 = arith.constant 0 : i32
    %dma_start3A_3267 = tpu.memref_slice %arg6[%dma_start3A_3265, %dma_start3A_3266] : memref<256x128xf32, #tpu.memory_space<vmem>> -> memref<248x128xf32, #tpu.memory_space<vmem>>
    tpu.enqueue_dma source(%dma_start3A_3267 : memref<248x128xf32, #tpu.memory_space<vmem>>) target(%dma_start3A_3264 : memref<248x128xf32, #tpu.memory_space<hbm>>) target_semaphore(%arg9 : memref<!tpu.dma_semaphore, #tpu.memory_space<semaphore_mem>>)
    %dma_wait3A_3268 = arith.constant 744 : i32
    %dma_wait3A_3269 = tpu.memref_slice %arg3[%dma_wait3A_3268, %add3A_2739] : memref<1000x16384xf32, #tpu.memory_space<hbm>> -> memref<256x128xf32, #tpu.memory_space<hbm>>
    %dma_wait3A_3270 = arith.constant 744 : i32
    %dma_wait3A_3271 = tpu.memref_slice %arg3[%dma_wait3A_3270, %add3A_2739] : memref<1000x16384xf32, #tpu.memory_space<hbm>> -> memref<256x128xf32, #tpu.memory_space<hbm>>
    tpu.wait_dma2 semaphore(%arg10 : memref<!tpu.dma_semaphore, #tpu.memory_space<semaphore_mem>>) src(%arg7 : memref<256x128xf32, #tpu.memory_space<vmem>>) dst(%dma_wait3A_3271 : memref<256x128xf32, #tpu.memory_space<hbm>>)
    %get3A_3272 = arith.constant 256 : index
    %get3A_3273 = tpu.vector_load %arg4[%get3A_3272] {strides = array<i32>} : memref<512xi32, #tpu.memory_space<vmem>>, vector<16xi32>,
    %sub3A_3274 = arith.constant 744 : i32
    %sub3A_3275 = vector.broadcast %sub3A_3274 : i32 to vector<16xi32>
    %sub3A_3276 = arith.subi %get3A_3273, %sub3A_3275 : vector<16xi32>
    %add3A_3277 = arith.constant 0 : i32
    %add3A_3278 = vector.broadcast %add3A_3277 : i32 to vector<16xi32>
    %add3A_3279 = arith.addi %iota3A, %add3A_3278 : vector<16xi32>
    %ge3A_3280 = arith.constant 744 : i32
    %ge3A_3281 = vector.broadcast %ge3A_3280 : i32 to vector<16xi32>
    %ge3A_3282 = arith.cmpi sge, %get3A_3273, %ge3A_3281 : vector<16xi32>
    %lt3A_3283 = arith.constant 1000 : i32
    %lt3A_3284 = vector.broadcast %lt3A_3283 : i32 to vector<16xi32>
    %lt3A_3285 = arith.cmpi slt, %get3A_3273, %lt3A_3284 : vector<16xi32>
    %and3A_3286 = arith.andi %ge3A_3282, %lt3A_3285 : vector<16xi1>
    tpu.vector_store_idx %arg7[%sub3A_3276, %add3A_3279], %broadcast_in_dim3A_6 masked %and3A_3286 : memref<256x128xf32, #tpu.memory_space<vmem>>[vector<16xi32>, vector<16xi32>], vector<16xf32>, vector<16xi1>
    %get3A_3287 = arith.constant 272 : index
    %get3A_3288 = tpu.vector_load %arg4[%get3A_3287] {strides = array<i32>} : memref<512xi32, #tpu.memory_space<vmem>>, vector<16xi32>,
    %sub3A_3289 = arith.constant 744 : i32
    %sub3A_3290 = vector.broadcast %sub3A_3289 : i32 to vector<16xi32>
    %sub3A_3291 = arith.subi %get3A_3288, %sub3A_3290 : vector<16xi32>
    %add3A_3292 = arith.constant 16 : i32
    %add3A_3293 = vector.broadcast %add3A_3292 : i32 to vector<16xi32>
    %add3A_3294 = arith.addi %iota3A, %add3A_3293 : vector<16xi32>
    %ge3A_3295 = arith.constant 744 : i32
    %ge3A_3296 = vector.broadcast %ge3A_3295 : i32 to vector<16xi32>
    %ge3A_3297 = arith.cmpi sge, %get3A_3288, %ge3A_3296 : vector<16xi32>
    %lt3A_3298 = arith.constant 1000 : i32
    %lt3A_3299 = vector.broadcast %lt3A_3298 : i32 to vector<16xi32>
    %lt3A_3300 = arith.cmpi slt, %get3A_3288, %lt3A_3299 : vector<16xi32>
    %and3A_3301 = arith.andi %ge3A_3297, %lt3A_3300 : vector<16xi1>
    tpu.vector_store_idx %arg7[%sub3A_3291, %add3A_3294], %broadcast_in_dim3A_6 masked %and3A_3301 : memref<256x128xf32, #tpu.memory_space<vmem>>[vector<16xi32>, vector<16xi32>], vector<16xf32>, vector<16xi1>
    %get3A_3302 = arith.constant 288 : index
    %get3A_3303 = tpu.vector_load %arg4[%get3A_3302] {strides = array<i32>} : memref<512xi32, #tpu.memory_space<vmem>>, vector<16xi32>,
    %sub3A_3304 = arith.constant 744 : i32
    %sub3A_3305 = vector.broadcast %sub3A_3304 : i32 to vector<16xi32>
    %sub3A_3306 = arith.subi %get3A_3303, %sub3A_3305 : vector<16xi32>
    %add3A_3307 = arith.constant 32 : i32
    %add3A_3308 = vector.broadcast %add3A_3307 : i32 to vector<16xi32>
    %add3A_3309 = arith.addi %iota3A, %add3A_3308 : vector<16xi32>
    %ge3A_3310 = arith.constant 744 : i32
    %ge3A_3311 = vector.broadcast %ge3A_3310 : i32 to vector<16xi32>
    %ge3A_3312 = arith.cmpi sge, %get3A_3303, %ge3A_3311 : vector<16xi32>
    %lt3A_3313 = arith.constant 1000 : i32
    %lt3A_3314 = vector.broadcast %lt3A_3313 : i32 to vector<16xi32>
    %lt3A_3315 = arith.cmpi slt, %get3A_3303, %lt3A_3314 : vector<16xi32>
    %and3A_3316 = arith.andi %ge3A_3312, %lt3A_3315 : vector<16xi1>
    tpu.vector_store_idx %arg7[%sub3A_3306, %add3A_3309], %broadcast_in_dim3A_6 masked %and3A_3316 : memref<256x128xf32, #tpu.memory_space<vmem>>[vector<16xi32>, vector<16xi32>], vector<16xf32>, vector<16xi1>
    %get3A_3317 = arith.constant 304 : index
    %get3A_3318 = tpu.vector_load %arg4[%get3A_3317] {strides = array<i32>} : memref<512xi32, #tpu.memory_space<vmem>>, vector<16xi32>,
    %sub3A_3319 = arith.constant 744 : i32
    %sub3A_3320 = vector.broadcast %sub3A_3319 : i32 to vector<16xi32>
    %sub3A_3321 = arith.subi %get3A_3318, %sub3A_3320 : vector<16xi32>
    %add3A_3322 = arith.constant 48 : i32
    %add3A_3323 = vector.broadcast %add3A_3322 : i32 to vector<16xi32>
    %add3A_3324 = arith.addi %iota3A, %add3A_3323 : vector<16xi32>
    %ge3A_3325 = arith.constant 744 : i32
    %ge3A_3326 = vector.broadcast %ge3A_3325 : i32 to vector<16xi32>
    %ge3A_3327 = arith.cmpi sge, %get3A_3318, %ge3A_3326 : vector<16xi32>
    %lt3A_3328 = arith.constant 1000 : i32
    %lt3A_3329 = vector.broadcast %lt3A_3328 : i32 to vector<16xi32>
    %lt3A_3330 = arith.cmpi slt, %get3A_3318, %lt3A_3329 : vector<16xi32>
    %and3A_3331 = arith.andi %ge3A_3327, %lt3A_3330 : vector<16xi1>
    tpu.vector_store_idx %arg7[%sub3A_3321, %add3A_3324], %broadcast_in_dim3A_6 masked %and3A_3331 : memref<256x128xf32, #tpu.memory_space<vmem>>[vector<16xi32>, vector<16xi32>], vector<16xf32>, vector<16xi1>
    %get3A_3332 = arith.constant 320 : index
    %get3A_3333 = tpu.vector_load %arg4[%get3A_3332] {strides = array<i32>} : memref<512xi32, #tpu.memory_space<vmem>>, vector<16xi32>,
    %sub3A_3334 = arith.constant 744 : i32
    %sub3A_3335 = vector.broadcast %sub3A_3334 : i32 to vector<16xi32>
    %sub3A_3336 = arith.subi %get3A_3333, %sub3A_3335 : vector<16xi32>
    %add3A_3337 = arith.constant 64 : i32
    %add3A_3338 = vector.broadcast %add3A_3337 : i32 to vector<16xi32>
    %add3A_3339 = arith.addi %iota3A, %add3A_3338 : vector<16xi32>
    %ge3A_3340 = arith.constant 744 : i32
    %ge3A_3341 = vector.broadcast %ge3A_3340 : i32 to vector<16xi32>
    %ge3A_3342 = arith.cmpi sge, %get3A_3333, %ge3A_3341 : vector<16xi32>
    %lt3A_3343 = arith.constant 1000 : i32
    %lt3A_3344 = vector.broadcast %lt3A_3343 : i32 to vector<16xi32>
    %lt3A_3345 = arith.cmpi slt, %get3A_3333, %lt3A_3344 : vector<16xi32>
    %and3A_3346 = arith.andi %ge3A_3342, %lt3A_3345 : vector<16xi1>
    tpu.vector_store_idx %arg7[%sub3A_3336, %add3A_3339], %broadcast_in_dim3A_6 masked %and3A_3346 : memref<256x128xf32, #tpu.memory_space<vmem>>[vector<16xi32>, vector<16xi32>], vector<16xf32>, vector<16xi1>
    %get3A_3347 = arith.constant 336 : index
    %get3A_3348 = tpu.vector_load %arg4[%get3A_3347] {strides = array<i32>} : memref<512xi32, #tpu.memory_space<vmem>>, vector<16xi32>,
    %sub3A_3349 = arith.constant 744 : i32
    %sub3A_3350 = vector.broadcast %sub3A_3349 : i32 to vector<16xi32>
    %sub3A_3351 = arith.subi %get3A_3348, %sub3A_3350 : vector<16xi32>
    %add3A_3352 = arith.constant 80 : i32
    %add3A_3353 = vector.broadcast %add3A_3352 : i32 to vector<16xi32>
    %add3A_3354 = arith.addi %iota3A, %add3A_3353 : vector<16xi32>
    %ge3A_3355 = arith.constant 744 : i32
    %ge3A_3356 = vector.broadcast %ge3A_3355 : i32 to vector<16xi32>
    %ge3A_3357 = arith.cmpi sge, %get3A_3348, %ge3A_3356 : vector<16xi32>
    %lt3A_3358 = arith.constant 1000 : i32
    %lt3A_3359 = vector.broadcast %lt3A_3358 : i32 to vector<16xi32>
    %lt3A_3360 = arith.cmpi slt, %get3A_3348, %lt3A_3359 : vector<16xi32>
    %and3A_3361 = arith.andi %ge3A_3357, %lt3A_3360 : vector<16xi1>
    tpu.vector_store_idx %arg7[%sub3A_3351, %add3A_3354], %broadcast_in_dim3A_6 masked %and3A_3361 : memref<256x128xf32, #tpu.memory_space<vmem>>[vector<16xi32>, vector<16xi32>], vector<16xf32>, vector<16xi1>
    %get3A_3362 = arith.constant 352 : index
    %get3A_3363 = tpu.vector_load %arg4[%get3A_3362] {strides = array<i32>} : memref<512xi32, #tpu.memory_space<vmem>>, vector<16xi32>,
    %sub3A_3364 = arith.constant 744 : i32
    %sub3A_3365 = vector.broadcast %sub3A_3364 : i32 to vector<16xi32>
    %sub3A_3366 = arith.subi %get3A_3363, %sub3A_3365 : vector<16xi32>
    %add3A_3367 = arith.constant 96 : i32
    %add3A_3368 = vector.broadcast %add3A_3367 : i32 to vector<16xi32>
    %add3A_3369 = arith.addi %iota3A, %add3A_3368 : vector<16xi32>
    %ge3A_3370 = arith.constant 744 : i32
    %ge3A_3371 = vector.broadcast %ge3A_3370 : i32 to vector<16xi32>
    %ge3A_3372 = arith.cmpi sge, %get3A_3363, %ge3A_3371 : vector<16xi32>
    %lt3A_3373 = arith.constant 1000 : i32
    %lt3A_3374 = vector.broadcast %lt3A_3373 : i32 to vector<16xi32>
    %lt3A_3375 = arith.cmpi slt, %get3A_3363, %lt3A_3374 : vector<16xi32>
    %and3A_3376 = arith.andi %ge3A_3372, %lt3A_3375 : vector<16xi1>
    tpu.vector_store_idx %arg7[%sub3A_3366, %add3A_3369], %broadcast_in_dim3A_6 masked %and3A_3376 : memref<256x128xf32, #tpu.memory_space<vmem>>[vector<16xi32>, vector<16xi32>], vector<16xf32>, vector<16xi1>
    %get3A_3377 = arith.constant 368 : index
    %get3A_3378 = tpu.vector_load %arg4[%get3A_3377] {strides = array<i32>} : memref<512xi32, #tpu.memory_space<vmem>>, vector<16xi32>,
    %sub3A_3379 = arith.constant 744 : i32
    %sub3A_3380 = vector.broadcast %sub3A_3379 : i32 to vector<16xi32>
    %sub3A_3381 = arith.subi %get3A_3378, %sub3A_3380 : vector<16xi32>
    %add3A_3382 = arith.constant 112 : i32
    %add3A_3383 = vector.broadcast %add3A_3382 : i32 to vector<16xi32>
    %add3A_3384 = arith.addi %iota3A, %add3A_3383 : vector<16xi32>
    %ge3A_3385 = arith.constant 744 : i32
    %ge3A_3386 = vector.broadcast %ge3A_3385 : i32 to vector<16xi32>
    %ge3A_3387 = arith.cmpi sge, %get3A_3378, %ge3A_3386 : vector<16xi32>
    %lt3A_3388 = arith.constant 1000 : i32
    %lt3A_3389 = vector.broadcast %lt3A_3388 : i32 to vector<16xi32>
    %lt3A_3390 = arith.cmpi slt, %get3A_3378, %lt3A_3389 : vector<16xi32>
    %and3A_3391 = arith.andi %ge3A_3387, %lt3A_3390 : vector<16xi1>
    tpu.vector_store_idx %arg7[%sub3A_3381, %add3A_3384], %broadcast_in_dim3A_6 masked %and3A_3391 : memref<256x128xf32, #tpu.memory_space<vmem>>[vector<16xi32>, vector<16xi32>], vector<16xf32>, vector<16xi1>
    %get3A_3392 = arith.constant 384 : index
    %get3A_3393 = tpu.vector_load %arg4[%get3A_3392] {strides = array<i32>} : memref<512xi32, #tpu.memory_space<vmem>>, vector<16xi32>,
    %sub3A_3394 = arith.constant 496 : i32
    %sub3A_3395 = vector.broadcast %sub3A_3394 : i32 to vector<16xi32>
    %sub3A_3396 = arith.subi %get3A_3393, %sub3A_3395 : vector<16xi32>
    %add3A_3397 = arith.constant 0 : i32
    %add3A_3398 = vector.broadcast %add3A_3397 : i32 to vector<16xi32>
    %add3A_3399 = arith.addi %iota3A, %add3A_3398 : vector<16xi32>
    %ge3A_3400 = arith.constant 496 : i32
    %ge3A_3401 = vector.broadcast %ge3A_3400 : i32 to vector<16xi32>
    %ge3A_3402 = arith.cmpi sge, %get3A_3393, %ge3A_3401 : vector<16xi32>
    %lt3A_3403 = arith.constant 744 : i32
    %lt3A_3404 = vector.broadcast %lt3A_3403 : i32 to vector<16xi32>
    %lt3A_3405 = arith.cmpi slt, %get3A_3393, %lt3A_3404 : vector<16xi32>
    %and3A_3406 = arith.andi %ge3A_3402, %lt3A_3405 : vector<16xi1>
    tpu.vector_store_idx %arg7[%sub3A_3396, %add3A_3399], %broadcast_in_dim3A_4 masked %and3A_3406 : memref<256x128xf32, #tpu.memory_space<vmem>>[vector<16xi32>, vector<16xi32>], vector<16xf32>, vector<16xi1>
    %get3A_3407 = arith.constant 400 : index
    %get3A_3408 = tpu.vector_load %arg4[%get3A_3407] {strides = array<i32>} : memref<512xi32, #tpu.memory_space<vmem>>, vector<16xi32>,
    %sub3A_3409 = arith.constant 496 : i32
    %sub3A_3410 = vector.broadcast %sub3A_3409 : i32 to vector<16xi32>
    %sub3A_3411 = arith.subi %get3A_3408, %sub3A_3410 : vector<16xi32>
    %add3A_3412 = arith.constant 16 : i32
    %add3A_3413 = vector.broadcast %add3A_3412 : i32 to vector<16xi32>
    %add3A_3414 = arith.addi %iota3A, %add3A_3413 : vector<16xi32>
    %ge3A_3415 = arith.constant 496 : i32
    %ge3A_3416 = vector.broadcast %ge3A_3415 : i32 to vector<16xi32>
    %ge3A_3417 = arith.cmpi sge, %get3A_3408, %ge3A_3416 : vector<16xi32>
    %lt3A_3418 = arith.constant 744 : i32
    %lt3A_3419 = vector.broadcast %lt3A_3418 : i32 to vector<16xi32>
    %lt3A_3420 = arith.cmpi slt, %get3A_3408, %lt3A_3419 : vector<16xi32>
    %and3A_3421 = arith.andi %ge3A_3417, %lt3A_3420 : vector<16xi1>
    tpu.vector_store_idx %arg7[%sub3A_3411, %add3A_3414], %broadcast_in_dim3A_4 masked %and3A_3421 : memref<256x128xf32, #tpu.memory_space<vmem>>[vector<16xi32>, vector<16xi32>], vector<16xf32>, vector<16xi1>
    %get3A_3422 = arith.constant 416 : index
    %get3A_3423 = tpu.vector_load %arg4[%get3A_3422] {strides = array<i32>} : memref<512xi32, #tpu.memory_space<vmem>>, vector<16xi32>,
    %sub3A_3424 = arith.constant 496 : i32
    %sub3A_3425 = vector.broadcast %sub3A_3424 : i32 to vector<16xi32>
    %sub3A_3426 = arith.subi %get3A_3423, %sub3A_3425 : vector<16xi32>
    %add3A_3427 = arith.constant 32 : i32
    %add3A_3428 = vector.broadcast %add3A_3427 : i32 to vector<16xi32>
    %add3A_3429 = arith.addi %iota3A, %add3A_3428 : vector<16xi32>
    %ge3A_3430 = arith.constant 496 : i32
    %ge3A_3431 = vector.broadcast %ge3A_3430 : i32 to vector<16xi32>
    %ge3A_3432 = arith.cmpi sge, %get3A_3423, %ge3A_3431 : vector<16xi32>
    %lt3A_3433 = arith.constant 744 : i32
    %lt3A_3434 = vector.broadcast %lt3A_3433 : i32 to vector<16xi32>
    %lt3A_3435 = arith.cmpi slt, %get3A_3423, %lt3A_3434 : vector<16xi32>
    %and3A_3436 = arith.andi %ge3A_3432, %lt3A_3435 : vector<16xi1>
    tpu.vector_store_idx %arg7[%sub3A_3426, %add3A_3429], %broadcast_in_dim3A_4 masked %and3A_3436 : memref<256x128xf32, #tpu.memory_space<vmem>>[vector<16xi32>, vector<16xi32>], vector<16xf32>, vector<16xi1>
    %get3A_3437 = arith.constant 432 : index
    %get3A_3438 = tpu.vector_load %arg4[%get3A_3437] {strides = array<i32>} : memref<512xi32, #tpu.memory_space<vmem>>, vector<16xi32>,
    %sub3A_3439 = arith.constant 496 : i32
    %sub3A_3440 = vector.broadcast %sub3A_3439 : i32 to vector<16xi32>
    %sub3A_3441 = arith.subi %get3A_3438, %sub3A_3440 : vector<16xi32>
    %add3A_3442 = arith.constant 48 : i32
    %add3A_3443 = vector.broadcast %add3A_3442 : i32 to vector<16xi32>
    %add3A_3444 = arith.addi %iota3A, %add3A_3443 : vector<16xi32>
    %ge3A_3445 = arith.constant 496 : i32
    %ge3A_3446 = vector.broadcast %ge3A_3445 : i32 to vector<16xi32>
    %ge3A_3447 = arith.cmpi sge, %get3A_3438, %ge3A_3446 : vector<16xi32>
    %lt3A_3448 = arith.constant 744 : i32
    %lt3A_3449 = vector.broadcast %lt3A_3448 : i32 to vector<16xi32>
    %lt3A_3450 = arith.cmpi slt, %get3A_3438, %lt3A_3449 : vector<16xi32>
    %and3A_3451 = arith.andi %ge3A_3447, %lt3A_3450 : vector<16xi1>
    tpu.vector_store_idx %arg7[%sub3A_3441, %add3A_3444], %broadcast_in_dim3A_4 masked %and3A_3451 : memref<256x128xf32, #tpu.memory_space<vmem>>[vector<16xi32>, vector<16xi32>], vector<16xf32>, vector<16xi1>
    %get3A_3452 = arith.constant 448 : index
    %get3A_3453 = tpu.vector_load %arg4[%get3A_3452] {strides = array<i32>} : memref<512xi32, #tpu.memory_space<vmem>>, vector<16xi32>,
    %sub3A_3454 = arith.constant 496 : i32
    %sub3A_3455 = vector.broadcast %sub3A_3454 : i32 to vector<16xi32>
    %sub3A_3456 = arith.subi %get3A_3453, %sub3A_3455 : vector<16xi32>
    %add3A_3457 = arith.constant 64 : i32
    %add3A_3458 = vector.broadcast %add3A_3457 : i32 to vector<16xi32>
    %add3A_3459 = arith.addi %iota3A, %add3A_3458 : vector<16xi32>
    %ge3A_3460 = arith.constant 496 : i32
    %ge3A_3461 = vector.broadcast %ge3A_3460 : i32 to vector<16xi32>
    %ge3A_3462 = arith.cmpi sge, %get3A_3453, %ge3A_3461 : vector<16xi32>
    %lt3A_3463 = arith.constant 744 : i32
    %lt3A_3464 = vector.broadcast %lt3A_3463 : i32 to vector<16xi32>
    %lt3A_3465 = arith.cmpi slt, %get3A_3453, %lt3A_3464 : vector<16xi32>
    %and3A_3466 = arith.andi %ge3A_3462, %lt3A_3465 : vector<16xi1>
    tpu.vector_store_idx %arg7[%sub3A_3456, %add3A_3459], %broadcast_in_dim3A_4 masked %and3A_3466 : memref<256x128xf32, #tpu.memory_space<vmem>>[vector<16xi32>, vector<16xi32>], vector<16xf32>, vector<16xi1>
    %get3A_3467 = arith.constant 464 : index
    %get3A_3468 = tpu.vector_load %arg4[%get3A_3467] {strides = array<i32>} : memref<512xi32, #tpu.memory_space<vmem>>, vector<16xi32>,
    %sub3A_3469 = arith.constant 496 : i32
    %sub3A_3470 = vector.broadcast %sub3A_3469 : i32 to vector<16xi32>
    %sub3A_3471 = arith.subi %get3A_3468, %sub3A_3470 : vector<16xi32>
    %add3A_3472 = arith.constant 80 : i32
    %add3A_3473 = vector.broadcast %add3A_3472 : i32 to vector<16xi32>
    %add3A_3474 = arith.addi %iota3A, %add3A_3473 : vector<16xi32>
    %ge3A_3475 = arith.constant 496 : i32
    %ge3A_3476 = vector.broadcast %ge3A_3475 : i32 to vector<16xi32>
    %ge3A_3477 = arith.cmpi sge, %get3A_3468, %ge3A_3476 : vector<16xi32>
    %lt3A_3478 = arith.constant 744 : i32
    %lt3A_3479 = vector.broadcast %lt3A_3478 : i32 to vector<16xi32>
    %lt3A_3480 = arith.cmpi slt, %get3A_3468, %lt3A_3479 : vector<16xi32>
    %and3A_3481 = arith.andi %ge3A_3477, %lt3A_3480 : vector<16xi1>
    tpu.vector_store_idx %arg7[%sub3A_3471, %add3A_3474], %broadcast_in_dim3A_4 masked %and3A_3481 : memref<256x128xf32, #tpu.memory_space<vmem>>[vector<16xi32>, vector<16xi32>], vector<16xf32>, vector<16xi1>
    %get3A_3482 = arith.constant 480 : index
    %get3A_3483 = tpu.vector_load %arg4[%get3A_3482] {strides = array<i32>} : memref<512xi32, #tpu.memory_space<vmem>>, vector<16xi32>,
    %sub3A_3484 = arith.constant 496 : i32
    %sub3A_3485 = vector.broadcast %sub3A_3484 : i32 to vector<16xi32>
    %sub3A_3486 = arith.subi %get3A_3483, %sub3A_3485 : vector<16xi32>
    %add3A_3487 = arith.constant 96 : i32
    %add3A_3488 = vector.broadcast %add3A_3487 : i32 to vector<16xi32>
    %add3A_3489 = arith.addi %iota3A, %add3A_3488 : vector<16xi32>
    %ge3A_3490 = arith.constant 496 : i32
    %ge3A_3491 = vector.broadcast %ge3A_3490 : i32 to vector<16xi32>
    %ge3A_3492 = arith.cmpi sge, %get3A_3483, %ge3A_3491 : vector<16xi32>
    %lt3A_3493 = arith.constant 744 : i32
    %lt3A_3494 = vector.broadcast %lt3A_3493 : i32 to vector<16xi32>
    %lt3A_3495 = arith.cmpi slt, %get3A_3483, %lt3A_3494 : vector<16xi32>
    %and3A_3496 = arith.andi %ge3A_3492, %lt3A_3495 : vector<16xi1>
    tpu.vector_store_idx %arg7[%sub3A_3486, %add3A_3489], %broadcast_in_dim3A_4 masked %and3A_3496 : memref<256x128xf32, #tpu.memory_space<vmem>>[vector<16xi32>, vector<16xi32>], vector<16xf32>, vector<16xi1>
    %get3A_3497 = arith.constant 496 : index
    %get3A_3498 = tpu.vector_load %arg4[%get3A_3497] {strides = array<i32>} : memref<512xi32, #tpu.memory_space<vmem>>, vector<16xi32>,
    %sub3A_3499 = arith.constant 496 : i32
    %sub3A_3500 = vector.broadcast %sub3A_3499 : i32 to vector<16xi32>
    %sub3A_3501 = arith.subi %get3A_3498, %sub3A_3500 : vector<16xi32>
    %add3A_3502 = arith.constant 112 : i32
    %add3A_3503 = vector.broadcast %add3A_3502 : i32 to vector<16xi32>
    %add3A_3504 = arith.addi %iota3A, %add3A_3503 : vector<16xi32>
    %ge3A_3505 = arith.constant 496 : i32
    %ge3A_3506 = vector.broadcast %ge3A_3505 : i32 to vector<16xi32>
    %ge3A_3507 = arith.cmpi sge, %get3A_3498, %ge3A_3506 : vector<16xi32>
    %lt3A_3508 = arith.constant 744 : i32
    %lt3A_3509 = vector.broadcast %lt3A_3508 : i32 to vector<16xi32>
    %lt3A_3510 = arith.cmpi slt, %get3A_3498, %lt3A_3509 : vector<16xi32>
    %and3A_3511 = arith.andi %ge3A_3507, %lt3A_3510 : vector<16xi1>
    tpu.vector_store_idx %arg7[%sub3A_3501, %add3A_3504], %broadcast_in_dim3A_4 masked %and3A_3511 : memref<256x128xf32, #tpu.memory_space<vmem>>[vector<16xi32>, vector<16xi32>], vector<16xf32>, vector<16xi1>
    %add3A_3512 = arith.constant 384 : i32
    %add3A_3513 = arith.addi %mul3A_2, %add3A_3512 : i32
    %dma_start3A_3514 = arith.constant 0 : i32
    %dma_start3A_3515 = arith.constant 0 : i32
    %dma_start3A_3516 = tpu.memref_slice %arg7[%dma_start3A_3514, %dma_start3A_3515] : memref<256x128xf32, #tpu.memory_space<vmem>> -> memref<248x128xf32, #tpu.memory_space<vmem>>
    %dma_start3A_3517 = arith.constant 496 : i32
    %dma_start3A_3518 = tpu.memref_slice %arg3[%dma_start3A_3517, %add3A_3513] : memref<1000x16384xf32, #tpu.memory_space<hbm>> -> memref<248x128xf32, #tpu.memory_space<hbm>>
    %dma_start3A_3519 = arith.constant 496 : i32
    %dma_start3A_3520 = tpu.memref_slice %arg3[%dma_start3A_3519, %add3A_3513] : memref<1000x16384xf32, #tpu.memory_space<hbm>> -> memref<248x128xf32, #tpu.memory_space<hbm>>
    %dma_start3A_3521 = arith.constant 0 : i32
    %dma_start3A_3522 = arith.constant 0 : i32
    %dma_start3A_3523 = tpu.memref_slice %arg7[%dma_start3A_3521, %dma_start3A_3522] : memref<256x128xf32, #tpu.memory_space<vmem>> -> memref<248x128xf32, #tpu.memory_space<vmem>>
    tpu.enqueue_dma source(%dma_start3A_3523 : memref<248x128xf32, #tpu.memory_space<vmem>>) target(%dma_start3A_3520 : memref<248x128xf32, #tpu.memory_space<hbm>>) target_semaphore(%arg10 : memref<!tpu.dma_semaphore, #tpu.memory_space<semaphore_mem>>)
    %dma_wait3A_3524 = arith.constant 0 : i32
    %dma_wait3A_3525 = arith.constant 0 : i32
    %dma_wait3A_3526 = tpu.memref_slice %arg5[%dma_wait3A_3524, %dma_wait3A_3525] : memref<256x128xf32, #tpu.memory_space<vmem>> -> memref<248x128xf32, #tpu.memory_space<vmem>>
    %dma_wait3A_3527 = arith.constant 0 : i32
    %dma_wait3A_3528 = tpu.memref_slice %arg3[%dma_wait3A_3527, %add3A_2995] : memref<1000x16384xf32, #tpu.memory_space<hbm>> -> memref<248x128xf32, #tpu.memory_space<hbm>>
    %dma_wait3A_3529 = arith.constant 0 : i32
    %dma_wait3A_3530 = tpu.memref_slice %arg3[%dma_wait3A_3529, %add3A_2995] : memref<1000x16384xf32, #tpu.memory_space<hbm>> -> memref<248x128xf32, #tpu.memory_space<hbm>>
    %dma_wait3A_3531 = arith.constant 0 : i32
    %dma_wait3A_3532 = arith.constant 0 : i32
    %dma_wait3A_3533 = tpu.memref_slice %arg5[%dma_wait3A_3531, %dma_wait3A_3532] : memref<256x128xf32, #tpu.memory_space<vmem>> -> memref<248x128xf32, #tpu.memory_space<vmem>>
    tpu.wait_dma2 semaphore(%arg8 : memref<!tpu.dma_semaphore, #tpu.memory_space<semaphore_mem>>) src(%dma_wait3A_3533 : memref<248x128xf32, #tpu.memory_space<vmem>>) dst(%dma_wait3A_3530 : memref<248x128xf32, #tpu.memory_space<hbm>>)
    %get3A_3534 = arith.constant 384 : index
    %get3A_3535 = tpu.vector_load %arg4[%get3A_3534] {strides = array<i32>} : memref<512xi32, #tpu.memory_space<vmem>>, vector<16xi32>,
    %sub3A_3536 = arith.constant 0 : i32
    %sub3A_3537 = vector.broadcast %sub3A_3536 : i32 to vector<16xi32>
    %sub3A_3538 = arith.subi %get3A_3535, %sub3A_3537 : vector<16xi32>
    %add3A_3539 = arith.constant 0 : i32
    %add3A_3540 = vector.broadcast %add3A_3539 : i32 to vector<16xi32>
    %add3A_3541 = arith.addi %iota3A, %add3A_3540 : vector<16xi32>
    %ge3A_3542 = arith.constant 0 : i32
    %ge3A_3543 = vector.broadcast %ge3A_3542 : i32 to vector<16xi32>
    %ge3A_3544 = arith.cmpi sge, %get3A_3535, %ge3A_3543 : vector<16xi32>
    %lt3A_3545 = arith.constant 248 : i32
    %lt3A_3546 = vector.broadcast %lt3A_3545 : i32 to vector<16xi32>
    %lt3A_3547 = arith.cmpi slt, %get3A_3535, %lt3A_3546 : vector<16xi32>
    %and3A_3548 = arith.andi %ge3A_3544, %lt3A_3547 : vector<16xi1>
    tpu.vector_store_idx %arg5[%sub3A_3538, %add3A_3541], %broadcast_in_dim3A_6 masked %and3A_3548 : memref<256x128xf32, #tpu.memory_space<vmem>>[vector<16xi32>, vector<16xi32>], vector<16xf32>, vector<16xi1>
    %get3A_3549 = arith.constant 400 : index
    %get3A_3550 = tpu.vector_load %arg4[%get3A_3549] {strides = array<i32>} : memref<512xi32, #tpu.memory_space<vmem>>, vector<16xi32>,
    %sub3A_3551 = arith.constant 0 : i32
    %sub3A_3552 = vector.broadcast %sub3A_3551 : i32 to vector<16xi32>
    %sub3A_3553 = arith.subi %get3A_3550, %sub3A_3552 : vector<16xi32>
    %add3A_3554 = arith.constant 16 : i32
    %add3A_3555 = vector.broadcast %add3A_3554 : i32 to vector<16xi32>
    %add3A_3556 = arith.addi %iota3A, %add3A_3555 : vector<16xi32>
    %ge3A_3557 = arith.constant 0 : i32
    %ge3A_3558 = vector.broadcast %ge3A_3557 : i32 to vector<16xi32>
    %ge3A_3559 = arith.cmpi sge, %get3A_3550, %ge3A_3558 : vector<16xi32>
    %lt3A_3560 = arith.constant 248 : i32
    %lt3A_3561 = vector.broadcast %lt3A_3560 : i32 to vector<16xi32>
    %lt3A_3562 = arith.cmpi slt, %get3A_3550, %lt3A_3561 : vector<16xi32>
    %and3A_3563 = arith.andi %ge3A_3559, %lt3A_3562 : vector<16xi1>
    tpu.vector_store_idx %arg5[%sub3A_3553, %add3A_3556], %broadcast_in_dim3A_6 masked %and3A_3563 : memref<256x128xf32, #tpu.memory_space<vmem>>[vector<16xi32>, vector<16xi32>], vector<16xf32>, vector<16xi1>
    %get3A_3564 = arith.constant 416 : index
    %get3A_3565 = tpu.vector_load %arg4[%get3A_3564] {strides = array<i32>} : memref<512xi32, #tpu.memory_space<vmem>>, vector<16xi32>,
    %sub3A_3566 = arith.constant 0 : i32
    %sub3A_3567 = vector.broadcast %sub3A_3566 : i32 to vector<16xi32>
    %sub3A_3568 = arith.subi %get3A_3565, %sub3A_3567 : vector<16xi32>
    %add3A_3569 = arith.constant 32 : i32
    %add3A_3570 = vector.broadcast %add3A_3569 : i32 to vector<16xi32>
    %add3A_3571 = arith.addi %iota3A, %add3A_3570 : vector<16xi32>
    %ge3A_3572 = arith.constant 0 : i32
    %ge3A_3573 = vector.broadcast %ge3A_3572 : i32 to vector<16xi32>
    %ge3A_3574 = arith.cmpi sge, %get3A_3565, %ge3A_3573 : vector<16xi32>
    %lt3A_3575 = arith.constant 248 : i32
    %lt3A_3576 = vector.broadcast %lt3A_3575 : i32 to vector<16xi32>
    %lt3A_3577 = arith.cmpi slt, %get3A_3565, %lt3A_3576 : vector<16xi32>
    %and3A_3578 = arith.andi %ge3A_3574, %lt3A_3577 : vector<16xi1>
    tpu.vector_store_idx %arg5[%sub3A_3568, %add3A_3571], %broadcast_in_dim3A_6 masked %and3A_3578 : memref<256x128xf32, #tpu.memory_space<vmem>>[vector<16xi32>, vector<16xi32>], vector<16xf32>, vector<16xi1>
    %get3A_3579 = arith.constant 432 : index
    %get3A_3580 = tpu.vector_load %arg4[%get3A_3579] {strides = array<i32>} : memref<512xi32, #tpu.memory_space<vmem>>, vector<16xi32>,
    %sub3A_3581 = arith.constant 0 : i32
    %sub3A_3582 = vector.broadcast %sub3A_3581 : i32 to vector<16xi32>
    %sub3A_3583 = arith.subi %get3A_3580, %sub3A_3582 : vector<16xi32>
    %add3A_3584 = arith.constant 48 : i32
    %add3A_3585 = vector.broadcast %add3A_3584 : i32 to vector<16xi32>
    %add3A_3586 = arith.addi %iota3A, %add3A_3585 : vector<16xi32>
    %ge3A_3587 = arith.constant 0 : i32
    %ge3A_3588 = vector.broadcast %ge3A_3587 : i32 to vector<16xi32>
    %ge3A_3589 = arith.cmpi sge, %get3A_3580, %ge3A_3588 : vector<16xi32>
    %lt3A_3590 = arith.constant 248 : i32
    %lt3A_3591 = vector.broadcast %lt3A_3590 : i32 to vector<16xi32>
    %lt3A_3592 = arith.cmpi slt, %get3A_3580, %lt3A_3591 : vector<16xi32>
    %and3A_3593 = arith.andi %ge3A_3589, %lt3A_3592 : vector<16xi1>
    tpu.vector_store_idx %arg5[%sub3A_3583, %add3A_3586], %broadcast_in_dim3A_6 masked %and3A_3593 : memref<256x128xf32, #tpu.memory_space<vmem>>[vector<16xi32>, vector<16xi32>], vector<16xf32>, vector<16xi1>
    %get3A_3594 = arith.constant 448 : index
    %get3A_3595 = tpu.vector_load %arg4[%get3A_3594] {strides = array<i32>} : memref<512xi32, #tpu.memory_space<vmem>>, vector<16xi32>,
    %sub3A_3596 = arith.constant 0 : i32
    %sub3A_3597 = vector.broadcast %sub3A_3596 : i32 to vector<16xi32>
    %sub3A_3598 = arith.subi %get3A_3595, %sub3A_3597 : vector<16xi32>
    %add3A_3599 = arith.constant 64 : i32
    %add3A_3600 = vector.broadcast %add3A_3599 : i32 to vector<16xi32>
    %add3A_3601 = arith.addi %iota3A, %add3A_3600 : vector<16xi32>
    %ge3A_3602 = arith.constant 0 : i32
    %ge3A_3603 = vector.broadcast %ge3A_3602 : i32 to vector<16xi32>
    %ge3A_3604 = arith.cmpi sge, %get3A_3595, %ge3A_3603 : vector<16xi32>
    %lt3A_3605 = arith.constant 248 : i32
    %lt3A_3606 = vector.broadcast %lt3A_3605 : i32 to vector<16xi32>
    %lt3A_3607 = arith.cmpi slt, %get3A_3595, %lt3A_3606 : vector<16xi32>
    %and3A_3608 = arith.andi %ge3A_3604, %lt3A_3607 : vector<16xi1>
    tpu.vector_store_idx %arg5[%sub3A_3598, %add3A_3601], %broadcast_in_dim3A_6 masked %and3A_3608 : memref<256x128xf32, #tpu.memory_space<vmem>>[vector<16xi32>, vector<16xi32>], vector<16xf32>, vector<16xi1>
    %get3A_3609 = arith.constant 464 : index
    %get3A_3610 = tpu.vector_load %arg4[%get3A_3609] {strides = array<i32>} : memref<512xi32, #tpu.memory_space<vmem>>, vector<16xi32>,
    %sub3A_3611 = arith.constant 0 : i32
    %sub3A_3612 = vector.broadcast %sub3A_3611 : i32 to vector<16xi32>
    %sub3A_3613 = arith.subi %get3A_3610, %sub3A_3612 : vector<16xi32>
    %add3A_3614 = arith.constant 80 : i32
    %add3A_3615 = vector.broadcast %add3A_3614 : i32 to vector<16xi32>
    %add3A_3616 = arith.addi %iota3A, %add3A_3615 : vector<16xi32>
    %ge3A_3617 = arith.constant 0 : i32
    %ge3A_3618 = vector.broadcast %ge3A_3617 : i32 to vector<16xi32>
    %ge3A_3619 = arith.cmpi sge, %get3A_3610, %ge3A_3618 : vector<16xi32>
    %lt3A_3620 = arith.constant 248 : i32
    %lt3A_3621 = vector.broadcast %lt3A_3620 : i32 to vector<16xi32>
    %lt3A_3622 = arith.cmpi slt, %get3A_3610, %lt3A_3621 : vector<16xi32>
    %and3A_3623 = arith.andi %ge3A_3619, %lt3A_3622 : vector<16xi1>
    tpu.vector_store_idx %arg5[%sub3A_3613, %add3A_3616], %broadcast_in_dim3A_6 masked %and3A_3623 : memref<256x128xf32, #tpu.memory_space<vmem>>[vector<16xi32>, vector<16xi32>], vector<16xf32>, vector<16xi1>
    %get3A_3624 = arith.constant 480 : index
    %get3A_3625 = tpu.vector_load %arg4[%get3A_3624] {strides = array<i32>} : memref<512xi32, #tpu.memory_space<vmem>>, vector<16xi32>,
    %sub3A_3626 = arith.constant 0 : i32
    %sub3A_3627 = vector.broadcast %sub3A_3626 : i32 to vector<16xi32>
    %sub3A_3628 = arith.subi %get3A_3625, %sub3A_3627 : vector<16xi32>
    %add3A_3629 = arith.constant 96 : i32
    %add3A_3630 = vector.broadcast %add3A_3629 : i32 to vector<16xi32>
    %add3A_3631 = arith.addi %iota3A, %add3A_3630 : vector<16xi32>
    %ge3A_3632 = arith.constant 0 : i32
    %ge3A_3633 = vector.broadcast %ge3A_3632 : i32 to vector<16xi32>
    %ge3A_3634 = arith.cmpi sge, %get3A_3625, %ge3A_3633 : vector<16xi32>
    %lt3A_3635 = arith.constant 248 : i32
    %lt3A_3636 = vector.broadcast %lt3A_3635 : i32 to vector<16xi32>
    %lt3A_3637 = arith.cmpi slt, %get3A_3625, %lt3A_3636 : vector<16xi32>
    %and3A_3638 = arith.andi %ge3A_3634, %lt3A_3637 : vector<16xi1>
    tpu.vector_store_idx %arg5[%sub3A_3628, %add3A_3631], %broadcast_in_dim3A_6 masked %and3A_3638 : memref<256x128xf32, #tpu.memory_space<vmem>>[vector<16xi32>, vector<16xi32>], vector<16xf32>, vector<16xi1>
    %get3A_3639 = arith.constant 496 : index
    %get3A_3640 = tpu.vector_load %arg4[%get3A_3639] {strides = array<i32>} : memref<512xi32, #tpu.memory_space<vmem>>, vector<16xi32>,
    %sub3A_3641 = arith.constant 0 : i32
    %sub3A_3642 = vector.broadcast %sub3A_3641 : i32 to vector<16xi32>
    %sub3A_3643 = arith.subi %get3A_3640, %sub3A_3642 : vector<16xi32>
    %add3A_3644 = arith.constant 112 : i32
    %add3A_3645 = vector.broadcast %add3A_3644 : i32 to vector<16xi32>
    %add3A_3646 = arith.addi %iota3A, %add3A_3645 : vector<16xi32>
    %ge3A_3647 = arith.constant 0 : i32
    %ge3A_3648 = vector.broadcast %ge3A_3647 : i32 to vector<16xi32>
    %ge3A_3649 = arith.cmpi sge, %get3A_3640, %ge3A_3648 : vector<16xi32>
    %lt3A_3650 = arith.constant 248 : i32
    %lt3A_3651 = vector.broadcast %lt3A_3650 : i32 to vector<16xi32>
    %lt3A_3652 = arith.cmpi slt, %get3A_3640, %lt3A_3651 : vector<16xi32>
    %and3A_3653 = arith.andi %ge3A_3649, %lt3A_3652 : vector<16xi1>
    tpu.vector_store_idx %arg5[%sub3A_3643, %add3A_3646], %broadcast_in_dim3A_6 masked %and3A_3653 : memref<256x128xf32, #tpu.memory_space<vmem>>[vector<16xi32>, vector<16xi32>], vector<16xf32>, vector<16xi1>
    %get3A_3654 = arith.constant 384 : index
    %get3A_3655 = tpu.vector_load %arg4[%get3A_3654] {strides = array<i32>} : memref<512xi32, #tpu.memory_space<vmem>>, vector<16xi32>,
    %sub3A_3656 = arith.constant 744 : i32
    %sub3A_3657 = vector.broadcast %sub3A_3656 : i32 to vector<16xi32>
    %sub3A_3658 = arith.subi %get3A_3655, %sub3A_3657 : vector<16xi32>
    %add3A_3659 = arith.constant 0 : i32
    %add3A_3660 = vector.broadcast %add3A_3659 : i32 to vector<16xi32>
    %add3A_3661 = arith.addi %iota3A, %add3A_3660 : vector<16xi32>
    %ge3A_3662 = arith.constant 744 : i32
    %ge3A_3663 = vector.broadcast %ge3A_3662 : i32 to vector<16xi32>
    %ge3A_3664 = arith.cmpi sge, %get3A_3655, %ge3A_3663 : vector<16xi32>
    %lt3A_3665 = arith.constant 1000 : i32
    %lt3A_3666 = vector.broadcast %lt3A_3665 : i32 to vector<16xi32>
    %lt3A_3667 = arith.cmpi slt, %get3A_3655, %lt3A_3666 : vector<16xi32>
    %and3A_3668 = arith.andi %ge3A_3664, %lt3A_3667 : vector<16xi1>
    tpu.vector_store_idx %arg5[%sub3A_3658, %add3A_3661], %broadcast_in_dim3A_4 masked %and3A_3668 : memref<256x128xf32, #tpu.memory_space<vmem>>[vector<16xi32>, vector<16xi32>], vector<16xf32>, vector<16xi1>
    %get3A_3669 = arith.constant 400 : index
    %get3A_3670 = tpu.vector_load %arg4[%get3A_3669] {strides = array<i32>} : memref<512xi32, #tpu.memory_space<vmem>>, vector<16xi32>,
    %sub3A_3671 = arith.constant 744 : i32
    %sub3A_3672 = vector.broadcast %sub3A_3671 : i32 to vector<16xi32>
    %sub3A_3673 = arith.subi %get3A_3670, %sub3A_3672 : vector<16xi32>
    %add3A_3674 = arith.constant 16 : i32
    %add3A_3675 = vector.broadcast %add3A_3674 : i32 to vector<16xi32>
    %add3A_3676 = arith.addi %iota3A, %add3A_3675 : vector<16xi32>
    %ge3A_3677 = arith.constant 744 : i32
    %ge3A_3678 = vector.broadcast %ge3A_3677 : i32 to vector<16xi32>
    %ge3A_3679 = arith.cmpi sge, %get3A_3670, %ge3A_3678 : vector<16xi32>
    %lt3A_3680 = arith.constant 1000 : i32
    %lt3A_3681 = vector.broadcast %lt3A_3680 : i32 to vector<16xi32>
    %lt3A_3682 = arith.cmpi slt, %get3A_3670, %lt3A_3681 : vector<16xi32>
    %and3A_3683 = arith.andi %ge3A_3679, %lt3A_3682 : vector<16xi1>
    tpu.vector_store_idx %arg5[%sub3A_3673, %add3A_3676], %broadcast_in_dim3A_4 masked %and3A_3683 : memref<256x128xf32, #tpu.memory_space<vmem>>[vector<16xi32>, vector<16xi32>], vector<16xf32>, vector<16xi1>
    %get3A_3684 = arith.constant 416 : index
    %get3A_3685 = tpu.vector_load %arg4[%get3A_3684] {strides = array<i32>} : memref<512xi32, #tpu.memory_space<vmem>>, vector<16xi32>,
    %sub3A_3686 = arith.constant 744 : i32
    %sub3A_3687 = vector.broadcast %sub3A_3686 : i32 to vector<16xi32>
    %sub3A_3688 = arith.subi %get3A_3685, %sub3A_3687 : vector<16xi32>
    %add3A_3689 = arith.constant 32 : i32
    %add3A_3690 = vector.broadcast %add3A_3689 : i32 to vector<16xi32>
    %add3A_3691 = arith.addi %iota3A, %add3A_3690 : vector<16xi32>
    %ge3A_3692 = arith.constant 744 : i32
    %ge3A_3693 = vector.broadcast %ge3A_3692 : i32 to vector<16xi32>
    %ge3A_3694 = arith.cmpi sge, %get3A_3685, %ge3A_3693 : vector<16xi32>
    %lt3A_3695 = arith.constant 1000 : i32
    %lt3A_3696 = vector.broadcast %lt3A_3695 : i32 to vector<16xi32>
    %lt3A_3697 = arith.cmpi slt, %get3A_3685, %lt3A_3696 : vector<16xi32>
    %and3A_3698 = arith.andi %ge3A_3694, %lt3A_3697 : vector<16xi1>
    tpu.vector_store_idx %arg5[%sub3A_3688, %add3A_3691], %broadcast_in_dim3A_4 masked %and3A_3698 : memref<256x128xf32, #tpu.memory_space<vmem>>[vector<16xi32>, vector<16xi32>], vector<16xf32>, vector<16xi1>
    %get3A_3699 = arith.constant 432 : index
    %get3A_3700 = tpu.vector_load %arg4[%get3A_3699] {strides = array<i32>} : memref<512xi32, #tpu.memory_space<vmem>>, vector<16xi32>,
    %sub3A_3701 = arith.constant 744 : i32
    %sub3A_3702 = vector.broadcast %sub3A_3701 : i32 to vector<16xi32>
    %sub3A_3703 = arith.subi %get3A_3700, %sub3A_3702 : vector<16xi32>
    %add3A_3704 = arith.constant 48 : i32
    %add3A_3705 = vector.broadcast %add3A_3704 : i32 to vector<16xi32>
    %add3A_3706 = arith.addi %iota3A, %add3A_3705 : vector<16xi32>
    %ge3A_3707 = arith.constant 744 : i32
    %ge3A_3708 = vector.broadcast %ge3A_3707 : i32 to vector<16xi32>
    %ge3A_3709 = arith.cmpi sge, %get3A_3700, %ge3A_3708 : vector<16xi32>
    %lt3A_3710 = arith.constant 1000 : i32
    %lt3A_3711 = vector.broadcast %lt3A_3710 : i32 to vector<16xi32>
    %lt3A_3712 = arith.cmpi slt, %get3A_3700, %lt3A_3711 : vector<16xi32>
    %and3A_3713 = arith.andi %ge3A_3709, %lt3A_3712 : vector<16xi1>
    tpu.vector_store_idx %arg5[%sub3A_3703, %add3A_3706], %broadcast_in_dim3A_4 masked %and3A_3713 : memref<256x128xf32, #tpu.memory_space<vmem>>[vector<16xi32>, vector<16xi32>], vector<16xf32>, vector<16xi1>
    %get3A_3714 = arith.constant 448 : index
    %get3A_3715 = tpu.vector_load %arg4[%get3A_3714] {strides = array<i32>} : memref<512xi32, #tpu.memory_space<vmem>>, vector<16xi32>,
    %sub3A_3716 = arith.constant 744 : i32
    %sub3A_3717 = vector.broadcast %sub3A_3716 : i32 to vector<16xi32>
    %sub3A_3718 = arith.subi %get3A_3715, %sub3A_3717 : vector<16xi32>
    %add3A_3719 = arith.constant 64 : i32
    %add3A_3720 = vector.broadcast %add3A_3719 : i32 to vector<16xi32>
    %add3A_3721 = arith.addi %iota3A, %add3A_3720 : vector<16xi32>
    %ge3A_3722 = arith.constant 744 : i32
    %ge3A_3723 = vector.broadcast %ge3A_3722 : i32 to vector<16xi32>
    %ge3A_3724 = arith.cmpi sge, %get3A_3715, %ge3A_3723 : vector<16xi32>
    %lt3A_3725 = arith.constant 1000 : i32
    %lt3A_3726 = vector.broadcast %lt3A_3725 : i32 to vector<16xi32>
    %lt3A_3727 = arith.cmpi slt, %get3A_3715, %lt3A_3726 : vector<16xi32>
    %and3A_3728 = arith.andi %ge3A_3724, %lt3A_3727 : vector<16xi1>
    tpu.vector_store_idx %arg5[%sub3A_3718, %add3A_3721], %broadcast_in_dim3A_4 masked %and3A_3728 : memref<256x128xf32, #tpu.memory_space<vmem>>[vector<16xi32>, vector<16xi32>], vector<16xf32>, vector<16xi1>
    %get3A_3729 = arith.constant 464 : index
    %get3A_3730 = tpu.vector_load %arg4[%get3A_3729] {strides = array<i32>} : memref<512xi32, #tpu.memory_space<vmem>>, vector<16xi32>,
    %sub3A_3731 = arith.constant 744 : i32
    %sub3A_3732 = vector.broadcast %sub3A_3731 : i32 to vector<16xi32>
    %sub3A_3733 = arith.subi %get3A_3730, %sub3A_3732 : vector<16xi32>
    %add3A_3734 = arith.constant 80 : i32
    %add3A_3735 = vector.broadcast %add3A_3734 : i32 to vector<16xi32>
    %add3A_3736 = arith.addi %iota3A, %add3A_3735 : vector<16xi32>
    %ge3A_3737 = arith.constant 744 : i32
    %ge3A_3738 = vector.broadcast %ge3A_3737 : i32 to vector<16xi32>
    %ge3A_3739 = arith.cmpi sge, %get3A_3730, %ge3A_3738 : vector<16xi32>
    %lt3A_3740 = arith.constant 1000 : i32
    %lt3A_3741 = vector.broadcast %lt3A_3740 : i32 to vector<16xi32>
    %lt3A_3742 = arith.cmpi slt, %get3A_3730, %lt3A_3741 : vector<16xi32>
    %and3A_3743 = arith.andi %ge3A_3739, %lt3A_3742 : vector<16xi1>
    tpu.vector_store_idx %arg5[%sub3A_3733, %add3A_3736], %broadcast_in_dim3A_4 masked %and3A_3743 : memref<256x128xf32, #tpu.memory_space<vmem>>[vector<16xi32>, vector<16xi32>], vector<16xf32>, vector<16xi1>
    %get3A_3744 = arith.constant 480 : index
    %get3A_3745 = tpu.vector_load %arg4[%get3A_3744] {strides = array<i32>} : memref<512xi32, #tpu.memory_space<vmem>>, vector<16xi32>,
    %sub3A_3746 = arith.constant 744 : i32
    %sub3A_3747 = vector.broadcast %sub3A_3746 : i32 to vector<16xi32>
    %sub3A_3748 = arith.subi %get3A_3745, %sub3A_3747 : vector<16xi32>
    %add3A_3749 = arith.constant 96 : i32
    %add3A_3750 = vector.broadcast %add3A_3749 : i32 to vector<16xi32>
    %add3A_3751 = arith.addi %iota3A, %add3A_3750 : vector<16xi32>
    %ge3A_3752 = arith.constant 744 : i32
    %ge3A_3753 = vector.broadcast %ge3A_3752 : i32 to vector<16xi32>
    %ge3A_3754 = arith.cmpi sge, %get3A_3745, %ge3A_3753 : vector<16xi32>
    %lt3A_3755 = arith.constant 1000 : i32
    %lt3A_3756 = vector.broadcast %lt3A_3755 : i32 to vector<16xi32>
    %lt3A_3757 = arith.cmpi slt, %get3A_3745, %lt3A_3756 : vector<16xi32>
    %and3A_3758 = arith.andi %ge3A_3754, %lt3A_3757 : vector<16xi1>
    tpu.vector_store_idx %arg5[%sub3A_3748, %add3A_3751], %broadcast_in_dim3A_4 masked %and3A_3758 : memref<256x128xf32, #tpu.memory_space<vmem>>[vector<16xi32>, vector<16xi32>], vector<16xf32>, vector<16xi1>
    %get3A_3759 = arith.constant 496 : index
    %get3A_3760 = tpu.vector_load %arg4[%get3A_3759] {strides = array<i32>} : memref<512xi32, #tpu.memory_space<vmem>>, vector<16xi32>,
    %sub3A_3761 = arith.constant 744 : i32
    %sub3A_3762 = vector.broadcast %sub3A_3761 : i32 to vector<16xi32>
    %sub3A_3763 = arith.subi %get3A_3760, %sub3A_3762 : vector<16xi32>
    %add3A_3764 = arith.constant 112 : i32
    %add3A_3765 = vector.broadcast %add3A_3764 : i32 to vector<16xi32>
    %add3A_3766 = arith.addi %iota3A, %add3A_3765 : vector<16xi32>
    %ge3A_3767 = arith.constant 744 : i32
    %ge3A_3768 = vector.broadcast %ge3A_3767 : i32 to vector<16xi32>
    %ge3A_3769 = arith.cmpi sge, %get3A_3760, %ge3A_3768 : vector<16xi32>
    %lt3A_3770 = arith.constant 1000 : i32
    %lt3A_3771 = vector.broadcast %lt3A_3770 : i32 to vector<16xi32>
    %lt3A_3772 = arith.cmpi slt, %get3A_3760, %lt3A_3771 : vector<16xi32>
    %and3A_3773 = arith.andi %ge3A_3769, %lt3A_3772 : vector<16xi1>
    tpu.vector_store_idx %arg5[%sub3A_3763, %add3A_3766], %broadcast_in_dim3A_4 masked %and3A_3773 : memref<256x128xf32, #tpu.memory_space<vmem>>[vector<16xi32>, vector<16xi32>], vector<16xf32>, vector<16xi1>
    %add3A_3774 = arith.constant 384 : i32
    %add3A_3775 = arith.addi %mul3A_2, %add3A_3774 : i32
    %dma_start3A_3776 = arith.constant 744 : i32
    %dma_start3A_3777 = tpu.memref_slice %arg3[%dma_start3A_3776, %add3A_3775] : memref<1000x16384xf32, #tpu.memory_space<hbm>> -> memref<256x128xf32, #tpu.memory_space<hbm>>
    %dma_start3A_3778 = arith.constant 744 : i32
    %dma_start3A_3779 = tpu.memref_slice %arg3[%dma_start3A_3778, %add3A_3775] : memref<1000x16384xf32, #tpu.memory_space<hbm>> -> memref<256x128xf32, #tpu.memory_space<hbm>>
    tpu.enqueue_dma source(%arg5 : memref<256x128xf32, #tpu.memory_space<vmem>>) target(%dma_start3A_3779 : memref<256x128xf32, #tpu.memory_space<hbm>>) target_semaphore(%arg8 : memref<!tpu.dma_semaphore, #tpu.memory_space<semaphore_mem>>)
    %dma_wait3A_3780 = arith.constant 744 : i32
    %dma_wait3A_3781 = tpu.memref_slice %arg3[%dma_wait3A_3780, %add3A_3775] : memref<1000x16384xf32, #tpu.memory_space<hbm>> -> memref<256x128xf32, #tpu.memory_space<hbm>>
    %dma_wait3A_3782 = arith.constant 744 : i32
    %dma_wait3A_3783 = tpu.memref_slice %arg3[%dma_wait3A_3782, %add3A_3775] : memref<1000x16384xf32, #tpu.memory_space<hbm>> -> memref<256x128xf32, #tpu.memory_space<hbm>>
    tpu.wait_dma2 semaphore(%arg8 : memref<!tpu.dma_semaphore, #tpu.memory_space<semaphore_mem>>) src(%arg5 : memref<256x128xf32, #tpu.memory_space<vmem>>) dst(%dma_wait3A_3783 : memref<256x128xf32, #tpu.memory_space<hbm>>)
    %dma_wait3A_3784 = arith.constant 0 : i32
    %dma_wait3A_3785 = arith.constant 0 : i32
    %dma_wait3A_3786 = tpu.memref_slice %arg6[%dma_wait3A_3784, %dma_wait3A_3785] : memref<256x128xf32, #tpu.memory_space<vmem>> -> memref<248x128xf32, #tpu.memory_space<vmem>>
    %dma_wait3A_3787 = arith.constant 248 : i32
    %dma_wait3A_3788 = tpu.memref_slice %arg3[%dma_wait3A_3787, %add3A_3257] : memref<1000x16384xf32, #tpu.memory_space<hbm>> -> memref<248x128xf32, #tpu.memory_space<hbm>>
    %dma_wait3A_3789 = arith.constant 248 : i32
    %dma_wait3A_3790 = tpu.memref_slice %arg3[%dma_wait3A_3789, %add3A_3257] : memref<1000x16384xf32, #tpu.memory_space<hbm>> -> memref<248x128xf32, #tpu.memory_space<hbm>>
    %dma_wait3A_3791 = arith.constant 0 : i32
    %dma_wait3A_3792 = arith.constant 0 : i32
    %dma_wait3A_3793 = tpu.memref_slice %arg6[%dma_wait3A_3791, %dma_wait3A_3792] : memref<256x128xf32, #tpu.memory_space<vmem>> -> memref<248x128xf32, #tpu.memory_space<vmem>>
    tpu.wait_dma2 semaphore(%arg9 : memref<!tpu.dma_semaphore, #tpu.memory_space<semaphore_mem>>) src(%dma_wait3A_3793 : memref<248x128xf32, #tpu.memory_space<vmem>>) dst(%dma_wait3A_3790 : memref<248x128xf32, #tpu.memory_space<hbm>>)
    %dma_wait3A_3794 = arith.constant 0 : i32
    %dma_wait3A_3795 = arith.constant 0 : i32
    %dma_wait3A_3796 = tpu.memref_slice %arg7[%dma_wait3A_3794, %dma_wait3A_3795] : memref<256x128xf32, #tpu.memory_space<vmem>> -> memref<248x128xf32, #tpu.memory_space<vmem>>
    %dma_wait3A_3797 = arith.constant 496 : i32
    %dma_wait3A_3798 = tpu.memref_slice %arg3[%dma_wait3A_3797, %add3A_3513] : memref<1000x16384xf32, #tpu.memory_space<hbm>> -> memref<248x128xf32, #tpu.memory_space<hbm>>
    %dma_wait3A_3799 = arith.constant 496 : i32
    %dma_wait3A_3800 = tpu.memref_slice %arg3[%dma_wait3A_3799, %add3A_3513] : memref<1000x16384xf32, #tpu.memory_space<hbm>> -> memref<248x128xf32, #tpu.memory_space<hbm>>
    %dma_wait3A_3801 = arith.constant 0 : i32
    %dma_wait3A_3802 = arith.constant 0 : i32
    %dma_wait3A_3803 = tpu.memref_slice %arg7[%dma_wait3A_3801, %dma_wait3A_3802] : memref<256x128xf32, #tpu.memory_space<vmem>> -> memref<248x128xf32, #tpu.memory_space<vmem>>
    tpu.wait_dma2 semaphore(%arg10 : memref<!tpu.dma_semaphore, #tpu.memory_space<semaphore_mem>>) src(%dma_wait3A_3803 : memref<248x128xf32, #tpu.memory_space<vmem>>) dst(%dma_wait3A_3800 : memref<248x128xf32, #tpu.memory_space<hbm>>)
    return
  }
}

</mosaic_0001>

<sc_bundles>
// kernel: kernel.3.cloned.1.call-start
scs
__scs_entry_jumppad:
0x0: {  	(pc) =	sbr.rel $0x88, $3  }
0x1: {  	(tag) =	ssettag $0x0;
	lr =	simm.s32 $0x1  }
0x2: {  	[smem:$0x3FA0] =	sst lr;
	_ =	strace $0xD0000000  }
0x3: {  	_ = 	snop  }
0x4: {  	_ = 	snop  }
0x5: {  	_ = 	snop  }
0x6: {  	_ = 	snop  }
0x7: {  	_ = 	snop  }
__scs_overlays_trampoline_lowered:
0x8: {  	[smem:$0x3FAF] =	sst s0  }
0x9: {  	[smem:$0x3FB0] =	sst s1  }
0xa: {  	[smem:$0x3FB1] =	sst s2  }
0xb: {  	[smem:$0x3FB2] =	sst s3  }
0xc: {  	[smem:$0x3FB3] =	sst s4  }
0xd: {  	[smem:$0x3FB4] =	sst s5  }
0xe: {  	[smem:$0x3FB5] =	sst s6  }
0xf: {  	[smem:$0x3FB6] =	sst s7  }
0x10: {  	[smem:$0x3FB7] =	sst s8  }
0x11: {  	[smem:$0x3FB8] =	sst s9;
	s0 =	simm.s32 @!p0 $0x0  }
0x12: {  	s1 =	sld [smem:$0x3F9E];
	s0 =	simm.s32 @p0 $0x1  }
0x13: {  	[smem:$0x3FB9] =	sst s0;
	s0 =	simm.s32 @!p1 $0x0  }
0x14: {  	s2 =	sld [smem:$0x3F9D];
	s0 =	simm.s32 @p1 $0x1  }
0x15: {  	[smem:$0x3FBA] =	sst s0;
	s0 =	simm.s32 @!p2 $0x0  }
0x16: {  	s3 =	sld [smem:$0x3FDB];
	s0 =	simm.s32 @p2 $0x1  }
0x17: {  	s4 =	simm.s32 $0x1BF5;
	[smem:$0x3FBC] =	sst s0  }
0x18: {  	s0 =	sld [smem:$0x3F9F];
	_ =	swait.ge [sflag:s4], $0x0  }
0x19: {  	s7 =	sld [smem:$0x3FA0]  }
0x1a: {  	s8 =	sadd.s32 $0xFFFFE003, lr  }
0x1b: {  	s9 =	sadd.s32 $0xFFFFFEF7, lr;
	s5 =	simm.s32 $0xFFFFFFFF;
	p2 =	slt.u32 s8, $0xFFFFF086  }
0x1c: {  	p1 =	slt.u32 s9, $0xF7A;
	s5 =	simm.s32 @!p2 $0x0  }
0x1d: {  	s5 =	simm.s32 @p1 $0x1;
	p0 =	seq.s32 s7, s2  }
0x1e: {  	s7 =	smul.u32 @!p0 $0xF7A, s2;
	p2 =	seq.s32 @!p0 s5, $0x0  }
0x1f: {  	s9 =	smul.u32 $0xF7A, s1;
	s8 =	simm.s32 @!p0 $0x1BF5;
	p2 =	por !p2, p0  }
0x20: {  	[sflag:s8] =	ssyncset.s32 @!p0 $0xFFFFF086;
	s6 =	sadd.s32 @!p0 s3, s7;
	s7 =	simm.s32 @!p0 $0x108  }
0x21: {  	s3 =	sadd.s32 s3, s9;
	s6 =	sadd.s32 @!p0 $0x88, s6;
	s7 =	simm.s32 @p2 $0x1082  }
0x22: {  	[simem:s7], [sflag:s8] =	dma.local @!p0 [hbm:s6], $0xF7A  }
0x23: {  	s9 =	sor.u32 $0xD0000000, s2;
	s6 =	simm.s32 $0x108;
	_ =	swait.ge @!p0 [sflag:s8], $0x0  }
0x24: {  	s3 =	sadd.s32 $0x88, s3;
	s6 =	simm.s32 @!p1 $0x1082;
	[sflag:s4] =	ssyncset.s32 $0xFFFFF086  }
0x25: {  	[simem:s6], [sflag:s4] =	dma.local [hbm:s3], $0xF7A  }
0x26: {  	[smem:$0x3FA0] =	sst s1;
	(tag) =	ssettag s2;
	_ =	strace s9  }
0x27: {  	s1 =	sld [smem:$0x3FB0]  }
0x28: {  	s2 =	sld [smem:$0x3FB1]  }
0x29: {  	s4 =	sld [smem:$0x3FB3]  }
0x2a: {  	p0 =	seq.s32 s5, $0x0;
	s5 =	sld [smem:$0x3FB4]  }
0x2b: {  	s6 =	sld [smem:$0x3FB5]  }
0x2c: {  	s7 =	sld [smem:$0x3FB6]  }
0x2d: {  	s3 =	simm.s32 $0x108;
	s8 =	sld [smem:$0x3FB7]  }
0x2e: {  	s3 =	simm.s32 @!p0 $0x1082;
	s9 =	sld [smem:$0x3FB8]  }
0x2f: {  	lr =	sadd.s32 s0, s3;
	s0 =	sld [smem:$0x3FAF]  }
0x30: {  	s3 =	sld [smem:$0x3FB2]  }
0x31: {  	[smem:$0x3FBB] =	sst s10  }
0x32: {  	s10 =	sld [smem:$0x3FB9];
	_ =	sdelay $0x3  }
0x33: {  	p0 =	seq.s32 s10, $0x1;
	s10 =	sld [smem:$0x3FBB];
	_ =	sdelay $0x3  }
0x34: {  	[smem:$0x3FBB] =	sst s10  }
0x35: {  	s10 =	sld [smem:$0x3FBA];
	_ =	sdelay $0x3  }
0x36: {  	p1 =	seq.s32 s10, $0x1;
	s10 =	sld [smem:$0x3FBB];
	_ =	sdelay $0x3  }
0x37: {  	[smem:$0x3FBB] =	sst s10  }
0x38: {  	s10 =	sld [smem:$0x3FBC]  }
0x39: {  	_ = 	snop;
	(pc) =	sbr.ind lr, $3  }
0x3a: {  	_ = 	snop  }
0x3b: {  	_ = 	snop  }
0x3c: {  	p2 =	seq.s32 s10, $0x1;
	s10 =	sld [smem:$0x3FBB]  }
0x3d: {  	_ =	shalt  }
0x3e: {  	_ =	shalt  }
0x3f: {  	_ =	shalt  }
0x40: {  	_ =	shalt  }
0x41: {  	_ =	shalt  }
0x42: {  	_ =	shalt  }
0x43: {  	_ =	shalt  }
0x44: {  	_ =	shalt  }
0x45: {  	_ =	shalt  }
0x46: {  	_ =	shalt  }
0x47: {  	_ =	shalt  }
0x48: {  	_ =	shalt  }
0x49: {  	_ =	shalt  }
0x4a: {  	_ =	shalt  }
0x4b: {  	_ =	shalt  }
0x4c: {  	_ =	shalt  }
0x4d: {  	_ =	shalt  }
0x4e: {  	_ =	shalt  }
0x4f: {  	_ =	shalt  }
0x50: {  	_ =	shalt  }
0x51: {  	_ =	shalt  }
0x52: {  	_ =	shalt  }
0x53: {  	_ =	shalt  }
0x54: {  	_ =	shalt  }
0x55: {  	_ =	shalt  }
0x56: {  	_ =	shalt  }
0x57: {  	_ =	shalt  }
0x58: {  	_ =	shalt  }
0x59: {  	_ =	shalt  }
0x5a: {  	_ =	shalt  }
0x5b: {  	_ =	shalt  }
0x5c: {  	_ =	shalt  }
0x5d: {  	_ =	shalt  }
0x5e: {  	_ =	shalt  }
0x5f: {  	_ =	shalt  }
0x60: {  	_ =	shalt  }
0x61: {  	_ =	shalt  }
0x62: {  	_ =	shalt  }
0x63: {  	_ =	shalt  }
0x64: {  	_ =	shalt  }
0x65: {  	_ =	shalt  }
0x66: {  	_ =	shalt  }
0x67: {  	_ =	shalt  }
0x68: {  	_ =	shalt  }
0x69: {  	_ =	shalt  }
0x6a: {  	_ =	shalt  }
0x6b: {  	_ =	shalt  }
0x6c: {  	_ =	shalt  }
0x6d: {  	_ =	shalt  }
0x6e: {  	_ =	shalt  }
0x6f: {  	_ =	shalt  }
0x70: {  	_ =	shalt  }
0x71: {  	_ =	shalt  }
0x72: {  	_ =	shalt  }
0x73: {  	_ =	shalt  }
0x74: {  	_ =	shalt  }
0x75: {  	_ =	shalt  }
0x76: {  	_ =	shalt  }
0x77: {  	_ =	shalt  }
0x78: {  	_ =	shalt  }
0x79: {  	_ =	shalt  }
0x7a: {  	_ =	shalt  }
0x7b: {  	_ =	shalt  }
0x7c: {  	_ =	shalt  }
0x7d: {  	_ =	shalt  }
0x7e: {  	_ =	shalt  }
0x7f: {  	_ =	shalt  }
0x80: {  	_ =	shalt  }
0x81: {  	_ =	shalt  }
0x82: {  	_ =	shalt  }
0x83: {  	_ =	shalt  }
0x84: {  	_ =	shalt  }
0x85: {  	_ =	shalt  }
0x86: {  	_ =	shalt  }
0x87: {  	_ =	shalt  }
.Lfunc_end0:
.L_simem_size_0:
called_computation_lowered:
.L_overlay_start_0:
0x88: {  	s2 =	sld [smem:$0x3FD9]  }
0x89: {  	s3 =	sld [smem:$0x3FFE];
	_ =	sdelay $0x1  }
0x8a: {  	s1 =	srdreg.scid  }
0x8b: {  	s0 =	sand.u32 $0x1, s1  }
0x8c: {  	s18 =	sshll.u32 s0, $0xA;
	s2 =	sadd.s32 s3, s2  }
0x8d: {  	s2 =	sadd.s32 s2, s18  }
0x8e: {  	[smem:$0x3FC7] =	sst s2  }
0x8f: {  	_ = 	snop  }
0x90: {  	s2 =	sld [smem:$0x3FC9]  }
0x91: {  	s19 =	sld [smem:$0x3FD0];
	(tm) =	ssettm $0x1  }
0x92: {  	s4 =	sld [smem:$0x3FFB];
	_ =	sdelay $0x3  }
0x93: {  	_ =	strace s4  }
0x94: {  	s4 =	sld [smem:$0x3FFC];
	_ =	sdelay $0x3  }
0x95: {  	_ =	strace s4  }
0x96: {  	s4 =	sld [smem:$0x3FFD];
	_ =	sdelay $0x3  }
0x97: {  	_ =	strace s4  }
0x98: {  	_ =	strace $0x8FFFFFFF  }
0x99: {  	s20 =	sld [smem:$0x3FDB];
	_ =	sdelay $0x1  }
0x9a: {  	s5 =	simm.s32 $_scs_section_size  }
0x9b: {  	s6 =	simm.s32 $_size__tile_overlayer_lowered;
	s7 =	simm.s32 $_tile_overlayer_lowered  }
0x9c: {  	s23 =	simm.s32 $0x1BFF;
	s22 =	sshll.u32 s7, $0x1;
	s4 =	sadd.s32 s5, s20  }
0x9d: {  	s8 =	simm.s32 $0x0;
	s21 =	sshll.u32 s6, $0x1;
	s6 =	sadd.s32 s22, s4  }
0x9e: {  	[timem:s8], [sflag:s23] =	dma.local [hbm:s6], s21  }
0x9f: {  	_ =	swait.ge [sflag:s23], s21  }
0xa0: {  	s5 =	ssub.s32 $0x0, s21;
	[sflag:s23] =	ssyncset.done $0x0  }
0xa1: {  	[sflag:s23] =	ssyncadd.s32 s5;
	_ =	sdelay $0x1  }
0xa2: {  	s24 =	simm.s32 $0x1B8B  }
0xa3: {  	_ =	swait.ge [sflag:s24], $0x1  }
0xa4: {  	[sflag:s24] =	ssyncset.done $0x0  }
0xa5: {  	s25 =	simm.s32 $0x1B8E;
	[sflag:s24] =	ssyncadd.s32 $0xFFFFFFFF  }
0xa6: {  	s26 =	simm.s32 $execute0_lowered;
	[smem:$0x3FD2] =	sst s25  }
0xa7: {  	s5 =	sshll.u32 s26, $0x1;
	_ =	strace $0x80000046;
	[dreg:$0x1] =	wrdreg $0xFFFFFFFF  }
0xa8: {  	s28 =	simm.s32 $_size_execute0_lowered;
	s4 =	sadd.s32 s4, s5;
	[dreg:$0x0] =	wrdreg $0x0  }
0xa9: {  	s5 =	sshll.u32 s28, $0x1;
	[dreg:$0x2] =	wrdreg s4  }
0xaa: {  	[dreg:$0x3] =	wrdreg s5  }
0xab: {  	[dreg:$0x4] =	wrdreg $0xC0  }
0xac: {  	_ =	task [dreg:s8], $0x5FFFF  }
0xad: {  	[dreg:$0x1] =	wrdreg $0xFFFFFFFF  }
0xae: {  	[dreg:$0x0] =	wrdreg $0x60  }
0xaf: {  	[dreg:$0x2] =	wrdreg s2  }
0xb0: {  	[dreg:$0x3] =	wrdreg s19  }
0xb1: {  	[dreg:$0x4] =	wrdreg $0x9  }
0xb2: {  	_ =	task.clear_ibuf [dreg:s8], $0x5FFFF;
	_ =	strace $0x90000046  }
0xb3: {  	s29 =	simm.s32 $0x9;
	_ =	strace $0x80000048  }
0xb4: {  	_ =	swait.ge [sflag:s29], $0x1  }
0xb5: {  	[sflag:s29] =	ssyncadd.s32 $0xFFFFFFFF  }
0xb6: {  	_ =	strace $0x90000048  }
0xb7: {  	_ =	sfence  }
0xb8: {  	s30 =	sld [smem:$0x0];
	_ =	sdelay $0x2  }
0xb9: {  	s31 =	sshll.u32 s1, $0xD;
	s1 =	sshrl.u32 s1, $0x2  }
0xba: {  	s3 =	sand.u32 $0x4000, s31;
	s1 =	sadd.s32 s1, s30  }
0xbb: {  	s0 =	sor.u32 s3, s0;
	s1 =	sshll.u32 s1, $0x11  }
0xbc: {  	s0 =	sor.u32 s1, s0  }
0xbd: {  	s0 =	sadd.s32 $0x8F2B, s0  }
0xbe: {  	[sflag:s0] =	ssyncadd.remote.s32 $0x1  }
0xbf: {  	_ =	sfence.sel $0xFFFF  }
0xc0: {  	[dreg:$0x0] =	wrdreg $0xFFFFFFFF;
	(pc) =	sbr.abs _section_cstart, $3  }
0xc1: {  	[dreg:$0x1] =	wrdreg $0xFFFFFFFF  }
0xc2: {  	_ =	task.clear_ibuf [dreg:s8], $0x2FFFF;
	_ =	strace $0x9FFFFFFF  }
0xc3: {  	(tm) =	ssettm $0x7FFFFFFF  }
tec
execute0_lowered:
.L_overlay_start_1:
0x0: {  	(tag) =	ssettag $0x1  }
0x1: {  	s0 =	rddreg [dreg:$0x0]  }
0x2: {  	s1 =	rddreg [dreg:$0x1];
	s2 =	simm.s32 $0x0;
	s3 =	srdreg.scid  }
0x3: {  	s5 =	stileid.u32;
	s21 =	simm.s32 $0x4;
	s22 =	simm.s32 $0x200  }
0x4: {  	v0 =	vlaneseq.u32;
	s23 =	simm.s32 $0x400;
	s24 =	simm.s32 $0x20000;
	s25 =	simm.s32 $0x8200  }
0x5: {  	v1 =	vimm.f32 $0.0e+00;
	v2 =	vimm.f32 $1.000000000e+00;
	s28 =	simm.s32 $0x1;
	s29 =	simm.s32 $0x2;
	s30 =	simm.s32 $0x3;
	v3 =	vor.u32 $0x10, v0  }
0x6: {  	s31 =	simm.s32 $0x0;
	[smem:$0x7FF] =	sst s2;
	s3 =	sand.u32 $0x1, s3;
	v4 =	vor.u32 $0x20, v0;
	v5 =	vor.u32 $0x30, v0;
	v6 =	vor.u32 $0x40, v0  }
0x7: {  	s5 =	sshll.u32 s5, $0xA;
	v7 =	vor.u32 $0x50, v0;
	v8 =	vor.u32 $0x60, v0;
	v9 =	vor.u32 $0x70, v0;
	s4 =	ssub.s32 $0x2, s3;
	s3 =	sshll.u32 s3, $0x9  }
0x8: {  	v10 =	vor.u32 $0xFFFF8400, v0;
	v11 =	vor.u32 $0xFFFF8410, v0;
	v12 =	vor.u32 $0xFFFF8420, v0;
	_ =	strace $0x80000047;
	s6 =	sshrl.u32 s4, $0x1;
	s3 =	sor.u32 s3, s5  }
0x9: {  	v13 =	vor.u32 $0xFFFF8430, v0;
	v14 =	vor.u32 $0xFFFF8440, v0;
	v15 =	vor.u32 $0xFFFF8450, v0;
	s20 =	ssub.s32 s4, s6;
	s26 =	sshrl.u32 s3, $0x3;
	s3 =	sadd.s32 s1, s3  }
0xa: {  	v16 =	vor.u32 $0xFFFF8460, v0;
	v17 =	vor.u32 $0xFFFF8470, v0;
	v18 =	vor.u32 $0xFFFF0800, v0;
	s4 =	sadd.s32 s0, s26;
	s5 =	sadd.s32 $0x7C000, s3;
	s6 =	sadd.s32 $0xF8000, s3  }
0xb: {  	v19 =	vor.u32 $0xFFFF0810, v0;
	v20 =	vor.u32 $0xFFFF0820, v0;
	v21 =	vor.u32 $0xFFFF0830, v0;
	s7 =	sadd.s32 $0x174000, s3;
	s8 =	sadd.s32 $0x7C080, s3;
	s9 =	sadd.s32 $0xF8080, s3  }
0xc: {  	v22 =	vor.u32 $0xFFFF0840, v0;
	v23 =	vor.u32 $0xFFFF0850, v0;
	v24 =	vor.u32 $0xFFFF0860, v0;
	s10 =	sadd.s32 $0x80, s3;
	s11 =	sadd.s32 $0x174080, s3;
	s12 =	sadd.s32 $0x7C100, s3  }
0xd: {  	v25 =	vor.u32 $0xFFFF0870, v0;
	v26 =	vor.u32 $0xFFFE8C00, v0;
	v27 =	vor.u32 $0xFFFE8C10, v0;
	s13 =	sadd.s32 $0x100, s3;
	s14 =	sadd.s32 $0xF8100, s3;
	s15 =	sadd.s32 $0x174100, s3  }
0xe: {  	v28 =	vor.u32 $0xFFFE8C20, v0;
	v29 =	vor.u32 $0xFFFE8C30, v0;
	v30 =	vor.u32 $0xFFFE8C40, v0;
	s16 =	sadd.s32 $0x180, s3;
	s17 =	sadd.s32 $0x7C180, s3;
	s18 =	sadd.s32 $0xF8180, s3  }
0xf: {  	v31 =	vor.u32 $0xFFFE8C50, v0;
	v32 =	vor.u32 $0xFFFE8C60, v0;
	v33 =	vor.u32 $0xFFFE8C70, v0;
	s19 =	sadd.s32 $0x174180, s3;
	s20 =	smax.u32 s20, $0x1;
	s26 =	simm.s32 $0x10200  }
.LBB2_1:
0x10: {  	[tilespmem:s2], [sflag:$0x4] =	stream.linear.gather [hbm4b:s4+s2], $0x200, $0x38;
	[tilespmem:$0x18200] =	vst v63  }
0x11: {  	s0 =	simm.s32 $0x0;
	s1 =	simm.s32 $0x200  }
.LBB2_2:
0x12: {  	p0 =	sne.s32 s1, $0x1FE00;
	[tilespmem:s0+$0x270] =	vst v1  }
0x13: {  	[tilespmem:s0+$0x200] =	vst v1  }
0x14: {  	[tilespmem:s0+$0x210] =	vst v1  }
.Ltmp0:
0x15: {  	[tilespmem:s0+$0x220] =	vst v1;
	(pc) =	sbr.rel @p0 .LBB2_2-.Ltmp0, $4  }
0x16: {  	[tilespmem:s0+$0x230] =	vst v1  }
0x17: {  	[tilespmem:s0+$0x240] =	vst v1  }
0x18: {  	[tilespmem:s0+$0x250] =	vst v1  }
0x19: {  	[tilespmem:s0+$0x260] =	vst v1;
	s0 =	sshra.s32 s1, $0x2;
	s1 =	sadd.s32 $0x200, s1  }
0x1a: {  	[tilespmem:s0+$0x270] =	vst v1  }
0x1b: {  	[tilespmem:s0+$0x200] =	vst v1  }
0x1c: {  	[tilespmem:s0+$0x210] =	vst v1  }
0x1d: {  	[tilespmem:s0+$0x220] =	vst v1  }
0x1e: {  	[tilespmem:s0+$0x230] =	vst v1  }
0x1f: {  	[tilespmem:s0+$0x240] =	vst v1  }
0x20: {  	[tilespmem:s0+$0x250] =	vst v1  }
0x21: {  	[tilespmem:s0+$0x260] =	vst v1  }
0x22: {  	_ =	swait.ge [sflag:s21], $0x200  }
0x23: {  	[sflag:s21] =	ssyncset.done $0x0  }
0x24: {  	[sflag:s21] =	ssyncadd.s32 $0xFFFFFE00  }
0x25: {  	v34 =	vld [tilespmem:$0x0];
	_ =	sdelay $0x4  }
0x26: {  	vm0 =	vlt.u32 v34, $0xF8;
	v34 =	vshll.u32 v34, $0x7  }
0x27: {  	v34 =	vor.u32 v0, v34;
	_ =	sdelay $0x4  }
0x28: {  	[tilespmem:v34+s22+$0x0] =	vst.idx.msk vm0, v2  }
0x29: {  	v34 =	vld [tilespmem:$0x10];
	_ =	sdelay $0x4  }
0x2a: {  	vm9 =	vlt.u32 v34, $0xF8;
	v34 =	vshll.u32 v34, $0x7  }
0x2b: {  	v34 =	vor.u32 v3, v34;
	_ =	sdelay $0x4  }
0x2c: {  	[tilespmem:v34+s22+$0x0] =	vst.idx.msk vm9, v2  }
0x2d: {  	v34 =	vld [tilespmem:$0x20];
	_ =	sdelay $0x4  }
0x2e: {  	vm10 =	vlt.u32 v34, $0xF8;
	v34 =	vshll.u32 v34, $0x7  }
0x2f: {  	v34 =	vor.u32 v4, v34;
	_ =	sdelay $0x4  }
0x30: {  	[tilespmem:v34+s22+$0x0] =	vst.idx.msk vm10, v2  }
0x31: {  	v34 =	vld [tilespmem:$0x30];
	_ =	sdelay $0x4  }
0x32: {  	vm11 =	vlt.u32 v34, $0xF8;
	v34 =	vshll.u32 v34, $0x7  }
0x33: {  	v34 =	vor.u32 v5, v34;
	_ =	sdelay $0x4  }
0x34: {  	[tilespmem:v34+s22+$0x0] =	vst.idx.msk vm11, v2  }
0x35: {  	v34 =	vld [tilespmem:$0x40];
	_ =	sdelay $0x4  }
0x36: {  	vm12 =	vlt.u32 v34, $0xF8;
	v34 =	vshll.u32 v34, $0x7  }
0x37: {  	v34 =	vor.u32 v6, v34;
	_ =	sdelay $0x4  }
0x38: {  	[tilespmem:v34+s22+$0x0] =	vst.idx.msk vm12, v2  }
0x39: {  	v34 =	vld [tilespmem:$0x50];
	_ =	sdelay $0x4  }
0x3a: {  	vm13 =	vlt.u32 v34, $0xF8;
	v34 =	vshll.u32 v34, $0x7  }
0x3b: {  	v34 =	vor.u32 v7, v34;
	_ =	sdelay $0x4  }
0x3c: {  	[tilespmem:v34+s22+$0x0] =	vst.idx.msk vm13, v2  }
0x3d: {  	v34 =	vld [tilespmem:$0x60];
	_ =	sdelay $0x4  }
0x3e: {  	vm14 =	vlt.u32 v34, $0xF8;
	v34 =	vshll.u32 v34, $0x7  }
0x3f: {  	v34 =	vor.u32 v8, v34;
	_ =	sdelay $0x4  }
0x40: {  	[tilespmem:v34+s22+$0x0] =	vst.idx.msk vm14, v2  }
0x41: {  	v34 =	vld [tilespmem:$0x70];
	_ =	sdelay $0x4  }
0x42: {  	vm15 =	vlt.u32 v34, $0xF8;
	v34 =	vshll.u32 v34, $0x7  }
0x43: {  	v34 =	vor.u32 v9, v34;
	_ =	sdelay $0x4  }
0x44: {  	s0 =	simm.s32 $0x0;
	s1 =	simm.s32 $0x200;
	[tilespmem:v34+s22+$0x0] =	vst.idx.msk vm15, v2  }
0x45: {  	[hbm4b:s3+s23] =	stream.strided.scatter [tilespmem:s22], [sflag:$0x1], $0x7C00, s24, s23, $0x38;
	[tilespmem:$0x18200] =	vst v63  }
.LBB2_4:
0x46: {  	p0 =	sne.s32 s1, $0x1FE00;
	[tilespmem:s0+$0x8270] =	vst v1  }
0x47: {  	[tilespmem:s0+$0x8200] =	vst v1  }
0x48: {  	[tilespmem:s0+$0x8210] =	vst v1  }
.Ltmp1:
0x49: {  	[tilespmem:s0+$0x8220] =	vst v1;
	(pc) =	sbr.rel @p0 .LBB2_4-.Ltmp1, $4  }
0x4a: {  	[tilespmem:s0+$0x8230] =	vst v1  }
0x4b: {  	[tilespmem:s0+$0x8240] =	vst v1  }
0x4c: {  	[tilespmem:s0+$0x8250] =	vst v1  }
0x4d: {  	[tilespmem:s0+$0x8260] =	vst v1;
	s0 =	sshra.s32 s1, $0x2;
	s1 =	sadd.s32 $0x200, s1  }
0x4e: {  	[tilespmem:s0+$0x8270] =	vst v1  }
0x4f: {  	[tilespmem:s0+$0x8200] =	vst v1  }
0x50: {  	[tilespmem:s0+$0x8210] =	vst v1  }
0x51: {  	[tilespmem:s0+$0x8220] =	vst v1  }
0x52: {  	[tilespmem:s0+$0x8230] =	vst v1  }
0x53: {  	[tilespmem:s0+$0x8240] =	vst v1  }
0x54: {  	[tilespmem:s0+$0x8250] =	vst v1  }
0x55: {  	[tilespmem:s0+$0x8260] =	vst v1  }
0x56: {  	v34 =	vld [tilespmem:$0x0];
	_ =	sdelay $0x4  }
0x57: {  	v35 =	vadd.s32 $0xFFFFFF08, v34  }
0x58: {  	v34 =	vshll.u32 v34, $0x7;
	vm0 =	vlt.u32 v35, $0xF8  }
0x59: {  	v34 =	vadd.s32 v10, v34;
	_ =	sdelay $0x4  }
0x5a: {  	[tilespmem:v34+s25+$0x0] =	vst.idx.msk vm0, v2  }
0x5b: {  	v34 =	vld [tilespmem:$0x10];
	_ =	sdelay $0x4  }
0x5c: {  	v57 =	vadd.s32 $0xFFFFFF08, v34  }
0x5d: {  	v34 =	vshll.u32 v34, $0x7;
	vm9 =	vlt.u32 v57, $0xF8  }
0x5e: {  	v34 =	vadd.s32 v11, v34;
	_ =	sdelay $0x4  }
0x5f: {  	[tilespmem:v34+s25+$0x0] =	vst.idx.msk vm9, v2  }
0x60: {  	v34 =	vld [tilespmem:$0x20];
	_ =	sdelay $0x4  }
0x61: {  	v58 =	vadd.s32 $0xFFFFFF08, v34  }
0x62: {  	v34 =	vshll.u32 v34, $0x7;
	vm10 =	vlt.u32 v58, $0xF8  }
0x63: {  	v34 =	vadd.s32 v12, v34;
	_ =	sdelay $0x4  }
0x64: {  	[tilespmem:v34+s25+$0x0] =	vst.idx.msk vm10, v2  }
0x65: {  	v34 =	vld [tilespmem:$0x30];
	_ =	sdelay $0x4  }
0x66: {  	v59 =	vadd.s32 $0xFFFFFF08, v34  }
0x67: {  	v34 =	vshll.u32 v34, $0x7;
	vm11 =	vlt.u32 v59, $0xF8  }
0x68: {  	v34 =	vadd.s32 v13, v34;
	_ =	sdelay $0x4  }
0x69: {  	[tilespmem:v34+s25+$0x0] =	vst.idx.msk vm11, v2  }
0x6a: {  	v34 =	vld [tilespmem:$0x40];
	_ =	sdelay $0x4  }
0x6b: {  	v60 =	vadd.s32 $0xFFFFFF08, v34  }
0x6c: {  	v34 =	vshll.u32 v34, $0x7;
	vm12 =	vlt.u32 v60, $0xF8  }
0x6d: {  	v34 =	vadd.s32 v14, v34;
	_ =	sdelay $0x4  }
0x6e: {  	[tilespmem:v34+s25+$0x0] =	vst.idx.msk vm12, v2  }
0x6f: {  	v34 =	vld [tilespmem:$0x50];
	_ =	sdelay $0x4  }
0x70: {  	v61 =	vadd.s32 $0xFFFFFF08, v34  }
0x71: {  	v34 =	vshll.u32 v34, $0x7;
	vm13 =	vlt.u32 v61, $0xF8  }
0x72: {  	v34 =	vadd.s32 v15, v34;
	_ =	sdelay $0x4  }
0x73: {  	[tilespmem:v34+s25+$0x0] =	vst.idx.msk vm13, v2  }
0x74: {  	v34 =	vld [tilespmem:$0x60];
	_ =	sdelay $0x4  }
0x75: {  	v62 =	vadd.s32 $0xFFFFFF08, v34  }
0x76: {  	v34 =	vshll.u32 v34, $0x7;
	vm14 =	vlt.u32 v62, $0xF8  }
0x77: {  	v34 =	vadd.s32 v16, v34;
	_ =	sdelay $0x4  }
0x78: {  	[tilespmem:v34+s25+$0x0] =	vst.idx.msk vm14, v2  }
0x79: {  	v34 =	vld [tilespmem:$0x70];
	_ =	sdelay $0x4  }
0x7a: {  	v63 =	vadd.s32 $0xFFFFFF08, v34  }
0x7b: {  	v34 =	vshll.u32 v34, $0x7;
	vm15 =	vlt.u32 v63, $0xF8  }
0x7c: {  	v34 =	vadd.s32 v17, v34;
	_ =	sdelay $0x4  }
0x7d: {  	s0 =	simm.s32 $0x0;
	s1 =	simm.s32 $0x200;
	[tilespmem:v34+s25+$0x0] =	vst.idx.msk vm15, v2  }
0x7e: {  	[hbm4b:s5+s23] =	stream.strided.scatter [tilespmem:s25], [sflag:$0x2], $0x7C00, s24, s23, $0x38;
	[tilespmem:$0x18200] =	vst v63  }
.LBB2_6:
0x7f: {  	p0 =	sne.s32 s1, $0x1FE00;
	[tilespmem:s0+$0x10270] =	vst v1  }
0x80: {  	[tilespmem:s0+$0x10200] =	vst v1  }
0x81: {  	[tilespmem:s0+$0x10210] =	vst v1  }
.Ltmp2:
0x82: {  	[tilespmem:s0+$0x10220] =	vst v1;
	(pc) =	sbr.rel @p0 .LBB2_6-.Ltmp2, $4  }
0x83: {  	[tilespmem:s0+$0x10230] =	vst v1  }
0x84: {  	[tilespmem:s0+$0x10240] =	vst v1  }
0x85: {  	[tilespmem:s0+$0x10250] =	vst v1  }
0x86: {  	[tilespmem:s0+$0x10260] =	vst v1;
	s0 =	sshra.s32 s1, $0x2;
	s1 =	sadd.s32 $0x200, s1  }
0x87: {  	[tilespmem:s0+$0x10270] =	vst v1  }
0x88: {  	[tilespmem:s0+$0x10200] =	vst v1  }
0x89: {  	[tilespmem:s0+$0x10210] =	vst v1  }
0x8a: {  	[tilespmem:s0+$0x10220] =	vst v1  }
0x8b: {  	[tilespmem:s0+$0x10230] =	vst v1  }
0x8c: {  	[tilespmem:s0+$0x10240] =	vst v1  }
0x8d: {  	[tilespmem:s0+$0x10250] =	vst v1  }
0x8e: {  	[tilespmem:s0+$0x10260] =	vst v1  }
0x8f: {  	v34 =	vld [tilespmem:$0x0];
	_ =	sdelay $0x4  }
0x90: {  	v35 =	vadd.s32 $0xFFFFFE10, v34  }
0x91: {  	v34 =	vshll.u32 v34, $0x7;
	vm0 =	vlt.u32 v35, $0xF8  }
0x92: {  	v34 =	vadd.s32 v18, v34;
	_ =	sdelay $0x4  }
0x93: {  	[tilespmem:v34+s26+$0x0] =	vst.idx.msk vm0, v2  }
0x94: {  	v34 =	vld [tilespmem:$0x10];
	_ =	sdelay $0x4  }
0x95: {  	v60 =	vadd.s32 $0xFFFFFE10, v34  }
0x96: {  	v34 =	vshll.u32 v34, $0x7;
	vm5 =	vlt.u32 v60, $0xF8  }
0x97: {  	v34 =	vadd.s32 v19, v34;
	_ =	sdelay $0x4  }
0x98: {  	[tilespmem:v34+s26+$0x0] =	vst.idx.msk vm5, v2  }
0x99: {  	v34 =	vld [tilespmem:$0x20];
	_ =	sdelay $0x4  }
0x9a: {  	v61 =	vadd.s32 $0xFFFFFE10, v34  }
0x9b: {  	v34 =	vshll.u32 v34, $0x7;
	vm6 =	vlt.u32 v61, $0xF8  }
0x9c: {  	v34 =	vadd.s32 v20, v34;
	_ =	sdelay $0x4  }
0x9d: {  	[tilespmem:v34+s26+$0x0] =	vst.idx.msk vm6, v2  }
0x9e: {  	v34 =	vld [tilespmem:$0x30];
	_ =	sdelay $0x4  }
0x9f: {  	v62 =	vadd.s32 $0xFFFFFE10, v34  }
0xa0: {  	v34 =	vshll.u32 v34, $0x7;
	vm7 =	vlt.u32 v62, $0xF8  }
0xa1: {  	v34 =	vadd.s32 v21, v34;
	_ =	sdelay $0x4  }
0xa2: {  	[tilespmem:v34+s26+$0x0] =	vst.idx.msk vm7, v2  }
0xa3: {  	v34 =	vld [tilespmem:$0x40];
	_ =	sdelay $0x4  }
0xa4: {  	v63 =	vadd.s32 $0xFFFFFE10, v34  }
0xa5: {  	v34 =	vshll.u32 v34, $0x7;
	vm8 =	vlt.u32 v63, $0xF8  }
0xa6: {  	v34 =	vadd.s32 v22, v34;
	_ =	sdelay $0x4  }
0xa7: {  	[tilespmem:v34+s26+$0x0] =	vst.idx.msk vm8, v2  }
0xa8: {  	v34 =	vld [tilespmem:$0x50];
	_ =	sdelay $0x4  }
0xa9: {  	v36 =	vadd.s32 $0xFFFFFE10, v34  }
0xaa: {  	v34 =	vshll.u32 v34, $0x7;
	vm9 =	vlt.u32 v36, $0xF8  }
0xab: {  	v34 =	vadd.s32 v23, v34;
	_ =	sdelay $0x4  }
0xac: {  	[tilespmem:v34+s26+$0x0] =	vst.idx.msk vm9, v2  }
0xad: {  	v34 =	vld [tilespmem:$0x60];
	_ =	sdelay $0x4  }
0xae: {  	v37 =	vadd.s32 $0xFFFFFE10, v34  }
0xaf: {  	v34 =	vshll.u32 v34, $0x7;
	vm10 =	vlt.u32 v37, $0xF8  }
0xb0: {  	v34 =	vadd.s32 v24, v34;
	_ =	sdelay $0x4  }
0xb1: {  	[tilespmem:v34+s26+$0x0] =	vst.idx.msk vm10, v2  }
0xb2: {  	v34 =	vld [tilespmem:$0x70];
	_ =	sdelay $0x4  }
0xb3: {  	v38 =	vadd.s32 $0xFFFFFE10, v34  }
0xb4: {  	v34 =	vshll.u32 v34, $0x7;
	vm11 =	vlt.u32 v38, $0xF8  }
0xb5: {  	v34 =	vadd.s32 v25, v34;
	_ =	sdelay $0x4  }
0xb6: {  	[tilespmem:v34+s26+$0x0] =	vst.idx.msk vm11, v2  }
0xb7: {  	[hbm4b:s6+s23] =	stream.strided.scatter [tilespmem:s26], [sflag:$0x3], $0x7C00, s24, s23, $0x38;
	[tilespmem:$0x18200] =	vst v63  }
0xb8: {  	_ =	swait.ge [sflag:s28], $0x7C00  }
0xb9: {  	[sflag:s28] =	ssyncset.done $0x0  }
0xba: {  	[sflag:s28] =	ssyncadd.s32 $0xFFFF8400  }
0xbb: {  	v39 =	vld [tilespmem:$0x0];
	_ =	sdelay $0x4  }
0xbc: {  	vm12 =	vlt.u32 v39, $0xF8;
	v34 =	vshll.u32 v39, $0x7  }
0xbd: {  	v34 =	vor.u32 v0, v34;
	_ =	sdelay $0x4  }
0xbe: {  	[tilespmem:v34+s22+$0x0] =	vst.idx.msk vm12, v1  }
0xbf: {  	v34 =	vld [tilespmem:$0x10];
	_ =	sdelay $0x4  }
0xc0: {  	vm13 =	vlt.u32 v34, $0xF8;
	v34 =	vshll.u32 v34, $0x7  }
0xc1: {  	v34 =	vor.u32 v3, v34;
	_ =	sdelay $0x4  }
0xc2: {  	[tilespmem:v34+s22+$0x0] =	vst.idx.msk vm13, v1  }
0xc3: {  	v34 =	vld [tilespmem:$0x20];
	_ =	sdelay $0x4  }
0xc4: {  	vm14 =	vlt.u32 v34, $0xF8;
	v34 =	vshll.u32 v34, $0x7  }
0xc5: {  	v34 =	vor.u32 v4, v34;
	_ =	sdelay $0x4  }
0xc6: {  	[tilespmem:v34+s22+$0x0] =	vst.idx.msk vm14, v1  }
0xc7: {  	v34 =	vld [tilespmem:$0x30];
	_ =	sdelay $0x4  }
0xc8: {  	vm15 =	vlt.u32 v34, $0xF8;
	v34 =	vshll.u32 v34, $0x7  }
0xc9: {  	v34 =	vor.u32 v5, v34;
	_ =	sdelay $0x4  }
0xca: {  	[tilespmem:v34+s22+$0x0] =	vst.idx.msk vm15, v1  }
0xcb: {  	v34 =	vld [tilespmem:$0x40];
	_ =	sdelay $0x4  }
0xcc: {  	vm4 =	vlt.u32 v34, $0xF8;
	v34 =	vshll.u32 v34, $0x7  }
0xcd: {  	v34 =	vor.u32 v6, v34;
	_ =	sdelay $0x4  }
0xce: {  	[tilespmem:v34+s22+$0x0] =	vst.idx.msk vm4, v1  }
0xcf: {  	v34 =	vld [tilespmem:$0x50];
	_ =	sdelay $0x4  }
0xd0: {  	vm5 =	vlt.u32 v34, $0xF8;
	v34 =	vshll.u32 v34, $0x7  }
0xd1: {  	v34 =	vor.u32 v7, v34;
	_ =	sdelay $0x4  }
0xd2: {  	[tilespmem:v34+s22+$0x0] =	vst.idx.msk vm5, v1  }
0xd3: {  	v34 =	vld [tilespmem:$0x60];
	_ =	sdelay $0x4  }
0xd4: {  	vm6 =	vlt.u32 v34, $0xF8;
	v34 =	vshll.u32 v34, $0x7  }
0xd5: {  	v34 =	vor.u32 v8, v34;
	_ =	sdelay $0x4  }
0xd6: {  	[tilespmem:v34+s22+$0x0] =	vst.idx.msk vm6, v1  }
0xd7: {  	v34 =	vld [tilespmem:$0x70];
	_ =	sdelay $0x4  }
0xd8: {  	vm7 =	vlt.u32 v34, $0xF8;
	v34 =	vshll.u32 v34, $0x7  }
0xd9: {  	v34 =	vor.u32 v9, v34;
	_ =	sdelay $0x4  }
0xda: {  	[tilespmem:v34+s22+$0x0] =	vst.idx.msk vm7, v1  }
0xdb: {  	v34 =	vld [tilespmem:$0x0];
	_ =	sdelay $0x4  }
0xdc: {  	v40 =	vadd.s32 $0xFFFFFD18, v34  }
0xdd: {  	v34 =	vshll.u32 v34, $0x7;
	vm8 =	vlt.u32 v40, $0x100  }
0xde: {  	v34 =	vadd.s32 v26, v34;
	_ =	sdelay $0x4  }
0xdf: {  	[tilespmem:v34+s22+$0x0] =	vst.idx.msk vm8, v2  }
0xe0: {  	v34 =	vld [tilespmem:$0x10];
	_ =	sdelay $0x4  }
0xe1: {  	v41 =	vadd.s32 $0xFFFFFD18, v34  }
0xe2: {  	v34 =	vshll.u32 v34, $0x7;
	vm9 =	vlt.u32 v41, $0x100  }
0xe3: {  	v34 =	vadd.s32 v27, v34;
	_ =	sdelay $0x4  }
0xe4: {  	[tilespmem:v34+s22+$0x0] =	vst.idx.msk vm9, v2  }
0xe5: {  	v34 =	vld [tilespmem:$0x20];
	_ =	sdelay $0x4  }
0xe6: {  	v42 =	vadd.s32 $0xFFFFFD18, v34  }
0xe7: {  	v34 =	vshll.u32 v34, $0x7;
	vm10 =	vlt.u32 v42, $0x100  }
0xe8: {  	v34 =	vadd.s32 v28, v34;
	_ =	sdelay $0x4  }
0xe9: {  	[tilespmem:v34+s22+$0x0] =	vst.idx.msk vm10, v2  }
0xea: {  	v34 =	vld [tilespmem:$0x30];
	_ =	sdelay $0x4  }
0xeb: {  	v43 =	vadd.s32 $0xFFFFFD18, v34  }
0xec: {  	v34 =	vshll.u32 v34, $0x7;
	vm11 =	vlt.u32 v43, $0x100  }
0xed: {  	v34 =	vadd.s32 v29, v34;
	_ =	sdelay $0x4  }
0xee: {  	[tilespmem:v34+s22+$0x0] =	vst.idx.msk vm11, v2  }
0xef: {  	v34 =	vld [tilespmem:$0x40];
	_ =	sdelay $0x4  }
0xf0: {  	v44 =	vadd.s32 $0xFFFFFD18, v34  }
0xf1: {  	v34 =	vshll.u32 v34, $0x7;
	vm12 =	vlt.u32 v44, $0x100  }
0xf2: {  	v34 =	vadd.s32 v30, v34;
	_ =	sdelay $0x4  }
0xf3: {  	[tilespmem:v34+s22+$0x0] =	vst.idx.msk vm12, v2  }
0xf4: {  	v34 =	vld [tilespmem:$0x50];
	_ =	sdelay $0x4  }
0xf5: {  	v45 =	vadd.s32 $0xFFFFFD18, v34  }
0xf6: {  	v34 =	vshll.u32 v34, $0x7;
	vm13 =	vlt.u32 v45, $0x100  }
0xf7: {  	v34 =	vadd.s32 v31, v34;
	_ =	sdelay $0x4  }
0xf8: {  	[tilespmem:v34+s22+$0x0] =	vst.idx.msk vm13, v2  }
0xf9: {  	v34 =	vld [tilespmem:$0x60];
	_ =	sdelay $0x4  }
0xfa: {  	v46 =	vadd.s32 $0xFFFFFD18, v34  }
0xfb: {  	v34 =	vshll.u32 v34, $0x7;
	vm14 =	vlt.u32 v46, $0x100  }
0xfc: {  	v34 =	vadd.s32 v32, v34;
	_ =	sdelay $0x4  }
0xfd: {  	[tilespmem:v34+s22+$0x0] =	vst.idx.msk vm14, v2  }
0xfe: {  	v34 =	vld [tilespmem:$0x70];
	_ =	sdelay $0x4  }
0xff: {  	v47 =	vadd.s32 $0xFFFFFD18, v34  }
0x100: {  	v34 =	vshll.u32 v34, $0x7;
	vm15 =	vlt.u32 v47, $0x100  }
0x101: {  	v34 =	vadd.s32 v33, v34;
	_ =	sdelay $0x4  }
0x102: {  	[tilespmem:v34+s22+$0x0] =	vst.idx.msk vm15, v2  }
0x103: {  	[hbm4b:s7+s23] =	stream.strided.scatter [tilespmem:s22], [sflag:$0x1], $0x8000, s24, s23, $0x38;
	[tilespmem:$0x18200] =	vst v63  }
0x104: {  	_ =	swait.ge [sflag:s29], $0x7C00  }
0x105: {  	[sflag:s29] =	ssyncset.done $0x0  }
0x106: {  	[sflag:s29] =	ssyncadd.s32 $0xFFFF8400  }
0x107: {  	v48 =	vld [tilespmem:$0x0];
	_ =	sdelay $0x4  }
0x108: {  	v49 =	vadd.s32 $0xFFFFFF08, v48  }
0x109: {  	v34 =	vshll.u32 v48, $0x7;
	vm4 =	vlt.u32 v49, $0xF8  }
0x10a: {  	v34 =	vadd.s32 v10, v34;
	_ =	sdelay $0x4  }
0x10b: {  	[tilespmem:v34+s25+$0x0] =	vst.idx.msk vm4, v1  }
0x10c: {  	v34 =	vld [tilespmem:$0x10];
	_ =	sdelay $0x4  }
0x10d: {  	v50 =	vadd.s32 $0xFFFFFF08, v34  }
0x10e: {  	v34 =	vshll.u32 v34, $0x7;
	vm5 =	vlt.u32 v50, $0xF8  }
0x10f: {  	v34 =	vadd.s32 v11, v34;
	_ =	sdelay $0x4  }
0x110: {  	[tilespmem:v34+s25+$0x0] =	vst.idx.msk vm5, v1  }
0x111: {  	v34 =	vld [tilespmem:$0x20];
	_ =	sdelay $0x4  }
0x112: {  	v51 =	vadd.s32 $0xFFFFFF08, v34  }
0x113: {  	v34 =	vshll.u32 v34, $0x7;
	vm6 =	vlt.u32 v51, $0xF8  }
0x114: {  	v34 =	vadd.s32 v12, v34;
	_ =	sdelay $0x4  }
0x115: {  	[tilespmem:v34+s25+$0x0] =	vst.idx.msk vm6, v1  }
0x116: {  	v34 =	vld [tilespmem:$0x30];
	_ =	sdelay $0x4  }
0x117: {  	v52 =	vadd.s32 $0xFFFFFF08, v34  }
0x118: {  	v34 =	vshll.u32 v34, $0x7;
	vm7 =	vlt.u32 v52, $0xF8  }
0x119: {  	v34 =	vadd.s32 v13, v34;
	_ =	sdelay $0x4  }
0x11a: {  	[tilespmem:v34+s25+$0x0] =	vst.idx.msk vm7, v1  }
0x11b: {  	v34 =	vld [tilespmem:$0x40];
	_ =	sdelay $0x4  }
0x11c: {  	v53 =	vadd.s32 $0xFFFFFF08, v34  }
0x11d: {  	v34 =	vshll.u32 v34, $0x7;
	vm8 =	vlt.u32 v53, $0xF8  }
0x11e: {  	v34 =	vadd.s32 v14, v34;
	_ =	sdelay $0x4  }
0x11f: {  	[tilespmem:v34+s25+$0x0] =	vst.idx.msk vm8, v1  }
0x120: {  	v34 =	vld [tilespmem:$0x50];
	_ =	sdelay $0x4  }
0x121: {  	v54 =	vadd.s32 $0xFFFFFF08, v34  }
0x122: {  	v34 =	vshll.u32 v34, $0x7;
	vm9 =	vlt.u32 v54, $0xF8  }
0x123: {  	v34 =	vadd.s32 v15, v34;
	_ =	sdelay $0x4  }
0x124: {  	[tilespmem:v34+s25+$0x0] =	vst.idx.msk vm9, v1  }
0x125: {  	v34 =	vld [tilespmem:$0x60];
	_ =	sdelay $0x4  }
0x126: {  	v55 =	vadd.s32 $0xFFFFFF08, v34  }
0x127: {  	v34 =	vshll.u32 v34, $0x7;
	vm10 =	vlt.u32 v55, $0xF8  }
0x128: {  	v34 =	vadd.s32 v16, v34;
	_ =	sdelay $0x4  }
0x129: {  	[tilespmem:v34+s25+$0x0] =	vst.idx.msk vm10, v1  }
0x12a: {  	v34 =	vld [tilespmem:$0x70];
	_ =	sdelay $0x4  }
0x12b: {  	v56 =	vadd.s32 $0xFFFFFF08, v34  }
0x12c: {  	v34 =	vshll.u32 v34, $0x7;
	vm11 =	vlt.u32 v56, $0xF8  }
0x12d: {  	v34 =	vadd.s32 v17, v34;
	_ =	sdelay $0x4  }
0x12e: {  	[tilespmem:v34+s25+$0x0] =	vst.idx.msk vm11, v1  }
0x12f: {  	v34 =	vld [tilespmem:$0x80];
	_ =	sdelay $0x4  }
0x130: {  	vm12 =	vlt.u32 v34, $0xF8;
	v34 =	vshll.u32 v34, $0x7  }
0x131: {  	v34 =	vor.u32 v0, v34;
	_ =	sdelay $0x4  }
0x132: {  	[tilespmem:v34+s25+$0x0] =	vst.idx.msk vm12, v2  }
0x133: {  	v34 =	vld [tilespmem:$0x90];
	_ =	sdelay $0x4  }
0x134: {  	vm13 =	vlt.u32 v34, $0xF8;
	v34 =	vshll.u32 v34, $0x7  }
0x135: {  	v34 =	vor.u32 v3, v34;
	_ =	sdelay $0x4  }
0x136: {  	[tilespmem:v34+s25+$0x0] =	vst.idx.msk vm13, v2  }
0x137: {  	v34 =	vld [tilespmem:$0xA0];
	_ =	sdelay $0x4  }
0x138: {  	vm14 =	vlt.u32 v34, $0xF8;
	v34 =	vshll.u32 v34, $0x7  }
0x139: {  	v34 =	vor.u32 v4, v34;
	_ =	sdelay $0x4  }
0x13a: {  	[tilespmem:v34+s25+$0x0] =	vst.idx.msk vm14, v2  }
0x13b: {  	v34 =	vld [tilespmem:$0xB0];
	_ =	sdelay $0x4  }
0x13c: {  	vm15 =	vlt.u32 v34, $0xF8;
	v34 =	vshll.u32 v34, $0x7  }
0x13d: {  	v34 =	vor.u32 v5, v34;
	_ =	sdelay $0x4  }
0x13e: {  	[tilespmem:v34+s25+$0x0] =	vst.idx.msk vm15, v2  }
0x13f: {  	v34 =	vld [tilespmem:$0xC0];
	_ =	sdelay $0x4  }
0x140: {  	vm4 =	vlt.u32 v34, $0xF8;
	v34 =	vshll.u32 v34, $0x7  }
0x141: {  	v34 =	vor.u32 v6, v34;
	_ =	sdelay $0x4  }
0x142: {  	[tilespmem:v34+s25+$0x0] =	vst.idx.msk vm4, v2  }
0x143: {  	v34 =	vld [tilespmem:$0xD0];
	_ =	sdelay $0x4  }
0x144: {  	vm5 =	vlt.u32 v34, $0xF8;
	v34 =	vshll.u32 v34, $0x7  }
0x145: {  	v34 =	vor.u32 v7, v34;
	_ =	sdelay $0x4  }
0x146: {  	[tilespmem:v34+s25+$0x0] =	vst.idx.msk vm5, v2  }
0x147: {  	v34 =	vld [tilespmem:$0xE0];
	_ =	sdelay $0x4  }
0x148: {  	vm6 =	vlt.u32 v34, $0xF8;
	v34 =	vshll.u32 v34, $0x7  }
0x149: {  	v34 =	vor.u32 v8, v34;
	_ =	sdelay $0x4  }
0x14a: {  	[tilespmem:v34+s25+$0x0] =	vst.idx.msk vm6, v2  }
0x14b: {  	v34 =	vld [tilespmem:$0xF0];
	_ =	sdelay $0x4  }
0x14c: {  	vm7 =	vlt.u32 v34, $0xF8;
	v34 =	vshll.u32 v34, $0x7  }
0x14d: {  	v34 =	vor.u32 v9, v34;
	_ =	sdelay $0x4  }
0x14e: {  	[tilespmem:v34+s25+$0x0] =	vst.idx.msk vm7, v2  }
0x14f: {  	[hbm4b:s10+s23] =	stream.strided.scatter [tilespmem:s25], [sflag:$0x2], $0x7C00, s24, s23, $0x38;
	[tilespmem:$0x18200] =	vst v63  }
0x150: {  	_ =	swait.ge [sflag:s30], $0x7C00  }
0x151: {  	[sflag:s30] =	ssyncset.done $0x0  }
0x152: {  	[sflag:s30] =	ssyncadd.s32 $0xFFFF8400  }
0x153: {  	v57 =	vld [tilespmem:$0x0];
	_ =	sdelay $0x4  }
0x154: {  	v58 =	vadd.s32 $0xFFFFFE10, v57  }
0x155: {  	v34 =	vshll.u32 v57, $0x7;
	vm8 =	vlt.u32 v58, $0xF8  }
0x156: {  	v34 =	vadd.s32 v18, v34;
	_ =	sdelay $0x4  }
0x157: {  	[tilespmem:v34+s26+$0x0] =	vst.idx.msk vm8, v1  }
0x158: {  	v34 =	vld [tilespmem:$0x10];
	_ =	sdelay $0x4  }
0x159: {  	v59 =	vadd.s32 $0xFFFFFE10, v34  }
0x15a: {  	v34 =	vshll.u32 v34, $0x7;
	vm9 =	vlt.u32 v59, $0xF8  }
0x15b: {  	v34 =	vadd.s32 v19, v34;
	_ =	sdelay $0x4  }
0x15c: {  	[tilespmem:v34+s26+$0x0] =	vst.idx.msk vm9, v1  }
0x15d: {  	v34 =	vld [tilespmem:$0x20];
	_ =	sdelay $0x4  }
0x15e: {  	v60 =	vadd.s32 $0xFFFFFE10, v34  }
0x15f: {  	v34 =	vshll.u32 v34, $0x7;
	vm10 =	vlt.u32 v60, $0xF8  }
0x160: {  	v34 =	vadd.s32 v20, v34;
	_ =	sdelay $0x4  }
0x161: {  	[tilespmem:v34+s26+$0x0] =	vst.idx.msk vm10, v1  }
0x162: {  	v34 =	vld [tilespmem:$0x30];
	_ =	sdelay $0x4  }
0x163: {  	v61 =	vadd.s32 $0xFFFFFE10, v34  }
0x164: {  	v34 =	vshll.u32 v34, $0x7;
	vm11 =	vlt.u32 v61, $0xF8  }
0x165: {  	v34 =	vadd.s32 v21, v34;
	_ =	sdelay $0x4  }
0x166: {  	[tilespmem:v34+s26+$0x0] =	vst.idx.msk vm11, v1  }
0x167: {  	v34 =	vld [tilespmem:$0x40];
	_ =	sdelay $0x4  }
0x168: {  	v62 =	vadd.s32 $0xFFFFFE10, v34  }
0x169: {  	v34 =	vshll.u32 v34, $0x7;
	vm12 =	vlt.u32 v62, $0xF8  }
0x16a: {  	v34 =	vadd.s32 v22, v34;
	_ =	sdelay $0x4  }
0x16b: {  	[tilespmem:v34+s26+$0x0] =	vst.idx.msk vm12, v1  }
0x16c: {  	v34 =	vld [tilespmem:$0x50];
	_ =	sdelay $0x4  }
0x16d: {  	v63 =	vadd.s32 $0xFFFFFE10, v34  }
0x16e: {  	v34 =	vshll.u32 v34, $0x7;
	vm13 =	vlt.u32 v63, $0xF8  }
0x16f: {  	v34 =	vadd.s32 v23, v34;
	_ =	sdelay $0x4  }
0x170: {  	[tilespmem:v34+s26+$0x0] =	vst.idx.msk vm13, v1  }
0x171: {  	v34 =	vld [tilespmem:$0x60];
	_ =	sdelay $0x4  }
0x172: {  	v36 =	vadd.s32 $0xFFFFFE10, v34  }
0x173: {  	v34 =	vshll.u32 v34, $0x7;
	vm14 =	vlt.u32 v36, $0xF8  }
0x174: {  	v34 =	vadd.s32 v24, v34;
	_ =	sdelay $0x4  }
0x175: {  	[tilespmem:v34+s26+$0x0] =	vst.idx.msk vm14, v1  }
0x176: {  	v34 =	vld [tilespmem:$0x70];
	_ =	sdelay $0x4  }
0x177: {  	v37 =	vadd.s32 $0xFFFFFE10, v34  }
0x178: {  	v34 =	vshll.u32 v34, $0x7;
	vm15 =	vlt.u32 v37, $0xF8  }
0x179: {  	v34 =	vadd.s32 v25, v34;
	_ =	sdelay $0x4  }
0x17a: {  	[tilespmem:v34+s26+$0x0] =	vst.idx.msk vm15, v1  }
0x17b: {  	v34 =	vld [tilespmem:$0x80];
	_ =	sdelay $0x4  }
0x17c: {  	v38 =	vadd.s32 $0xFFFFFF08, v34  }
0x17d: {  	v34 =	vshll.u32 v34, $0x7;
	vm4 =	vlt.u32 v38, $0xF8  }
0x17e: {  	v34 =	vadd.s32 v10, v34;
	_ =	sdelay $0x4  }
0x17f: {  	[tilespmem:v34+s26+$0x0] =	vst.idx.msk vm4, v2  }
0x180: {  	v34 =	vld [tilespmem:$0x90];
	_ =	sdelay $0x4  }
0x181: {  	v39 =	vadd.s32 $0xFFFFFF08, v34  }
0x182: {  	v34 =	vshll.u32 v34, $0x7;
	vm5 =	vlt.u32 v39, $0xF8  }
0x183: {  	v34 =	vadd.s32 v11, v34;
	_ =	sdelay $0x4  }
0x184: {  	[tilespmem:v34+s26+$0x0] =	vst.idx.msk vm5, v2  }
0x185: {  	v34 =	vld [tilespmem:$0xA0];
	_ =	sdelay $0x4  }
0x186: {  	v40 =	vadd.s32 $0xFFFFFF08, v34  }
0x187: {  	v34 =	vshll.u32 v34, $0x7;
	vm6 =	vlt.u32 v40, $0xF8  }
0x188: {  	v34 =	vadd.s32 v12, v34;
	_ =	sdelay $0x4  }
0x189: {  	[tilespmem:v34+s26+$0x0] =	vst.idx.msk vm6, v2  }
0x18a: {  	v34 =	vld [tilespmem:$0xB0];
	_ =	sdelay $0x4  }
0x18b: {  	v41 =	vadd.s32 $0xFFFFFF08, v34  }
0x18c: {  	v34 =	vshll.u32 v34, $0x7;
	vm7 =	vlt.u32 v41, $0xF8  }
0x18d: {  	v34 =	vadd.s32 v13, v34;
	_ =	sdelay $0x4  }
0x18e: {  	[tilespmem:v34+s26+$0x0] =	vst.idx.msk vm7, v2  }
0x18f: {  	v34 =	vld [tilespmem:$0xC0];
	_ =	sdelay $0x4  }
0x190: {  	v42 =	vadd.s32 $0xFFFFFF08, v34  }
0x191: {  	v34 =	vshll.u32 v34, $0x7;
	vm8 =	vlt.u32 v42, $0xF8  }
0x192: {  	v34 =	vadd.s32 v14, v34;
	_ =	sdelay $0x4  }
0x193: {  	[tilespmem:v34+s26+$0x0] =	vst.idx.msk vm8, v2  }
0x194: {  	v34 =	vld [tilespmem:$0xD0];
	_ =	sdelay $0x4  }
0x195: {  	v43 =	vadd.s32 $0xFFFFFF08, v34  }
0x196: {  	v34 =	vshll.u32 v34, $0x7;
	vm9 =	vlt.u32 v43, $0xF8  }
0x197: {  	v34 =	vadd.s32 v15, v34;
	_ =	sdelay $0x4  }
0x198: {  	[tilespmem:v34+s26+$0x0] =	vst.idx.msk vm9, v2  }
0x199: {  	v34 =	vld [tilespmem:$0xE0];
	_ =	sdelay $0x4  }
0x19a: {  	v44 =	vadd.s32 $0xFFFFFF08, v34  }
0x19b: {  	v34 =	vshll.u32 v34, $0x7;
	vm10 =	vlt.u32 v44, $0xF8  }
0x19c: {  	v34 =	vadd.s32 v16, v34;
	_ =	sdelay $0x4  }
0x19d: {  	[tilespmem:v34+s26+$0x0] =	vst.idx.msk vm10, v2  }
0x19e: {  	v34 =	vld [tilespmem:$0xF0];
	_ =	sdelay $0x4  }
0x19f: {  	v45 =	vadd.s32 $0xFFFFFF08, v34  }
0x1a0: {  	v34 =	vshll.u32 v34, $0x7;
	vm11 =	vlt.u32 v45, $0xF8  }
0x1a1: {  	v34 =	vadd.s32 v17, v34;
	_ =	sdelay $0x4  }
0x1a2: {  	[tilespmem:v34+s26+$0x0] =	vst.idx.msk vm11, v2  }
0x1a3: {  	[hbm4b:s8+s23] =	stream.strided.scatter [tilespmem:s26], [sflag:$0x3], $0x7C00, s24, s23, $0x38;
	[tilespmem:$0x18200] =	vst v63  }
0x1a4: {  	_ =	swait.ge [sflag:s28], $0x8000  }
0x1a5: {  	[sflag:s28] =	ssyncset.done $0x0  }
0x1a6: {  	[sflag:s28] =	ssyncadd.s32 $0xFFFF8000  }
0x1a7: {  	v46 =	vld [tilespmem:$0x0];
	_ =	sdelay $0x4  }
0x1a8: {  	v47 =	vadd.s32 $0xFFFFFD18, v46  }
0x1a9: {  	v34 =	vshll.u32 v46, $0x7;
	vm12 =	vlt.u32 v47, $0x100  }
0x1aa: {  	v34 =	vadd.s32 v26, v34;
	_ =	sdelay $0x4  }
0x1ab: {  	[tilespmem:v34+s22+$0x0] =	vst.idx.msk vm12, v1  }
0x1ac: {  	v34 =	vld [tilespmem:$0x10];
	_ =	sdelay $0x4  }
0x1ad: {  	v48 =	vadd.s32 $0xFFFFFD18, v34  }
0x1ae: {  	v34 =	vshll.u32 v34, $0x7;
	vm13 =	vlt.u32 v48, $0x100  }
0x1af: {  	v34 =	vadd.s32 v27, v34;
	_ =	sdelay $0x4  }
0x1b0: {  	[tilespmem:v34+s22+$0x0] =	vst.idx.msk vm13, v1  }
0x1b1: {  	v34 =	vld [tilespmem:$0x20];
	_ =	sdelay $0x4  }
0x1b2: {  	v49 =	vadd.s32 $0xFFFFFD18, v34  }
0x1b3: {  	v34 =	vshll.u32 v34, $0x7;
	vm14 =	vlt.u32 v49, $0x100  }
0x1b4: {  	v34 =	vadd.s32 v28, v34;
	_ =	sdelay $0x4  }
0x1b5: {  	[tilespmem:v34+s22+$0x0] =	vst.idx.msk vm14, v1  }
0x1b6: {  	v34 =	vld [tilespmem:$0x30];
	_ =	sdelay $0x4  }
0x1b7: {  	v50 =	vadd.s32 $0xFFFFFD18, v34  }
0x1b8: {  	v34 =	vshll.u32 v34, $0x7;
	vm15 =	vlt.u32 v50, $0x100  }
0x1b9: {  	v34 =	vadd.s32 v29, v34;
	_ =	sdelay $0x4  }
0x1ba: {  	[tilespmem:v34+s22+$0x0] =	vst.idx.msk vm15, v1  }
0x1bb: {  	v34 =	vld [tilespmem:$0x40];
	_ =	sdelay $0x4  }
0x1bc: {  	v51 =	vadd.s32 $0xFFFFFD18, v34  }
0x1bd: {  	v34 =	vshll.u32 v34, $0x7;
	vm4 =	vlt.u32 v51, $0x100  }
0x1be: {  	v34 =	vadd.s32 v30, v34;
	_ =	sdelay $0x4  }
0x1bf: {  	[tilespmem:v34+s22+$0x0] =	vst.idx.msk vm4, v1  }
0x1c0: {  	v34 =	vld [tilespmem:$0x50];
	_ =	sdelay $0x4  }
0x1c1: {  	v52 =	vadd.s32 $0xFFFFFD18, v34  }
0x1c2: {  	v34 =	vshll.u32 v34, $0x7;
	vm5 =	vlt.u32 v52, $0x100  }
0x1c3: {  	v34 =	vadd.s32 v31, v34;
	_ =	sdelay $0x4  }
0x1c4: {  	[tilespmem:v34+s22+$0x0] =	vst.idx.msk vm5, v1  }
0x1c5: {  	v34 =	vld [tilespmem:$0x60];
	_ =	sdelay $0x4  }
0x1c6: {  	v53 =	vadd.s32 $0xFFFFFD18, v34  }
0x1c7: {  	v34 =	vshll.u32 v34, $0x7;
	vm6 =	vlt.u32 v53, $0x100  }
0x1c8: {  	v34 =	vadd.s32 v32, v34;
	_ =	sdelay $0x4  }
0x1c9: {  	[tilespmem:v34+s22+$0x0] =	vst.idx.msk vm6, v1  }
0x1ca: {  	v34 =	vld [tilespmem:$0x70];
	_ =	sdelay $0x4  }
0x1cb: {  	v54 =	vadd.s32 $0xFFFFFD18, v34  }
0x1cc: {  	v34 =	vshll.u32 v34, $0x7;
	vm7 =	vlt.u32 v54, $0x100  }
0x1cd: {  	v34 =	vadd.s32 v33, v34;
	_ =	sdelay $0x4  }
0x1ce: {  	[tilespmem:v34+s22+$0x0] =	vst.idx.msk vm7, v1  }
0x1cf: {  	v34 =	vld [tilespmem:$0x80];
	_ =	sdelay $0x4  }
0x1d0: {  	v55 =	vadd.s32 $0xFFFFFE10, v34  }
0x1d1: {  	v34 =	vshll.u32 v34, $0x7;
	vm8 =	vlt.u32 v55, $0xF8  }
0x1d2: {  	v34 =	vadd.s32 v18, v34;
	_ =	sdelay $0x4  }
0x1d3: {  	[tilespmem:v34+s22+$0x0] =	vst.idx.msk vm8, v2  }
0x1d4: {  	v34 =	vld [tilespmem:$0x90];
	_ =	sdelay $0x4  }
0x1d5: {  	v56 =	vadd.s32 $0xFFFFFE10, v34  }
0x1d6: {  	v34 =	vshll.u32 v34, $0x7;
	vm9 =	vlt.u32 v56, $0xF8  }
0x1d7: {  	v34 =	vadd.s32 v19, v34;
	_ =	sdelay $0x4  }
0x1d8: {  	[tilespmem:v34+s22+$0x0] =	vst.idx.msk vm9, v2  }
0x1d9: {  	v34 =	vld [tilespmem:$0xA0];
	_ =	sdelay $0x4  }
0x1da: {  	v57 =	vadd.s32 $0xFFFFFE10, v34  }
0x1db: {  	v34 =	vshll.u32 v34, $0x7;
	vm10 =	vlt.u32 v57, $0xF8  }
0x1dc: {  	v34 =	vadd.s32 v20, v34;
	_ =	sdelay $0x4  }
0x1dd: {  	[tilespmem:v34+s22+$0x0] =	vst.idx.msk vm10, v2  }
0x1de: {  	v34 =	vld [tilespmem:$0xB0];
	_ =	sdelay $0x4  }
0x1df: {  	v58 =	vadd.s32 $0xFFFFFE10, v34  }
0x1e0: {  	v34 =	vshll.u32 v34, $0x7;
	vm11 =	vlt.u32 v58, $0xF8  }
0x1e1: {  	v34 =	vadd.s32 v21, v34;
	_ =	sdelay $0x4  }
0x1e2: {  	[tilespmem:v34+s22+$0x0] =	vst.idx.msk vm11, v2  }
0x1e3: {  	v34 =	vld [tilespmem:$0xC0];
	_ =	sdelay $0x4  }
0x1e4: {  	v59 =	vadd.s32 $0xFFFFFE10, v34  }
0x1e5: {  	v34 =	vshll.u32 v34, $0x7;
	vm12 =	vlt.u32 v59, $0xF8  }
0x1e6: {  	v34 =	vadd.s32 v22, v34;
	_ =	sdelay $0x4  }
0x1e7: {  	[tilespmem:v34+s22+$0x0] =	vst.idx.msk vm12, v2  }
0x1e8: {  	v34 =	vld [tilespmem:$0xD0];
	_ =	sdelay $0x4  }
0x1e9: {  	v60 =	vadd.s32 $0xFFFFFE10, v34  }
0x1ea: {  	v34 =	vshll.u32 v34, $0x7;
	vm13 =	vlt.u32 v60, $0xF8  }
0x1eb: {  	v34 =	vadd.s32 v23, v34;
	_ =	sdelay $0x4  }
0x1ec: {  	[tilespmem:v34+s22+$0x0] =	vst.idx.msk vm13, v2  }
0x1ed: {  	v34 =	vld [tilespmem:$0xE0];
	_ =	sdelay $0x4  }
0x1ee: {  	v61 =	vadd.s32 $0xFFFFFE10, v34  }
0x1ef: {  	v34 =	vshll.u32 v34, $0x7;
	vm14 =	vlt.u32 v61, $0xF8  }
0x1f0: {  	v34 =	vadd.s32 v24, v34;
	_ =	sdelay $0x4  }
0x1f1: {  	[tilespmem:v34+s22+$0x0] =	vst.idx.msk vm14, v2  }
0x1f2: {  	v34 =	vld [tilespmem:$0xF0];
	_ =	sdelay $0x4  }
0x1f3: {  	v62 =	vadd.s32 $0xFFFFFE10, v34  }
0x1f4: {  	v34 =	vshll.u32 v34, $0x7;
	vm15 =	vlt.u32 v62, $0xF8  }
0x1f5: {  	v34 =	vadd.s32 v25, v34;
	_ =	sdelay $0x4  }
0x1f6: {  	[tilespmem:v34+s22+$0x0] =	vst.idx.msk vm15, v2  }
0x1f7: {  	[hbm4b:s9+s23] =	stream.strided.scatter [tilespmem:s22], [sflag:$0x1], $0x7C00, s24, s23, $0x38;
	[tilespmem:$0x18200] =	vst v63  }
0x1f8: {  	_ =	swait.ge [sflag:s29], $0x7C00  }
0x1f9: {  	[sflag:s29] =	ssyncset.done $0x0  }
0x1fa: {  	[sflag:s29] =	ssyncadd.s32 $0xFFFF8400  }
0x1fb: {  	v63 =	vld [tilespmem:$0x80];
	_ =	sdelay $0x4  }
0x1fc: {  	vm4 =	vlt.u32 v63, $0xF8;
	v34 =	vshll.u32 v63, $0x7  }
0x1fd: {  	v34 =	vor.u32 v0, v34;
	_ =	sdelay $0x4  }
0x1fe: {  	[tilespmem:v34+s25+$0x0] =	vst.idx.msk vm4, v1  }
0x1ff: {  	v34 =	vld [tilespmem:$0x90];
	_ =	sdelay $0x4  }
0x200: {  	vm5 =	vlt.u32 v34, $0xF8;
	v34 =	vshll.u32 v34, $0x7  }
0x201: {  	v34 =	vor.u32 v3, v34;
	_ =	sdelay $0x4  }
0x202: {  	[tilespmem:v34+s25+$0x0] =	vst.idx.msk vm5, v1  }
0x203: {  	v34 =	vld [tilespmem:$0xA0];
	_ =	sdelay $0x4  }
0x204: {  	vm6 =	vlt.u32 v34, $0xF8;
	v34 =	vshll.u32 v34, $0x7  }
0x205: {  	v34 =	vor.u32 v4, v34;
	_ =	sdelay $0x4  }
0x206: {  	[tilespmem:v34+s25+$0x0] =	vst.idx.msk vm6, v1  }
0x207: {  	v34 =	vld [tilespmem:$0xB0];
	_ =	sdelay $0x4  }
0x208: {  	vm7 =	vlt.u32 v34, $0xF8;
	v34 =	vshll.u32 v34, $0x7  }
0x209: {  	v34 =	vor.u32 v5, v34;
	_ =	sdelay $0x4  }
0x20a: {  	[tilespmem:v34+s25+$0x0] =	vst.idx.msk vm7, v1  }
0x20b: {  	v34 =	vld [tilespmem:$0xC0];
	_ =	sdelay $0x4  }
0x20c: {  	vm8 =	vlt.u32 v34, $0xF8;
	v34 =	vshll.u32 v34, $0x7  }
0x20d: {  	v34 =	vor.u32 v6, v34;
	_ =	sdelay $0x4  }
0x20e: {  	[tilespmem:v34+s25+$0x0] =	vst.idx.msk vm8, v1  }
0x20f: {  	v34 =	vld [tilespmem:$0xD0];
	_ =	sdelay $0x4  }
0x210: {  	vm9 =	vlt.u32 v34, $0xF8;
	v34 =	vshll.u32 v34, $0x7  }
0x211: {  	v34 =	vor.u32 v7, v34;
	_ =	sdelay $0x4  }
0x212: {  	[tilespmem:v34+s25+$0x0] =	vst.idx.msk vm9, v1  }
0x213: {  	v34 =	vld [tilespmem:$0xE0];
	_ =	sdelay $0x4  }
0x214: {  	vm10 =	vlt.u32 v34, $0xF8;
	v34 =	vshll.u32 v34, $0x7  }
0x215: {  	v34 =	vor.u32 v8, v34;
	_ =	sdelay $0x4  }
0x216: {  	[tilespmem:v34+s25+$0x0] =	vst.idx.msk vm10, v1  }
0x217: {  	v34 =	vld [tilespmem:$0xF0];
	_ =	sdelay $0x4  }
0x218: {  	vm11 =	vlt.u32 v34, $0xF8;
	v34 =	vshll.u32 v34, $0x7  }
0x219: {  	v34 =	vor.u32 v9, v34;
	_ =	sdelay $0x4  }
0x21a: {  	[tilespmem:v34+s25+$0x0] =	vst.idx.msk vm11, v1  }
0x21b: {  	v34 =	vld [tilespmem:$0x80];
	_ =	sdelay $0x4  }
0x21c: {  	v36 =	vadd.s32 $0xFFFFFD18, v34  }
0x21d: {  	v34 =	vshll.u32 v34, $0x7;
	vm12 =	vlt.u32 v36, $0x100  }
0x21e: {  	v34 =	vadd.s32 v26, v34;
	_ =	sdelay $0x4  }
0x21f: {  	[tilespmem:v34+s25+$0x0] =	vst.idx.msk vm12, v2  }
0x220: {  	v34 =	vld [tilespmem:$0x90];
	_ =	sdelay $0x4  }
0x221: {  	v37 =	vadd.s32 $0xFFFFFD18, v34  }
0x222: {  	v34 =	vshll.u32 v34, $0x7;
	vm13 =	vlt.u32 v37, $0x100  }
0x223: {  	v34 =	vadd.s32 v27, v34;
	_ =	sdelay $0x4  }
0x224: {  	[tilespmem:v34+s25+$0x0] =	vst.idx.msk vm13, v2  }
0x225: {  	v34 =	vld [tilespmem:$0xA0];
	_ =	sdelay $0x4  }
0x226: {  	v38 =	vadd.s32 $0xFFFFFD18, v34  }
0x227: {  	v34 =	vshll.u32 v34, $0x7;
	vm14 =	vlt.u32 v38, $0x100  }
0x228: {  	v34 =	vadd.s32 v28, v34;
	_ =	sdelay $0x4  }
0x229: {  	[tilespmem:v34+s25+$0x0] =	vst.idx.msk vm14, v2  }
0x22a: {  	v34 =	vld [tilespmem:$0xB0];
	_ =	sdelay $0x4  }
0x22b: {  	v39 =	vadd.s32 $0xFFFFFD18, v34  }
0x22c: {  	v34 =	vshll.u32 v34, $0x7;
	vm15 =	vlt.u32 v39, $0x100  }
0x22d: {  	v34 =	vadd.s32 v29, v34;
	_ =	sdelay $0x4  }
0x22e: {  	[tilespmem:v34+s25+$0x0] =	vst.idx.msk vm15, v2  }
0x22f: {  	v34 =	vld [tilespmem:$0xC0];
	_ =	sdelay $0x4  }
0x230: {  	v40 =	vadd.s32 $0xFFFFFD18, v34  }
0x231: {  	v34 =	vshll.u32 v34, $0x7;
	vm4 =	vlt.u32 v40, $0x100  }
0x232: {  	v34 =	vadd.s32 v30, v34;
	_ =	sdelay $0x4  }
0x233: {  	[tilespmem:v34+s25+$0x0] =	vst.idx.msk vm4, v2  }
0x234: {  	v34 =	vld [tilespmem:$0xD0];
	_ =	sdelay $0x4  }
0x235: {  	v41 =	vadd.s32 $0xFFFFFD18, v34  }
0x236: {  	v34 =	vshll.u32 v34, $0x7;
	vm5 =	vlt.u32 v41, $0x100  }
0x237: {  	v34 =	vadd.s32 v31, v34;
	_ =	sdelay $0x4  }
0x238: {  	[tilespmem:v34+s25+$0x0] =	vst.idx.msk vm5, v2  }
0x239: {  	v34 =	vld [tilespmem:$0xE0];
	_ =	sdelay $0x4  }
0x23a: {  	v42 =	vadd.s32 $0xFFFFFD18, v34  }
0x23b: {  	v34 =	vshll.u32 v34, $0x7;
	vm6 =	vlt.u32 v42, $0x100  }
0x23c: {  	v34 =	vadd.s32 v32, v34;
	_ =	sdelay $0x4  }
0x23d: {  	[tilespmem:v34+s25+$0x0] =	vst.idx.msk vm6, v2  }
0x23e: {  	v34 =	vld [tilespmem:$0xF0];
	_ =	sdelay $0x4  }
0x23f: {  	v43 =	vadd.s32 $0xFFFFFD18, v34  }
0x240: {  	v34 =	vshll.u32 v34, $0x7;
	vm7 =	vlt.u32 v43, $0x100  }
0x241: {  	v34 =	vadd.s32 v33, v34;
	_ =	sdelay $0x4  }
0x242: {  	[tilespmem:v34+s25+$0x0] =	vst.idx.msk vm7, v2  }
0x243: {  	[hbm4b:s11+s23] =	stream.strided.scatter [tilespmem:s25], [sflag:$0x2], $0x8000, s24, s23, $0x38;
	[tilespmem:$0x18200] =	vst v63  }
0x244: {  	_ =	swait.ge [sflag:s30], $0x7C00  }
0x245: {  	[sflag:s30] =	ssyncset.done $0x0  }
0x246: {  	[sflag:s30] =	ssyncadd.s32 $0xFFFF8400  }
0x247: {  	v44 =	vld [tilespmem:$0x80];
	_ =	sdelay $0x4  }
0x248: {  	v45 =	vadd.s32 $0xFFFFFF08, v44  }
0x249: {  	v34 =	vshll.u32 v44, $0x7;
	vm8 =	vlt.u32 v45, $0xF8  }
0x24a: {  	v34 =	vadd.s32 v10, v34;
	_ =	sdelay $0x4  }
0x24b: {  	[tilespmem:v34+s26+$0x0] =	vst.idx.msk vm8, v1  }
0x24c: {  	v34 =	vld [tilespmem:$0x90];
	_ =	sdelay $0x4  }
0x24d: {  	v46 =	vadd.s32 $0xFFFFFF08, v34  }
0x24e: {  	v34 =	vshll.u32 v34, $0x7;
	vm9 =	vlt.u32 v46, $0xF8  }
0x24f: {  	v34 =	vadd.s32 v11, v34;
	_ =	sdelay $0x4  }
0x250: {  	[tilespmem:v34+s26+$0x0] =	vst.idx.msk vm9, v1  }
0x251: {  	v34 =	vld [tilespmem:$0xA0];
	_ =	sdelay $0x4  }
0x252: {  	v47 =	vadd.s32 $0xFFFFFF08, v34  }
0x253: {  	v34 =	vshll.u32 v34, $0x7;
	vm10 =	vlt.u32 v47, $0xF8  }
0x254: {  	v34 =	vadd.s32 v12, v34;
	_ =	sdelay $0x4  }
0x255: {  	[tilespmem:v34+s26+$0x0] =	vst.idx.msk vm10, v1  }
0x256: {  	v34 =	vld [tilespmem:$0xB0];
	_ =	sdelay $0x4  }
0x257: {  	v48 =	vadd.s32 $0xFFFFFF08, v34  }
0x258: {  	v34 =	vshll.u32 v34, $0x7;
	vm11 =	vlt.u32 v48, $0xF8  }
0x259: {  	v34 =	vadd.s32 v13, v34;
	_ =	sdelay $0x4  }
0x25a: {  	[tilespmem:v34+s26+$0x0] =	vst.idx.msk vm11, v1  }
0x25b: {  	v34 =	vld [tilespmem:$0xC0];
	_ =	sdelay $0x4  }
0x25c: {  	v49 =	vadd.s32 $0xFFFFFF08, v34  }
0x25d: {  	v34 =	vshll.u32 v34, $0x7;
	vm12 =	vlt.u32 v49, $0xF8  }
0x25e: {  	v34 =	vadd.s32 v14, v34;
	_ =	sdelay $0x4  }
0x25f: {  	[tilespmem:v34+s26+$0x0] =	vst.idx.msk vm12, v1  }
0x260: {  	v34 =	vld [tilespmem:$0xD0];
	_ =	sdelay $0x4  }
0x261: {  	v50 =	vadd.s32 $0xFFFFFF08, v34  }
0x262: {  	v34 =	vshll.u32 v34, $0x7;
	vm13 =	vlt.u32 v50, $0xF8  }
0x263: {  	v34 =	vadd.s32 v15, v34;
	_ =	sdelay $0x4  }
0x264: {  	[tilespmem:v34+s26+$0x0] =	vst.idx.msk vm13, v1  }
0x265: {  	v34 =	vld [tilespmem:$0xE0];
	_ =	sdelay $0x4  }
0x266: {  	v51 =	vadd.s32 $0xFFFFFF08, v34  }
0x267: {  	v34 =	vshll.u32 v34, $0x7;
	vm14 =	vlt.u32 v51, $0xF8  }
0x268: {  	v34 =	vadd.s32 v16, v34;
	_ =	sdelay $0x4  }
0x269: {  	[tilespmem:v34+s26+$0x0] =	vst.idx.msk vm14, v1  }
0x26a: {  	v34 =	vld [tilespmem:$0xF0];
	_ =	sdelay $0x4  }
0x26b: {  	v52 =	vadd.s32 $0xFFFFFF08, v34  }
0x26c: {  	v34 =	vshll.u32 v34, $0x7;
	vm15 =	vlt.u32 v52, $0xF8  }
0x26d: {  	v34 =	vadd.s32 v17, v34;
	_ =	sdelay $0x4  }
0x26e: {  	[tilespmem:v34+s26+$0x0] =	vst.idx.msk vm15, v1  }
0x26f: {  	v34 =	vld [tilespmem:$0x100];
	_ =	sdelay $0x4  }
0x270: {  	vm4 =	vlt.u32 v34, $0xF8;
	v34 =	vshll.u32 v34, $0x7  }
0x271: {  	v34 =	vor.u32 v0, v34;
	_ =	sdelay $0x4  }
0x272: {  	[tilespmem:v34+s26+$0x0] =	vst.idx.msk vm4, v2  }
0x273: {  	v34 =	vld [tilespmem:$0x110];
	_ =	sdelay $0x4  }
0x274: {  	vm5 =	vlt.u32 v34, $0xF8;
	v34 =	vshll.u32 v34, $0x7  }
0x275: {  	v34 =	vor.u32 v3, v34;
	_ =	sdelay $0x4  }
0x276: {  	[tilespmem:v34+s26+$0x0] =	vst.idx.msk vm5, v2  }
0x277: {  	v34 =	vld [tilespmem:$0x120];
	_ =	sdelay $0x4  }
0x278: {  	vm6 =	vlt.u32 v34, $0xF8;
	v34 =	vshll.u32 v34, $0x7  }
0x279: {  	v34 =	vor.u32 v4, v34;
	_ =	sdelay $0x4  }
0x27a: {  	[tilespmem:v34+s26+$0x0] =	vst.idx.msk vm6, v2  }
0x27b: {  	v34 =	vld [tilespmem:$0x130];
	_ =	sdelay $0x4  }
0x27c: {  	vm7 =	vlt.u32 v34, $0xF8;
	v34 =	vshll.u32 v34, $0x7  }
0x27d: {  	v34 =	vor.u32 v5, v34;
	_ =	sdelay $0x4  }
0x27e: {  	[tilespmem:v34+s26+$0x0] =	vst.idx.msk vm7, v2  }
0x27f: {  	v34 =	vld [tilespmem:$0x140];
	_ =	sdelay $0x4  }
0x280: {  	vm8 =	vlt.u32 v34, $0xF8;
	v34 =	vshll.u32 v34, $0x7  }
0x281: {  	v34 =	vor.u32 v6, v34;
	_ =	sdelay $0x4  }
0x282: {  	[tilespmem:v34+s26+$0x0] =	vst.idx.msk vm8, v2  }
0x283: {  	v34 =	vld [tilespmem:$0x150];
	_ =	sdelay $0x4  }
0x284: {  	vm9 =	vlt.u32 v34, $0xF8;
	v34 =	vshll.u32 v34, $0x7  }
0x285: {  	v34 =	vor.u32 v7, v34;
	_ =	sdelay $0x4  }
0x286: {  	[tilespmem:v34+s26+$0x0] =	vst.idx.msk vm9, v2  }
0x287: {  	v34 =	vld [tilespmem:$0x160];
	_ =	sdelay $0x4  }
0x288: {  	vm10 =	vlt.u32 v34, $0xF8;
	v34 =	vshll.u32 v34, $0x7  }
0x289: {  	v34 =	vor.u32 v8, v34;
	_ =	sdelay $0x4  }
0x28a: {  	[tilespmem:v34+s26+$0x0] =	vst.idx.msk vm10, v2  }
0x28b: {  	v34 =	vld [tilespmem:$0x170];
	_ =	sdelay $0x4  }
0x28c: {  	vm11 =	vlt.u32 v34, $0xF8;
	v34 =	vshll.u32 v34, $0x7  }
0x28d: {  	v34 =	vor.u32 v9, v34;
	_ =	sdelay $0x4  }
0x28e: {  	[tilespmem:v34+s26+$0x0] =	vst.idx.msk vm11, v2  }
0x28f: {  	[hbm4b:s13+s23] =	stream.strided.scatter [tilespmem:s26], [sflag:$0x3], $0x7C00, s24, s23, $0x38;
	[tilespmem:$0x18200] =	vst v63  }
0x290: {  	_ =	swait.ge [sflag:s28], $0x7C00  }
0x291: {  	[sflag:s28] =	ssyncset.done $0x0  }
0x292: {  	[sflag:s28] =	ssyncadd.s32 $0xFFFF8400  }
0x293: {  	v53 =	vld [tilespmem:$0x80];
	_ =	sdelay $0x4  }
0x294: {  	v54 =	vadd.s32 $0xFFFFFE10, v53  }
0x295: {  	v34 =	vshll.u32 v53, $0x7;
	vm12 =	vlt.u32 v54, $0xF8  }
0x296: {  	v34 =	vadd.s32 v18, v34;
	_ =	sdelay $0x4  }
0x297: {  	[tilespmem:v34+s22+$0x0] =	vst.idx.msk vm12, v1  }
0x298: {  	v34 =	vld [tilespmem:$0x90];
	_ =	sdelay $0x4  }
0x299: {  	v55 =	vadd.s32 $0xFFFFFE10, v34  }
0x29a: {  	v34 =	vshll.u32 v34, $0x7;
	vm13 =	vlt.u32 v55, $0xF8  }
0x29b: {  	v34 =	vadd.s32 v19, v34;
	_ =	sdelay $0x4  }
0x29c: {  	[tilespmem:v34+s22+$0x0] =	vst.idx.msk vm13, v1  }
0x29d: {  	v34 =	vld [tilespmem:$0xA0];
	_ =	sdelay $0x4  }
0x29e: {  	v56 =	vadd.s32 $0xFFFFFE10, v34  }
0x29f: {  	v34 =	vshll.u32 v34, $0x7;
	vm14 =	vlt.u32 v56, $0xF8  }
0x2a0: {  	v34 =	vadd.s32 v20, v34;
	_ =	sdelay $0x4  }
0x2a1: {  	[tilespmem:v34+s22+$0x0] =	vst.idx.msk vm14, v1  }
0x2a2: {  	v34 =	vld [tilespmem:$0xB0];
	_ =	sdelay $0x4  }
0x2a3: {  	v57 =	vadd.s32 $0xFFFFFE10, v34  }
0x2a4: {  	v34 =	vshll.u32 v34, $0x7;
	vm15 =	vlt.u32 v57, $0xF8  }
0x2a5: {  	v34 =	vadd.s32 v21, v34;
	_ =	sdelay $0x4  }
0x2a6: {  	[tilespmem:v34+s22+$0x0] =	vst.idx.msk vm15, v1  }
0x2a7: {  	v34 =	vld [tilespmem:$0xC0];
	_ =	sdelay $0x4  }
0x2a8: {  	v58 =	vadd.s32 $0xFFFFFE10, v34  }
0x2a9: {  	v34 =	vshll.u32 v34, $0x7;
	vm4 =	vlt.u32 v58, $0xF8  }
0x2aa: {  	v34 =	vadd.s32 v22, v34;
	_ =	sdelay $0x4  }
0x2ab: {  	[tilespmem:v34+s22+$0x0] =	vst.idx.msk vm4, v1  }
0x2ac: {  	v34 =	vld [tilespmem:$0xD0];
	_ =	sdelay $0x4  }
0x2ad: {  	v59 =	vadd.s32 $0xFFFFFE10, v34  }
0x2ae: {  	v34 =	vshll.u32 v34, $0x7;
	vm5 =	vlt.u32 v59, $0xF8  }
0x2af: {  	v34 =	vadd.s32 v23, v34;
	_ =	sdelay $0x4  }
0x2b0: {  	[tilespmem:v34+s22+$0x0] =	vst.idx.msk vm5, v1  }
0x2b1: {  	v34 =	vld [tilespmem:$0xE0];
	_ =	sdelay $0x4  }
0x2b2: {  	v60 =	vadd.s32 $0xFFFFFE10, v34  }
0x2b3: {  	v34 =	vshll.u32 v34, $0x7;
	vm6 =	vlt.u32 v60, $0xF8  }
0x2b4: {  	v34 =	vadd.s32 v24, v34;
	_ =	sdelay $0x4  }
0x2b5: {  	[tilespmem:v34+s22+$0x0] =	vst.idx.msk vm6, v1  }
0x2b6: {  	v34 =	vld [tilespmem:$0xF0];
	_ =	sdelay $0x4  }
0x2b7: {  	v61 =	vadd.s32 $0xFFFFFE10, v34  }
0x2b8: {  	v34 =	vshll.u32 v34, $0x7;
	vm7 =	vlt.u32 v61, $0xF8  }
0x2b9: {  	v34 =	vadd.s32 v25, v34;
	_ =	sdelay $0x4  }
0x2ba: {  	[tilespmem:v34+s22+$0x0] =	vst.idx.msk vm7, v1  }
0x2bb: {  	v34 =	vld [tilespmem:$0x100];
	_ =	sdelay $0x4  }
0x2bc: {  	v62 =	vadd.s32 $0xFFFFFF08, v34  }
0x2bd: {  	v34 =	vshll.u32 v34, $0x7;
	vm8 =	vlt.u32 v62, $0xF8  }
0x2be: {  	v34 =	vadd.s32 v10, v34;
	_ =	sdelay $0x4  }
0x2bf: {  	[tilespmem:v34+s22+$0x0] =	vst.idx.msk vm8, v2  }
0x2c0: {  	v34 =	vld [tilespmem:$0x110];
	_ =	sdelay $0x4  }
0x2c1: {  	v63 =	vadd.s32 $0xFFFFFF08, v34  }
0x2c2: {  	v34 =	vshll.u32 v34, $0x7;
	vm9 =	vlt.u32 v63, $0xF8  }
0x2c3: {  	v34 =	vadd.s32 v11, v34;
	_ =	sdelay $0x4  }
0x2c4: {  	[tilespmem:v34+s22+$0x0] =	vst.idx.msk vm9, v2  }
0x2c5: {  	v34 =	vld [tilespmem:$0x120];
	_ =	sdelay $0x4  }
0x2c6: {  	v36 =	vadd.s32 $0xFFFFFF08, v34  }
0x2c7: {  	v34 =	vshll.u32 v34, $0x7;
	vm10 =	vlt.u32 v36, $0xF8  }
0x2c8: {  	v34 =	vadd.s32 v12, v34;
	_ =	sdelay $0x4  }
0x2c9: {  	[tilespmem:v34+s22+$0x0] =	vst.idx.msk vm10, v2  }
0x2ca: {  	v34 =	vld [tilespmem:$0x130];
	_ =	sdelay $0x4  }
0x2cb: {  	v37 =	vadd.s32 $0xFFFFFF08, v34  }
0x2cc: {  	v34 =	vshll.u32 v34, $0x7;
	vm11 =	vlt.u32 v37, $0xF8  }
0x2cd: {  	v34 =	vadd.s32 v13, v34;
	_ =	sdelay $0x4  }
0x2ce: {  	[tilespmem:v34+s22+$0x0] =	vst.idx.msk vm11, v2  }
0x2cf: {  	v34 =	vld [tilespmem:$0x140];
	_ =	sdelay $0x4  }
0x2d0: {  	v38 =	vadd.s32 $0xFFFFFF08, v34  }
0x2d1: {  	v34 =	vshll.u32 v34, $0x7;
	vm12 =	vlt.u32 v38, $0xF8  }
0x2d2: {  	v34 =	vadd.s32 v14, v34;
	_ =	sdelay $0x4  }
0x2d3: {  	[tilespmem:v34+s22+$0x0] =	vst.idx.msk vm12, v2  }
0x2d4: {  	v34 =	vld [tilespmem:$0x150];
	_ =	sdelay $0x4  }
0x2d5: {  	v39 =	vadd.s32 $0xFFFFFF08, v34  }
0x2d6: {  	v34 =	vshll.u32 v34, $0x7;
	vm13 =	vlt.u32 v39, $0xF8  }
0x2d7: {  	v34 =	vadd.s32 v15, v34;
	_ =	sdelay $0x4  }
0x2d8: {  	[tilespmem:v34+s22+$0x0] =	vst.idx.msk vm13, v2  }
0x2d9: {  	v34 =	vld [tilespmem:$0x160];
	_ =	sdelay $0x4  }
0x2da: {  	v40 =	vadd.s32 $0xFFFFFF08, v34  }
0x2db: {  	v34 =	vshll.u32 v34, $0x7;
	vm14 =	vlt.u32 v40, $0xF8  }
0x2dc: {  	v34 =	vadd.s32 v16, v34;
	_ =	sdelay $0x4  }
0x2dd: {  	[tilespmem:v34+s22+$0x0] =	vst.idx.msk vm14, v2  }
0x2de: {  	v34 =	vld [tilespmem:$0x170];
	_ =	sdelay $0x4  }
0x2df: {  	v41 =	vadd.s32 $0xFFFFFF08, v34  }
0x2e0: {  	v34 =	vshll.u32 v34, $0x7;
	vm15 =	vlt.u32 v41, $0xF8  }
0x2e1: {  	v34 =	vadd.s32 v17, v34;
	_ =	sdelay $0x4  }
0x2e2: {  	[tilespmem:v34+s22+$0x0] =	vst.idx.msk vm15, v2  }
0x2e3: {  	[hbm4b:s12+s23] =	stream.strided.scatter [tilespmem:s22], [sflag:$0x1], $0x7C00, s24, s23, $0x38;
	[tilespmem:$0x18200] =	vst v63  }
0x2e4: {  	_ =	swait.ge [sflag:s29], $0x8000  }
0x2e5: {  	[sflag:s29] =	ssyncset.done $0x0  }
0x2e6: {  	[sflag:s29] =	ssyncadd.s32 $0xFFFF8000  }
0x2e7: {  	v42 =	vld [tilespmem:$0x80];
	_ =	sdelay $0x4  }
0x2e8: {  	v43 =	vadd.s32 $0xFFFFFD18, v42  }
0x2e9: {  	v34 =	vshll.u32 v42, $0x7;
	vm4 =	vlt.u32 v43, $0x100  }
0x2ea: {  	v34 =	vadd.s32 v26, v34;
	_ =	sdelay $0x4  }
0x2eb: {  	[tilespmem:v34+s25+$0x0] =	vst.idx.msk vm4, v1  }
0x2ec: {  	v34 =	vld [tilespmem:$0x90];
	_ =	sdelay $0x4  }
0x2ed: {  	v44 =	vadd.s32 $0xFFFFFD18, v34  }
0x2ee: {  	v34 =	vshll.u32 v34, $0x7;
	vm5 =	vlt.u32 v44, $0x100  }
0x2ef: {  	v34 =	vadd.s32 v27, v34;
	_ =	sdelay $0x4  }
0x2f0: {  	[tilespmem:v34+s25+$0x0] =	vst.idx.msk vm5, v1  }
0x2f1: {  	v34 =	vld [tilespmem:$0xA0];
	_ =	sdelay $0x4  }
0x2f2: {  	v45 =	vadd.s32 $0xFFFFFD18, v34  }
0x2f3: {  	v34 =	vshll.u32 v34, $0x7;
	vm6 =	vlt.u32 v45, $0x100  }
0x2f4: {  	v34 =	vadd.s32 v28, v34;
	_ =	sdelay $0x4  }
0x2f5: {  	[tilespmem:v34+s25+$0x0] =	vst.idx.msk vm6, v1  }
0x2f6: {  	v34 =	vld [tilespmem:$0xB0];
	_ =	sdelay $0x4  }
0x2f7: {  	v46 =	vadd.s32 $0xFFFFFD18, v34  }
0x2f8: {  	v34 =	vshll.u32 v34, $0x7;
	vm7 =	vlt.u32 v46, $0x100  }
0x2f9: {  	v34 =	vadd.s32 v29, v34;
	_ =	sdelay $0x4  }
0x2fa: {  	[tilespmem:v34+s25+$0x0] =	vst.idx.msk vm7, v1  }
0x2fb: {  	v34 =	vld [tilespmem:$0xC0];
	_ =	sdelay $0x4  }
0x2fc: {  	v47 =	vadd.s32 $0xFFFFFD18, v34  }
0x2fd: {  	v34 =	vshll.u32 v34, $0x7;
	vm8 =	vlt.u32 v47, $0x100  }
0x2fe: {  	v34 =	vadd.s32 v30, v34;
	_ =	sdelay $0x4  }
0x2ff: {  	[tilespmem:v34+s25+$0x0] =	vst.idx.msk vm8, v1  }
0x300: {  	v34 =	vld [tilespmem:$0xD0];
	_ =	sdelay $0x4  }
0x301: {  	v48 =	vadd.s32 $0xFFFFFD18, v34  }
0x302: {  	v34 =	vshll.u32 v34, $0x7;
	vm9 =	vlt.u32 v48, $0x100  }
0x303: {  	v34 =	vadd.s32 v31, v34;
	_ =	sdelay $0x4  }
0x304: {  	[tilespmem:v34+s25+$0x0] =	vst.idx.msk vm9, v1  }
0x305: {  	v34 =	vld [tilespmem:$0xE0];
	_ =	sdelay $0x4  }
0x306: {  	v49 =	vadd.s32 $0xFFFFFD18, v34  }
0x307: {  	v34 =	vshll.u32 v34, $0x7;
	vm10 =	vlt.u32 v49, $0x100  }
0x308: {  	v34 =	vadd.s32 v32, v34;
	_ =	sdelay $0x4  }
0x309: {  	[tilespmem:v34+s25+$0x0] =	vst.idx.msk vm10, v1  }
0x30a: {  	v34 =	vld [tilespmem:$0xF0];
	_ =	sdelay $0x4  }
0x30b: {  	v50 =	vadd.s32 $0xFFFFFD18, v34  }
0x30c: {  	v34 =	vshll.u32 v34, $0x7;
	vm11 =	vlt.u32 v50, $0x100  }
0x30d: {  	v34 =	vadd.s32 v33, v34;
	_ =	sdelay $0x4  }
0x30e: {  	[tilespmem:v34+s25+$0x0] =	vst.idx.msk vm11, v1  }
0x30f: {  	v34 =	vld [tilespmem:$0x100];
	_ =	sdelay $0x4  }
0x310: {  	v51 =	vadd.s32 $0xFFFFFE10, v34  }
0x311: {  	v34 =	vshll.u32 v34, $0x7;
	vm12 =	vlt.u32 v51, $0xF8  }
0x312: {  	v34 =	vadd.s32 v18, v34;
	_ =	sdelay $0x4  }
0x313: {  	[tilespmem:v34+s25+$0x0] =	vst.idx.msk vm12, v2  }
0x314: {  	v34 =	vld [tilespmem:$0x110];
	_ =	sdelay $0x4  }
0x315: {  	v52 =	vadd.s32 $0xFFFFFE10, v34  }
0x316: {  	v34 =	vshll.u32 v34, $0x7;
	vm13 =	vlt.u32 v52, $0xF8  }
0x317: {  	v34 =	vadd.s32 v19, v34;
	_ =	sdelay $0x4  }
0x318: {  	[tilespmem:v34+s25+$0x0] =	vst.idx.msk vm13, v2  }
0x319: {  	v34 =	vld [tilespmem:$0x120];
	_ =	sdelay $0x4  }
0x31a: {  	v53 =	vadd.s32 $0xFFFFFE10, v34  }
0x31b: {  	v34 =	vshll.u32 v34, $0x7;
	vm14 =	vlt.u32 v53, $0xF8  }
0x31c: {  	v34 =	vadd.s32 v20, v34;
	_ =	sdelay $0x4  }
0x31d: {  	[tilespmem:v34+s25+$0x0] =	vst.idx.msk vm14, v2  }
0x31e: {  	v34 =	vld [tilespmem:$0x130];
	_ =	sdelay $0x4  }
0x31f: {  	v54 =	vadd.s32 $0xFFFFFE10, v34  }
0x320: {  	v34 =	vshll.u32 v34, $0x7;
	vm15 =	vlt.u32 v54, $0xF8  }
0x321: {  	v34 =	vadd.s32 v21, v34;
	_ =	sdelay $0x4  }
0x322: {  	[tilespmem:v34+s25+$0x0] =	vst.idx.msk vm15, v2  }
0x323: {  	v34 =	vld [tilespmem:$0x140];
	_ =	sdelay $0x4  }
0x324: {  	v55 =	vadd.s32 $0xFFFFFE10, v34  }
0x325: {  	v34 =	vshll.u32 v34, $0x7;
	vm4 =	vlt.u32 v55, $0xF8  }
0x326: {  	v34 =	vadd.s32 v22, v34;
	_ =	sdelay $0x4  }
0x327: {  	[tilespmem:v34+s25+$0x0] =	vst.idx.msk vm4, v2  }
0x328: {  	v34 =	vld [tilespmem:$0x150];
	_ =	sdelay $0x4  }
0x329: {  	v56 =	vadd.s32 $0xFFFFFE10, v34  }
0x32a: {  	v34 =	vshll.u32 v34, $0x7;
	vm5 =	vlt.u32 v56, $0xF8  }
0x32b: {  	v34 =	vadd.s32 v23, v34;
	_ =	sdelay $0x4  }
0x32c: {  	[tilespmem:v34+s25+$0x0] =	vst.idx.msk vm5, v2  }
0x32d: {  	v34 =	vld [tilespmem:$0x160];
	_ =	sdelay $0x4  }
0x32e: {  	v57 =	vadd.s32 $0xFFFFFE10, v34  }
0x32f: {  	v34 =	vshll.u32 v34, $0x7;
	vm6 =	vlt.u32 v57, $0xF8  }
0x330: {  	v34 =	vadd.s32 v24, v34;
	_ =	sdelay $0x4  }
0x331: {  	[tilespmem:v34+s25+$0x0] =	vst.idx.msk vm6, v2  }
0x332: {  	v34 =	vld [tilespmem:$0x170];
	_ =	sdelay $0x4  }
0x333: {  	v58 =	vadd.s32 $0xFFFFFE10, v34  }
0x334: {  	v34 =	vshll.u32 v34, $0x7;
	vm7 =	vlt.u32 v58, $0xF8  }
0x335: {  	v34 =	vadd.s32 v25, v34;
	_ =	sdelay $0x4  }
0x336: {  	[tilespmem:v34+s25+$0x0] =	vst.idx.msk vm7, v2  }
0x337: {  	[hbm4b:s14+s23] =	stream.strided.scatter [tilespmem:s25], [sflag:$0x2], $0x7C00, s24, s23, $0x38;
	[tilespmem:$0x18200] =	vst v63  }
0x338: {  	_ =	swait.ge [sflag:s30], $0x7C00  }
0x339: {  	[sflag:s30] =	ssyncset.done $0x0  }
0x33a: {  	[sflag:s30] =	ssyncadd.s32 $0xFFFF8400  }
0x33b: {  	v59 =	vld [tilespmem:$0x100];
	_ =	sdelay $0x4  }
0x33c: {  	vm8 =	vlt.u32 v59, $0xF8;
	v34 =	vshll.u32 v59, $0x7  }
0x33d: {  	v34 =	vor.u32 v0, v34;
	_ =	sdelay $0x4  }
0x33e: {  	[tilespmem:v34+s26+$0x0] =	vst.idx.msk vm8, v1  }
0x33f: {  	v34 =	vld [tilespmem:$0x110];
	_ =	sdelay $0x4  }
0x340: {  	vm9 =	vlt.u32 v34, $0xF8;
	v34 =	vshll.u32 v34, $0x7  }
0x341: {  	v34 =	vor.u32 v3, v34;
	_ =	sdelay $0x4  }
0x342: {  	[tilespmem:v34+s26+$0x0] =	vst.idx.msk vm9, v1  }
0x343: {  	v34 =	vld [tilespmem:$0x120];
	_ =	sdelay $0x4  }
0x344: {  	vm10 =	vlt.u32 v34, $0xF8;
	v34 =	vshll.u32 v34, $0x7  }
0x345: {  	v34 =	vor.u32 v4, v34;
	_ =	sdelay $0x4  }
0x346: {  	[tilespmem:v34+s26+$0x0] =	vst.idx.msk vm10, v1  }
0x347: {  	v34 =	vld [tilespmem:$0x130];
	_ =	sdelay $0x4  }
0x348: {  	vm11 =	vlt.u32 v34, $0xF8;
	v34 =	vshll.u32 v34, $0x7  }
0x349: {  	v34 =	vor.u32 v5, v34;
	_ =	sdelay $0x4  }
0x34a: {  	[tilespmem:v34+s26+$0x0] =	vst.idx.msk vm11, v1  }
0x34b: {  	v34 =	vld [tilespmem:$0x140];
	_ =	sdelay $0x4  }
0x34c: {  	vm12 =	vlt.u32 v34, $0xF8;
	v34 =	vshll.u32 v34, $0x7  }
0x34d: {  	v34 =	vor.u32 v6, v34;
	_ =	sdelay $0x4  }
0x34e: {  	[tilespmem:v34+s26+$0x0] =	vst.idx.msk vm12, v1  }
0x34f: {  	v34 =	vld [tilespmem:$0x150];
	_ =	sdelay $0x4  }
0x350: {  	vm13 =	vlt.u32 v34, $0xF8;
	v34 =	vshll.u32 v34, $0x7  }
0x351: {  	v34 =	vor.u32 v7, v34;
	_ =	sdelay $0x4  }
0x352: {  	[tilespmem:v34+s26+$0x0] =	vst.idx.msk vm13, v1  }
0x353: {  	v34 =	vld [tilespmem:$0x160];
	_ =	sdelay $0x4  }
0x354: {  	vm14 =	vlt.u32 v34, $0xF8;
	v34 =	vshll.u32 v34, $0x7  }
0x355: {  	v34 =	vor.u32 v8, v34;
	_ =	sdelay $0x4  }
0x356: {  	[tilespmem:v34+s26+$0x0] =	vst.idx.msk vm14, v1  }
0x357: {  	v34 =	vld [tilespmem:$0x170];
	_ =	sdelay $0x4  }
0x358: {  	vm15 =	vlt.u32 v34, $0xF8;
	v34 =	vshll.u32 v34, $0x7  }
0x359: {  	v34 =	vor.u32 v9, v34;
	_ =	sdelay $0x4  }
0x35a: {  	[tilespmem:v34+s26+$0x0] =	vst.idx.msk vm15, v1  }
0x35b: {  	v34 =	vld [tilespmem:$0x100];
	_ =	sdelay $0x4  }
0x35c: {  	v60 =	vadd.s32 $0xFFFFFD18, v34  }
0x35d: {  	v34 =	vshll.u32 v34, $0x7;
	vm4 =	vlt.u32 v60, $0x100  }
0x35e: {  	v34 =	vadd.s32 v26, v34;
	_ =	sdelay $0x4  }
0x35f: {  	[tilespmem:v34+s26+$0x0] =	vst.idx.msk vm4, v2  }
0x360: {  	v34 =	vld [tilespmem:$0x110];
	_ =	sdelay $0x4  }
0x361: {  	v61 =	vadd.s32 $0xFFFFFD18, v34  }
0x362: {  	v34 =	vshll.u32 v34, $0x7;
	vm5 =	vlt.u32 v61, $0x100  }
0x363: {  	v34 =	vadd.s32 v27, v34;
	_ =	sdelay $0x4  }
0x364: {  	[tilespmem:v34+s26+$0x0] =	vst.idx.msk vm5, v2  }
0x365: {  	v34 =	vld [tilespmem:$0x120];
	_ =	sdelay $0x4  }
0x366: {  	v62 =	vadd.s32 $0xFFFFFD18, v34  }
0x367: {  	v34 =	vshll.u32 v34, $0x7;
	vm6 =	vlt.u32 v62, $0x100  }
0x368: {  	v34 =	vadd.s32 v28, v34;
	_ =	sdelay $0x4  }
0x369: {  	[tilespmem:v34+s26+$0x0] =	vst.idx.msk vm6, v2  }
0x36a: {  	v34 =	vld [tilespmem:$0x130];
	_ =	sdelay $0x4  }
0x36b: {  	v63 =	vadd.s32 $0xFFFFFD18, v34  }
0x36c: {  	v34 =	vshll.u32 v34, $0x7;
	vm7 =	vlt.u32 v63, $0x100  }
0x36d: {  	v34 =	vadd.s32 v29, v34;
	_ =	sdelay $0x4  }
0x36e: {  	[tilespmem:v34+s26+$0x0] =	vst.idx.msk vm7, v2  }
0x36f: {  	v34 =	vld [tilespmem:$0x140];
	_ =	sdelay $0x4  }
0x370: {  	v36 =	vadd.s32 $0xFFFFFD18, v34  }
0x371: {  	v34 =	vshll.u32 v34, $0x7;
	vm8 =	vlt.u32 v36, $0x100  }
0x372: {  	v34 =	vadd.s32 v30, v34;
	_ =	sdelay $0x4  }
0x373: {  	[tilespmem:v34+s26+$0x0] =	vst.idx.msk vm8, v2  }
0x374: {  	v34 =	vld [tilespmem:$0x150];
	_ =	sdelay $0x4  }
0x375: {  	v37 =	vadd.s32 $0xFFFFFD18, v34  }
0x376: {  	v34 =	vshll.u32 v34, $0x7;
	vm9 =	vlt.u32 v37, $0x100  }
0x377: {  	v34 =	vadd.s32 v31, v34;
	_ =	sdelay $0x4  }
0x378: {  	[tilespmem:v34+s26+$0x0] =	vst.idx.msk vm9, v2  }
0x379: {  	v34 =	vld [tilespmem:$0x160];
	_ =	sdelay $0x4  }
0x37a: {  	v38 =	vadd.s32 $0xFFFFFD18, v34  }
0x37b: {  	v34 =	vshll.u32 v34, $0x7;
	vm10 =	vlt.u32 v38, $0x100  }
0x37c: {  	v34 =	vadd.s32 v32, v34;
	_ =	sdelay $0x4  }
0x37d: {  	[tilespmem:v34+s26+$0x0] =	vst.idx.msk vm10, v2  }
0x37e: {  	v34 =	vld [tilespmem:$0x170];
	_ =	sdelay $0x4  }
0x37f: {  	v39 =	vadd.s32 $0xFFFFFD18, v34  }
0x380: {  	v34 =	vshll.u32 v34, $0x7;
	vm11 =	vlt.u32 v39, $0x100  }
0x381: {  	v34 =	vadd.s32 v33, v34;
	_ =	sdelay $0x4  }
0x382: {  	[tilespmem:v34+s26+$0x0] =	vst.idx.msk vm11, v2  }
0x383: {  	[hbm4b:s15+s23] =	stream.strided.scatter [tilespmem:s26], [sflag:$0x3], $0x8000, s24, s23, $0x38;
	[tilespmem:$0x18200] =	vst v63  }
0x384: {  	_ =	swait.ge [sflag:s28], $0x7C00  }
0x385: {  	[sflag:s28] =	ssyncset.done $0x0  }
0x386: {  	[sflag:s28] =	ssyncadd.s32 $0xFFFF8400  }
0x387: {  	v40 =	vld [tilespmem:$0x100];
	_ =	sdelay $0x4  }
0x388: {  	v41 =	vadd.s32 $0xFFFFFF08, v40  }
0x389: {  	v34 =	vshll.u32 v40, $0x7;
	vm12 =	vlt.u32 v41, $0xF8  }
0x38a: {  	v34 =	vadd.s32 v10, v34;
	_ =	sdelay $0x4  }
0x38b: {  	[tilespmem:v34+s22+$0x0] =	vst.idx.msk vm12, v1  }
0x38c: {  	v34 =	vld [tilespmem:$0x110];
	_ =	sdelay $0x4  }
0x38d: {  	v42 =	vadd.s32 $0xFFFFFF08, v34  }
0x38e: {  	v34 =	vshll.u32 v34, $0x7;
	vm13 =	vlt.u32 v42, $0xF8  }
0x38f: {  	v34 =	vadd.s32 v11, v34;
	_ =	sdelay $0x4  }
0x390: {  	[tilespmem:v34+s22+$0x0] =	vst.idx.msk vm13, v1  }
0x391: {  	v34 =	vld [tilespmem:$0x120];
	_ =	sdelay $0x4  }
0x392: {  	v43 =	vadd.s32 $0xFFFFFF08, v34  }
0x393: {  	v34 =	vshll.u32 v34, $0x7;
	vm14 =	vlt.u32 v43, $0xF8  }
0x394: {  	v34 =	vadd.s32 v12, v34;
	_ =	sdelay $0x4  }
0x395: {  	[tilespmem:v34+s22+$0x0] =	vst.idx.msk vm14, v1  }
0x396: {  	v34 =	vld [tilespmem:$0x130];
	_ =	sdelay $0x4  }
0x397: {  	v44 =	vadd.s32 $0xFFFFFF08, v34  }
0x398: {  	v34 =	vshll.u32 v34, $0x7;
	vm15 =	vlt.u32 v44, $0xF8  }
0x399: {  	v34 =	vadd.s32 v13, v34;
	_ =	sdelay $0x4  }
0x39a: {  	[tilespmem:v34+s22+$0x0] =	vst.idx.msk vm15, v1  }
0x39b: {  	v34 =	vld [tilespmem:$0x140];
	_ =	sdelay $0x4  }
0x39c: {  	v45 =	vadd.s32 $0xFFFFFF08, v34  }
0x39d: {  	v34 =	vshll.u32 v34, $0x7;
	vm4 =	vlt.u32 v45, $0xF8  }
0x39e: {  	v34 =	vadd.s32 v14, v34;
	_ =	sdelay $0x4  }
0x39f: {  	[tilespmem:v34+s22+$0x0] =	vst.idx.msk vm4, v1  }
0x3a0: {  	v34 =	vld [tilespmem:$0x150];
	_ =	sdelay $0x4  }
0x3a1: {  	v46 =	vadd.s32 $0xFFFFFF08, v34  }
0x3a2: {  	v34 =	vshll.u32 v34, $0x7;
	vm5 =	vlt.u32 v46, $0xF8  }
0x3a3: {  	v34 =	vadd.s32 v15, v34;
	_ =	sdelay $0x4  }
0x3a4: {  	[tilespmem:v34+s22+$0x0] =	vst.idx.msk vm5, v1  }
0x3a5: {  	v34 =	vld [tilespmem:$0x160];
	_ =	sdelay $0x4  }
0x3a6: {  	v47 =	vadd.s32 $0xFFFFFF08, v34  }
0x3a7: {  	v34 =	vshll.u32 v34, $0x7;
	vm6 =	vlt.u32 v47, $0xF8  }
0x3a8: {  	v34 =	vadd.s32 v16, v34;
	_ =	sdelay $0x4  }
0x3a9: {  	[tilespmem:v34+s22+$0x0] =	vst.idx.msk vm6, v1  }
0x3aa: {  	v34 =	vld [tilespmem:$0x170];
	_ =	sdelay $0x4  }
0x3ab: {  	v48 =	vadd.s32 $0xFFFFFF08, v34  }
0x3ac: {  	v34 =	vshll.u32 v34, $0x7;
	vm7 =	vlt.u32 v48, $0xF8  }
0x3ad: {  	v34 =	vadd.s32 v17, v34;
	_ =	sdelay $0x4  }
0x3ae: {  	[tilespmem:v34+s22+$0x0] =	vst.idx.msk vm7, v1  }
0x3af: {  	v34 =	vld [tilespmem:$0x180];
	_ =	sdelay $0x4  }
0x3b0: {  	vm8 =	vlt.u32 v34, $0xF8;
	v34 =	vshll.u32 v34, $0x7  }
0x3b1: {  	v34 =	vor.u32 v0, v34;
	_ =	sdelay $0x4  }
0x3b2: {  	[tilespmem:v34+s22+$0x0] =	vst.idx.msk vm8, v2  }
0x3b3: {  	v34 =	vld [tilespmem:$0x190];
	_ =	sdelay $0x4  }
0x3b4: {  	vm9 =	vlt.u32 v34, $0xF8;
	v34 =	vshll.u32 v34, $0x7  }
0x3b5: {  	v34 =	vor.u32 v3, v34;
	_ =	sdelay $0x4  }
0x3b6: {  	[tilespmem:v34+s22+$0x0] =	vst.idx.msk vm9, v2  }
0x3b7: {  	v34 =	vld [tilespmem:$0x1A0];
	_ =	sdelay $0x4  }
0x3b8: {  	vm10 =	vlt.u32 v34, $0xF8;
	v34 =	vshll.u32 v34, $0x7  }
0x3b9: {  	v34 =	vor.u32 v4, v34;
	_ =	sdelay $0x4  }
0x3ba: {  	[tilespmem:v34+s22+$0x0] =	vst.idx.msk vm10, v2  }
0x3bb: {  	v34 =	vld [tilespmem:$0x1B0];
	_ =	sdelay $0x4  }
0x3bc: {  	vm11 =	vlt.u32 v34, $0xF8;
	v34 =	vshll.u32 v34, $0x7  }
0x3bd: {  	v34 =	vor.u32 v5, v34;
	_ =	sdelay $0x4  }
0x3be: {  	[tilespmem:v34+s22+$0x0] =	vst.idx.msk vm11, v2  }
0x3bf: {  	v34 =	vld [tilespmem:$0x1C0];
	_ =	sdelay $0x4  }
0x3c0: {  	vm12 =	vlt.u32 v34, $0xF8;
	v34 =	vshll.u32 v34, $0x7  }
0x3c1: {  	v34 =	vor.u32 v6, v34;
	_ =	sdelay $0x4  }
0x3c2: {  	[tilespmem:v34+s22+$0x0] =	vst.idx.msk vm12, v2  }
0x3c3: {  	v34 =	vld [tilespmem:$0x1D0];
	_ =	sdelay $0x4  }
0x3c4: {  	vm13 =	vlt.u32 v34, $0xF8;
	v34 =	vshll.u32 v34, $0x7  }
0x3c5: {  	v34 =	vor.u32 v7, v34;
	_ =	sdelay $0x4  }
0x3c6: {  	[tilespmem:v34+s22+$0x0] =	vst.idx.msk vm13, v2  }
0x3c7: {  	v34 =	vld [tilespmem:$0x1E0];
	_ =	sdelay $0x4  }
0x3c8: {  	vm14 =	vlt.u32 v34, $0xF8;
	v34 =	vshll.u32 v34, $0x7  }
0x3c9: {  	v34 =	vor.u32 v8, v34;
	_ =	sdelay $0x4  }
0x3ca: {  	[tilespmem:v34+s22+$0x0] =	vst.idx.msk vm14, v2  }
0x3cb: {  	v34 =	vld [tilespmem:$0x1F0];
	_ =	sdelay $0x4  }
0x3cc: {  	vm15 =	vlt.u32 v34, $0xF8;
	v34 =	vshll.u32 v34, $0x7  }
0x3cd: {  	v34 =	vor.u32 v9, v34;
	_ =	sdelay $0x4  }
0x3ce: {  	[tilespmem:v34+s22+$0x0] =	vst.idx.msk vm15, v2  }
0x3cf: {  	[hbm4b:s16+s23] =	stream.strided.scatter [tilespmem:s22], [sflag:$0x1], $0x7C00, s24, s23, $0x38;
	[tilespmem:$0x18200] =	vst v63  }
0x3d0: {  	_ =	swait.ge [sflag:s29], $0x7C00  }
0x3d1: {  	[sflag:s29] =	ssyncset.done $0x0  }
0x3d2: {  	[sflag:s29] =	ssyncadd.s32 $0xFFFF8400  }
0x3d3: {  	v49 =	vld [tilespmem:$0x100];
	_ =	sdelay $0x4  }
0x3d4: {  	v50 =	vadd.s32 $0xFFFFFE10, v49  }
0x3d5: {  	v34 =	vshll.u32 v49, $0x7;
	vm4 =	vlt.u32 v50, $0xF8  }
0x3d6: {  	v34 =	vadd.s32 v18, v34;
	_ =	sdelay $0x4  }
0x3d7: {  	[tilespmem:v34+s25+$0x0] =	vst.idx.msk vm4, v1  }
0x3d8: {  	v34 =	vld [tilespmem:$0x110];
	_ =	sdelay $0x4  }
0x3d9: {  	v51 =	vadd.s32 $0xFFFFFE10, v34  }
0x3da: {  	v34 =	vshll.u32 v34, $0x7;
	vm5 =	vlt.u32 v51, $0xF8  }
0x3db: {  	v34 =	vadd.s32 v19, v34;
	_ =	sdelay $0x4  }
0x3dc: {  	[tilespmem:v34+s25+$0x0] =	vst.idx.msk vm5, v1  }
0x3dd: {  	v34 =	vld [tilespmem:$0x120];
	_ =	sdelay $0x4  }
0x3de: {  	v52 =	vadd.s32 $0xFFFFFE10, v34  }
0x3df: {  	v34 =	vshll.u32 v34, $0x7;
	vm6 =	vlt.u32 v52, $0xF8  }
0x3e0: {  	v34 =	vadd.s32 v20, v34;
	_ =	sdelay $0x4  }
0x3e1: {  	[tilespmem:v34+s25+$0x0] =	vst.idx.msk vm6, v1  }
0x3e2: {  	v34 =	vld [tilespmem:$0x130];
	_ =	sdelay $0x4  }
0x3e3: {  	v53 =	vadd.s32 $0xFFFFFE10, v34  }
0x3e4: {  	v34 =	vshll.u32 v34, $0x7;
	vm7 =	vlt.u32 v53, $0xF8  }
0x3e5: {  	v34 =	vadd.s32 v21, v34;
	_ =	sdelay $0x4  }
0x3e6: {  	[tilespmem:v34+s25+$0x0] =	vst.idx.msk vm7, v1  }
0x3e7: {  	v34 =	vld [tilespmem:$0x140];
	_ =	sdelay $0x4  }
0x3e8: {  	v54 =	vadd.s32 $0xFFFFFE10, v34  }
0x3e9: {  	v34 =	vshll.u32 v34, $0x7;
	vm8 =	vlt.u32 v54, $0xF8  }
0x3ea: {  	v34 =	vadd.s32 v22, v34;
	_ =	sdelay $0x4  }
0x3eb: {  	[tilespmem:v34+s25+$0x0] =	vst.idx.msk vm8, v1  }
0x3ec: {  	v34 =	vld [tilespmem:$0x150];
	_ =	sdelay $0x4  }
0x3ed: {  	v55 =	vadd.s32 $0xFFFFFE10, v34  }
0x3ee: {  	v34 =	vshll.u32 v34, $0x7;
	vm9 =	vlt.u32 v55, $0xF8  }
0x3ef: {  	v34 =	vadd.s32 v23, v34;
	_ =	sdelay $0x4  }
0x3f0: {  	[tilespmem:v34+s25+$0x0] =	vst.idx.msk vm9, v1  }
0x3f1: {  	v34 =	vld [tilespmem:$0x160];
	_ =	sdelay $0x4  }
0x3f2: {  	v56 =	vadd.s32 $0xFFFFFE10, v34  }
0x3f3: {  	v34 =	vshll.u32 v34, $0x7;
	vm10 =	vlt.u32 v56, $0xF8  }
0x3f4: {  	v34 =	vadd.s32 v24, v34;
	_ =	sdelay $0x4  }
0x3f5: {  	[tilespmem:v34+s25+$0x0] =	vst.idx.msk vm10, v1  }
0x3f6: {  	v34 =	vld [tilespmem:$0x170];
	_ =	sdelay $0x4  }
0x3f7: {  	v57 =	vadd.s32 $0xFFFFFE10, v34  }
0x3f8: {  	v34 =	vshll.u32 v34, $0x7;
	vm11 =	vlt.u32 v57, $0xF8  }
0x3f9: {  	v34 =	vadd.s32 v25, v34;
	_ =	sdelay $0x4  }
0x3fa: {  	[tilespmem:v34+s25+$0x0] =	vst.idx.msk vm11, v1  }
0x3fb: {  	v34 =	vld [tilespmem:$0x180];
	_ =	sdelay $0x4  }
0x3fc: {  	v58 =	vadd.s32 $0xFFFFFF08, v34  }
0x3fd: {  	v34 =	vshll.u32 v34, $0x7;
	vm12 =	vlt.u32 v58, $0xF8  }
0x3fe: {  	v34 =	vadd.s32 v10, v34;
	_ =	sdelay $0x4  }
0x3ff: {  	[tilespmem:v34+s25+$0x0] =	vst.idx.msk vm12, v2  }
0x400: {  	v34 =	vld [tilespmem:$0x190];
	_ =	sdelay $0x4  }
0x401: {  	v59 =	vadd.s32 $0xFFFFFF08, v34  }
0x402: {  	v34 =	vshll.u32 v34, $0x7;
	vm13 =	vlt.u32 v59, $0xF8  }
0x403: {  	v34 =	vadd.s32 v11, v34;
	_ =	sdelay $0x4  }
0x404: {  	[tilespmem:v34+s25+$0x0] =	vst.idx.msk vm13, v2  }
0x405: {  	v34 =	vld [tilespmem:$0x1A0];
	_ =	sdelay $0x4  }
0x406: {  	v60 =	vadd.s32 $0xFFFFFF08, v34  }
0x407: {  	v34 =	vshll.u32 v34, $0x7;
	vm14 =	vlt.u32 v60, $0xF8  }
0x408: {  	v34 =	vadd.s32 v12, v34;
	_ =	sdelay $0x4  }
0x409: {  	[tilespmem:v34+s25+$0x0] =	vst.idx.msk vm14, v2  }
0x40a: {  	v34 =	vld [tilespmem:$0x1B0];
	_ =	sdelay $0x4  }
0x40b: {  	v61 =	vadd.s32 $0xFFFFFF08, v34  }
0x40c: {  	v34 =	vshll.u32 v34, $0x7;
	vm15 =	vlt.u32 v61, $0xF8  }
0x40d: {  	v34 =	vadd.s32 v13, v34;
	_ =	sdelay $0x4  }
0x40e: {  	[tilespmem:v34+s25+$0x0] =	vst.idx.msk vm15, v2  }
0x40f: {  	v34 =	vld [tilespmem:$0x1C0];
	_ =	sdelay $0x4  }
0x410: {  	v62 =	vadd.s32 $0xFFFFFF08, v34  }
0x411: {  	v34 =	vshll.u32 v34, $0x7;
	vm4 =	vlt.u32 v62, $0xF8  }
0x412: {  	v34 =	vadd.s32 v14, v34;
	_ =	sdelay $0x4  }
0x413: {  	[tilespmem:v34+s25+$0x0] =	vst.idx.msk vm4, v2  }
0x414: {  	v34 =	vld [tilespmem:$0x1D0];
	_ =	sdelay $0x4  }
0x415: {  	v63 =	vadd.s32 $0xFFFFFF08, v34  }
0x416: {  	v34 =	vshll.u32 v34, $0x7;
	vm5 =	vlt.u32 v63, $0xF8  }
0x417: {  	v34 =	vadd.s32 v15, v34;
	_ =	sdelay $0x4  }
0x418: {  	[tilespmem:v34+s25+$0x0] =	vst.idx.msk vm5, v2  }
0x419: {  	v34 =	vld [tilespmem:$0x1E0];
	_ =	sdelay $0x4  }
0x41a: {  	v36 =	vadd.s32 $0xFFFFFF08, v34  }
0x41b: {  	v34 =	vshll.u32 v34, $0x7;
	vm6 =	vlt.u32 v36, $0xF8  }
0x41c: {  	v34 =	vadd.s32 v16, v34;
	_ =	sdelay $0x4  }
0x41d: {  	[tilespmem:v34+s25+$0x0] =	vst.idx.msk vm6, v2  }
0x41e: {  	v34 =	vld [tilespmem:$0x1F0];
	_ =	sdelay $0x4  }
0x41f: {  	v37 =	vadd.s32 $0xFFFFFF08, v34  }
0x420: {  	v34 =	vshll.u32 v34, $0x7;
	vm7 =	vlt.u32 v37, $0xF8  }
0x421: {  	v34 =	vadd.s32 v17, v34;
	_ =	sdelay $0x4  }
0x422: {  	[tilespmem:v34+s25+$0x0] =	vst.idx.msk vm7, v2  }
0x423: {  	[hbm4b:s17+s23] =	stream.strided.scatter [tilespmem:s25], [sflag:$0x2], $0x7C00, s24, s23, $0x38;
	[tilespmem:$0x18200] =	vst v63  }
0x424: {  	_ =	swait.ge [sflag:s30], $0x8000  }
0x425: {  	[sflag:s30] =	ssyncset.done $0x0  }
0x426: {  	[sflag:s30] =	ssyncadd.s32 $0xFFFF8000  }
0x427: {  	v38 =	vld [tilespmem:$0x100];
	_ =	sdelay $0x4  }
0x428: {  	v39 =	vadd.s32 $0xFFFFFD18, v38  }
0x429: {  	v34 =	vshll.u32 v38, $0x7;
	vm8 =	vlt.u32 v39, $0x100  }
0x42a: {  	v34 =	vadd.s32 v26, v34;
	_ =	sdelay $0x4  }
0x42b: {  	[tilespmem:v34+s26+$0x0] =	vst.idx.msk vm8, v1  }
0x42c: {  	v34 =	vld [tilespmem:$0x110];
	_ =	sdelay $0x4  }
0x42d: {  	v40 =	vadd.s32 $0xFFFFFD18, v34  }
0x42e: {  	v34 =	vshll.u32 v34, $0x7;
	vm9 =	vlt.u32 v40, $0x100  }
0x42f: {  	v34 =	vadd.s32 v27, v34;
	_ =	sdelay $0x4  }
0x430: {  	[tilespmem:v34+s26+$0x0] =	vst.idx.msk vm9, v1  }
0x431: {  	v34 =	vld [tilespmem:$0x120];
	_ =	sdelay $0x4  }
0x432: {  	v41 =	vadd.s32 $0xFFFFFD18, v34  }
0x433: {  	v34 =	vshll.u32 v34, $0x7;
	vm10 =	vlt.u32 v41, $0x100  }
0x434: {  	v34 =	vadd.s32 v28, v34;
	_ =	sdelay $0x4  }
0x435: {  	[tilespmem:v34+s26+$0x0] =	vst.idx.msk vm10, v1  }
0x436: {  	v34 =	vld [tilespmem:$0x130];
	_ =	sdelay $0x4  }
0x437: {  	v42 =	vadd.s32 $0xFFFFFD18, v34  }
0x438: {  	v34 =	vshll.u32 v34, $0x7;
	vm11 =	vlt.u32 v42, $0x100  }
0x439: {  	v34 =	vadd.s32 v29, v34;
	_ =	sdelay $0x4  }
0x43a: {  	[tilespmem:v34+s26+$0x0] =	vst.idx.msk vm11, v1  }
0x43b: {  	v34 =	vld [tilespmem:$0x140];
	_ =	sdelay $0x4  }
0x43c: {  	v43 =	vadd.s32 $0xFFFFFD18, v34  }
0x43d: {  	v34 =	vshll.u32 v34, $0x7;
	vm12 =	vlt.u32 v43, $0x100  }
0x43e: {  	v34 =	vadd.s32 v30, v34;
	_ =	sdelay $0x4  }
0x43f: {  	[tilespmem:v34+s26+$0x0] =	vst.idx.msk vm12, v1  }
0x440: {  	v34 =	vld [tilespmem:$0x150];
	_ =	sdelay $0x4  }
0x441: {  	v44 =	vadd.s32 $0xFFFFFD18, v34  }
0x442: {  	v34 =	vshll.u32 v34, $0x7;
	vm13 =	vlt.u32 v44, $0x100  }
0x443: {  	v34 =	vadd.s32 v31, v34;
	_ =	sdelay $0x4  }
0x444: {  	[tilespmem:v34+s26+$0x0] =	vst.idx.msk vm13, v1  }
0x445: {  	v34 =	vld [tilespmem:$0x160];
	_ =	sdelay $0x4  }
0x446: {  	v45 =	vadd.s32 $0xFFFFFD18, v34  }
0x447: {  	v34 =	vshll.u32 v34, $0x7;
	vm14 =	vlt.u32 v45, $0x100  }
0x448: {  	v34 =	vadd.s32 v32, v34;
	_ =	sdelay $0x4  }
0x449: {  	[tilespmem:v34+s26+$0x0] =	vst.idx.msk vm14, v1  }
0x44a: {  	v34 =	vld [tilespmem:$0x170];
	_ =	sdelay $0x4  }
0x44b: {  	v46 =	vadd.s32 $0xFFFFFD18, v34  }
0x44c: {  	v34 =	vshll.u32 v34, $0x7;
	vm15 =	vlt.u32 v46, $0x100  }
0x44d: {  	v34 =	vadd.s32 v33, v34;
	_ =	sdelay $0x4  }
0x44e: {  	[tilespmem:v34+s26+$0x0] =	vst.idx.msk vm15, v1  }
0x44f: {  	v34 =	vld [tilespmem:$0x180];
	_ =	sdelay $0x4  }
0x450: {  	v47 =	vadd.s32 $0xFFFFFE10, v34  }
0x451: {  	v34 =	vshll.u32 v34, $0x7;
	vm4 =	vlt.u32 v47, $0xF8  }
0x452: {  	v34 =	vadd.s32 v18, v34;
	_ =	sdelay $0x4  }
0x453: {  	[tilespmem:v34+s26+$0x0] =	vst.idx.msk vm4, v2  }
0x454: {  	v34 =	vld [tilespmem:$0x190];
	_ =	sdelay $0x4  }
0x455: {  	v48 =	vadd.s32 $0xFFFFFE10, v34  }
0x456: {  	v34 =	vshll.u32 v34, $0x7;
	vm5 =	vlt.u32 v48, $0xF8  }
0x457: {  	v34 =	vadd.s32 v19, v34;
	_ =	sdelay $0x4  }
0x458: {  	[tilespmem:v34+s26+$0x0] =	vst.idx.msk vm5, v2  }
0x459: {  	v34 =	vld [tilespmem:$0x1A0];
	_ =	sdelay $0x4  }
0x45a: {  	v49 =	vadd.s32 $0xFFFFFE10, v34  }
0x45b: {  	v34 =	vshll.u32 v34, $0x7;
	vm6 =	vlt.u32 v49, $0xF8  }
0x45c: {  	v34 =	vadd.s32 v20, v34;
	_ =	sdelay $0x4  }
0x45d: {  	[tilespmem:v34+s26+$0x0] =	vst.idx.msk vm6, v2  }
0x45e: {  	v34 =	vld [tilespmem:$0x1B0];
	_ =	sdelay $0x4  }
0x45f: {  	v50 =	vadd.s32 $0xFFFFFE10, v34  }
0x460: {  	v34 =	vshll.u32 v34, $0x7;
	vm7 =	vlt.u32 v50, $0xF8  }
0x461: {  	v34 =	vadd.s32 v21, v34;
	_ =	sdelay $0x4  }
0x462: {  	[tilespmem:v34+s26+$0x0] =	vst.idx.msk vm7, v2  }
0x463: {  	v34 =	vld [tilespmem:$0x1C0];
	_ =	sdelay $0x4  }
0x464: {  	v51 =	vadd.s32 $0xFFFFFE10, v34  }
0x465: {  	v34 =	vshll.u32 v34, $0x7;
	vm8 =	vlt.u32 v51, $0xF8  }
0x466: {  	v34 =	vadd.s32 v22, v34;
	_ =	sdelay $0x4  }
0x467: {  	[tilespmem:v34+s26+$0x0] =	vst.idx.msk vm8, v2  }
0x468: {  	v34 =	vld [tilespmem:$0x1D0];
	_ =	sdelay $0x4  }
0x469: {  	v52 =	vadd.s32 $0xFFFFFE10, v34  }
0x46a: {  	v34 =	vshll.u32 v34, $0x7;
	vm9 =	vlt.u32 v52, $0xF8  }
0x46b: {  	v34 =	vadd.s32 v23, v34;
	_ =	sdelay $0x4  }
0x46c: {  	[tilespmem:v34+s26+$0x0] =	vst.idx.msk vm9, v2  }
0x46d: {  	v34 =	vld [tilespmem:$0x1E0];
	_ =	sdelay $0x4  }
0x46e: {  	v53 =	vadd.s32 $0xFFFFFE10, v34  }
0x46f: {  	v34 =	vshll.u32 v34, $0x7;
	vm10 =	vlt.u32 v53, $0xF8  }
0x470: {  	v34 =	vadd.s32 v24, v34;
	_ =	sdelay $0x4  }
0x471: {  	[tilespmem:v34+s26+$0x0] =	vst.idx.msk vm10, v2  }
0x472: {  	v34 =	vld [tilespmem:$0x1F0];
	_ =	sdelay $0x4  }
0x473: {  	v54 =	vadd.s32 $0xFFFFFE10, v34  }
0x474: {  	v34 =	vshll.u32 v34, $0x7;
	vm11 =	vlt.u32 v54, $0xF8  }
0x475: {  	v34 =	vadd.s32 v25, v34;
	_ =	sdelay $0x4  }
0x476: {  	[tilespmem:v34+s26+$0x0] =	vst.idx.msk vm11, v2  }
0x477: {  	[hbm4b:s18+s23] =	stream.strided.scatter [tilespmem:s26], [sflag:$0x3], $0x7C00, s24, s23, $0x38;
	[tilespmem:$0x18200] =	vst v63  }
0x478: {  	_ =	swait.ge [sflag:s28], $0x7C00  }
0x479: {  	[sflag:s28] =	ssyncset.done $0x0  }
0x47a: {  	[sflag:s28] =	ssyncadd.s32 $0xFFFF8400  }
0x47b: {  	v55 =	vld [tilespmem:$0x180];
	_ =	sdelay $0x4  }
0x47c: {  	vm12 =	vlt.u32 v55, $0xF8;
	v34 =	vshll.u32 v55, $0x7  }
0x47d: {  	v34 =	vor.u32 v0, v34;
	_ =	sdelay $0x4  }
0x47e: {  	[tilespmem:v34+s22+$0x0] =	vst.idx.msk vm12, v1  }
0x47f: {  	v34 =	vld [tilespmem:$0x190];
	_ =	sdelay $0x4  }
0x480: {  	vm13 =	vlt.u32 v34, $0xF8;
	v34 =	vshll.u32 v34, $0x7  }
0x481: {  	v34 =	vor.u32 v3, v34;
	_ =	sdelay $0x4  }
0x482: {  	[tilespmem:v34+s22+$0x0] =	vst.idx.msk vm13, v1  }
0x483: {  	v34 =	vld [tilespmem:$0x1A0];
	_ =	sdelay $0x4  }
0x484: {  	vm14 =	vlt.u32 v34, $0xF8;
	v34 =	vshll.u32 v34, $0x7  }
0x485: {  	v34 =	vor.u32 v4, v34;
	_ =	sdelay $0x4  }
0x486: {  	[tilespmem:v34+s22+$0x0] =	vst.idx.msk vm14, v1  }
0x487: {  	v34 =	vld [tilespmem:$0x1B0];
	_ =	sdelay $0x4  }
0x488: {  	vm15 =	vlt.u32 v34, $0xF8;
	v34 =	vshll.u32 v34, $0x7  }
0x489: {  	v34 =	vor.u32 v5, v34;
	_ =	sdelay $0x4  }
0x48a: {  	[tilespmem:v34+s22+$0x0] =	vst.idx.msk vm15, v1  }
0x48b: {  	v34 =	vld [tilespmem:$0x1C0];
	_ =	sdelay $0x4  }
0x48c: {  	vm4 =	vlt.u32 v34, $0xF8;
	v34 =	vshll.u32 v34, $0x7  }
0x48d: {  	v34 =	vor.u32 v6, v34;
	_ =	sdelay $0x4  }
0x48e: {  	[tilespmem:v34+s22+$0x0] =	vst.idx.msk vm4, v1  }
0x48f: {  	v34 =	vld [tilespmem:$0x1D0];
	_ =	sdelay $0x4  }
0x490: {  	vm5 =	vlt.u32 v34, $0xF8;
	v34 =	vshll.u32 v34, $0x7  }
0x491: {  	v34 =	vor.u32 v7, v34;
	_ =	sdelay $0x4  }
0x492: {  	[tilespmem:v34+s22+$0x0] =	vst.idx.msk vm5, v1  }
0x493: {  	v34 =	vld [tilespmem:$0x1E0];
	_ =	sdelay $0x4  }
0x494: {  	vm6 =	vlt.u32 v34, $0xF8;
	v34 =	vshll.u32 v34, $0x7  }
0x495: {  	v34 =	vor.u32 v8, v34;
	_ =	sdelay $0x4  }
0x496: {  	[tilespmem:v34+s22+$0x0] =	vst.idx.msk vm6, v1  }
0x497: {  	v34 =	vld [tilespmem:$0x1F0];
	_ =	sdelay $0x4  }
0x498: {  	vm7 =	vlt.u32 v34, $0xF8;
	v34 =	vshll.u32 v34, $0x7  }
0x499: {  	v34 =	vor.u32 v9, v34;
	_ =	sdelay $0x4  }
0x49a: {  	[tilespmem:v34+s22+$0x0] =	vst.idx.msk vm7, v1  }
0x49b: {  	v34 =	vld [tilespmem:$0x180];
	_ =	sdelay $0x4  }
0x49c: {  	v56 =	vadd.s32 $0xFFFFFD18, v34  }
0x49d: {  	v34 =	vshll.u32 v34, $0x7;
	vm8 =	vlt.u32 v56, $0x100  }
0x49e: {  	v34 =	vadd.s32 v26, v34;
	_ =	sdelay $0x4  }
0x49f: {  	[tilespmem:v34+s22+$0x0] =	vst.idx.msk vm8, v2  }
0x4a0: {  	v34 =	vld [tilespmem:$0x190];
	_ =	sdelay $0x4  }
0x4a1: {  	v57 =	vadd.s32 $0xFFFFFD18, v34  }
0x4a2: {  	v34 =	vshll.u32 v34, $0x7;
	vm9 =	vlt.u32 v57, $0x100  }
0x4a3: {  	v34 =	vadd.s32 v27, v34;
	_ =	sdelay $0x4  }
0x4a4: {  	[tilespmem:v34+s22+$0x0] =	vst.idx.msk vm9, v2  }
0x4a5: {  	v34 =	vld [tilespmem:$0x1A0];
	_ =	sdelay $0x4  }
0x4a6: {  	v58 =	vadd.s32 $0xFFFFFD18, v34  }
0x4a7: {  	v34 =	vshll.u32 v34, $0x7;
	vm10 =	vlt.u32 v58, $0x100  }
0x4a8: {  	v34 =	vadd.s32 v28, v34;
	_ =	sdelay $0x4  }
0x4a9: {  	[tilespmem:v34+s22+$0x0] =	vst.idx.msk vm10, v2  }
0x4aa: {  	v34 =	vld [tilespmem:$0x1B0];
	_ =	sdelay $0x4  }
0x4ab: {  	v59 =	vadd.s32 $0xFFFFFD18, v34  }
0x4ac: {  	v34 =	vshll.u32 v34, $0x7;
	vm11 =	vlt.u32 v59, $0x100  }
0x4ad: {  	v34 =	vadd.s32 v29, v34;
	_ =	sdelay $0x4  }
0x4ae: {  	[tilespmem:v34+s22+$0x0] =	vst.idx.msk vm11, v2  }
0x4af: {  	v34 =	vld [tilespmem:$0x1C0];
	_ =	sdelay $0x4  }
0x4b0: {  	v60 =	vadd.s32 $0xFFFFFD18, v34  }
0x4b1: {  	v34 =	vshll.u32 v34, $0x7;
	vm12 =	vlt.u32 v60, $0x100  }
0x4b2: {  	v34 =	vadd.s32 v30, v34;
	_ =	sdelay $0x4  }
0x4b3: {  	[tilespmem:v34+s22+$0x0] =	vst.idx.msk vm12, v2  }
0x4b4: {  	v34 =	vld [tilespmem:$0x1D0];
	_ =	sdelay $0x4  }
0x4b5: {  	v61 =	vadd.s32 $0xFFFFFD18, v34  }
0x4b6: {  	v34 =	vshll.u32 v34, $0x7;
	vm13 =	vlt.u32 v61, $0x100  }
0x4b7: {  	v34 =	vadd.s32 v31, v34;
	_ =	sdelay $0x4  }
0x4b8: {  	[tilespmem:v34+s22+$0x0] =	vst.idx.msk vm13, v2  }
0x4b9: {  	v34 =	vld [tilespmem:$0x1E0];
	_ =	sdelay $0x4  }
0x4ba: {  	v62 =	vadd.s32 $0xFFFFFD18, v34  }
0x4bb: {  	v34 =	vshll.u32 v34, $0x7;
	vm14 =	vlt.u32 v62, $0x100  }
0x4bc: {  	v34 =	vadd.s32 v32, v34;
	_ =	sdelay $0x4  }
0x4bd: {  	[tilespmem:v34+s22+$0x0] =	vst.idx.msk vm14, v2  }
0x4be: {  	v34 =	vld [tilespmem:$0x1F0];
	_ =	sdelay $0x4  }
0x4bf: {  	v63 =	vadd.s32 $0xFFFFFD18, v34  }
0x4c0: {  	v34 =	vshll.u32 v34, $0x7;
	vm15 =	vlt.u32 v63, $0x100  }
0x4c1: {  	v34 =	vadd.s32 v33, v34;
	_ =	sdelay $0x4  }
0x4c2: {  	[tilespmem:v34+s22+$0x0] =	vst.idx.msk vm15, v2  }
0x4c3: {  	[hbm4b:s19+s23] =	stream.strided.scatter [tilespmem:s22], [sflag:$0x1], $0x8000, s24, s23, $0x38;
	[tilespmem:$0x18200] =	vst v63  }
0x4c4: {  	_ =	swait.ge [sflag:s28], $0x8000  }
0x4c5: {  	[sflag:s28] =	ssyncset.done $0x0  }
0x4c6: {  	s31 =	sadd.s32 $0x1, s31;
	[sflag:s28] =	ssyncadd.s32 $0xFFFF8000  }
0x4c7: {  	p0 =	sne.s32 s31, s20;
	_ =	swait.ge [sflag:s29], $0x7C00  }
.Ltmp3:
0x4c8: {  	[sflag:s29] =	ssyncset.done $0x0;
	(pc) =	sbr.rel @p0 .LBB2_1-.Ltmp3, $4  }
0x4c9: {  	[sflag:s29] =	ssyncadd.s32 $0xFFFF8400  }
0x4ca: {  	_ =	swait.ge [sflag:s30], $0x7C00  }
0x4cb: {  	[sflag:s30] =	ssyncset.done $0x0  }
0x4cc: {  	[sflag:s30] =	ssyncadd.s32 $0xFFFF8400  }
0x4cd: {  	_ =	sfence.sel $0x180000  }
0x4ce: {  	[bflag:$0x0] =	sbarrier.arrive $0xFFFF  }
0x4cf: {  	_ =	strace $0x90000047  }
0x4d0: {  	s0 =	stileid.u32;
	[bflag:$0x2] =	sbarrier.arrive $0xFFFF  }
0x4d1: {  	p0 =	sne.s32 s0, $0x0;
	s0 =	rddreg [dreg:$0x2]  }
0x4d2: {  	s0 =	sadd.s32 @!p0 $0x100000, s0  }
0x4d3: {  	[sflag:s0] =	ssyncadd.tile.s32 @!p0 $0x1;
	_ =	shalt  }
.Lfunc_end2:
_tile_overlayer_lowered:
.L_overlay_start_2:
0x4d4: {  	(tag) =	ssettag $0x2  }
0x4d5: {  	s0 =	rddreg [dreg:$0x0];
	s2 =	stileid.u32  }
0x4d6: {  	s1 =	rddreg [dreg:$0x1];
	p0 =	sne.s32 s2, $0x0  }
0x4d7: {  	s3 =	rddreg [dreg:$0x2];
	[bflag:$0x3] =	sbarrier.arrive $0xFFFF;
	s2 =	simm.s32 @!p0 $0x1C05  }
0x4d8: {  	[timem:s3], [sflag:s2] =	dma.local @!p0 [hbm:s0], s1  }
0x4d9: {  	s0 =	simm.s32 @!p0 $0x5  }
0x4da: {  	_ =	swait.ge @!p0 [sflag:s0], s1  }
0x4db: {  	s1 =	ssub.s32 @!p0 $0x0, s1;
	[sflag:s0] =	ssyncset.done @!p0 $0x0  }
0x4dc: {  	[sflag:s0] =	ssyncadd.s32 @!p0 s1  }
0x4dd: {  	[bflag:$0x3] =	sbarrier.arrive $0xFFFF  }
0x4de: {  	_ =	shalt  }

</sc_bundles>
